<compile_context>
chip_gen: v7x
topology: tpu7x:2x2x1
jax: 0.10.2.dev20260603
libtpu: 0.0.44.dev20260713+nightly
codegen_flags: <defaults>
</compile_context>

<pallas_src>
import functools

import jax
import jax.numpy as jnp
from jax import lax
from jax.experimental import pallas as pl
from jax.experimental.pallas import tpu as pltpu
from jax.experimental.pallas import tpu_sc as plsc

NSAMPLES = 32
NPOINTS = 2048
K = 32
L = 1.0
NK = NPOINTS * K

TN = 128

SC_CH = 8192


def _sc_mesh():
    return plsc.VectorSubcoreMesh(core_axis_name="c", subcore_axis_name="s")


def _wid():
    return lax.axis_index("s") * 2 + lax.axis_index("c")


def _sc_gather(rx, ry, nbf):
    import functools

    @functools.partial(
        pl.kernel, mesh=_sc_mesh(),
        compiler_params=pltpu.CompilerParams(needs_layout_passes=False),
        out_type=[jax.ShapeDtypeStruct((NSAMPLES, NK), jnp.float32),
                  jax.ShapeDtypeStruct((NSAMPLES, NK), jnp.float32)],
        scratch_types=[pltpu.VMEM((NPOINTS,), jnp.float32),
                       pltpu.VMEM((NPOINTS,), jnp.float32),
                       pltpu.VMEM((SC_CH,), jnp.int32),
                       pltpu.VMEM((SC_CH,), jnp.float32),
                       pltpu.VMEM((SC_CH,), jnp.float32)],
    )
    def k(rx_hbm, ry_hbm, nb_hbm, dx_hbm, dy_hbm, rx_v, ry_v, idx_v, dx_v, dy_v):
        w = _wid()
        pltpu.sync_copy(rx_hbm.at[w], rx_v)
        pltpu.sync_copy(ry_hbm.at[w], ry_v)
        for c in range(NK // SC_CH):
            pltpu.sync_copy(nb_hbm.at[w, pl.ds(c * SC_CH, SC_CH)], idx_v)

            def body(i, _):
                idx = idx_v[pl.ds(i * 16, 16)]
                safe = jnp.maximum(idx, 0)
                pair = c * SC_CH + i * 16 + lax.iota(jnp.int32, 16)
                own = lax.shift_right_logical(pair, 5)
                rjx = plsc.load_gather(rx_v, [safe])
                rjy = plsc.load_gather(ry_v, [safe])
                rix = plsc.load_gather(rx_v, [own])
                riy = plsc.load_gather(ry_v, [own])
                dx_v[pl.ds(i * 16, 16)] = rjx - rix
                dy_v[pl.ds(i * 16, 16)] = rjy - riy
                return _

            lax.fori_loop(0, SC_CH // 16, body, None)
            pltpu.sync_copy(dx_v, dx_hbm.at[w, pl.ds(c * SC_CH, SC_CH)])
            pltpu.sync_copy(dy_v, dy_hbm.at[w, pl.ds(c * SC_CH, SC_CH)])

    return k(rx, ry, nbf)


def _sc_scatter(gxf, gyf, nbf):
    import functools

    @functools.partial(
        pl.kernel, mesh=_sc_mesh(),
        compiler_params=pltpu.CompilerParams(needs_layout_passes=False),
        out_type=[jax.ShapeDtypeStruct((NSAMPLES, NPOINTS), jnp.float32),
                  jax.ShapeDtypeStruct((NSAMPLES, NPOINTS), jnp.float32),
                  jax.ShapeDtypeStruct((NSAMPLES, NPOINTS), jnp.float32),
                  jax.ShapeDtypeStruct((NSAMPLES, NPOINTS), jnp.float32)],
        scratch_types=[pltpu.VMEM((NPOINTS,), jnp.float32),
                       pltpu.VMEM((NPOINTS,), jnp.float32),
                       pltpu.VMEM((NPOINTS,), jnp.float32),
                       pltpu.VMEM((NPOINTS,), jnp.float32),
                       pltpu.VMEM((SC_CH,), jnp.int32),
                       pltpu.VMEM((SC_CH,), jnp.float32),
                       pltpu.VMEM((SC_CH,), jnp.float32)],
    )
    def k(gx_hbm, gy_hbm, nb_hbm, ox_hbm, oy_hbm, sx_hbm, sy_hbm,
          ox_v, oy_v, sx_v, sy_v, idx_v, gx_v, gy_v):
        w = _wid()
        zeros = jnp.zeros((16,), jnp.float32)

        def zbody(i, _):
            ox_v[pl.ds(i * 16, 16)] = zeros
            oy_v[pl.ds(i * 16, 16)] = zeros
            sx_v[pl.ds(i * 16, 16)] = zeros
            sy_v[pl.ds(i * 16, 16)] = zeros
            return _

        lax.fori_loop(0, NPOINTS // 16, zbody, None)
        for c in range(NK // SC_CH):
            pltpu.sync_copy(nb_hbm.at[w, pl.ds(c * SC_CH, SC_CH)], idx_v)
            pltpu.sync_copy(gx_hbm.at[w, pl.ds(c * SC_CH, SC_CH)], gx_v)
            pltpu.sync_copy(gy_hbm.at[w, pl.ds(c * SC_CH, SC_CH)], gy_v)

            def body(i, _):
                idx = idx_v[pl.ds(i * 16, 16)]
                safe = jnp.maximum(idx, 0)
                pair = c * SC_CH + i * 16 + lax.iota(jnp.int32, 16)
                own = lax.shift_right_logical(pair, 5)
                gx = gx_v[pl.ds(i * 16, 16)]
                gy = gy_v[pl.ds(i * 16, 16)]
                plsc.addupdate_scatter(sx_v, [safe], gx)
                plsc.addupdate_scatter(sy_v, [safe], gy)
                plsc.addupdate_scatter(ox_v, [own], gx)
                plsc.addupdate_scatter(oy_v, [own], gy)
                return _

            lax.fori_loop(0, SC_CH // 16, body, None)
        pltpu.sync_copy(ox_v, ox_hbm.at[w])
        pltpu.sync_copy(oy_v, oy_hbm.at[w])
        pltpu.sync_copy(sx_v, sx_hbm.at[w])
        pltpu.sync_copy(sy_v, sy_hbm.at[w])

    return k(gxf, gyf, nbf)


def _dot(x, W):
    if W.shape[0] == 1:
        return x * W[0:1, :]
    return jnp.dot(x, W, preferred_element_type=jnp.float32)


def _pyr_fwd(Ws, bs, x):
    ys = []
    x = jnp.tanh(_dot(x, Ws[0]) + bs[0])
    ys.append(x)
    for W, b in zip(Ws[1:], bs[1:]):
        din, dout = W.shape
        y = jnp.tanh(_dot(x, W) + b)
        ys.append(y)
        if dout == 2 * din:
            x = jnp.concatenate([x, x], axis=-1) + y
        elif dout == din:
            x = x + y
        else:
            x = y
    return x, ys


def _pyr_bwd(Ws, ys, dx):
    for l in range(len(Ws) - 1, 0, -1):
        W = Ws[l]
        din, dout = W.shape
        y = ys[l]
        dz = dx * (1.0 - y * y)
        dxl = _dot(dz, W.T)
        if dout == 2 * din:
            dx = dx[:, :din] + dx[:, din:] + dxl
        elif dout == din:
            dx = dx + dxl
        else:
            dx = dxl
    y0 = ys[0]
    dz = dx * (1.0 - y0 * y0)
    return _dot(dz, Ws[0].T)


def _tc_body(nw, *refs):
    dx_ref, dy_ref, nb_ref = refs[:3]
    wrefs = refs[3:3 + nw]
    brefs = refs[3 + nw:3 + 2 * nw]
    en_ref, gx_ref, gy_ref = refs[3 + 2 * nw:]

    Wp = [wrefs[i][...] for i in range(5)]
    bp = [brefs[i][...] for i in range(5)]
    Wd = [wrefs[5 + i][...] for i in range(5)]
    bd = [brefs[5 + i][...] for i in range(5)]
    Wf = [wrefs[10 + i][...] for i in range(5)]
    bf = [brefs[10 + i][...] for i in range(5)]
    Wl = wrefs[15][...]
    bl = brefs[15][...]

    T = TN * K
    dx = dx_ref[0]
    dy = dy_ref[0]
    nb = nb_ref[0]

    dx = dx - L * jnp.round(dx * (1.0 / L))
    dy = dy - L * jnp.round(dy * (1.0 / L))
    r2 = dx * dx + dy * dy
    mask = (nb >= 0) & (r2 > 1e-12)
    safe_r2 = jnp.where(mask, r2, 1.0)
    rinv = jax.lax.rsqrt(safe_r2)
    fm = mask.astype(jnp.float32)

    s = rinv * fm
    cx = dx / safe_r2 * fm
    cy = dy / safe_r2 * fm

    P1, ys1 = _pyr_fwd(Wp, bp, s)
    P2, ys2 = _pyr_fwd(Wd, bd, jnp.concatenate([cx, cy], axis=-1))
    L1 = P1 * s
    L2 = P2 * s
    LL = jnp.concatenate([L1, L2], axis=-1)
    D = LL.reshape(TN, K, 64).sum(axis=1)
    F2, ysf = _pyr_fwd(Wf, bf, D)
    F = _dot(F2, Wl) + bl

    dF2 = jnp.broadcast_to(Wl.T, (TN, Wl.shape[0]))
    dD = _pyr_bwd(Wf, ysf, dF2)
    dLL = jnp.broadcast_to(dD.reshape(TN, 1, 64), (TN, K, 64)).reshape(T, 64)
    dL1 = dLL[:, :32]
    dL2 = dLL[:, 32:]
    ds = (jnp.sum(dL1 * P1, axis=-1, keepdims=True)
          + jnp.sum(dL2 * P2, axis=-1, keepdims=True))
    dP1 = dL1 * s
    dP2 = dL2 * s
    ds = ds + _pyr_bwd(Wp, ys1, dP1)
    dcxy = _pyr_bwd(Wd, ys2, dP2)

    u0 = ds
    ux = dcxy[:, 0:1]
    uy = dcxy[:, 1:2]

    inv_r2 = 1.0 / safe_r2
    inv_r4 = inv_r2 * inv_r2
    rinv3 = rinv * inv_r2
    gx = u0 * (-dx * rinv3) + ux * (safe_r2 - 2.0 * dx * dx) * inv_r4 \
        + uy * (-2.0 * dx * dy * inv_r4)
    gy = u0 * (-dy * rinv3) + uy * (safe_r2 - 2.0 * dy * dy) * inv_r4 \
        + ux * (-2.0 * dx * dy * inv_r4)
    gx = gx * fm
    gy = gy * fm

    gx_ref[0] = gx
    gy_ref[0] = gy

    e_tile = jnp.sum(F)

    @pl.when(pl.program_id(1) == 0)
    def _():
        en_ref[0] = jnp.zeros((8, 128), jnp.float32)

    en_ref[0] += jnp.broadcast_to(e_tile, (8, 128))


def _tc_call(dxf, dyf, nbf, wlist, blist):
    nw = len(wlist)
    T = TN * K
    grid = (NSAMPLES, NPOINTS // TN)

    def rep(shape):
        return pl.BlockSpec(shape, lambda i, j: (0,) * len(shape))

    pair_spec = pl.BlockSpec((1, T, 1), lambda i, j: (i, j, 0))
    in_specs = (
        [pair_spec, pair_spec, pair_spec]
        + [rep(w.shape) for w in wlist]
        + [rep(b.shape) for b in blist]
    )
    out_specs = [
        pl.BlockSpec((1, 8, 128), lambda i, j: (i, 0, 0)),
        pair_spec,
        pair_spec,
    ]
    out_shapes = [
        jax.ShapeDtypeStruct((NSAMPLES, 8, 128), jnp.float32),
        jax.ShapeDtypeStruct((NSAMPLES, NPOINTS * K, 1), jnp.float32),
        jax.ShapeDtypeStruct((NSAMPLES, NPOINTS * K, 1), jnp.float32),
    ]
    return pl.pallas_call(
        functools.partial(_tc_body, nw),
        grid=grid,
        in_specs=in_specs,
        out_specs=out_specs,
        out_shape=out_shapes,
        compiler_params=pltpu.CompilerParams(vmem_limit_bytes=110 * 1024 * 1024),
    )(dxf, dyf, nbf, *wlist, *blist)


def kernel(inputs, params, neighList):
    R = inputs.astype(jnp.float32)
    nb = neighList.astype(jnp.int32)

    nbf2 = nb.reshape(NSAMPLES, NK)
    dxf2, dyf2 = _sc_gather(R[..., 0], R[..., 1], nbf2)
    dxf = dxf2.reshape(NSAMPLES, NK, 1)
    dyf = dyf2.reshape(NSAMPLES, NK, 1)
    nbf = nbf2.reshape(NSAMPLES, NK, 1)

    wlist, blist = [], []
    for group in ("pyr", "pyr_dir", "fit"):
        for W, b in params[group]:
            wlist.append(W)
            blist.append(b.reshape(1, -1))
    Wl, bl = params["lin"]
    wlist.append(Wl)
    blist.append(bl.reshape(1, -1))

    en, gx, gy = _tc_call(dxf, dyf, nbf, wlist, blist)
    en = en[:, 0, 0:1]

    ox, oy, sx, sy = _sc_scatter(gx.reshape(NSAMPLES, NK),
                                 gy.reshape(NSAMPLES, NK), nbf2)
    Forces = jnp.stack([ox - sx, oy - sy], axis=-1)
    return (en, Forces)

# --- scband reference (transcript-rebuilt; emitter-appended) ---
"""Pipeline reference for scband-deep-mdsimple-energy-11519102287901 (READ-ONLY COPY).

The authoritative reference and input builder live on the scoring server;
editing this copy changes nothing except your own understanding.
"""

import jax, jax.numpy as jnp
import numpy as np

NSAMPLES = 32
NPOINTS = 2048
K = 32
L = 1.0
AV = (0.0, 0.0)
STD = (1.0, 1.0)
DESCRIP = [2, 4, 8, 16, 32]
FIT = [16, 8, 4, 2, 1]


def _init_pyramid(key, in_dim, dims):
    params = []
    d = in_dim
    for n in dims:
        key, k1, k2 = jax.random.split(key, 3)
        W = (jax.random.normal(k1, (d, n), dtype=jnp.float32) / np.sqrt(d)).astype(jnp.float32)
        b = jax.random.normal(k2, (n,), dtype=jnp.float32) * 0.01
        params.append((W, b))
        d = n
    return params, key


def setup_inputs(seed: int = 0):
    key = jax.random.key(seed)
    k1, k2, key = jax.random.split(key, 3)
    inputs = jax.random.uniform(k1, (NSAMPLES, NPOINTS, 2), dtype=jnp.float32) * L
    neigh = jax.random.randint(k2, (NSAMPLES, NPOINTS, K), 0, NPOINTS)
    row = jnp.arange(NPOINTS)[None, :, None]
    neigh = jnp.where(neigh == row, -1, neigh).astype(jnp.int64)
    pyr, key = _init_pyramid(key, 1, DESCRIP)
    pyr_dir, key = _init_pyramid(key, 2, DESCRIP)
    fit, key = _init_pyramid(key, 2 * DESCRIP[-1], FIT)
    key, k3, k4 = jax.random.split(key, 3)
    lin_W = jax.random.normal(k3, (FIT[-1], 1), dtype=jnp.float32)
    lin_b = jax.random.normal(k4, (1,), dtype=jnp.float32) * 0.01
    params = {"pyr": pyr, "pyr_dir": pyr_dir, "fit": fit, "lin": (lin_W, lin_b)}
    return {"inputs": inputs, "params": params, "neighList": neigh}


def _gen_dist_inv(R, neigh):
    # R: [S, N, 2]; neigh: [S, N, K] with -1 padding
    mask = neigh >= 0
    safe = jnp.where(mask, neigh, 0)
    Rj = jax.vmap(lambda r, idx: r[idx])(R, safe)  # [S, N, K, 2] gather
    Ri = R[:, :, None, :]
    diff = Rj - Ri
    diff = diff - L * jnp.round(diff / L)  # periodic minimum image
    r2 = jnp.sum(diff * diff, axis=-1)
    mask = mask & (r2 > 1e-12)
    safe_r2 = jnp.where(mask, r2, 1.0)
    rinv = 1.0 / jnp.sqrt(safe_r2)
    c0 = (rinv - AV[0]) / STD[0]
    cx = (diff[..., 0] / safe_r2 - AV[1]) / STD[1]
    cy = (diff[..., 1] / safe_r2 - AV[1]) / STD[1]
    gc = jnp.stack([c0, cx, cy], axis=-1)
    gc = jnp.where(mask[..., None], gc, 0.0)
    return gc.reshape(-1, 3)


def _pyramid(params, x):
    W0, b0 = params[0]
    x = jnp.tanh(x @ W0 + b0)
    for (W, b) in params[1:]:
        din, dout = W.shape
        y = jnp.tanh(x @ W + b)
        if dout == 2 * din:
            x = jnp.concatenate([x, x], axis=-1) + y
        elif dout == din:
            x = x + y
        else:
            x = y
    return x


def _forward(inputs, params, neigh):
    gc = _gen_dist_inv(inputs, neigh)  # [S*N*K, 3]
    s = gc[:, :1]
    L1 = _pyramid(params["pyr"], s) * s
    L2 = _pyramid(params["pyr_dir"], gc[:, 1:]) * s
    LL = jnp.concatenate([L1, L2], axis=1)
    D = LL.reshape(-1, K, 2 * DESCRIP[-1]).sum(axis=1)  # [S*N, 64]
    F2 = _pyramid(params["fit"], D)
    Wl, bl = params["lin"]
    F = F2 @ Wl + bl
    Energy = F.reshape(-1, NPOINTS).sum(axis=1, keepdims=True)  # [S, 1]
    return Energy


def reference(inputs, params, neighList):
    Energy = _forward(inputs, params, neighList)
    Forces = -jax.grad(lambda R: _forward(R, params, neighList).sum())(inputs)
    return (Energy, Forces)

if __name__ == "__main__":
    import jax
    _d = setup_inputs()
    print(jax.jit(kernel)(*tuple(_d.values())))

</pallas_src>

<mosaic_0001>
#map = affine_map<(d0, d1) -> (0, 0)>
module attributes {stable_mosaic.version = 14 : i64} {
  func.func @k(%arg0: i32, %arg1: i32, %arg2: memref<32x2048xf32, #tpu.memory_space<hbm>>, %arg3: memref<32x2048xf32, #tpu.memory_space<hbm>>, %arg4: memref<32x65536xi32, #tpu.memory_space<hbm>>, %arg5: memref<32x65536xf32, #tpu.memory_space<hbm>>, %arg6: memref<32x65536xf32, #tpu.memory_space<hbm>>, %arg7: memref<2048xf32, #tpu.memory_space<vmem>>, %arg8: memref<2048xf32, #tpu.memory_space<vmem>>, %arg9: memref<8192xi32, #tpu.memory_space<vmem>>, %arg10: memref<8192xf32, #tpu.memory_space<vmem>>, %arg11: memref<8192xf32, #tpu.memory_space<vmem>>) attributes {dimension_semantics = [#tpu.dimension_semantics<core_parallel>, #tpu.dimension_semantics<subcore_parallel>], iteration_bounds = array<i64: 2, 16>, scalar_prefetch = 0 : i64, scratch_operands = 5 : i64, tpu.core_type = #tpu.core_type<sc_vector_subcore>, window_params = [{transform_indices = #map}, {transform_indices = #map}, {transform_indices = #map}, {transform_indices = #map}, {transform_indices = #map}]} {
    %mul3A = arith.constant 2 : i32
    %mul3A_0 = arith.muli %arg1, %mul3A : i32
    %add3A = arith.addi %mul3A_0, %arg0 : i32
    "tpu.region"() ({
      %run_scoped3A = tpu.sem_alloc : memref<!tpu.dma_semaphore, #tpu.memory_space<semaphore_mem>>
      %dma_start3A = arith.constant 0 : i32
      %dma_start3A_40 = tpu.memref_slice %arg2[%add3A, %dma_start3A] : memref<32x2048xf32, #tpu.memory_space<hbm>> -> memref<1x2048xf32, #tpu.memory_space<hbm>>
      %dma_start3A_41 = tpu.memref_squeeze %dma_start3A_40 : memref<1x2048xf32, #tpu.memory_space<hbm>> -> memref<2048xf32, #tpu.memory_space<hbm>>
      %dma_start3A_42 = arith.constant 0 : i32
      %dma_start3A_43 = tpu.memref_slice %arg2[%add3A, %dma_start3A_42] : memref<32x2048xf32, #tpu.memory_space<hbm>> -> memref<1x2048xf32, #tpu.memory_space<hbm>>
      %dma_start3A_44 = tpu.memref_squeeze %dma_start3A_43 : memref<1x2048xf32, #tpu.memory_space<hbm>> -> memref<2048xf32, #tpu.memory_space<hbm>>
      tpu.enqueue_dma source(%dma_start3A_44 : memref<2048xf32, #tpu.memory_space<hbm>>) target(%arg7 : memref<2048xf32, #tpu.memory_space<vmem>>) target_semaphore(%run_scoped3A : memref<!tpu.dma_semaphore, #tpu.memory_space<semaphore_mem>>)
      %dma_wait3A = arith.constant 0 : i32
      %dma_wait3A_45 = tpu.memref_slice %arg2[%add3A, %dma_wait3A] : memref<32x2048xf32, #tpu.memory_space<hbm>> -> memref<1x2048xf32, #tpu.memory_space<hbm>>
      %dma_wait3A_46 = tpu.memref_squeeze %dma_wait3A_45 : memref<1x2048xf32, #tpu.memory_space<hbm>> -> memref<2048xf32, #tpu.memory_space<hbm>>
      %dma_wait3A_47 = arith.constant 0 : i32
      %dma_wait3A_48 = tpu.memref_slice %arg2[%add3A, %dma_wait3A_47] : memref<32x2048xf32, #tpu.memory_space<hbm>> -> memref<1x2048xf32, #tpu.memory_space<hbm>>
      %dma_wait3A_49 = tpu.memref_squeeze %dma_wait3A_48 : memref<1x2048xf32, #tpu.memory_space<hbm>> -> memref<2048xf32, #tpu.memory_space<hbm>>
      tpu.wait_dma2 semaphore(%run_scoped3A : memref<!tpu.dma_semaphore, #tpu.memory_space<semaphore_mem>>) src(%dma_wait3A_49 : memref<2048xf32, #tpu.memory_space<hbm>>) dst(%arg7 : memref<2048xf32, #tpu.memory_space<vmem>>)
      tpu.yield
    }) : () -> ()
    "tpu.region"() ({
      %run_scoped3A = tpu.sem_alloc : memref<!tpu.dma_semaphore, #tpu.memory_space<semaphore_mem>>
      %dma_start3A = arith.constant 0 : i32
      %dma_start3A_40 = tpu.memref_slice %arg3[%add3A, %dma_start3A] : memref<32x2048xf32, #tpu.memory_space<hbm>> -> memref<1x2048xf32, #tpu.memory_space<hbm>>
      %dma_start3A_41 = tpu.memref_squeeze %dma_start3A_40 : memref<1x2048xf32, #tpu.memory_space<hbm>> -> memref<2048xf32, #tpu.memory_space<hbm>>
      %dma_start3A_42 = arith.constant 0 : i32
      %dma_start3A_43 = tpu.memref_slice %arg3[%add3A, %dma_start3A_42] : memref<32x2048xf32, #tpu.memory_space<hbm>> -> memref<1x2048xf32, #tpu.memory_space<hbm>>
      %dma_start3A_44 = tpu.memref_squeeze %dma_start3A_43 : memref<1x2048xf32, #tpu.memory_space<hbm>> -> memref<2048xf32, #tpu.memory_space<hbm>>
      tpu.enqueue_dma source(%dma_start3A_44 : memref<2048xf32, #tpu.memory_space<hbm>>) target(%arg8 : memref<2048xf32, #tpu.memory_space<vmem>>) target_semaphore(%run_scoped3A : memref<!tpu.dma_semaphore, #tpu.memory_space<semaphore_mem>>)
      %dma_wait3A = arith.constant 0 : i32
      %dma_wait3A_45 = tpu.memref_slice %arg3[%add3A, %dma_wait3A] : memref<32x2048xf32, #tpu.memory_space<hbm>> -> memref<1x2048xf32, #tpu.memory_space<hbm>>
      %dma_wait3A_46 = tpu.memref_squeeze %dma_wait3A_45 : memref<1x2048xf32, #tpu.memory_space<hbm>> -> memref<2048xf32, #tpu.memory_space<hbm>>
      %dma_wait3A_47 = arith.constant 0 : i32
      %dma_wait3A_48 = tpu.memref_slice %arg3[%add3A, %dma_wait3A_47] : memref<32x2048xf32, #tpu.memory_space<hbm>> -> memref<1x2048xf32, #tpu.memory_space<hbm>>
      %dma_wait3A_49 = tpu.memref_squeeze %dma_wait3A_48 : memref<1x2048xf32, #tpu.memory_space<hbm>> -> memref<2048xf32, #tpu.memory_space<hbm>>
      tpu.wait_dma2 semaphore(%run_scoped3A : memref<!tpu.dma_semaphore, #tpu.memory_space<semaphore_mem>>) src(%dma_wait3A_49 : memref<2048xf32, #tpu.memory_space<hbm>>) dst(%arg8 : memref<2048xf32, #tpu.memory_space<vmem>>)
      tpu.yield
    }) : () -> ()
    "tpu.region"() ({
      %run_scoped3A = tpu.sem_alloc : memref<!tpu.dma_semaphore, #tpu.memory_space<semaphore_mem>>
      %dma_start3A = arith.constant 0 : i32
      %dma_start3A_40 = tpu.memref_slice %arg4[%add3A, %dma_start3A] : memref<32x65536xi32, #tpu.memory_space<hbm>> -> memref<1x8192xi32, #tpu.memory_space<hbm>>
      %dma_start3A_41 = tpu.memref_squeeze %dma_start3A_40 : memref<1x8192xi32, #tpu.memory_space<hbm>> -> memref<8192xi32, #tpu.memory_space<hbm>>
      %dma_start3A_42 = arith.constant 0 : i32
      %dma_start3A_43 = tpu.memref_slice %arg4[%add3A, %dma_start3A_42] : memref<32x65536xi32, #tpu.memory_space<hbm>> -> memref<1x8192xi32, #tpu.memory_space<hbm>>
      %dma_start3A_44 = tpu.memref_squeeze %dma_start3A_43 : memref<1x8192xi32, #tpu.memory_space<hbm>> -> memref<8192xi32, #tpu.memory_space<hbm>>
      tpu.enqueue_dma source(%dma_start3A_44 : memref<8192xi32, #tpu.memory_space<hbm>>) target(%arg9 : memref<8192xi32, #tpu.memory_space<vmem>>) target_semaphore(%run_scoped3A : memref<!tpu.dma_semaphore, #tpu.memory_space<semaphore_mem>>)
      %dma_wait3A = arith.constant 0 : i32
      %dma_wait3A_45 = tpu.memref_slice %arg4[%add3A, %dma_wait3A] : memref<32x65536xi32, #tpu.memory_space<hbm>> -> memref<1x8192xi32, #tpu.memory_space<hbm>>
      %dma_wait3A_46 = tpu.memref_squeeze %dma_wait3A_45 : memref<1x8192xi32, #tpu.memory_space<hbm>> -> memref<8192xi32, #tpu.memory_space<hbm>>
      %dma_wait3A_47 = arith.constant 0 : i32
      %dma_wait3A_48 = tpu.memref_slice %arg4[%add3A, %dma_wait3A_47] : memref<32x65536xi32, #tpu.memory_space<hbm>> -> memref<1x8192xi32, #tpu.memory_space<hbm>>
      %dma_wait3A_49 = tpu.memref_squeeze %dma_wait3A_48 : memref<1x8192xi32, #tpu.memory_space<hbm>> -> memref<8192xi32, #tpu.memory_space<hbm>>
      tpu.wait_dma2 semaphore(%run_scoped3A : memref<!tpu.dma_semaphore, #tpu.memory_space<semaphore_mem>>) src(%dma_wait3A_49 : memref<8192xi32, #tpu.memory_space<hbm>>) dst(%arg9 : memref<8192xi32, #tpu.memory_space<vmem>>)
      tpu.yield
    }) : () -> ()
    %scan3A = arith.constant 0 : i32
    %scan3A_1 = arith.constant 512 : i32
    %scan3A_2 = arith.addi %scan3A, %scan3A_1 : i32
    %scan3A_3 = arith.constant 1 : i32
    scf.for %scan3A_40 = %scan3A to %scan3A_2 step %scan3A_3  : i32 {
      %mul3A_41 = arith.constant 16 : i32
      %mul3A_42 = arith.muli %scan3A_40, %mul3A_41 : i32
      %get3A = arith.index_cast %mul3A_42 : i32 to index
      %get3A_43 = tpu.vector_load %arg9[%get3A] {strides = array<i32>} : memref<8192xi32, #tpu.memory_space<vmem>>, vector<16xi32>,
      %max3A = arith.constant 0 : i32
      %max3A_44 = vector.broadcast %max3A : i32 to vector<16xi32>
      %max3A_45 = arith.maxsi %get3A_43, %max3A_44 : vector<16xi32>
      %mul3A_46 = arith.constant 16 : i32
      %mul3A_47 = arith.muli %scan3A_40, %mul3A_46 : i32
      %add3A_48 = arith.constant 0 : i32
      %add3A_49 = arith.addi %add3A_48, %mul3A_47 : i32
      %iota3A = tpu.iota {dimensions = array<i32: 0>} : vector<16xi32>
      %add3A_50 = vector.broadcast %add3A_49 : i32 to vector<16xi32>
      %add3A_51 = arith.addi %add3A_50, %iota3A : vector<16xi32>
      %shift_right_logical3A = arith.constant 5 : i32
      %shift_right_logical3A_52 = vector.broadcast %shift_right_logical3A : i32 to vector<16xi32>
      %shift_right_logical3A_53 = arith.shrui %add3A_51, %shift_right_logical3A_52 : vector<16xi32>
      %gather3A = tpu.vector_load_idx %arg7[%max3A_45] : memref<2048xf32, #tpu.memory_space<vmem>>[vector<16xi32>], vector<16xf32>,
      %gather3A_54 = tpu.vector_load_idx %arg8[%max3A_45] : memref<2048xf32, #tpu.memory_space<vmem>>[vector<16xi32>], vector<16xf32>,
      %gather3A_55 = tpu.vector_load_idx %arg7[%shift_right_logical3A_53] : memref<2048xf32, #tpu.memory_space<vmem>>[vector<16xi32>], vector<16xf32>,
      %gather3A_56 = tpu.vector_load_idx %arg8[%shift_right_logical3A_53] : memref<2048xf32, #tpu.memory_space<vmem>>[vector<16xi32>], vector<16xf32>,
      %sub3A = arith.subf %gather3A, %gather3A_55 : vector<16xf32>
      %mul3A_57 = arith.constant 16 : i32
      %mul3A_58 = arith.muli %scan3A_40, %mul3A_57 : i32
      %swap3A = arith.index_cast %mul3A_58 : i32 to index
      %swap3A_59 = tpu.vector_load %arg10[%swap3A] {strides = array<i32>} : memref<8192xf32, #tpu.memory_space<vmem>>, vector<16xf32>,
      tpu.vector_store %arg10[%swap3A], %sub3A {strides = array<i32>} : memref<8192xf32, #tpu.memory_space<vmem>>, vector<16xf32>,
      %sub3A_60 = arith.subf %gather3A_54, %gather3A_56 : vector<16xf32>
      %mul3A_61 = arith.constant 16 : i32
      %mul3A_62 = arith.muli %scan3A_40, %mul3A_61 : i32
      %swap3A_63 = arith.index_cast %mul3A_62 : i32 to index
      %swap3A_64 = tpu.vector_load %arg11[%swap3A_63] {strides = array<i32>} : memref<8192xf32, #tpu.memory_space<vmem>>, vector<16xf32>,
      tpu.vector_store %arg11[%swap3A_63], %sub3A_60 {strides = array<i32>} : memref<8192xf32, #tpu.memory_space<vmem>>, vector<16xf32>,
    }
    %scan3A_4 = arith.constant 512 : i32
    "tpu.region"() ({
      %run_scoped3A = tpu.sem_alloc : memref<!tpu.dma_semaphore, #tpu.memory_space<semaphore_mem>>
      %dma_start3A = arith.constant 0 : i32
      %dma_start3A_40 = tpu.memref_slice %arg5[%add3A, %dma_start3A] : memref<32x65536xf32, #tpu.memory_space<hbm>> -> memref<1x8192xf32, #tpu.memory_space<hbm>>
      %dma_start3A_41 = tpu.memref_squeeze %dma_start3A_40 : memref<1x8192xf32, #tpu.memory_space<hbm>> -> memref<8192xf32, #tpu.memory_space<hbm>>
      %dma_start3A_42 = arith.constant 0 : i32
      %dma_start3A_43 = tpu.memref_slice %arg5[%add3A, %dma_start3A_42] : memref<32x65536xf32, #tpu.memory_space<hbm>> -> memref<1x8192xf32, #tpu.memory_space<hbm>>
      %dma_start3A_44 = tpu.memref_squeeze %dma_start3A_43 : memref<1x8192xf32, #tpu.memory_space<hbm>> -> memref<8192xf32, #tpu.memory_space<hbm>>
      tpu.enqueue_dma source(%arg10 : memref<8192xf32, #tpu.memory_space<vmem>>) target(%dma_start3A_44 : memref<8192xf32, #tpu.memory_space<hbm>>) target_semaphore(%run_scoped3A : memref<!tpu.dma_semaphore, #tpu.memory_space<semaphore_mem>>)
      %dma_wait3A = arith.constant 0 : i32
      %dma_wait3A_45 = tpu.memref_slice %arg5[%add3A, %dma_wait3A] : memref<32x65536xf32, #tpu.memory_space<hbm>> -> memref<1x8192xf32, #tpu.memory_space<hbm>>
      %dma_wait3A_46 = tpu.memref_squeeze %dma_wait3A_45 : memref<1x8192xf32, #tpu.memory_space<hbm>> -> memref<8192xf32, #tpu.memory_space<hbm>>
      %dma_wait3A_47 = arith.constant 0 : i32
      %dma_wait3A_48 = tpu.memref_slice %arg5[%add3A, %dma_wait3A_47] : memref<32x65536xf32, #tpu.memory_space<hbm>> -> memref<1x8192xf32, #tpu.memory_space<hbm>>
      %dma_wait3A_49 = tpu.memref_squeeze %dma_wait3A_48 : memref<1x8192xf32, #tpu.memory_space<hbm>> -> memref<8192xf32, #tpu.memory_space<hbm>>
      tpu.wait_dma2 semaphore(%run_scoped3A : memref<!tpu.dma_semaphore, #tpu.memory_space<semaphore_mem>>) src(%arg10 : memref<8192xf32, #tpu.memory_space<vmem>>) dst(%dma_wait3A_49 : memref<8192xf32, #tpu.memory_space<hbm>>)
      tpu.yield
    }) : () -> ()
    "tpu.region"() ({
      %run_scoped3A = tpu.sem_alloc : memref<!tpu.dma_semaphore, #tpu.memory_space<semaphore_mem>>
      %dma_start3A = arith.constant 0 : i32
      %dma_start3A_40 = tpu.memref_slice %arg6[%add3A, %dma_start3A] : memref<32x65536xf32, #tpu.memory_space<hbm>> -> memref<1x8192xf32, #tpu.memory_space<hbm>>
      %dma_start3A_41 = tpu.memref_squeeze %dma_start3A_40 : memref<1x8192xf32, #tpu.memory_space<hbm>> -> memref<8192xf32, #tpu.memory_space<hbm>>
      %dma_start3A_42 = arith.constant 0 : i32
      %dma_start3A_43 = tpu.memref_slice %arg6[%add3A, %dma_start3A_42] : memref<32x65536xf32, #tpu.memory_space<hbm>> -> memref<1x8192xf32, #tpu.memory_space<hbm>>
      %dma_start3A_44 = tpu.memref_squeeze %dma_start3A_43 : memref<1x8192xf32, #tpu.memory_space<hbm>> -> memref<8192xf32, #tpu.memory_space<hbm>>
      tpu.enqueue_dma source(%arg11 : memref<8192xf32, #tpu.memory_space<vmem>>) target(%dma_start3A_44 : memref<8192xf32, #tpu.memory_space<hbm>>) target_semaphore(%run_scoped3A : memref<!tpu.dma_semaphore, #tpu.memory_space<semaphore_mem>>)
      %dma_wait3A = arith.constant 0 : i32
      %dma_wait3A_45 = tpu.memref_slice %arg6[%add3A, %dma_wait3A] : memref<32x65536xf32, #tpu.memory_space<hbm>> -> memref<1x8192xf32, #tpu.memory_space<hbm>>
      %dma_wait3A_46 = tpu.memref_squeeze %dma_wait3A_45 : memref<1x8192xf32, #tpu.memory_space<hbm>> -> memref<8192xf32, #tpu.memory_space<hbm>>
      %dma_wait3A_47 = arith.constant 0 : i32
      %dma_wait3A_48 = tpu.memref_slice %arg6[%add3A, %dma_wait3A_47] : memref<32x65536xf32, #tpu.memory_space<hbm>> -> memref<1x8192xf32, #tpu.memory_space<hbm>>
      %dma_wait3A_49 = tpu.memref_squeeze %dma_wait3A_48 : memref<1x8192xf32, #tpu.memory_space<hbm>> -> memref<8192xf32, #tpu.memory_space<hbm>>
      tpu.wait_dma2 semaphore(%run_scoped3A : memref<!tpu.dma_semaphore, #tpu.memory_space<semaphore_mem>>) src(%arg11 : memref<8192xf32, #tpu.memory_space<vmem>>) dst(%dma_wait3A_49 : memref<8192xf32, #tpu.memory_space<hbm>>)
      tpu.yield
    }) : () -> ()
    "tpu.region"() ({
      %run_scoped3A = tpu.sem_alloc : memref<!tpu.dma_semaphore, #tpu.memory_space<semaphore_mem>>
      %dma_start3A = arith.constant 8192 : i32
      %dma_start3A_40 = tpu.memref_slice %arg4[%add3A, %dma_start3A] : memref<32x65536xi32, #tpu.memory_space<hbm>> -> memref<1x8192xi32, #tpu.memory_space<hbm>>
      %dma_start3A_41 = tpu.memref_squeeze %dma_start3A_40 : memref<1x8192xi32, #tpu.memory_space<hbm>> -> memref<8192xi32, #tpu.memory_space<hbm>>
      %dma_start3A_42 = arith.constant 8192 : i32
      %dma_start3A_43 = tpu.memref_slice %arg4[%add3A, %dma_start3A_42] : memref<32x65536xi32, #tpu.memory_space<hbm>> -> memref<1x8192xi32, #tpu.memory_space<hbm>>
      %dma_start3A_44 = tpu.memref_squeeze %dma_start3A_43 : memref<1x8192xi32, #tpu.memory_space<hbm>> -> memref<8192xi32, #tpu.memory_space<hbm>>
      tpu.enqueue_dma source(%dma_start3A_44 : memref<8192xi32, #tpu.memory_space<hbm>>) target(%arg9 : memref<8192xi32, #tpu.memory_space<vmem>>) target_semaphore(%run_scoped3A : memref<!tpu.dma_semaphore, #tpu.memory_space<semaphore_mem>>)
      %dma_wait3A = arith.constant 8192 : i32
      %dma_wait3A_45 = tpu.memref_slice %arg4[%add3A, %dma_wait3A] : memref<32x65536xi32, #tpu.memory_space<hbm>> -> memref<1x8192xi32, #tpu.memory_space<hbm>>
      %dma_wait3A_46 = tpu.memref_squeeze %dma_wait3A_45 : memref<1x8192xi32, #tpu.memory_space<hbm>> -> memref<8192xi32, #tpu.memory_space<hbm>>
      %dma_wait3A_47 = arith.constant 8192 : i32
      %dma_wait3A_48 = tpu.memref_slice %arg4[%add3A, %dma_wait3A_47] : memref<32x65536xi32, #tpu.memory_space<hbm>> -> memref<1x8192xi32, #tpu.memory_space<hbm>>
      %dma_wait3A_49 = tpu.memref_squeeze %dma_wait3A_48 : memref<1x8192xi32, #tpu.memory_space<hbm>> -> memref<8192xi32, #tpu.memory_space<hbm>>
      tpu.wait_dma2 semaphore(%run_scoped3A : memref<!tpu.dma_semaphore, #tpu.memory_space<semaphore_mem>>) src(%dma_wait3A_49 : memref<8192xi32, #tpu.memory_space<hbm>>) dst(%arg9 : memref<8192xi32, #tpu.memory_space<vmem>>)
      tpu.yield
    }) : () -> ()
    %scan3A_5 = arith.constant 0 : i32
    %scan3A_6 = arith.constant 512 : i32
    %scan3A_7 = arith.addi %scan3A_5, %scan3A_6 : i32
    %scan3A_8 = arith.constant 1 : i32
    scf.for %scan3A_40 = %scan3A_5 to %scan3A_7 step %scan3A_8  : i32 {
      %mul3A_41 = arith.constant 16 : i32
      %mul3A_42 = arith.muli %scan3A_40, %mul3A_41 : i32
      %get3A = arith.index_cast %mul3A_42 : i32 to index
      %get3A_43 = tpu.vector_load %arg9[%get3A] {strides = array<i32>} : memref<8192xi32, #tpu.memory_space<vmem>>, vector<16xi32>,
      %max3A = arith.constant 0 : i32
      %max3A_44 = vector.broadcast %max3A : i32 to vector<16xi32>
      %max3A_45 = arith.maxsi %get3A_43, %max3A_44 : vector<16xi32>
      %mul3A_46 = arith.constant 16 : i32
      %mul3A_47 = arith.muli %scan3A_40, %mul3A_46 : i32
      %add3A_48 = arith.constant 8192 : i32
      %add3A_49 = arith.addi %add3A_48, %mul3A_47 : i32
      %iota3A = tpu.iota {dimensions = array<i32: 0>} : vector<16xi32>
      %add3A_50 = vector.broadcast %add3A_49 : i32 to vector<16xi32>
      %add3A_51 = arith.addi %add3A_50, %iota3A : vector<16xi32>
      %shift_right_logical3A = arith.constant 5 : i32
      %shift_right_logical3A_52 = vector.broadcast %shift_right_logical3A : i32 to vector<16xi32>
      %shift_right_logical3A_53 = arith.shrui %add3A_51, %shift_right_logical3A_52 : vector<16xi32>
      %gather3A = tpu.vector_load_idx %arg7[%max3A_45] : memref<2048xf32, #tpu.memory_space<vmem>>[vector<16xi32>], vector<16xf32>,
      %gather3A_54 = tpu.vector_load_idx %arg8[%max3A_45] : memref<2048xf32, #tpu.memory_space<vmem>>[vector<16xi32>], vector<16xf32>,
      %gather3A_55 = tpu.vector_load_idx %arg7[%shift_right_logical3A_53] : memref<2048xf32, #tpu.memory_space<vmem>>[vector<16xi32>], vector<16xf32>,
      %gather3A_56 = tpu.vector_load_idx %arg8[%shift_right_logical3A_53] : memref<2048xf32, #tpu.memory_space<vmem>>[vector<16xi32>], vector<16xf32>,
      %sub3A = arith.subf %gather3A, %gather3A_55 : vector<16xf32>
      %mul3A_57 = arith.constant 16 : i32
      %mul3A_58 = arith.muli %scan3A_40, %mul3A_57 : i32
      %swap3A = arith.index_cast %mul3A_58 : i32 to index
      %swap3A_59 = tpu.vector_load %arg10[%swap3A] {strides = array<i32>} : memref<8192xf32, #tpu.memory_space<vmem>>, vector<16xf32>,
      tpu.vector_store %arg10[%swap3A], %sub3A {strides = array<i32>} : memref<8192xf32, #tpu.memory_space<vmem>>, vector<16xf32>,
      %sub3A_60 = arith.subf %gather3A_54, %gather3A_56 : vector<16xf32>
      %mul3A_61 = arith.constant 16 : i32
      %mul3A_62 = arith.muli %scan3A_40, %mul3A_61 : i32
      %swap3A_63 = arith.index_cast %mul3A_62 : i32 to index
      %swap3A_64 = tpu.vector_load %arg11[%swap3A_63] {strides = array<i32>} : memref<8192xf32, #tpu.memory_space<vmem>>, vector<16xf32>,
      tpu.vector_store %arg11[%swap3A_63], %sub3A_60 {strides = array<i32>} : memref<8192xf32, #tpu.memory_space<vmem>>, vector<16xf32>,
    }
    %scan3A_9 = arith.constant 512 : i32
    "tpu.region"() ({
      %run_scoped3A = tpu.sem_alloc : memref<!tpu.dma_semaphore, #tpu.memory_space<semaphore_mem>>
      %dma_start3A = arith.constant 8192 : i32
      %dma_start3A_40 = tpu.memref_slice %arg5[%add3A, %dma_start3A] : memref<32x65536xf32, #tpu.memory_space<hbm>> -> memref<1x8192xf32, #tpu.memory_space<hbm>>
      %dma_start3A_41 = tpu.memref_squeeze %dma_start3A_40 : memref<1x8192xf32, #tpu.memory_space<hbm>> -> memref<8192xf32, #tpu.memory_space<hbm>>
      %dma_start3A_42 = arith.constant 8192 : i32
      %dma_start3A_43 = tpu.memref_slice %arg5[%add3A, %dma_start3A_42] : memref<32x65536xf32, #tpu.memory_space<hbm>> -> memref<1x8192xf32, #tpu.memory_space<hbm>>
      %dma_start3A_44 = tpu.memref_squeeze %dma_start3A_43 : memref<1x8192xf32, #tpu.memory_space<hbm>> -> memref<8192xf32, #tpu.memory_space<hbm>>
      tpu.enqueue_dma source(%arg10 : memref<8192xf32, #tpu.memory_space<vmem>>) target(%dma_start3A_44 : memref<8192xf32, #tpu.memory_space<hbm>>) target_semaphore(%run_scoped3A : memref<!tpu.dma_semaphore, #tpu.memory_space<semaphore_mem>>)
      %dma_wait3A = arith.constant 8192 : i32
      %dma_wait3A_45 = tpu.memref_slice %arg5[%add3A, %dma_wait3A] : memref<32x65536xf32, #tpu.memory_space<hbm>> -> memref<1x8192xf32, #tpu.memory_space<hbm>>
      %dma_wait3A_46 = tpu.memref_squeeze %dma_wait3A_45 : memref<1x8192xf32, #tpu.memory_space<hbm>> -> memref<8192xf32, #tpu.memory_space<hbm>>
      %dma_wait3A_47 = arith.constant 8192 : i32
      %dma_wait3A_48 = tpu.memref_slice %arg5[%add3A, %dma_wait3A_47] : memref<32x65536xf32, #tpu.memory_space<hbm>> -> memref<1x8192xf32, #tpu.memory_space<hbm>>
      %dma_wait3A_49 = tpu.memref_squeeze %dma_wait3A_48 : memref<1x8192xf32, #tpu.memory_space<hbm>> -> memref<8192xf32, #tpu.memory_space<hbm>>
      tpu.wait_dma2 semaphore(%run_scoped3A : memref<!tpu.dma_semaphore, #tpu.memory_space<semaphore_mem>>) src(%arg10 : memref<8192xf32, #tpu.memory_space<vmem>>) dst(%dma_wait3A_49 : memref<8192xf32, #tpu.memory_space<hbm>>)
      tpu.yield
    }) : () -> ()
    "tpu.region"() ({
      %run_scoped3A = tpu.sem_alloc : memref<!tpu.dma_semaphore, #tpu.memory_space<semaphore_mem>>
      %dma_start3A = arith.constant 8192 : i32
      %dma_start3A_40 = tpu.memref_slice %arg6[%add3A, %dma_start3A] : memref<32x65536xf32, #tpu.memory_space<hbm>> -> memref<1x8192xf32, #tpu.memory_space<hbm>>
      %dma_start3A_41 = tpu.memref_squeeze %dma_start3A_40 : memref<1x8192xf32, #tpu.memory_space<hbm>> -> memref<8192xf32, #tpu.memory_space<hbm>>
      %dma_start3A_42 = arith.constant 8192 : i32
      %dma_start3A_43 = tpu.memref_slice %arg6[%add3A, %dma_start3A_42] : memref<32x65536xf32, #tpu.memory_space<hbm>> -> memref<1x8192xf32, #tpu.memory_space<hbm>>
      %dma_start3A_44 = tpu.memref_squeeze %dma_start3A_43 : memref<1x8192xf32, #tpu.memory_space<hbm>> -> memref<8192xf32, #tpu.memory_space<hbm>>
      tpu.enqueue_dma source(%arg11 : memref<8192xf32, #tpu.memory_space<vmem>>) target(%dma_start3A_44 : memref<8192xf32, #tpu.memory_space<hbm>>) target_semaphore(%run_scoped3A : memref<!tpu.dma_semaphore, #tpu.memory_space<semaphore_mem>>)
      %dma_wait3A = arith.constant 8192 : i32
      %dma_wait3A_45 = tpu.memref_slice %arg6[%add3A, %dma_wait3A] : memref<32x65536xf32, #tpu.memory_space<hbm>> -> memref<1x8192xf32, #tpu.memory_space<hbm>>
      %dma_wait3A_46 = tpu.memref_squeeze %dma_wait3A_45 : memref<1x8192xf32, #tpu.memory_space<hbm>> -> memref<8192xf32, #tpu.memory_space<hbm>>
      %dma_wait3A_47 = arith.constant 8192 : i32
      %dma_wait3A_48 = tpu.memref_slice %arg6[%add3A, %dma_wait3A_47] : memref<32x65536xf32, #tpu.memory_space<hbm>> -> memref<1x8192xf32, #tpu.memory_space<hbm>>
      %dma_wait3A_49 = tpu.memref_squeeze %dma_wait3A_48 : memref<1x8192xf32, #tpu.memory_space<hbm>> -> memref<8192xf32, #tpu.memory_space<hbm>>
      tpu.wait_dma2 semaphore(%run_scoped3A : memref<!tpu.dma_semaphore, #tpu.memory_space<semaphore_mem>>) src(%arg11 : memref<8192xf32, #tpu.memory_space<vmem>>) dst(%dma_wait3A_49 : memref<8192xf32, #tpu.memory_space<hbm>>)
      tpu.yield
    }) : () -> ()
    "tpu.region"() ({
      %run_scoped3A = tpu.sem_alloc : memref<!tpu.dma_semaphore, #tpu.memory_space<semaphore_mem>>
      %dma_start3A = arith.constant 16384 : i32
      %dma_start3A_40 = tpu.memref_slice %arg4[%add3A, %dma_start3A] : memref<32x65536xi32, #tpu.memory_space<hbm>> -> memref<1x8192xi32, #tpu.memory_space<hbm>>
      %dma_start3A_41 = tpu.memref_squeeze %dma_start3A_40 : memref<1x8192xi32, #tpu.memory_space<hbm>> -> memref<8192xi32, #tpu.memory_space<hbm>>
      %dma_start3A_42 = arith.constant 16384 : i32
      %dma_start3A_43 = tpu.memref_slice %arg4[%add3A, %dma_start3A_42] : memref<32x65536xi32, #tpu.memory_space<hbm>> -> memref<1x8192xi32, #tpu.memory_space<hbm>>
      %dma_start3A_44 = tpu.memref_squeeze %dma_start3A_43 : memref<1x8192xi32, #tpu.memory_space<hbm>> -> memref<8192xi32, #tpu.memory_space<hbm>>
      tpu.enqueue_dma source(%dma_start3A_44 : memref<8192xi32, #tpu.memory_space<hbm>>) target(%arg9 : memref<8192xi32, #tpu.memory_space<vmem>>) target_semaphore(%run_scoped3A : memref<!tpu.dma_semaphore, #tpu.memory_space<semaphore_mem>>)
      %dma_wait3A = arith.constant 16384 : i32
      %dma_wait3A_45 = tpu.memref_slice %arg4[%add3A, %dma_wait3A] : memref<32x65536xi32, #tpu.memory_space<hbm>> -> memref<1x8192xi32, #tpu.memory_space<hbm>>
      %dma_wait3A_46 = tpu.memref_squeeze %dma_wait3A_45 : memref<1x8192xi32, #tpu.memory_space<hbm>> -> memref<8192xi32, #tpu.memory_space<hbm>>
      %dma_wait3A_47 = arith.constant 16384 : i32
      %dma_wait3A_48 = tpu.memref_slice %arg4[%add3A, %dma_wait3A_47] : memref<32x65536xi32, #tpu.memory_space<hbm>> -> memref<1x8192xi32, #tpu.memory_space<hbm>>
      %dma_wait3A_49 = tpu.memref_squeeze %dma_wait3A_48 : memref<1x8192xi32, #tpu.memory_space<hbm>> -> memref<8192xi32, #tpu.memory_space<hbm>>
      tpu.wait_dma2 semaphore(%run_scoped3A : memref<!tpu.dma_semaphore, #tpu.memory_space<semaphore_mem>>) src(%dma_wait3A_49 : memref<8192xi32, #tpu.memory_space<hbm>>) dst(%arg9 : memref<8192xi32, #tpu.memory_space<vmem>>)
      tpu.yield
    }) : () -> ()
    %scan3A_10 = arith.constant 0 : i32
    %scan3A_11 = arith.constant 512 : i32
    %scan3A_12 = arith.addi %scan3A_10, %scan3A_11 : i32
    %scan3A_13 = arith.constant 1 : i32
    scf.for %scan3A_40 = %scan3A_10 to %scan3A_12 step %scan3A_13  : i32 {
      %mul3A_41 = arith.constant 16 : i32
      %mul3A_42 = arith.muli %scan3A_40, %mul3A_41 : i32
      %get3A = arith.index_cast %mul3A_42 : i32 to index
      %get3A_43 = tpu.vector_load %arg9[%get3A] {strides = array<i32>} : memref<8192xi32, #tpu.memory_space<vmem>>, vector<16xi32>,
      %max3A = arith.constant 0 : i32
      %max3A_44 = vector.broadcast %max3A : i32 to vector<16xi32>
      %max3A_45 = arith.maxsi %get3A_43, %max3A_44 : vector<16xi32>
      %mul3A_46 = arith.constant 16 : i32
      %mul3A_47 = arith.muli %scan3A_40, %mul3A_46 : i32
      %add3A_48 = arith.constant 16384 : i32
      %add3A_49 = arith.addi %add3A_48, %mul3A_47 : i32
      %iota3A = tpu.iota {dimensions = array<i32: 0>} : vector<16xi32>
      %add3A_50 = vector.broadcast %add3A_49 : i32 to vector<16xi32>
      %add3A_51 = arith.addi %add3A_50, %iota3A : vector<16xi32>
      %shift_right_logical3A = arith.constant 5 : i32
      %shift_right_logical3A_52 = vector.broadcast %shift_right_logical3A : i32 to vector<16xi32>
      %shift_right_logical3A_53 = arith.shrui %add3A_51, %shift_right_logical3A_52 : vector<16xi32>
      %gather3A = tpu.vector_load_idx %arg7[%max3A_45] : memref<2048xf32, #tpu.memory_space<vmem>>[vector<16xi32>], vector<16xf32>,
      %gather3A_54 = tpu.vector_load_idx %arg8[%max3A_45] : memref<2048xf32, #tpu.memory_space<vmem>>[vector<16xi32>], vector<16xf32>,
      %gather3A_55 = tpu.vector_load_idx %arg7[%shift_right_logical3A_53] : memref<2048xf32, #tpu.memory_space<vmem>>[vector<16xi32>], vector<16xf32>,
      %gather3A_56 = tpu.vector_load_idx %arg8[%shift_right_logical3A_53] : memref<2048xf32, #tpu.memory_space<vmem>>[vector<16xi32>], vector<16xf32>,
      %sub3A = arith.subf %gather3A, %gather3A_55 : vector<16xf32>
      %mul3A_57 = arith.constant 16 : i32
      %mul3A_58 = arith.muli %scan3A_40, %mul3A_57 : i32
      %swap3A = arith.index_cast %mul3A_58 : i32 to index
      %swap3A_59 = tpu.vector_load %arg10[%swap3A] {strides = array<i32>} : memref<8192xf32, #tpu.memory_space<vmem>>, vector<16xf32>,
      tpu.vector_store %arg10[%swap3A], %sub3A {strides = array<i32>} : memref<8192xf32, #tpu.memory_space<vmem>>, vector<16xf32>,
      %sub3A_60 = arith.subf %gather3A_54, %gather3A_56 : vector<16xf32>
      %mul3A_61 = arith.constant 16 : i32
      %mul3A_62 = arith.muli %scan3A_40, %mul3A_61 : i32
      %swap3A_63 = arith.index_cast %mul3A_62 : i32 to index
      %swap3A_64 = tpu.vector_load %arg11[%swap3A_63] {strides = array<i32>} : memref<8192xf32, #tpu.memory_space<vmem>>, vector<16xf32>,
      tpu.vector_store %arg11[%swap3A_63], %sub3A_60 {strides = array<i32>} : memref<8192xf32, #tpu.memory_space<vmem>>, vector<16xf32>,
    }
    %scan3A_14 = arith.constant 512 : i32
    "tpu.region"() ({
      %run_scoped3A = tpu.sem_alloc : memref<!tpu.dma_semaphore, #tpu.memory_space<semaphore_mem>>
      %dma_start3A = arith.constant 16384 : i32
      %dma_start3A_40 = tpu.memref_slice %arg5[%add3A, %dma_start3A] : memref<32x65536xf32, #tpu.memory_space<hbm>> -> memref<1x8192xf32, #tpu.memory_space<hbm>>
      %dma_start3A_41 = tpu.memref_squeeze %dma_start3A_40 : memref<1x8192xf32, #tpu.memory_space<hbm>> -> memref<8192xf32, #tpu.memory_space<hbm>>
      %dma_start3A_42 = arith.constant 16384 : i32
      %dma_start3A_43 = tpu.memref_slice %arg5[%add3A, %dma_start3A_42] : memref<32x65536xf32, #tpu.memory_space<hbm>> -> memref<1x8192xf32, #tpu.memory_space<hbm>>
      %dma_start3A_44 = tpu.memref_squeeze %dma_start3A_43 : memref<1x8192xf32, #tpu.memory_space<hbm>> -> memref<8192xf32, #tpu.memory_space<hbm>>
      tpu.enqueue_dma source(%arg10 : memref<8192xf32, #tpu.memory_space<vmem>>) target(%dma_start3A_44 : memref<8192xf32, #tpu.memory_space<hbm>>) target_semaphore(%run_scoped3A : memref<!tpu.dma_semaphore, #tpu.memory_space<semaphore_mem>>)
      %dma_wait3A = arith.constant 16384 : i32
      %dma_wait3A_45 = tpu.memref_slice %arg5[%add3A, %dma_wait3A] : memref<32x65536xf32, #tpu.memory_space<hbm>> -> memref<1x8192xf32, #tpu.memory_space<hbm>>
      %dma_wait3A_46 = tpu.memref_squeeze %dma_wait3A_45 : memref<1x8192xf32, #tpu.memory_space<hbm>> -> memref<8192xf32, #tpu.memory_space<hbm>>
      %dma_wait3A_47 = arith.constant 16384 : i32
      %dma_wait3A_48 = tpu.memref_slice %arg5[%add3A, %dma_wait3A_47] : memref<32x65536xf32, #tpu.memory_space<hbm>> -> memref<1x8192xf32, #tpu.memory_space<hbm>>
      %dma_wait3A_49 = tpu.memref_squeeze %dma_wait3A_48 : memref<1x8192xf32, #tpu.memory_space<hbm>> -> memref<8192xf32, #tpu.memory_space<hbm>>
      tpu.wait_dma2 semaphore(%run_scoped3A : memref<!tpu.dma_semaphore, #tpu.memory_space<semaphore_mem>>) src(%arg10 : memref<8192xf32, #tpu.memory_space<vmem>>) dst(%dma_wait3A_49 : memref<8192xf32, #tpu.memory_space<hbm>>)
      tpu.yield
    }) : () -> ()
    "tpu.region"() ({
      %run_scoped3A = tpu.sem_alloc : memref<!tpu.dma_semaphore, #tpu.memory_space<semaphore_mem>>
      %dma_start3A = arith.constant 16384 : i32
      %dma_start3A_40 = tpu.memref_slice %arg6[%add3A, %dma_start3A] : memref<32x65536xf32, #tpu.memory_space<hbm>> -> memref<1x8192xf32, #tpu.memory_space<hbm>>
      %dma_start3A_41 = tpu.memref_squeeze %dma_start3A_40 : memref<1x8192xf32, #tpu.memory_space<hbm>> -> memref<8192xf32, #tpu.memory_space<hbm>>
      %dma_start3A_42 = arith.constant 16384 : i32
      %dma_start3A_43 = tpu.memref_slice %arg6[%add3A, %dma_start3A_42] : memref<32x65536xf32, #tpu.memory_space<hbm>> -> memref<1x8192xf32, #tpu.memory_space<hbm>>
      %dma_start3A_44 = tpu.memref_squeeze %dma_start3A_43 : memref<1x8192xf32, #tpu.memory_space<hbm>> -> memref<8192xf32, #tpu.memory_space<hbm>>
      tpu.enqueue_dma source(%arg11 : memref<8192xf32, #tpu.memory_space<vmem>>) target(%dma_start3A_44 : memref<8192xf32, #tpu.memory_space<hbm>>) target_semaphore(%run_scoped3A : memref<!tpu.dma_semaphore, #tpu.memory_space<semaphore_mem>>)
      %dma_wait3A = arith.constant 16384 : i32
      %dma_wait3A_45 = tpu.memref_slice %arg6[%add3A, %dma_wait3A] : memref<32x65536xf32, #tpu.memory_space<hbm>> -> memref<1x8192xf32, #tpu.memory_space<hbm>>
      %dma_wait3A_46 = tpu.memref_squeeze %dma_wait3A_45 : memref<1x8192xf32, #tpu.memory_space<hbm>> -> memref<8192xf32, #tpu.memory_space<hbm>>
      %dma_wait3A_47 = arith.constant 16384 : i32
      %dma_wait3A_48 = tpu.memref_slice %arg6[%add3A, %dma_wait3A_47] : memref<32x65536xf32, #tpu.memory_space<hbm>> -> memref<1x8192xf32, #tpu.memory_space<hbm>>
      %dma_wait3A_49 = tpu.memref_squeeze %dma_wait3A_48 : memref<1x8192xf32, #tpu.memory_space<hbm>> -> memref<8192xf32, #tpu.memory_space<hbm>>
      tpu.wait_dma2 semaphore(%run_scoped3A : memref<!tpu.dma_semaphore, #tpu.memory_space<semaphore_mem>>) src(%arg11 : memref<8192xf32, #tpu.memory_space<vmem>>) dst(%dma_wait3A_49 : memref<8192xf32, #tpu.memory_space<hbm>>)
      tpu.yield
    }) : () -> ()
    "tpu.region"() ({
      %run_scoped3A = tpu.sem_alloc : memref<!tpu.dma_semaphore, #tpu.memory_space<semaphore_mem>>
      %dma_start3A = arith.constant 24576 : i32
      %dma_start3A_40 = tpu.memref_slice %arg4[%add3A, %dma_start3A] : memref<32x65536xi32, #tpu.memory_space<hbm>> -> memref<1x8192xi32, #tpu.memory_space<hbm>>
      %dma_start3A_41 = tpu.memref_squeeze %dma_start3A_40 : memref<1x8192xi32, #tpu.memory_space<hbm>> -> memref<8192xi32, #tpu.memory_space<hbm>>
      %dma_start3A_42 = arith.constant 24576 : i32
      %dma_start3A_43 = tpu.memref_slice %arg4[%add3A, %dma_start3A_42] : memref<32x65536xi32, #tpu.memory_space<hbm>> -> memref<1x8192xi32, #tpu.memory_space<hbm>>
      %dma_start3A_44 = tpu.memref_squeeze %dma_start3A_43 : memref<1x8192xi32, #tpu.memory_space<hbm>> -> memref<8192xi32, #tpu.memory_space<hbm>>
      tpu.enqueue_dma source(%dma_start3A_44 : memref<8192xi32, #tpu.memory_space<hbm>>) target(%arg9 : memref<8192xi32, #tpu.memory_space<vmem>>) target_semaphore(%run_scoped3A : memref<!tpu.dma_semaphore, #tpu.memory_space<semaphore_mem>>)
      %dma_wait3A = arith.constant 24576 : i32
      %dma_wait3A_45 = tpu.memref_slice %arg4[%add3A, %dma_wait3A] : memref<32x65536xi32, #tpu.memory_space<hbm>> -> memref<1x8192xi32, #tpu.memory_space<hbm>>
      %dma_wait3A_46 = tpu.memref_squeeze %dma_wait3A_45 : memref<1x8192xi32, #tpu.memory_space<hbm>> -> memref<8192xi32, #tpu.memory_space<hbm>>
      %dma_wait3A_47 = arith.constant 24576 : i32
      %dma_wait3A_48 = tpu.memref_slice %arg4[%add3A, %dma_wait3A_47] : memref<32x65536xi32, #tpu.memory_space<hbm>> -> memref<1x8192xi32, #tpu.memory_space<hbm>>
      %dma_wait3A_49 = tpu.memref_squeeze %dma_wait3A_48 : memref<1x8192xi32, #tpu.memory_space<hbm>> -> memref<8192xi32, #tpu.memory_space<hbm>>
      tpu.wait_dma2 semaphore(%run_scoped3A : memref<!tpu.dma_semaphore, #tpu.memory_space<semaphore_mem>>) src(%dma_wait3A_49 : memref<8192xi32, #tpu.memory_space<hbm>>) dst(%arg9 : memref<8192xi32, #tpu.memory_space<vmem>>)
      tpu.yield
    }) : () -> ()
    %scan3A_15 = arith.constant 0 : i32
    %scan3A_16 = arith.constant 512 : i32
    %scan3A_17 = arith.addi %scan3A_15, %scan3A_16 : i32
    %scan3A_18 = arith.constant 1 : i32
    scf.for %scan3A_40 = %scan3A_15 to %scan3A_17 step %scan3A_18  : i32 {
      %mul3A_41 = arith.constant 16 : i32
      %mul3A_42 = arith.muli %scan3A_40, %mul3A_41 : i32
      %get3A = arith.index_cast %mul3A_42 : i32 to index
      %get3A_43 = tpu.vector_load %arg9[%get3A] {strides = array<i32>} : memref<8192xi32, #tpu.memory_space<vmem>>, vector<16xi32>,
      %max3A = arith.constant 0 : i32
      %max3A_44 = vector.broadcast %max3A : i32 to vector<16xi32>
      %max3A_45 = arith.maxsi %get3A_43, %max3A_44 : vector<16xi32>
      %mul3A_46 = arith.constant 16 : i32
      %mul3A_47 = arith.muli %scan3A_40, %mul3A_46 : i32
      %add3A_48 = arith.constant 24576 : i32
      %add3A_49 = arith.addi %add3A_48, %mul3A_47 : i32
      %iota3A = tpu.iota {dimensions = array<i32: 0>} : vector<16xi32>
      %add3A_50 = vector.broadcast %add3A_49 : i32 to vector<16xi32>
      %add3A_51 = arith.addi %add3A_50, %iota3A : vector<16xi32>
      %shift_right_logical3A = arith.constant 5 : i32
      %shift_right_logical3A_52 = vector.broadcast %shift_right_logical3A : i32 to vector<16xi32>
      %shift_right_logical3A_53 = arith.shrui %add3A_51, %shift_right_logical3A_52 : vector<16xi32>
      %gather3A = tpu.vector_load_idx %arg7[%max3A_45] : memref<2048xf32, #tpu.memory_space<vmem>>[vector<16xi32>], vector<16xf32>,
      %gather3A_54 = tpu.vector_load_idx %arg8[%max3A_45] : memref<2048xf32, #tpu.memory_space<vmem>>[vector<16xi32>], vector<16xf32>,
      %gather3A_55 = tpu.vector_load_idx %arg7[%shift_right_logical3A_53] : memref<2048xf32, #tpu.memory_space<vmem>>[vector<16xi32>], vector<16xf32>,
      %gather3A_56 = tpu.vector_load_idx %arg8[%shift_right_logical3A_53] : memref<2048xf32, #tpu.memory_space<vmem>>[vector<16xi32>], vector<16xf32>,
      %sub3A = arith.subf %gather3A, %gather3A_55 : vector<16xf32>
      %mul3A_57 = arith.constant 16 : i32
      %mul3A_58 = arith.muli %scan3A_40, %mul3A_57 : i32
      %swap3A = arith.index_cast %mul3A_58 : i32 to index
      %swap3A_59 = tpu.vector_load %arg10[%swap3A] {strides = array<i32>} : memref<8192xf32, #tpu.memory_space<vmem>>, vector<16xf32>,
      tpu.vector_store %arg10[%swap3A], %sub3A {strides = array<i32>} : memref<8192xf32, #tpu.memory_space<vmem>>, vector<16xf32>,
      %sub3A_60 = arith.subf %gather3A_54, %gather3A_56 : vector<16xf32>
      %mul3A_61 = arith.constant 16 : i32
      %mul3A_62 = arith.muli %scan3A_40, %mul3A_61 : i32
      %swap3A_63 = arith.index_cast %mul3A_62 : i32 to index
      %swap3A_64 = tpu.vector_load %arg11[%swap3A_63] {strides = array<i32>} : memref<8192xf32, #tpu.memory_space<vmem>>, vector<16xf32>,
      tpu.vector_store %arg11[%swap3A_63], %sub3A_60 {strides = array<i32>} : memref<8192xf32, #tpu.memory_space<vmem>>, vector<16xf32>,
    }
    %scan3A_19 = arith.constant 512 : i32
    "tpu.region"() ({
      %run_scoped3A = tpu.sem_alloc : memref<!tpu.dma_semaphore, #tpu.memory_space<semaphore_mem>>
      %dma_start3A = arith.constant 24576 : i32
      %dma_start3A_40 = tpu.memref_slice %arg5[%add3A, %dma_start3A] : memref<32x65536xf32, #tpu.memory_space<hbm>> -> memref<1x8192xf32, #tpu.memory_space<hbm>>
      %dma_start3A_41 = tpu.memref_squeeze %dma_start3A_40 : memref<1x8192xf32, #tpu.memory_space<hbm>> -> memref<8192xf32, #tpu.memory_space<hbm>>
      %dma_start3A_42 = arith.constant 24576 : i32
      %dma_start3A_43 = tpu.memref_slice %arg5[%add3A, %dma_start3A_42] : memref<32x65536xf32, #tpu.memory_space<hbm>> -> memref<1x8192xf32, #tpu.memory_space<hbm>>
      %dma_start3A_44 = tpu.memref_squeeze %dma_start3A_43 : memref<1x8192xf32, #tpu.memory_space<hbm>> -> memref<8192xf32, #tpu.memory_space<hbm>>
      tpu.enqueue_dma source(%arg10 : memref<8192xf32, #tpu.memory_space<vmem>>) target(%dma_start3A_44 : memref<8192xf32, #tpu.memory_space<hbm>>) target_semaphore(%run_scoped3A : memref<!tpu.dma_semaphore, #tpu.memory_space<semaphore_mem>>)
      %dma_wait3A = arith.constant 24576 : i32
      %dma_wait3A_45 = tpu.memref_slice %arg5[%add3A, %dma_wait3A] : memref<32x65536xf32, #tpu.memory_space<hbm>> -> memref<1x8192xf32, #tpu.memory_space<hbm>>
      %dma_wait3A_46 = tpu.memref_squeeze %dma_wait3A_45 : memref<1x8192xf32, #tpu.memory_space<hbm>> -> memref<8192xf32, #tpu.memory_space<hbm>>
      %dma_wait3A_47 = arith.constant 24576 : i32
      %dma_wait3A_48 = tpu.memref_slice %arg5[%add3A, %dma_wait3A_47] : memref<32x65536xf32, #tpu.memory_space<hbm>> -> memref<1x8192xf32, #tpu.memory_space<hbm>>
      %dma_wait3A_49 = tpu.memref_squeeze %dma_wait3A_48 : memref<1x8192xf32, #tpu.memory_space<hbm>> -> memref<8192xf32, #tpu.memory_space<hbm>>
      tpu.wait_dma2 semaphore(%run_scoped3A : memref<!tpu.dma_semaphore, #tpu.memory_space<semaphore_mem>>) src(%arg10 : memref<8192xf32, #tpu.memory_space<vmem>>) dst(%dma_wait3A_49 : memref<8192xf32, #tpu.memory_space<hbm>>)
      tpu.yield
    }) : () -> ()
    "tpu.region"() ({
      %run_scoped3A = tpu.sem_alloc : memref<!tpu.dma_semaphore, #tpu.memory_space<semaphore_mem>>
      %dma_start3A = arith.constant 24576 : i32
      %dma_start3A_40 = tpu.memref_slice %arg6[%add3A, %dma_start3A] : memref<32x65536xf32, #tpu.memory_space<hbm>> -> memref<1x8192xf32, #tpu.memory_space<hbm>>
      %dma_start3A_41 = tpu.memref_squeeze %dma_start3A_40 : memref<1x8192xf32, #tpu.memory_space<hbm>> -> memref<8192xf32, #tpu.memory_space<hbm>>
      %dma_start3A_42 = arith.constant 24576 : i32
      %dma_start3A_43 = tpu.memref_slice %arg6[%add3A, %dma_start3A_42] : memref<32x65536xf32, #tpu.memory_space<hbm>> -> memref<1x8192xf32, #tpu.memory_space<hbm>>
      %dma_start3A_44 = tpu.memref_squeeze %dma_start3A_43 : memref<1x8192xf32, #tpu.memory_space<hbm>> -> memref<8192xf32, #tpu.memory_space<hbm>>
      tpu.enqueue_dma source(%arg11 : memref<8192xf32, #tpu.memory_space<vmem>>) target(%dma_start3A_44 : memref<8192xf32, #tpu.memory_space<hbm>>) target_semaphore(%run_scoped3A : memref<!tpu.dma_semaphore, #tpu.memory_space<semaphore_mem>>)
      %dma_wait3A = arith.constant 24576 : i32
      %dma_wait3A_45 = tpu.memref_slice %arg6[%add3A, %dma_wait3A] : memref<32x65536xf32, #tpu.memory_space<hbm>> -> memref<1x8192xf32, #tpu.memory_space<hbm>>
      %dma_wait3A_46 = tpu.memref_squeeze %dma_wait3A_45 : memref<1x8192xf32, #tpu.memory_space<hbm>> -> memref<8192xf32, #tpu.memory_space<hbm>>
      %dma_wait3A_47 = arith.constant 24576 : i32
      %dma_wait3A_48 = tpu.memref_slice %arg6[%add3A, %dma_wait3A_47] : memref<32x65536xf32, #tpu.memory_space<hbm>> -> memref<1x8192xf32, #tpu.memory_space<hbm>>
      %dma_wait3A_49 = tpu.memref_squeeze %dma_wait3A_48 : memref<1x8192xf32, #tpu.memory_space<hbm>> -> memref<8192xf32, #tpu.memory_space<hbm>>
      tpu.wait_dma2 semaphore(%run_scoped3A : memref<!tpu.dma_semaphore, #tpu.memory_space<semaphore_mem>>) src(%arg11 : memref<8192xf32, #tpu.memory_space<vmem>>) dst(%dma_wait3A_49 : memref<8192xf32, #tpu.memory_space<hbm>>)
      tpu.yield
    }) : () -> ()
    "tpu.region"() ({
      %run_scoped3A = tpu.sem_alloc : memref<!tpu.dma_semaphore, #tpu.memory_space<semaphore_mem>>
      %dma_start3A = arith.constant 32768 : i32
      %dma_start3A_40 = tpu.memref_slice %arg4[%add3A, %dma_start3A] : memref<32x65536xi32, #tpu.memory_space<hbm>> -> memref<1x8192xi32, #tpu.memory_space<hbm>>
      %dma_start3A_41 = tpu.memref_squeeze %dma_start3A_40 : memref<1x8192xi32, #tpu.memory_space<hbm>> -> memref<8192xi32, #tpu.memory_space<hbm>>
      %dma_start3A_42 = arith.constant 32768 : i32
      %dma_start3A_43 = tpu.memref_slice %arg4[%add3A, %dma_start3A_42] : memref<32x65536xi32, #tpu.memory_space<hbm>> -> memref<1x8192xi32, #tpu.memory_space<hbm>>
      %dma_start3A_44 = tpu.memref_squeeze %dma_start3A_43 : memref<1x8192xi32, #tpu.memory_space<hbm>> -> memref<8192xi32, #tpu.memory_space<hbm>>
      tpu.enqueue_dma source(%dma_start3A_44 : memref<8192xi32, #tpu.memory_space<hbm>>) target(%arg9 : memref<8192xi32, #tpu.memory_space<vmem>>) target_semaphore(%run_scoped3A : memref<!tpu.dma_semaphore, #tpu.memory_space<semaphore_mem>>)
      %dma_wait3A = arith.constant 32768 : i32
      %dma_wait3A_45 = tpu.memref_slice %arg4[%add3A, %dma_wait3A] : memref<32x65536xi32, #tpu.memory_space<hbm>> -> memref<1x8192xi32, #tpu.memory_space<hbm>>
      %dma_wait3A_46 = tpu.memref_squeeze %dma_wait3A_45 : memref<1x8192xi32, #tpu.memory_space<hbm>> -> memref<8192xi32, #tpu.memory_space<hbm>>
      %dma_wait3A_47 = arith.constant 32768 : i32
      %dma_wait3A_48 = tpu.memref_slice %arg4[%add3A, %dma_wait3A_47] : memref<32x65536xi32, #tpu.memory_space<hbm>> -> memref<1x8192xi32, #tpu.memory_space<hbm>>
      %dma_wait3A_49 = tpu.memref_squeeze %dma_wait3A_48 : memref<1x8192xi32, #tpu.memory_space<hbm>> -> memref<8192xi32, #tpu.memory_space<hbm>>
      tpu.wait_dma2 semaphore(%run_scoped3A : memref<!tpu.dma_semaphore, #tpu.memory_space<semaphore_mem>>) src(%dma_wait3A_49 : memref<8192xi32, #tpu.memory_space<hbm>>) dst(%arg9 : memref<8192xi32, #tpu.memory_space<vmem>>)
      tpu.yield
    }) : () -> ()
    %scan3A_20 = arith.constant 0 : i32
    %scan3A_21 = arith.constant 512 : i32
    %scan3A_22 = arith.addi %scan3A_20, %scan3A_21 : i32
    %scan3A_23 = arith.constant 1 : i32
    scf.for %scan3A_40 = %scan3A_20 to %scan3A_22 step %scan3A_23  : i32 {
      %mul3A_41 = arith.constant 16 : i32
      %mul3A_42 = arith.muli %scan3A_40, %mul3A_41 : i32
      %get3A = arith.index_cast %mul3A_42 : i32 to index
      %get3A_43 = tpu.vector_load %arg9[%get3A] {strides = array<i32>} : memref<8192xi32, #tpu.memory_space<vmem>>, vector<16xi32>,
      %max3A = arith.constant 0 : i32
      %max3A_44 = vector.broadcast %max3A : i32 to vector<16xi32>
      %max3A_45 = arith.maxsi %get3A_43, %max3A_44 : vector<16xi32>
      %mul3A_46 = arith.constant 16 : i32
      %mul3A_47 = arith.muli %scan3A_40, %mul3A_46 : i32
      %add3A_48 = arith.constant 32768 : i32
      %add3A_49 = arith.addi %add3A_48, %mul3A_47 : i32
      %iota3A = tpu.iota {dimensions = array<i32: 0>} : vector<16xi32>
      %add3A_50 = vector.broadcast %add3A_49 : i32 to vector<16xi32>
      %add3A_51 = arith.addi %add3A_50, %iota3A : vector<16xi32>
      %shift_right_logical3A = arith.constant 5 : i32
      %shift_right_logical3A_52 = vector.broadcast %shift_right_logical3A : i32 to vector<16xi32>
      %shift_right_logical3A_53 = arith.shrui %add3A_51, %shift_right_logical3A_52 : vector<16xi32>
      %gather3A = tpu.vector_load_idx %arg7[%max3A_45] : memref<2048xf32, #tpu.memory_space<vmem>>[vector<16xi32>], vector<16xf32>,
      %gather3A_54 = tpu.vector_load_idx %arg8[%max3A_45] : memref<2048xf32, #tpu.memory_space<vmem>>[vector<16xi32>], vector<16xf32>,
      %gather3A_55 = tpu.vector_load_idx %arg7[%shift_right_logical3A_53] : memref<2048xf32, #tpu.memory_space<vmem>>[vector<16xi32>], vector<16xf32>,
      %gather3A_56 = tpu.vector_load_idx %arg8[%shift_right_logical3A_53] : memref<2048xf32, #tpu.memory_space<vmem>>[vector<16xi32>], vector<16xf32>,
      %sub3A = arith.subf %gather3A, %gather3A_55 : vector<16xf32>
      %mul3A_57 = arith.constant 16 : i32
      %mul3A_58 = arith.muli %scan3A_40, %mul3A_57 : i32
      %swap3A = arith.index_cast %mul3A_58 : i32 to index
      %swap3A_59 = tpu.vector_load %arg10[%swap3A] {strides = array<i32>} : memref<8192xf32, #tpu.memory_space<vmem>>, vector<16xf32>,
      tpu.vector_store %arg10[%swap3A], %sub3A {strides = array<i32>} : memref<8192xf32, #tpu.memory_space<vmem>>, vector<16xf32>,
      %sub3A_60 = arith.subf %gather3A_54, %gather3A_56 : vector<16xf32>
      %mul3A_61 = arith.constant 16 : i32
      %mul3A_62 = arith.muli %scan3A_40, %mul3A_61 : i32
      %swap3A_63 = arith.index_cast %mul3A_62 : i32 to index
      %swap3A_64 = tpu.vector_load %arg11[%swap3A_63] {strides = array<i32>} : memref<8192xf32, #tpu.memory_space<vmem>>, vector<16xf32>,
      tpu.vector_store %arg11[%swap3A_63], %sub3A_60 {strides = array<i32>} : memref<8192xf32, #tpu.memory_space<vmem>>, vector<16xf32>,
    }
    %scan3A_24 = arith.constant 512 : i32
    "tpu.region"() ({
      %run_scoped3A = tpu.sem_alloc : memref<!tpu.dma_semaphore, #tpu.memory_space<semaphore_mem>>
      %dma_start3A = arith.constant 32768 : i32
      %dma_start3A_40 = tpu.memref_slice %arg5[%add3A, %dma_start3A] : memref<32x65536xf32, #tpu.memory_space<hbm>> -> memref<1x8192xf32, #tpu.memory_space<hbm>>
      %dma_start3A_41 = tpu.memref_squeeze %dma_start3A_40 : memref<1x8192xf32, #tpu.memory_space<hbm>> -> memref<8192xf32, #tpu.memory_space<hbm>>
      %dma_start3A_42 = arith.constant 32768 : i32
      %dma_start3A_43 = tpu.memref_slice %arg5[%add3A, %dma_start3A_42] : memref<32x65536xf32, #tpu.memory_space<hbm>> -> memref<1x8192xf32, #tpu.memory_space<hbm>>
      %dma_start3A_44 = tpu.memref_squeeze %dma_start3A_43 : memref<1x8192xf32, #tpu.memory_space<hbm>> -> memref<8192xf32, #tpu.memory_space<hbm>>
      tpu.enqueue_dma source(%arg10 : memref<8192xf32, #tpu.memory_space<vmem>>) target(%dma_start3A_44 : memref<8192xf32, #tpu.memory_space<hbm>>) target_semaphore(%run_scoped3A : memref<!tpu.dma_semaphore, #tpu.memory_space<semaphore_mem>>)
      %dma_wait3A = arith.constant 32768 : i32
      %dma_wait3A_45 = tpu.memref_slice %arg5[%add3A, %dma_wait3A] : memref<32x65536xf32, #tpu.memory_space<hbm>> -> memref<1x8192xf32, #tpu.memory_space<hbm>>
      %dma_wait3A_46 = tpu.memref_squeeze %dma_wait3A_45 : memref<1x8192xf32, #tpu.memory_space<hbm>> -> memref<8192xf32, #tpu.memory_space<hbm>>
      %dma_wait3A_47 = arith.constant 32768 : i32
      %dma_wait3A_48 = tpu.memref_slice %arg5[%add3A, %dma_wait3A_47] : memref<32x65536xf32, #tpu.memory_space<hbm>> -> memref<1x8192xf32, #tpu.memory_space<hbm>>
      %dma_wait3A_49 = tpu.memref_squeeze %dma_wait3A_48 : memref<1x8192xf32, #tpu.memory_space<hbm>> -> memref<8192xf32, #tpu.memory_space<hbm>>
      tpu.wait_dma2 semaphore(%run_scoped3A : memref<!tpu.dma_semaphore, #tpu.memory_space<semaphore_mem>>) src(%arg10 : memref<8192xf32, #tpu.memory_space<vmem>>) dst(%dma_wait3A_49 : memref<8192xf32, #tpu.memory_space<hbm>>)
      tpu.yield
    }) : () -> ()
    "tpu.region"() ({
      %run_scoped3A = tpu.sem_alloc : memref<!tpu.dma_semaphore, #tpu.memory_space<semaphore_mem>>
      %dma_start3A = arith.constant 32768 : i32
      %dma_start3A_40 = tpu.memref_slice %arg6[%add3A, %dma_start3A] : memref<32x65536xf32, #tpu.memory_space<hbm>> -> memref<1x8192xf32, #tpu.memory_space<hbm>>
      %dma_start3A_41 = tpu.memref_squeeze %dma_start3A_40 : memref<1x8192xf32, #tpu.memory_space<hbm>> -> memref<8192xf32, #tpu.memory_space<hbm>>
      %dma_start3A_42 = arith.constant 32768 : i32
      %dma_start3A_43 = tpu.memref_slice %arg6[%add3A, %dma_start3A_42] : memref<32x65536xf32, #tpu.memory_space<hbm>> -> memref<1x8192xf32, #tpu.memory_space<hbm>>
      %dma_start3A_44 = tpu.memref_squeeze %dma_start3A_43 : memref<1x8192xf32, #tpu.memory_space<hbm>> -> memref<8192xf32, #tpu.memory_space<hbm>>
      tpu.enqueue_dma source(%arg11 : memref<8192xf32, #tpu.memory_space<vmem>>) target(%dma_start3A_44 : memref<8192xf32, #tpu.memory_space<hbm>>) target_semaphore(%run_scoped3A : memref<!tpu.dma_semaphore, #tpu.memory_space<semaphore_mem>>)
      %dma_wait3A = arith.constant 32768 : i32
      %dma_wait3A_45 = tpu.memref_slice %arg6[%add3A, %dma_wait3A] : memref<32x65536xf32, #tpu.memory_space<hbm>> -> memref<1x8192xf32, #tpu.memory_space<hbm>>
      %dma_wait3A_46 = tpu.memref_squeeze %dma_wait3A_45 : memref<1x8192xf32, #tpu.memory_space<hbm>> -> memref<8192xf32, #tpu.memory_space<hbm>>
      %dma_wait3A_47 = arith.constant 32768 : i32
      %dma_wait3A_48 = tpu.memref_slice %arg6[%add3A, %dma_wait3A_47] : memref<32x65536xf32, #tpu.memory_space<hbm>> -> memref<1x8192xf32, #tpu.memory_space<hbm>>
      %dma_wait3A_49 = tpu.memref_squeeze %dma_wait3A_48 : memref<1x8192xf32, #tpu.memory_space<hbm>> -> memref<8192xf32, #tpu.memory_space<hbm>>
      tpu.wait_dma2 semaphore(%run_scoped3A : memref<!tpu.dma_semaphore, #tpu.memory_space<semaphore_mem>>) src(%arg11 : memref<8192xf32, #tpu.memory_space<vmem>>) dst(%dma_wait3A_49 : memref<8192xf32, #tpu.memory_space<hbm>>)
      tpu.yield
    }) : () -> ()
    "tpu.region"() ({
      %run_scoped3A = tpu.sem_alloc : memref<!tpu.dma_semaphore, #tpu.memory_space<semaphore_mem>>
      %dma_start3A = arith.constant 40960 : i32
      %dma_start3A_40 = tpu.memref_slice %arg4[%add3A, %dma_start3A] : memref<32x65536xi32, #tpu.memory_space<hbm>> -> memref<1x8192xi32, #tpu.memory_space<hbm>>
      %dma_start3A_41 = tpu.memref_squeeze %dma_start3A_40 : memref<1x8192xi32, #tpu.memory_space<hbm>> -> memref<8192xi32, #tpu.memory_space<hbm>>
      %dma_start3A_42 = arith.constant 40960 : i32
      %dma_start3A_43 = tpu.memref_slice %arg4[%add3A, %dma_start3A_42] : memref<32x65536xi32, #tpu.memory_space<hbm>> -> memref<1x8192xi32, #tpu.memory_space<hbm>>
      %dma_start3A_44 = tpu.memref_squeeze %dma_start3A_43 : memref<1x8192xi32, #tpu.memory_space<hbm>> -> memref<8192xi32, #tpu.memory_space<hbm>>
      tpu.enqueue_dma source(%dma_start3A_44 : memref<8192xi32, #tpu.memory_space<hbm>>) target(%arg9 : memref<8192xi32, #tpu.memory_space<vmem>>) target_semaphore(%run_scoped3A : memref<!tpu.dma_semaphore, #tpu.memory_space<semaphore_mem>>)
      %dma_wait3A = arith.constant 40960 : i32
      %dma_wait3A_45 = tpu.memref_slice %arg4[%add3A, %dma_wait3A] : memref<32x65536xi32, #tpu.memory_space<hbm>> -> memref<1x8192xi32, #tpu.memory_space<hbm>>
      %dma_wait3A_46 = tpu.memref_squeeze %dma_wait3A_45 : memref<1x8192xi32, #tpu.memory_space<hbm>> -> memref<8192xi32, #tpu.memory_space<hbm>>
      %dma_wait3A_47 = arith.constant 40960 : i32
      %dma_wait3A_48 = tpu.memref_slice %arg4[%add3A, %dma_wait3A_47] : memref<32x65536xi32, #tpu.memory_space<hbm>> -> memref<1x8192xi32, #tpu.memory_space<hbm>>
      %dma_wait3A_49 = tpu.memref_squeeze %dma_wait3A_48 : memref<1x8192xi32, #tpu.memory_space<hbm>> -> memref<8192xi32, #tpu.memory_space<hbm>>
      tpu.wait_dma2 semaphore(%run_scoped3A : memref<!tpu.dma_semaphore, #tpu.memory_space<semaphore_mem>>) src(%dma_wait3A_49 : memref<8192xi32, #tpu.memory_space<hbm>>) dst(%arg9 : memref<8192xi32, #tpu.memory_space<vmem>>)
      tpu.yield
    }) : () -> ()
    %scan3A_25 = arith.constant 0 : i32
    %scan3A_26 = arith.constant 512 : i32
    %scan3A_27 = arith.addi %scan3A_25, %scan3A_26 : i32
    %scan3A_28 = arith.constant 1 : i32
    scf.for %scan3A_40 = %scan3A_25 to %scan3A_27 step %scan3A_28  : i32 {
      %mul3A_41 = arith.constant 16 : i32
      %mul3A_42 = arith.muli %scan3A_40, %mul3A_41 : i32
      %get3A = arith.index_cast %mul3A_42 : i32 to index
      %get3A_43 = tpu.vector_load %arg9[%get3A] {strides = array<i32>} : memref<8192xi32, #tpu.memory_space<vmem>>, vector<16xi32>,
      %max3A = arith.constant 0 : i32
      %max3A_44 = vector.broadcast %max3A : i32 to vector<16xi32>
      %max3A_45 = arith.maxsi %get3A_43, %max3A_44 : vector<16xi32>
      %mul3A_46 = arith.constant 16 : i32
      %mul3A_47 = arith.muli %scan3A_40, %mul3A_46 : i32
      %add3A_48 = arith.constant 40960 : i32
      %add3A_49 = arith.addi %add3A_48, %mul3A_47 : i32
      %iota3A = tpu.iota {dimensions = array<i32: 0>} : vector<16xi32>
      %add3A_50 = vector.broadcast %add3A_49 : i32 to vector<16xi32>
      %add3A_51 = arith.addi %add3A_50, %iota3A : vector<16xi32>
      %shift_right_logical3A = arith.constant 5 : i32
      %shift_right_logical3A_52 = vector.broadcast %shift_right_logical3A : i32 to vector<16xi32>
      %shift_right_logical3A_53 = arith.shrui %add3A_51, %shift_right_logical3A_52 : vector<16xi32>
      %gather3A = tpu.vector_load_idx %arg7[%max3A_45] : memref<2048xf32, #tpu.memory_space<vmem>>[vector<16xi32>], vector<16xf32>,
      %gather3A_54 = tpu.vector_load_idx %arg8[%max3A_45] : memref<2048xf32, #tpu.memory_space<vmem>>[vector<16xi32>], vector<16xf32>,
      %gather3A_55 = tpu.vector_load_idx %arg7[%shift_right_logical3A_53] : memref<2048xf32, #tpu.memory_space<vmem>>[vector<16xi32>], vector<16xf32>,
      %gather3A_56 = tpu.vector_load_idx %arg8[%shift_right_logical3A_53] : memref<2048xf32, #tpu.memory_space<vmem>>[vector<16xi32>], vector<16xf32>,
      %sub3A = arith.subf %gather3A, %gather3A_55 : vector<16xf32>
      %mul3A_57 = arith.constant 16 : i32
      %mul3A_58 = arith.muli %scan3A_40, %mul3A_57 : i32
      %swap3A = arith.index_cast %mul3A_58 : i32 to index
      %swap3A_59 = tpu.vector_load %arg10[%swap3A] {strides = array<i32>} : memref<8192xf32, #tpu.memory_space<vmem>>, vector<16xf32>,
      tpu.vector_store %arg10[%swap3A], %sub3A {strides = array<i32>} : memref<8192xf32, #tpu.memory_space<vmem>>, vector<16xf32>,
      %sub3A_60 = arith.subf %gather3A_54, %gather3A_56 : vector<16xf32>
      %mul3A_61 = arith.constant 16 : i32
      %mul3A_62 = arith.muli %scan3A_40, %mul3A_61 : i32
      %swap3A_63 = arith.index_cast %mul3A_62 : i32 to index
      %swap3A_64 = tpu.vector_load %arg11[%swap3A_63] {strides = array<i32>} : memref<8192xf32, #tpu.memory_space<vmem>>, vector<16xf32>,
      tpu.vector_store %arg11[%swap3A_63], %sub3A_60 {strides = array<i32>} : memref<8192xf32, #tpu.memory_space<vmem>>, vector<16xf32>,
    }
    %scan3A_29 = arith.constant 512 : i32
    "tpu.region"() ({
      %run_scoped3A = tpu.sem_alloc : memref<!tpu.dma_semaphore, #tpu.memory_space<semaphore_mem>>
      %dma_start3A = arith.constant 40960 : i32
      %dma_start3A_40 = tpu.memref_slice %arg5[%add3A, %dma_start3A] : memref<32x65536xf32, #tpu.memory_space<hbm>> -> memref<1x8192xf32, #tpu.memory_space<hbm>>
      %dma_start3A_41 = tpu.memref_squeeze %dma_start3A_40 : memref<1x8192xf32, #tpu.memory_space<hbm>> -> memref<8192xf32, #tpu.memory_space<hbm>>
      %dma_start3A_42 = arith.constant 40960 : i32
      %dma_start3A_43 = tpu.memref_slice %arg5[%add3A, %dma_start3A_42] : memref<32x65536xf32, #tpu.memory_space<hbm>> -> memref<1x8192xf32, #tpu.memory_space<hbm>>
      %dma_start3A_44 = tpu.memref_squeeze %dma_start3A_43 : memref<1x8192xf32, #tpu.memory_space<hbm>> -> memref<8192xf32, #tpu.memory_space<hbm>>
      tpu.enqueue_dma source(%arg10 : memref<8192xf32, #tpu.memory_space<vmem>>) target(%dma_start3A_44 : memref<8192xf32, #tpu.memory_space<hbm>>) target_semaphore(%run_scoped3A : memref<!tpu.dma_semaphore, #tpu.memory_space<semaphore_mem>>)
      %dma_wait3A = arith.constant 40960 : i32
      %dma_wait3A_45 = tpu.memref_slice %arg5[%add3A, %dma_wait3A] : memref<32x65536xf32, #tpu.memory_space<hbm>> -> memref<1x8192xf32, #tpu.memory_space<hbm>>
      %dma_wait3A_46 = tpu.memref_squeeze %dma_wait3A_45 : memref<1x8192xf32, #tpu.memory_space<hbm>> -> memref<8192xf32, #tpu.memory_space<hbm>>
      %dma_wait3A_47 = arith.constant 40960 : i32
      %dma_wait3A_48 = tpu.memref_slice %arg5[%add3A, %dma_wait3A_47] : memref<32x65536xf32, #tpu.memory_space<hbm>> -> memref<1x8192xf32, #tpu.memory_space<hbm>>
      %dma_wait3A_49 = tpu.memref_squeeze %dma_wait3A_48 : memref<1x8192xf32, #tpu.memory_space<hbm>> -> memref<8192xf32, #tpu.memory_space<hbm>>
      tpu.wait_dma2 semaphore(%run_scoped3A : memref<!tpu.dma_semaphore, #tpu.memory_space<semaphore_mem>>) src(%arg10 : memref<8192xf32, #tpu.memory_space<vmem>>) dst(%dma_wait3A_49 : memref<8192xf32, #tpu.memory_space<hbm>>)
      tpu.yield
    }) : () -> ()
    "tpu.region"() ({
      %run_scoped3A = tpu.sem_alloc : memref<!tpu.dma_semaphore, #tpu.memory_space<semaphore_mem>>
      %dma_start3A = arith.constant 40960 : i32
      %dma_start3A_40 = tpu.memref_slice %arg6[%add3A, %dma_start3A] : memref<32x65536xf32, #tpu.memory_space<hbm>> -> memref<1x8192xf32, #tpu.memory_space<hbm>>
      %dma_start3A_41 = tpu.memref_squeeze %dma_start3A_40 : memref<1x8192xf32, #tpu.memory_space<hbm>> -> memref<8192xf32, #tpu.memory_space<hbm>>
      %dma_start3A_42 = arith.constant 40960 : i32
      %dma_start3A_43 = tpu.memref_slice %arg6[%add3A, %dma_start3A_42] : memref<32x65536xf32, #tpu.memory_space<hbm>> -> memref<1x8192xf32, #tpu.memory_space<hbm>>
      %dma_start3A_44 = tpu.memref_squeeze %dma_start3A_43 : memref<1x8192xf32, #tpu.memory_space<hbm>> -> memref<8192xf32, #tpu.memory_space<hbm>>
      tpu.enqueue_dma source(%arg11 : memref<8192xf32, #tpu.memory_space<vmem>>) target(%dma_start3A_44 : memref<8192xf32, #tpu.memory_space<hbm>>) target_semaphore(%run_scoped3A : memref<!tpu.dma_semaphore, #tpu.memory_space<semaphore_mem>>)
      %dma_wait3A = arith.constant 40960 : i32
      %dma_wait3A_45 = tpu.memref_slice %arg6[%add3A, %dma_wait3A] : memref<32x65536xf32, #tpu.memory_space<hbm>> -> memref<1x8192xf32, #tpu.memory_space<hbm>>
      %dma_wait3A_46 = tpu.memref_squeeze %dma_wait3A_45 : memref<1x8192xf32, #tpu.memory_space<hbm>> -> memref<8192xf32, #tpu.memory_space<hbm>>
      %dma_wait3A_47 = arith.constant 40960 : i32
      %dma_wait3A_48 = tpu.memref_slice %arg6[%add3A, %dma_wait3A_47] : memref<32x65536xf32, #tpu.memory_space<hbm>> -> memref<1x8192xf32, #tpu.memory_space<hbm>>
      %dma_wait3A_49 = tpu.memref_squeeze %dma_wait3A_48 : memref<1x8192xf32, #tpu.memory_space<hbm>> -> memref<8192xf32, #tpu.memory_space<hbm>>
      tpu.wait_dma2 semaphore(%run_scoped3A : memref<!tpu.dma_semaphore, #tpu.memory_space<semaphore_mem>>) src(%arg11 : memref<8192xf32, #tpu.memory_space<vmem>>) dst(%dma_wait3A_49 : memref<8192xf32, #tpu.memory_space<hbm>>)
      tpu.yield
    }) : () -> ()
    "tpu.region"() ({
      %run_scoped3A = tpu.sem_alloc : memref<!tpu.dma_semaphore, #tpu.memory_space<semaphore_mem>>
      %dma_start3A = arith.constant 49152 : i32
      %dma_start3A_40 = tpu.memref_slice %arg4[%add3A, %dma_start3A] : memref<32x65536xi32, #tpu.memory_space<hbm>> -> memref<1x8192xi32, #tpu.memory_space<hbm>>
      %dma_start3A_41 = tpu.memref_squeeze %dma_start3A_40 : memref<1x8192xi32, #tpu.memory_space<hbm>> -> memref<8192xi32, #tpu.memory_space<hbm>>
      %dma_start3A_42 = arith.constant 49152 : i32
      %dma_start3A_43 = tpu.memref_slice %arg4[%add3A, %dma_start3A_42] : memref<32x65536xi32, #tpu.memory_space<hbm>> -> memref<1x8192xi32, #tpu.memory_space<hbm>>
      %dma_start3A_44 = tpu.memref_squeeze %dma_start3A_43 : memref<1x8192xi32, #tpu.memory_space<hbm>> -> memref<8192xi32, #tpu.memory_space<hbm>>
      tpu.enqueue_dma source(%dma_start3A_44 : memref<8192xi32, #tpu.memory_space<hbm>>) target(%arg9 : memref<8192xi32, #tpu.memory_space<vmem>>) target_semaphore(%run_scoped3A : memref<!tpu.dma_semaphore, #tpu.memory_space<semaphore_mem>>)
      %dma_wait3A = arith.constant 49152 : i32
      %dma_wait3A_45 = tpu.memref_slice %arg4[%add3A, %dma_wait3A] : memref<32x65536xi32, #tpu.memory_space<hbm>> -> memref<1x8192xi32, #tpu.memory_space<hbm>>
      %dma_wait3A_46 = tpu.memref_squeeze %dma_wait3A_45 : memref<1x8192xi32, #tpu.memory_space<hbm>> -> memref<8192xi32, #tpu.memory_space<hbm>>
      %dma_wait3A_47 = arith.constant 49152 : i32
      %dma_wait3A_48 = tpu.memref_slice %arg4[%add3A, %dma_wait3A_47] : memref<32x65536xi32, #tpu.memory_space<hbm>> -> memref<1x8192xi32, #tpu.memory_space<hbm>>
      %dma_wait3A_49 = tpu.memref_squeeze %dma_wait3A_48 : memref<1x8192xi32, #tpu.memory_space<hbm>> -> memref<8192xi32, #tpu.memory_space<hbm>>
      tpu.wait_dma2 semaphore(%run_scoped3A : memref<!tpu.dma_semaphore, #tpu.memory_space<semaphore_mem>>) src(%dma_wait3A_49 : memref<8192xi32, #tpu.memory_space<hbm>>) dst(%arg9 : memref<8192xi32, #tpu.memory_space<vmem>>)
      tpu.yield
    }) : () -> ()
    %scan3A_30 = arith.constant 0 : i32
    %scan3A_31 = arith.constant 512 : i32
    %scan3A_32 = arith.addi %scan3A_30, %scan3A_31 : i32
    %scan3A_33 = arith.constant 1 : i32
    scf.for %scan3A_40 = %scan3A_30 to %scan3A_32 step %scan3A_33  : i32 {
      %mul3A_41 = arith.constant 16 : i32
      %mul3A_42 = arith.muli %scan3A_40, %mul3A_41 : i32
      %get3A = arith.index_cast %mul3A_42 : i32 to index
      %get3A_43 = tpu.vector_load %arg9[%get3A] {strides = array<i32>} : memref<8192xi32, #tpu.memory_space<vmem>>, vector<16xi32>,
      %max3A = arith.constant 0 : i32
      %max3A_44 = vector.broadcast %max3A : i32 to vector<16xi32>
      %max3A_45 = arith.maxsi %get3A_43, %max3A_44 : vector<16xi32>
      %mul3A_46 = arith.constant 16 : i32
      %mul3A_47 = arith.muli %scan3A_40, %mul3A_46 : i32
      %add3A_48 = arith.constant 49152 : i32
      %add3A_49 = arith.addi %add3A_48, %mul3A_47 : i32
      %iota3A = tpu.iota {dimensions = array<i32: 0>} : vector<16xi32>
      %add3A_50 = vector.broadcast %add3A_49 : i32 to vector<16xi32>
      %add3A_51 = arith.addi %add3A_50, %iota3A : vector<16xi32>
      %shift_right_logical3A = arith.constant 5 : i32
      %shift_right_logical3A_52 = vector.broadcast %shift_right_logical3A : i32 to vector<16xi32>
      %shift_right_logical3A_53 = arith.shrui %add3A_51, %shift_right_logical3A_52 : vector<16xi32>
      %gather3A = tpu.vector_load_idx %arg7[%max3A_45] : memref<2048xf32, #tpu.memory_space<vmem>>[vector<16xi32>], vector<16xf32>,
      %gather3A_54 = tpu.vector_load_idx %arg8[%max3A_45] : memref<2048xf32, #tpu.memory_space<vmem>>[vector<16xi32>], vector<16xf32>,
      %gather3A_55 = tpu.vector_load_idx %arg7[%shift_right_logical3A_53] : memref<2048xf32, #tpu.memory_space<vmem>>[vector<16xi32>], vector<16xf32>,
      %gather3A_56 = tpu.vector_load_idx %arg8[%shift_right_logical3A_53] : memref<2048xf32, #tpu.memory_space<vmem>>[vector<16xi32>], vector<16xf32>,
      %sub3A = arith.subf %gather3A, %gather3A_55 : vector<16xf32>
      %mul3A_57 = arith.constant 16 : i32
      %mul3A_58 = arith.muli %scan3A_40, %mul3A_57 : i32
      %swap3A = arith.index_cast %mul3A_58 : i32 to index
      %swap3A_59 = tpu.vector_load %arg10[%swap3A] {strides = array<i32>} : memref<8192xf32, #tpu.memory_space<vmem>>, vector<16xf32>,
      tpu.vector_store %arg10[%swap3A], %sub3A {strides = array<i32>} : memref<8192xf32, #tpu.memory_space<vmem>>, vector<16xf32>,
      %sub3A_60 = arith.subf %gather3A_54, %gather3A_56 : vector<16xf32>
      %mul3A_61 = arith.constant 16 : i32
      %mul3A_62 = arith.muli %scan3A_40, %mul3A_61 : i32
      %swap3A_63 = arith.index_cast %mul3A_62 : i32 to index
      %swap3A_64 = tpu.vector_load %arg11[%swap3A_63] {strides = array<i32>} : memref<8192xf32, #tpu.memory_space<vmem>>, vector<16xf32>,
      tpu.vector_store %arg11[%swap3A_63], %sub3A_60 {strides = array<i32>} : memref<8192xf32, #tpu.memory_space<vmem>>, vector<16xf32>,
    }
    %scan3A_34 = arith.constant 512 : i32
    "tpu.region"() ({
      %run_scoped3A = tpu.sem_alloc : memref<!tpu.dma_semaphore, #tpu.memory_space<semaphore_mem>>
      %dma_start3A = arith.constant 49152 : i32
      %dma_start3A_40 = tpu.memref_slice %arg5[%add3A, %dma_start3A] : memref<32x65536xf32, #tpu.memory_space<hbm>> -> memref<1x8192xf32, #tpu.memory_space<hbm>>
      %dma_start3A_41 = tpu.memref_squeeze %dma_start3A_40 : memref<1x8192xf32, #tpu.memory_space<hbm>> -> memref<8192xf32, #tpu.memory_space<hbm>>
      %dma_start3A_42 = arith.constant 49152 : i32
      %dma_start3A_43 = tpu.memref_slice %arg5[%add3A, %dma_start3A_42] : memref<32x65536xf32, #tpu.memory_space<hbm>> -> memref<1x8192xf32, #tpu.memory_space<hbm>>
      %dma_start3A_44 = tpu.memref_squeeze %dma_start3A_43 : memref<1x8192xf32, #tpu.memory_space<hbm>> -> memref<8192xf32, #tpu.memory_space<hbm>>
      tpu.enqueue_dma source(%arg10 : memref<8192xf32, #tpu.memory_space<vmem>>) target(%dma_start3A_44 : memref<8192xf32, #tpu.memory_space<hbm>>) target_semaphore(%run_scoped3A : memref<!tpu.dma_semaphore, #tpu.memory_space<semaphore_mem>>)
      %dma_wait3A = arith.constant 49152 : i32
      %dma_wait3A_45 = tpu.memref_slice %arg5[%add3A, %dma_wait3A] : memref<32x65536xf32, #tpu.memory_space<hbm>> -> memref<1x8192xf32, #tpu.memory_space<hbm>>
      %dma_wait3A_46 = tpu.memref_squeeze %dma_wait3A_45 : memref<1x8192xf32, #tpu.memory_space<hbm>> -> memref<8192xf32, #tpu.memory_space<hbm>>
      %dma_wait3A_47 = arith.constant 49152 : i32
      %dma_wait3A_48 = tpu.memref_slice %arg5[%add3A, %dma_wait3A_47] : memref<32x65536xf32, #tpu.memory_space<hbm>> -> memref<1x8192xf32, #tpu.memory_space<hbm>>
      %dma_wait3A_49 = tpu.memref_squeeze %dma_wait3A_48 : memref<1x8192xf32, #tpu.memory_space<hbm>> -> memref<8192xf32, #tpu.memory_space<hbm>>
      tpu.wait_dma2 semaphore(%run_scoped3A : memref<!tpu.dma_semaphore, #tpu.memory_space<semaphore_mem>>) src(%arg10 : memref<8192xf32, #tpu.memory_space<vmem>>) dst(%dma_wait3A_49 : memref<8192xf32, #tpu.memory_space<hbm>>)
      tpu.yield
    }) : () -> ()
    "tpu.region"() ({
      %run_scoped3A = tpu.sem_alloc : memref<!tpu.dma_semaphore, #tpu.memory_space<semaphore_mem>>
      %dma_start3A = arith.constant 49152 : i32
      %dma_start3A_40 = tpu.memref_slice %arg6[%add3A, %dma_start3A] : memref<32x65536xf32, #tpu.memory_space<hbm>> -> memref<1x8192xf32, #tpu.memory_space<hbm>>
      %dma_start3A_41 = tpu.memref_squeeze %dma_start3A_40 : memref<1x8192xf32, #tpu.memory_space<hbm>> -> memref<8192xf32, #tpu.memory_space<hbm>>
      %dma_start3A_42 = arith.constant 49152 : i32
      %dma_start3A_43 = tpu.memref_slice %arg6[%add3A, %dma_start3A_42] : memref<32x65536xf32, #tpu.memory_space<hbm>> -> memref<1x8192xf32, #tpu.memory_space<hbm>>
      %dma_start3A_44 = tpu.memref_squeeze %dma_start3A_43 : memref<1x8192xf32, #tpu.memory_space<hbm>> -> memref<8192xf32, #tpu.memory_space<hbm>>
      tpu.enqueue_dma source(%arg11 : memref<8192xf32, #tpu.memory_space<vmem>>) target(%dma_start3A_44 : memref<8192xf32, #tpu.memory_space<hbm>>) target_semaphore(%run_scoped3A : memref<!tpu.dma_semaphore, #tpu.memory_space<semaphore_mem>>)
      %dma_wait3A = arith.constant 49152 : i32
      %dma_wait3A_45 = tpu.memref_slice %arg6[%add3A, %dma_wait3A] : memref<32x65536xf32, #tpu.memory_space<hbm>> -> memref<1x8192xf32, #tpu.memory_space<hbm>>
      %dma_wait3A_46 = tpu.memref_squeeze %dma_wait3A_45 : memref<1x8192xf32, #tpu.memory_space<hbm>> -> memref<8192xf32, #tpu.memory_space<hbm>>
      %dma_wait3A_47 = arith.constant 49152 : i32
      %dma_wait3A_48 = tpu.memref_slice %arg6[%add3A, %dma_wait3A_47] : memref<32x65536xf32, #tpu.memory_space<hbm>> -> memref<1x8192xf32, #tpu.memory_space<hbm>>
      %dma_wait3A_49 = tpu.memref_squeeze %dma_wait3A_48 : memref<1x8192xf32, #tpu.memory_space<hbm>> -> memref<8192xf32, #tpu.memory_space<hbm>>
      tpu.wait_dma2 semaphore(%run_scoped3A : memref<!tpu.dma_semaphore, #tpu.memory_space<semaphore_mem>>) src(%arg11 : memref<8192xf32, #tpu.memory_space<vmem>>) dst(%dma_wait3A_49 : memref<8192xf32, #tpu.memory_space<hbm>>)
      tpu.yield
    }) : () -> ()
    "tpu.region"() ({
      %run_scoped3A = tpu.sem_alloc : memref<!tpu.dma_semaphore, #tpu.memory_space<semaphore_mem>>
      %dma_start3A = arith.constant 57344 : i32
      %dma_start3A_40 = tpu.memref_slice %arg4[%add3A, %dma_start3A] : memref<32x65536xi32, #tpu.memory_space<hbm>> -> memref<1x8192xi32, #tpu.memory_space<hbm>>
      %dma_start3A_41 = tpu.memref_squeeze %dma_start3A_40 : memref<1x8192xi32, #tpu.memory_space<hbm>> -> memref<8192xi32, #tpu.memory_space<hbm>>
      %dma_start3A_42 = arith.constant 57344 : i32
      %dma_start3A_43 = tpu.memref_slice %arg4[%add3A, %dma_start3A_42] : memref<32x65536xi32, #tpu.memory_space<hbm>> -> memref<1x8192xi32, #tpu.memory_space<hbm>>
      %dma_start3A_44 = tpu.memref_squeeze %dma_start3A_43 : memref<1x8192xi32, #tpu.memory_space<hbm>> -> memref<8192xi32, #tpu.memory_space<hbm>>
      tpu.enqueue_dma source(%dma_start3A_44 : memref<8192xi32, #tpu.memory_space<hbm>>) target(%arg9 : memref<8192xi32, #tpu.memory_space<vmem>>) target_semaphore(%run_scoped3A : memref<!tpu.dma_semaphore, #tpu.memory_space<semaphore_mem>>)
      %dma_wait3A = arith.constant 57344 : i32
      %dma_wait3A_45 = tpu.memref_slice %arg4[%add3A, %dma_wait3A] : memref<32x65536xi32, #tpu.memory_space<hbm>> -> memref<1x8192xi32, #tpu.memory_space<hbm>>
      %dma_wait3A_46 = tpu.memref_squeeze %dma_wait3A_45 : memref<1x8192xi32, #tpu.memory_space<hbm>> -> memref<8192xi32, #tpu.memory_space<hbm>>
      %dma_wait3A_47 = arith.constant 57344 : i32
      %dma_wait3A_48 = tpu.memref_slice %arg4[%add3A, %dma_wait3A_47] : memref<32x65536xi32, #tpu.memory_space<hbm>> -> memref<1x8192xi32, #tpu.memory_space<hbm>>
      %dma_wait3A_49 = tpu.memref_squeeze %dma_wait3A_48 : memref<1x8192xi32, #tpu.memory_space<hbm>> -> memref<8192xi32, #tpu.memory_space<hbm>>
      tpu.wait_dma2 semaphore(%run_scoped3A : memref<!tpu.dma_semaphore, #tpu.memory_space<semaphore_mem>>) src(%dma_wait3A_49 : memref<8192xi32, #tpu.memory_space<hbm>>) dst(%arg9 : memref<8192xi32, #tpu.memory_space<vmem>>)
      tpu.yield
    }) : () -> ()
    %scan3A_35 = arith.constant 0 : i32
    %scan3A_36 = arith.constant 512 : i32
    %scan3A_37 = arith.addi %scan3A_35, %scan3A_36 : i32
    %scan3A_38 = arith.constant 1 : i32
    scf.for %scan3A_40 = %scan3A_35 to %scan3A_37 step %scan3A_38  : i32 {
      %mul3A_41 = arith.constant 16 : i32
      %mul3A_42 = arith.muli %scan3A_40, %mul3A_41 : i32
      %get3A = arith.index_cast %mul3A_42 : i32 to index
      %get3A_43 = tpu.vector_load %arg9[%get3A] {strides = array<i32>} : memref<8192xi32, #tpu.memory_space<vmem>>, vector<16xi32>,
      %max3A = arith.constant 0 : i32
      %max3A_44 = vector.broadcast %max3A : i32 to vector<16xi32>
      %max3A_45 = arith.maxsi %get3A_43, %max3A_44 : vector<16xi32>
      %mul3A_46 = arith.constant 16 : i32
      %mul3A_47 = arith.muli %scan3A_40, %mul3A_46 : i32
      %add3A_48 = arith.constant 57344 : i32
      %add3A_49 = arith.addi %add3A_48, %mul3A_47 : i32
      %iota3A = tpu.iota {dimensions = array<i32: 0>} : vector<16xi32>
      %add3A_50 = vector.broadcast %add3A_49 : i32 to vector<16xi32>
      %add3A_51 = arith.addi %add3A_50, %iota3A : vector<16xi32>
      %shift_right_logical3A = arith.constant 5 : i32
      %shift_right_logical3A_52 = vector.broadcast %shift_right_logical3A : i32 to vector<16xi32>
      %shift_right_logical3A_53 = arith.shrui %add3A_51, %shift_right_logical3A_52 : vector<16xi32>
      %gather3A = tpu.vector_load_idx %arg7[%max3A_45] : memref<2048xf32, #tpu.memory_space<vmem>>[vector<16xi32>], vector<16xf32>,
      %gather3A_54 = tpu.vector_load_idx %arg8[%max3A_45] : memref<2048xf32, #tpu.memory_space<vmem>>[vector<16xi32>], vector<16xf32>,
      %gather3A_55 = tpu.vector_load_idx %arg7[%shift_right_logical3A_53] : memref<2048xf32, #tpu.memory_space<vmem>>[vector<16xi32>], vector<16xf32>,
      %gather3A_56 = tpu.vector_load_idx %arg8[%shift_right_logical3A_53] : memref<2048xf32, #tpu.memory_space<vmem>>[vector<16xi32>], vector<16xf32>,
      %sub3A = arith.subf %gather3A, %gather3A_55 : vector<16xf32>
      %mul3A_57 = arith.constant 16 : i32
      %mul3A_58 = arith.muli %scan3A_40, %mul3A_57 : i32
      %swap3A = arith.index_cast %mul3A_58 : i32 to index
      %swap3A_59 = tpu.vector_load %arg10[%swap3A] {strides = array<i32>} : memref<8192xf32, #tpu.memory_space<vmem>>, vector<16xf32>,
      tpu.vector_store %arg10[%swap3A], %sub3A {strides = array<i32>} : memref<8192xf32, #tpu.memory_space<vmem>>, vector<16xf32>,
      %sub3A_60 = arith.subf %gather3A_54, %gather3A_56 : vector<16xf32>
      %mul3A_61 = arith.constant 16 : i32
      %mul3A_62 = arith.muli %scan3A_40, %mul3A_61 : i32
      %swap3A_63 = arith.index_cast %mul3A_62 : i32 to index
      %swap3A_64 = tpu.vector_load %arg11[%swap3A_63] {strides = array<i32>} : memref<8192xf32, #tpu.memory_space<vmem>>, vector<16xf32>,
      tpu.vector_store %arg11[%swap3A_63], %sub3A_60 {strides = array<i32>} : memref<8192xf32, #tpu.memory_space<vmem>>, vector<16xf32>,
    }
    %scan3A_39 = arith.constant 512 : i32
    "tpu.region"() ({
      %run_scoped3A = tpu.sem_alloc : memref<!tpu.dma_semaphore, #tpu.memory_space<semaphore_mem>>
      %dma_start3A = arith.constant 57344 : i32
      %dma_start3A_40 = tpu.memref_slice %arg5[%add3A, %dma_start3A] : memref<32x65536xf32, #tpu.memory_space<hbm>> -> memref<1x8192xf32, #tpu.memory_space<hbm>>
      %dma_start3A_41 = tpu.memref_squeeze %dma_start3A_40 : memref<1x8192xf32, #tpu.memory_space<hbm>> -> memref<8192xf32, #tpu.memory_space<hbm>>
      %dma_start3A_42 = arith.constant 57344 : i32
      %dma_start3A_43 = tpu.memref_slice %arg5[%add3A, %dma_start3A_42] : memref<32x65536xf32, #tpu.memory_space<hbm>> -> memref<1x8192xf32, #tpu.memory_space<hbm>>
      %dma_start3A_44 = tpu.memref_squeeze %dma_start3A_43 : memref<1x8192xf32, #tpu.memory_space<hbm>> -> memref<8192xf32, #tpu.memory_space<hbm>>
      tpu.enqueue_dma source(%arg10 : memref<8192xf32, #tpu.memory_space<vmem>>) target(%dma_start3A_44 : memref<8192xf32, #tpu.memory_space<hbm>>) target_semaphore(%run_scoped3A : memref<!tpu.dma_semaphore, #tpu.memory_space<semaphore_mem>>)
      %dma_wait3A = arith.constant 57344 : i32
      %dma_wait3A_45 = tpu.memref_slice %arg5[%add3A, %dma_wait3A] : memref<32x65536xf32, #tpu.memory_space<hbm>> -> memref<1x8192xf32, #tpu.memory_space<hbm>>
      %dma_wait3A_46 = tpu.memref_squeeze %dma_wait3A_45 : memref<1x8192xf32, #tpu.memory_space<hbm>> -> memref<8192xf32, #tpu.memory_space<hbm>>
      %dma_wait3A_47 = arith.constant 57344 : i32
      %dma_wait3A_48 = tpu.memref_slice %arg5[%add3A, %dma_wait3A_47] : memref<32x65536xf32, #tpu.memory_space<hbm>> -> memref<1x8192xf32, #tpu.memory_space<hbm>>
      %dma_wait3A_49 = tpu.memref_squeeze %dma_wait3A_48 : memref<1x8192xf32, #tpu.memory_space<hbm>> -> memref<8192xf32, #tpu.memory_space<hbm>>
      tpu.wait_dma2 semaphore(%run_scoped3A : memref<!tpu.dma_semaphore, #tpu.memory_space<semaphore_mem>>) src(%arg10 : memref<8192xf32, #tpu.memory_space<vmem>>) dst(%dma_wait3A_49 : memref<8192xf32, #tpu.memory_space<hbm>>)
      tpu.yield
    }) : () -> ()
    "tpu.region"() ({
      %run_scoped3A = tpu.sem_alloc : memref<!tpu.dma_semaphore, #tpu.memory_space<semaphore_mem>>
      %dma_start3A = arith.constant 57344 : i32
      %dma_start3A_40 = tpu.memref_slice %arg6[%add3A, %dma_start3A] : memref<32x65536xf32, #tpu.memory_space<hbm>> -> memref<1x8192xf32, #tpu.memory_space<hbm>>
      %dma_start3A_41 = tpu.memref_squeeze %dma_start3A_40 : memref<1x8192xf32, #tpu.memory_space<hbm>> -> memref<8192xf32, #tpu.memory_space<hbm>>
      %dma_start3A_42 = arith.constant 57344 : i32
      %dma_start3A_43 = tpu.memref_slice %arg6[%add3A, %dma_start3A_42] : memref<32x65536xf32, #tpu.memory_space<hbm>> -> memref<1x8192xf32, #tpu.memory_space<hbm>>
      %dma_start3A_44 = tpu.memref_squeeze %dma_start3A_43 : memref<1x8192xf32, #tpu.memory_space<hbm>> -> memref<8192xf32, #tpu.memory_space<hbm>>
      tpu.enqueue_dma source(%arg11 : memref<8192xf32, #tpu.memory_space<vmem>>) target(%dma_start3A_44 : memref<8192xf32, #tpu.memory_space<hbm>>) target_semaphore(%run_scoped3A : memref<!tpu.dma_semaphore, #tpu.memory_space<semaphore_mem>>)
      %dma_wait3A = arith.constant 57344 : i32
      %dma_wait3A_45 = tpu.memref_slice %arg6[%add3A, %dma_wait3A] : memref<32x65536xf32, #tpu.memory_space<hbm>> -> memref<1x8192xf32, #tpu.memory_space<hbm>>
      %dma_wait3A_46 = tpu.memref_squeeze %dma_wait3A_45 : memref<1x8192xf32, #tpu.memory_space<hbm>> -> memref<8192xf32, #tpu.memory_space<hbm>>
      %dma_wait3A_47 = arith.constant 57344 : i32
      %dma_wait3A_48 = tpu.memref_slice %arg6[%add3A, %dma_wait3A_47] : memref<32x65536xf32, #tpu.memory_space<hbm>> -> memref<1x8192xf32, #tpu.memory_space<hbm>>
      %dma_wait3A_49 = tpu.memref_squeeze %dma_wait3A_48 : memref<1x8192xf32, #tpu.memory_space<hbm>> -> memref<8192xf32, #tpu.memory_space<hbm>>
      tpu.wait_dma2 semaphore(%run_scoped3A : memref<!tpu.dma_semaphore, #tpu.memory_space<semaphore_mem>>) src(%arg11 : memref<8192xf32, #tpu.memory_space<vmem>>) dst(%dma_wait3A_49 : memref<8192xf32, #tpu.memory_space<hbm>>)
      tpu.yield
    }) : () -> ()
    return
  }
}

#map = affine_map<(d0, d1) -> (0, 0)>
module attributes {stable_mosaic.version = 14 : i64} {
  func.func @k(%arg0: i32, %arg1: i32, %arg2: memref<32x65536xf32, #tpu.memory_space<hbm>>, %arg3: memref<32x65536xf32, #tpu.memory_space<hbm>>, %arg4: memref<32x65536xi32, #tpu.memory_space<hbm>>, %arg5: memref<32x2048xf32, #tpu.memory_space<hbm>>, %arg6: memref<32x2048xf32, #tpu.memory_space<hbm>>, %arg7: memref<32x2048xf32, #tpu.memory_space<hbm>>, %arg8: memref<32x2048xf32, #tpu.memory_space<hbm>>, %arg9: memref<2048xf32, #tpu.memory_space<vmem>>, %arg10: memref<2048xf32, #tpu.memory_space<vmem>>, %arg11: memref<2048xf32, #tpu.memory_space<vmem>>, %arg12: memref<2048xf32, #tpu.memory_space<vmem>>, %arg13: memref<8192xi32, #tpu.memory_space<vmem>>, %arg14: memref<8192xf32, #tpu.memory_space<vmem>>, %arg15: memref<8192xf32, #tpu.memory_space<vmem>>) attributes {dimension_semantics = [#tpu.dimension_semantics<core_parallel>, #tpu.dimension_semantics<subcore_parallel>], iteration_bounds = array<i64: 2, 16>, scalar_prefetch = 0 : i64, scratch_operands = 7 : i64, tpu.core_type = #tpu.core_type<sc_vector_subcore>, window_params = [{transform_indices = #map}, {transform_indices = #map}, {transform_indices = #map}, {transform_indices = #map}, {transform_indices = #map}, {transform_indices = #map}, {transform_indices = #map}]} {
    %mul3A = arith.constant 2 : i32
    %mul3A_0 = arith.muli %arg1, %mul3A : i32
    %add3A = arith.addi %mul3A_0, %arg0 : i32
    %broadcast_in_dim3A = arith.constant 0.000000e+00 : f32
    %broadcast_in_dim3A_1 = vector.broadcast %broadcast_in_dim3A : f32 to vector<16xf32>
    %scan3A = arith.constant 0 : i32
    %scan3A_2 = arith.constant 128 : i32
    %scan3A_3 = arith.addi %scan3A, %scan3A_2 : i32
    %scan3A_4 = arith.constant 1 : i32
    scf.for %scan3A_46 = %scan3A to %scan3A_3 step %scan3A_4  : i32 {
      %mul3A_47 = arith.constant 16 : i32
      %mul3A_48 = arith.muli %scan3A_46, %mul3A_47 : i32
      %swap3A = arith.index_cast %mul3A_48 : i32 to index
      %swap3A_49 = tpu.vector_load %arg9[%swap3A] {strides = array<i32>} : memref<2048xf32, #tpu.memory_space<vmem>>, vector<16xf32>,
      tpu.vector_store %arg9[%swap3A], %broadcast_in_dim3A_1 {strides = array<i32>} : memref<2048xf32, #tpu.memory_space<vmem>>, vector<16xf32>,
      %mul3A_50 = arith.constant 16 : i32
      %mul3A_51 = arith.muli %scan3A_46, %mul3A_50 : i32
      %swap3A_52 = arith.index_cast %mul3A_51 : i32 to index
      %swap3A_53 = tpu.vector_load %arg10[%swap3A_52] {strides = array<i32>} : memref<2048xf32, #tpu.memory_space<vmem>>, vector<16xf32>,
      tpu.vector_store %arg10[%swap3A_52], %broadcast_in_dim3A_1 {strides = array<i32>} : memref<2048xf32, #tpu.memory_space<vmem>>, vector<16xf32>,
      %mul3A_54 = arith.constant 16 : i32
      %mul3A_55 = arith.muli %scan3A_46, %mul3A_54 : i32
      %swap3A_56 = arith.index_cast %mul3A_55 : i32 to index
      %swap3A_57 = tpu.vector_load %arg11[%swap3A_56] {strides = array<i32>} : memref<2048xf32, #tpu.memory_space<vmem>>, vector<16xf32>,
      tpu.vector_store %arg11[%swap3A_56], %broadcast_in_dim3A_1 {strides = array<i32>} : memref<2048xf32, #tpu.memory_space<vmem>>, vector<16xf32>,
      %mul3A_58 = arith.constant 16 : i32
      %mul3A_59 = arith.muli %scan3A_46, %mul3A_58 : i32
      %swap3A_60 = arith.index_cast %mul3A_59 : i32 to index
      %swap3A_61 = tpu.vector_load %arg12[%swap3A_60] {strides = array<i32>} : memref<2048xf32, #tpu.memory_space<vmem>>, vector<16xf32>,
      tpu.vector_store %arg12[%swap3A_60], %broadcast_in_dim3A_1 {strides = array<i32>} : memref<2048xf32, #tpu.memory_space<vmem>>, vector<16xf32>,
    }
    %scan3A_5 = arith.constant 128 : i32
    "tpu.region"() ({
      %run_scoped3A = tpu.sem_alloc : memref<!tpu.dma_semaphore, #tpu.memory_space<semaphore_mem>>
      %dma_start3A = arith.constant 0 : i32
      %dma_start3A_46 = tpu.memref_slice %arg4[%add3A, %dma_start3A] : memref<32x65536xi32, #tpu.memory_space<hbm>> -> memref<1x8192xi32, #tpu.memory_space<hbm>>
      %dma_start3A_47 = tpu.memref_squeeze %dma_start3A_46 : memref<1x8192xi32, #tpu.memory_space<hbm>> -> memref<8192xi32, #tpu.memory_space<hbm>>
      %dma_start3A_48 = arith.constant 0 : i32
      %dma_start3A_49 = tpu.memref_slice %arg4[%add3A, %dma_start3A_48] : memref<32x65536xi32, #tpu.memory_space<hbm>> -> memref<1x8192xi32, #tpu.memory_space<hbm>>
      %dma_start3A_50 = tpu.memref_squeeze %dma_start3A_49 : memref<1x8192xi32, #tpu.memory_space<hbm>> -> memref<8192xi32, #tpu.memory_space<hbm>>
      tpu.enqueue_dma source(%dma_start3A_50 : memref<8192xi32, #tpu.memory_space<hbm>>) target(%arg13 : memref<8192xi32, #tpu.memory_space<vmem>>) target_semaphore(%run_scoped3A : memref<!tpu.dma_semaphore, #tpu.memory_space<semaphore_mem>>)
      %dma_wait3A = arith.constant 0 : i32
      %dma_wait3A_51 = tpu.memref_slice %arg4[%add3A, %dma_wait3A] : memref<32x65536xi32, #tpu.memory_space<hbm>> -> memref<1x8192xi32, #tpu.memory_space<hbm>>
      %dma_wait3A_52 = tpu.memref_squeeze %dma_wait3A_51 : memref<1x8192xi32, #tpu.memory_space<hbm>> -> memref<8192xi32, #tpu.memory_space<hbm>>
      %dma_wait3A_53 = arith.constant 0 : i32
      %dma_wait3A_54 = tpu.memref_slice %arg4[%add3A, %dma_wait3A_53] : memref<32x65536xi32, #tpu.memory_space<hbm>> -> memref<1x8192xi32, #tpu.memory_space<hbm>>
      %dma_wait3A_55 = tpu.memref_squeeze %dma_wait3A_54 : memref<1x8192xi32, #tpu.memory_space<hbm>> -> memref<8192xi32, #tpu.memory_space<hbm>>
      tpu.wait_dma2 semaphore(%run_scoped3A : memref<!tpu.dma_semaphore, #tpu.memory_space<semaphore_mem>>) src(%dma_wait3A_55 : memref<8192xi32, #tpu.memory_space<hbm>>) dst(%arg13 : memref<8192xi32, #tpu.memory_space<vmem>>)
      tpu.yield
    }) : () -> ()
    "tpu.region"() ({
      %run_scoped3A = tpu.sem_alloc : memref<!tpu.dma_semaphore, #tpu.memory_space<semaphore_mem>>
      %dma_start3A = arith.constant 0 : i32
      %dma_start3A_46 = tpu.memref_slice %arg2[%add3A, %dma_start3A] : memref<32x65536xf32, #tpu.memory_space<hbm>> -> memref<1x8192xf32, #tpu.memory_space<hbm>>
      %dma_start3A_47 = tpu.memref_squeeze %dma_start3A_46 : memref<1x8192xf32, #tpu.memory_space<hbm>> -> memref<8192xf32, #tpu.memory_space<hbm>>
      %dma_start3A_48 = arith.constant 0 : i32
      %dma_start3A_49 = tpu.memref_slice %arg2[%add3A, %dma_start3A_48] : memref<32x65536xf32, #tpu.memory_space<hbm>> -> memref<1x8192xf32, #tpu.memory_space<hbm>>
      %dma_start3A_50 = tpu.memref_squeeze %dma_start3A_49 : memref<1x8192xf32, #tpu.memory_space<hbm>> -> memref<8192xf32, #tpu.memory_space<hbm>>
      tpu.enqueue_dma source(%dma_start3A_50 : memref<8192xf32, #tpu.memory_space<hbm>>) target(%arg14 : memref<8192xf32, #tpu.memory_space<vmem>>) target_semaphore(%run_scoped3A : memref<!tpu.dma_semaphore, #tpu.memory_space<semaphore_mem>>)
      %dma_wait3A = arith.constant 0 : i32
      %dma_wait3A_51 = tpu.memref_slice %arg2[%add3A, %dma_wait3A] : memref<32x65536xf32, #tpu.memory_space<hbm>> -> memref<1x8192xf32, #tpu.memory_space<hbm>>
      %dma_wait3A_52 = tpu.memref_squeeze %dma_wait3A_51 : memref<1x8192xf32, #tpu.memory_space<hbm>> -> memref<8192xf32, #tpu.memory_space<hbm>>
      %dma_wait3A_53 = arith.constant 0 : i32
      %dma_wait3A_54 = tpu.memref_slice %arg2[%add3A, %dma_wait3A_53] : memref<32x65536xf32, #tpu.memory_space<hbm>> -> memref<1x8192xf32, #tpu.memory_space<hbm>>
      %dma_wait3A_55 = tpu.memref_squeeze %dma_wait3A_54 : memref<1x8192xf32, #tpu.memory_space<hbm>> -> memref<8192xf32, #tpu.memory_space<hbm>>
      tpu.wait_dma2 semaphore(%run_scoped3A : memref<!tpu.dma_semaphore, #tpu.memory_space<semaphore_mem>>) src(%dma_wait3A_55 : memref<8192xf32, #tpu.memory_space<hbm>>) dst(%arg14 : memref<8192xf32, #tpu.memory_space<vmem>>)
      tpu.yield
    }) : () -> ()
    "tpu.region"() ({
      %run_scoped3A = tpu.sem_alloc : memref<!tpu.dma_semaphore, #tpu.memory_space<semaphore_mem>>
      %dma_start3A = arith.constant 0 : i32
      %dma_start3A_46 = tpu.memref_slice %arg3[%add3A, %dma_start3A] : memref<32x65536xf32, #tpu.memory_space<hbm>> -> memref<1x8192xf32, #tpu.memory_space<hbm>>
      %dma_start3A_47 = tpu.memref_squeeze %dma_start3A_46 : memref<1x8192xf32, #tpu.memory_space<hbm>> -> memref<8192xf32, #tpu.memory_space<hbm>>
      %dma_start3A_48 = arith.constant 0 : i32
      %dma_start3A_49 = tpu.memref_slice %arg3[%add3A, %dma_start3A_48] : memref<32x65536xf32, #tpu.memory_space<hbm>> -> memref<1x8192xf32, #tpu.memory_space<hbm>>
      %dma_start3A_50 = tpu.memref_squeeze %dma_start3A_49 : memref<1x8192xf32, #tpu.memory_space<hbm>> -> memref<8192xf32, #tpu.memory_space<hbm>>
      tpu.enqueue_dma source(%dma_start3A_50 : memref<8192xf32, #tpu.memory_space<hbm>>) target(%arg15 : memref<8192xf32, #tpu.memory_space<vmem>>) target_semaphore(%run_scoped3A : memref<!tpu.dma_semaphore, #tpu.memory_space<semaphore_mem>>)
      %dma_wait3A = arith.constant 0 : i32
      %dma_wait3A_51 = tpu.memref_slice %arg3[%add3A, %dma_wait3A] : memref<32x65536xf32, #tpu.memory_space<hbm>> -> memref<1x8192xf32, #tpu.memory_space<hbm>>
      %dma_wait3A_52 = tpu.memref_squeeze %dma_wait3A_51 : memref<1x8192xf32, #tpu.memory_space<hbm>> -> memref<8192xf32, #tpu.memory_space<hbm>>
      %dma_wait3A_53 = arith.constant 0 : i32
      %dma_wait3A_54 = tpu.memref_slice %arg3[%add3A, %dma_wait3A_53] : memref<32x65536xf32, #tpu.memory_space<hbm>> -> memref<1x8192xf32, #tpu.memory_space<hbm>>
      %dma_wait3A_55 = tpu.memref_squeeze %dma_wait3A_54 : memref<1x8192xf32, #tpu.memory_space<hbm>> -> memref<8192xf32, #tpu.memory_space<hbm>>
      tpu.wait_dma2 semaphore(%run_scoped3A : memref<!tpu.dma_semaphore, #tpu.memory_space<semaphore_mem>>) src(%dma_wait3A_55 : memref<8192xf32, #tpu.memory_space<hbm>>) dst(%arg15 : memref<8192xf32, #tpu.memory_space<vmem>>)
      tpu.yield
    }) : () -> ()
    %scan3A_6 = arith.constant 0 : i32
    %scan3A_7 = arith.constant 512 : i32
    %scan3A_8 = arith.addi %scan3A_6, %scan3A_7 : i32
    %scan3A_9 = arith.constant 1 : i32
    scf.for %scan3A_46 = %scan3A_6 to %scan3A_8 step %scan3A_9  : i32 {
      %mul3A_47 = arith.constant 16 : i32
      %mul3A_48 = arith.muli %scan3A_46, %mul3A_47 : i32
      %get3A = arith.index_cast %mul3A_48 : i32 to index
      %get3A_49 = tpu.vector_load %arg13[%get3A] {strides = array<i32>} : memref<8192xi32, #tpu.memory_space<vmem>>, vector<16xi32>,
      %max3A = arith.constant 0 : i32
      %max3A_50 = vector.broadcast %max3A : i32 to vector<16xi32>
      %max3A_51 = arith.maxsi %get3A_49, %max3A_50 : vector<16xi32>
      %mul3A_52 = arith.constant 16 : i32
      %mul3A_53 = arith.muli %scan3A_46, %mul3A_52 : i32
      %add3A_54 = arith.constant 0 : i32
      %add3A_55 = arith.addi %add3A_54, %mul3A_53 : i32
      %iota3A = tpu.iota {dimensions = array<i32: 0>} : vector<16xi32>
      %add3A_56 = vector.broadcast %add3A_55 : i32 to vector<16xi32>
      %add3A_57 = arith.addi %add3A_56, %iota3A : vector<16xi32>
      %shift_right_logical3A = arith.constant 5 : i32
      %shift_right_logical3A_58 = vector.broadcast %shift_right_logical3A : i32 to vector<16xi32>
      %shift_right_logical3A_59 = arith.shrui %add3A_57, %shift_right_logical3A_58 : vector<16xi32>
      %mul3A_60 = arith.constant 16 : i32
      %mul3A_61 = arith.muli %scan3A_46, %mul3A_60 : i32
      %get3A_62 = arith.index_cast %mul3A_61 : i32 to index
      %get3A_63 = tpu.vector_load %arg14[%get3A_62] {strides = array<i32>} : memref<8192xf32, #tpu.memory_space<vmem>>, vector<16xf32>,
      %mul3A_64 = arith.constant 16 : i32
      %mul3A_65 = arith.muli %scan3A_46, %mul3A_64 : i32
      %get3A_66 = arith.index_cast %mul3A_65 : i32 to index
      %get3A_67 = tpu.vector_load %arg15[%get3A_66] {strides = array<i32>} : memref<8192xf32, #tpu.memory_space<vmem>>, vector<16xf32>,
      tpu.vector_store_idx %arg11[%max3A_51], %get3A_63 {add = true} : memref<2048xf32, #tpu.memory_space<vmem>>[vector<16xi32>], vector<16xf32>,
      tpu.vector_store_idx %arg12[%max3A_51], %get3A_67 {add = true} : memref<2048xf32, #tpu.memory_space<vmem>>[vector<16xi32>], vector<16xf32>,
      tpu.vector_store_idx %arg9[%shift_right_logical3A_59], %get3A_63 {add = true} : memref<2048xf32, #tpu.memory_space<vmem>>[vector<16xi32>], vector<16xf32>,
      tpu.vector_store_idx %arg10[%shift_right_logical3A_59], %get3A_67 {add = true} : memref<2048xf32, #tpu.memory_space<vmem>>[vector<16xi32>], vector<16xf32>,
    }
    %scan3A_10 = arith.constant 512 : i32
    "tpu.region"() ({
      %run_scoped3A = tpu.sem_alloc : memref<!tpu.dma_semaphore, #tpu.memory_space<semaphore_mem>>
      %dma_start3A = arith.constant 8192 : i32
      %dma_start3A_46 = tpu.memref_slice %arg4[%add3A, %dma_start3A] : memref<32x65536xi32, #tpu.memory_space<hbm>> -> memref<1x8192xi32, #tpu.memory_space<hbm>>
      %dma_start3A_47 = tpu.memref_squeeze %dma_start3A_46 : memref<1x8192xi32, #tpu.memory_space<hbm>> -> memref<8192xi32, #tpu.memory_space<hbm>>
      %dma_start3A_48 = arith.constant 8192 : i32
      %dma_start3A_49 = tpu.memref_slice %arg4[%add3A, %dma_start3A_48] : memref<32x65536xi32, #tpu.memory_space<hbm>> -> memref<1x8192xi32, #tpu.memory_space<hbm>>
      %dma_start3A_50 = tpu.memref_squeeze %dma_start3A_49 : memref<1x8192xi32, #tpu.memory_space<hbm>> -> memref<8192xi32, #tpu.memory_space<hbm>>
      tpu.enqueue_dma source(%dma_start3A_50 : memref<8192xi32, #tpu.memory_space<hbm>>) target(%arg13 : memref<8192xi32, #tpu.memory_space<vmem>>) target_semaphore(%run_scoped3A : memref<!tpu.dma_semaphore, #tpu.memory_space<semaphore_mem>>)
      %dma_wait3A = arith.constant 8192 : i32
      %dma_wait3A_51 = tpu.memref_slice %arg4[%add3A, %dma_wait3A] : memref<32x65536xi32, #tpu.memory_space<hbm>> -> memref<1x8192xi32, #tpu.memory_space<hbm>>
      %dma_wait3A_52 = tpu.memref_squeeze %dma_wait3A_51 : memref<1x8192xi32, #tpu.memory_space<hbm>> -> memref<8192xi32, #tpu.memory_space<hbm>>
      %dma_wait3A_53 = arith.constant 8192 : i32
      %dma_wait3A_54 = tpu.memref_slice %arg4[%add3A, %dma_wait3A_53] : memref<32x65536xi32, #tpu.memory_space<hbm>> -> memref<1x8192xi32, #tpu.memory_space<hbm>>
      %dma_wait3A_55 = tpu.memref_squeeze %dma_wait3A_54 : memref<1x8192xi32, #tpu.memory_space<hbm>> -> memref<8192xi32, #tpu.memory_space<hbm>>
      tpu.wait_dma2 semaphore(%run_scoped3A : memref<!tpu.dma_semaphore, #tpu.memory_space<semaphore_mem>>) src(%dma_wait3A_55 : memref<8192xi32, #tpu.memory_space<hbm>>) dst(%arg13 : memref<8192xi32, #tpu.memory_space<vmem>>)
      tpu.yield
    }) : () -> ()
    "tpu.region"() ({
      %run_scoped3A = tpu.sem_alloc : memref<!tpu.dma_semaphore, #tpu.memory_space<semaphore_mem>>
      %dma_start3A = arith.constant 8192 : i32
      %dma_start3A_46 = tpu.memref_slice %arg2[%add3A, %dma_start3A] : memref<32x65536xf32, #tpu.memory_space<hbm>> -> memref<1x8192xf32, #tpu.memory_space<hbm>>
      %dma_start3A_47 = tpu.memref_squeeze %dma_start3A_46 : memref<1x8192xf32, #tpu.memory_space<hbm>> -> memref<8192xf32, #tpu.memory_space<hbm>>
      %dma_start3A_48 = arith.constant 8192 : i32
      %dma_start3A_49 = tpu.memref_slice %arg2[%add3A, %dma_start3A_48] : memref<32x65536xf32, #tpu.memory_space<hbm>> -> memref<1x8192xf32, #tpu.memory_space<hbm>>
      %dma_start3A_50 = tpu.memref_squeeze %dma_start3A_49 : memref<1x8192xf32, #tpu.memory_space<hbm>> -> memref<8192xf32, #tpu.memory_space<hbm>>
      tpu.enqueue_dma source(%dma_start3A_50 : memref<8192xf32, #tpu.memory_space<hbm>>) target(%arg14 : memref<8192xf32, #tpu.memory_space<vmem>>) target_semaphore(%run_scoped3A : memref<!tpu.dma_semaphore, #tpu.memory_space<semaphore_mem>>)
      %dma_wait3A = arith.constant 8192 : i32
      %dma_wait3A_51 = tpu.memref_slice %arg2[%add3A, %dma_wait3A] : memref<32x65536xf32, #tpu.memory_space<hbm>> -> memref<1x8192xf32, #tpu.memory_space<hbm>>
      %dma_wait3A_52 = tpu.memref_squeeze %dma_wait3A_51 : memref<1x8192xf32, #tpu.memory_space<hbm>> -> memref<8192xf32, #tpu.memory_space<hbm>>
      %dma_wait3A_53 = arith.constant 8192 : i32
      %dma_wait3A_54 = tpu.memref_slice %arg2[%add3A, %dma_wait3A_53] : memref<32x65536xf32, #tpu.memory_space<hbm>> -> memref<1x8192xf32, #tpu.memory_space<hbm>>
      %dma_wait3A_55 = tpu.memref_squeeze %dma_wait3A_54 : memref<1x8192xf32, #tpu.memory_space<hbm>> -> memref<8192xf32, #tpu.memory_space<hbm>>
      tpu.wait_dma2 semaphore(%run_scoped3A : memref<!tpu.dma_semaphore, #tpu.memory_space<semaphore_mem>>) src(%dma_wait3A_55 : memref<8192xf32, #tpu.memory_space<hbm>>) dst(%arg14 : memref<8192xf32, #tpu.memory_space<vmem>>)
      tpu.yield
    }) : () -> ()
    "tpu.region"() ({
      %run_scoped3A = tpu.sem_alloc : memref<!tpu.dma_semaphore, #tpu.memory_space<semaphore_mem>>
      %dma_start3A = arith.constant 8192 : i32
      %dma_start3A_46 = tpu.memref_slice %arg3[%add3A, %dma_start3A] : memref<32x65536xf32, #tpu.memory_space<hbm>> -> memref<1x8192xf32, #tpu.memory_space<hbm>>
      %dma_start3A_47 = tpu.memref_squeeze %dma_start3A_46 : memref<1x8192xf32, #tpu.memory_space<hbm>> -> memref<8192xf32, #tpu.memory_space<hbm>>
      %dma_start3A_48 = arith.constant 8192 : i32
      %dma_start3A_49 = tpu.memref_slice %arg3[%add3A, %dma_start3A_48] : memref<32x65536xf32, #tpu.memory_space<hbm>> -> memref<1x8192xf32, #tpu.memory_space<hbm>>
      %dma_start3A_50 = tpu.memref_squeeze %dma_start3A_49 : memref<1x8192xf32, #tpu.memory_space<hbm>> -> memref<8192xf32, #tpu.memory_space<hbm>>
      tpu.enqueue_dma source(%dma_start3A_50 : memref<8192xf32, #tpu.memory_space<hbm>>) target(%arg15 : memref<8192xf32, #tpu.memory_space<vmem>>) target_semaphore(%run_scoped3A : memref<!tpu.dma_semaphore, #tpu.memory_space<semaphore_mem>>)
      %dma_wait3A = arith.constant 8192 : i32
      %dma_wait3A_51 = tpu.memref_slice %arg3[%add3A, %dma_wait3A] : memref<32x65536xf32, #tpu.memory_space<hbm>> -> memref<1x8192xf32, #tpu.memory_space<hbm>>
      %dma_wait3A_52 = tpu.memref_squeeze %dma_wait3A_51 : memref<1x8192xf32, #tpu.memory_space<hbm>> -> memref<8192xf32, #tpu.memory_space<hbm>>
      %dma_wait3A_53 = arith.constant 8192 : i32
      %dma_wait3A_54 = tpu.memref_slice %arg3[%add3A, %dma_wait3A_53] : memref<32x65536xf32, #tpu.memory_space<hbm>> -> memref<1x8192xf32, #tpu.memory_space<hbm>>
      %dma_wait3A_55 = tpu.memref_squeeze %dma_wait3A_54 : memref<1x8192xf32, #tpu.memory_space<hbm>> -> memref<8192xf32, #tpu.memory_space<hbm>>
      tpu.wait_dma2 semaphore(%run_scoped3A : memref<!tpu.dma_semaphore, #tpu.memory_space<semaphore_mem>>) src(%dma_wait3A_55 : memref<8192xf32, #tpu.memory_space<hbm>>) dst(%arg15 : memref<8192xf32, #tpu.memory_space<vmem>>)
      tpu.yield
    }) : () -> ()
    %scan3A_11 = arith.constant 0 : i32
    %scan3A_12 = arith.constant 512 : i32
    %scan3A_13 = arith.addi %scan3A_11, %scan3A_12 : i32
    %scan3A_14 = arith.constant 1 : i32
    scf.for %scan3A_46 = %scan3A_11 to %scan3A_13 step %scan3A_14  : i32 {
      %mul3A_47 = arith.constant 16 : i32
      %mul3A_48 = arith.muli %scan3A_46, %mul3A_47 : i32
      %get3A = arith.index_cast %mul3A_48 : i32 to index
      %get3A_49 = tpu.vector_load %arg13[%get3A] {strides = array<i32>} : memref<8192xi32, #tpu.memory_space<vmem>>, vector<16xi32>,
      %max3A = arith.constant 0 : i32
      %max3A_50 = vector.broadcast %max3A : i32 to vector<16xi32>
      %max3A_51 = arith.maxsi %get3A_49, %max3A_50 : vector<16xi32>
      %mul3A_52 = arith.constant 16 : i32
      %mul3A_53 = arith.muli %scan3A_46, %mul3A_52 : i32
      %add3A_54 = arith.constant 8192 : i32
      %add3A_55 = arith.addi %add3A_54, %mul3A_53 : i32
      %iota3A = tpu.iota {dimensions = array<i32: 0>} : vector<16xi32>
      %add3A_56 = vector.broadcast %add3A_55 : i32 to vector<16xi32>
      %add3A_57 = arith.addi %add3A_56, %iota3A : vector<16xi32>
      %shift_right_logical3A = arith.constant 5 : i32
      %shift_right_logical3A_58 = vector.broadcast %shift_right_logical3A : i32 to vector<16xi32>
      %shift_right_logical3A_59 = arith.shrui %add3A_57, %shift_right_logical3A_58 : vector<16xi32>
      %mul3A_60 = arith.constant 16 : i32
      %mul3A_61 = arith.muli %scan3A_46, %mul3A_60 : i32
      %get3A_62 = arith.index_cast %mul3A_61 : i32 to index
      %get3A_63 = tpu.vector_load %arg14[%get3A_62] {strides = array<i32>} : memref<8192xf32, #tpu.memory_space<vmem>>, vector<16xf32>,
      %mul3A_64 = arith.constant 16 : i32
      %mul3A_65 = arith.muli %scan3A_46, %mul3A_64 : i32
      %get3A_66 = arith.index_cast %mul3A_65 : i32 to index
      %get3A_67 = tpu.vector_load %arg15[%get3A_66] {strides = array<i32>} : memref<8192xf32, #tpu.memory_space<vmem>>, vector<16xf32>,
      tpu.vector_store_idx %arg11[%max3A_51], %get3A_63 {add = true} : memref<2048xf32, #tpu.memory_space<vmem>>[vector<16xi32>], vector<16xf32>,
      tpu.vector_store_idx %arg12[%max3A_51], %get3A_67 {add = true} : memref<2048xf32, #tpu.memory_space<vmem>>[vector<16xi32>], vector<16xf32>,
      tpu.vector_store_idx %arg9[%shift_right_logical3A_59], %get3A_63 {add = true} : memref<2048xf32, #tpu.memory_space<vmem>>[vector<16xi32>], vector<16xf32>,
      tpu.vector_store_idx %arg10[%shift_right_logical3A_59], %get3A_67 {add = true} : memref<2048xf32, #tpu.memory_space<vmem>>[vector<16xi32>], vector<16xf32>,
    }
    %scan3A_15 = arith.constant 512 : i32
    "tpu.region"() ({
      %run_scoped3A = tpu.sem_alloc : memref<!tpu.dma_semaphore, #tpu.memory_space<semaphore_mem>>
      %dma_start3A = arith.constant 16384 : i32
      %dma_start3A_46 = tpu.memref_slice %arg4[%add3A, %dma_start3A] : memref<32x65536xi32, #tpu.memory_space<hbm>> -> memref<1x8192xi32, #tpu.memory_space<hbm>>
      %dma_start3A_47 = tpu.memref_squeeze %dma_start3A_46 : memref<1x8192xi32, #tpu.memory_space<hbm>> -> memref<8192xi32, #tpu.memory_space<hbm>>
      %dma_start3A_48 = arith.constant 16384 : i32
      %dma_start3A_49 = tpu.memref_slice %arg4[%add3A, %dma_start3A_48] : memref<32x65536xi32, #tpu.memory_space<hbm>> -> memref<1x8192xi32, #tpu.memory_space<hbm>>
      %dma_start3A_50 = tpu.memref_squeeze %dma_start3A_49 : memref<1x8192xi32, #tpu.memory_space<hbm>> -> memref<8192xi32, #tpu.memory_space<hbm>>
      tpu.enqueue_dma source(%dma_start3A_50 : memref<8192xi32, #tpu.memory_space<hbm>>) target(%arg13 : memref<8192xi32, #tpu.memory_space<vmem>>) target_semaphore(%run_scoped3A : memref<!tpu.dma_semaphore, #tpu.memory_space<semaphore_mem>>)
      %dma_wait3A = arith.constant 16384 : i32
      %dma_wait3A_51 = tpu.memref_slice %arg4[%add3A, %dma_wait3A] : memref<32x65536xi32, #tpu.memory_space<hbm>> -> memref<1x8192xi32, #tpu.memory_space<hbm>>
      %dma_wait3A_52 = tpu.memref_squeeze %dma_wait3A_51 : memref<1x8192xi32, #tpu.memory_space<hbm>> -> memref<8192xi32, #tpu.memory_space<hbm>>
      %dma_wait3A_53 = arith.constant 16384 : i32
      %dma_wait3A_54 = tpu.memref_slice %arg4[%add3A, %dma_wait3A_53] : memref<32x65536xi32, #tpu.memory_space<hbm>> -> memref<1x8192xi32, #tpu.memory_space<hbm>>
      %dma_wait3A_55 = tpu.memref_squeeze %dma_wait3A_54 : memref<1x8192xi32, #tpu.memory_space<hbm>> -> memref<8192xi32, #tpu.memory_space<hbm>>
      tpu.wait_dma2 semaphore(%run_scoped3A : memref<!tpu.dma_semaphore, #tpu.memory_space<semaphore_mem>>) src(%dma_wait3A_55 : memref<8192xi32, #tpu.memory_space<hbm>>) dst(%arg13 : memref<8192xi32, #tpu.memory_space<vmem>>)
      tpu.yield
    }) : () -> ()
    "tpu.region"() ({
      %run_scoped3A = tpu.sem_alloc : memref<!tpu.dma_semaphore, #tpu.memory_space<semaphore_mem>>
      %dma_start3A = arith.constant 16384 : i32
      %dma_start3A_46 = tpu.memref_slice %arg2[%add3A, %dma_start3A] : memref<32x65536xf32, #tpu.memory_space<hbm>> -> memref<1x8192xf32, #tpu.memory_space<hbm>>
      %dma_start3A_47 = tpu.memref_squeeze %dma_start3A_46 : memref<1x8192xf32, #tpu.memory_space<hbm>> -> memref<8192xf32, #tpu.memory_space<hbm>>
      %dma_start3A_48 = arith.constant 16384 : i32
      %dma_start3A_49 = tpu.memref_slice %arg2[%add3A, %dma_start3A_48] : memref<32x65536xf32, #tpu.memory_space<hbm>> -> memref<1x8192xf32, #tpu.memory_space<hbm>>
      %dma_start3A_50 = tpu.memref_squeeze %dma_start3A_49 : memref<1x8192xf32, #tpu.memory_space<hbm>> -> memref<8192xf32, #tpu.memory_space<hbm>>
      tpu.enqueue_dma source(%dma_start3A_50 : memref<8192xf32, #tpu.memory_space<hbm>>) target(%arg14 : memref<8192xf32, #tpu.memory_space<vmem>>) target_semaphore(%run_scoped3A : memref<!tpu.dma_semaphore, #tpu.memory_space<semaphore_mem>>)
      %dma_wait3A = arith.constant 16384 : i32
      %dma_wait3A_51 = tpu.memref_slice %arg2[%add3A, %dma_wait3A] : memref<32x65536xf32, #tpu.memory_space<hbm>> -> memref<1x8192xf32, #tpu.memory_space<hbm>>
      %dma_wait3A_52 = tpu.memref_squeeze %dma_wait3A_51 : memref<1x8192xf32, #tpu.memory_space<hbm>> -> memref<8192xf32, #tpu.memory_space<hbm>>
      %dma_wait3A_53 = arith.constant 16384 : i32
      %dma_wait3A_54 = tpu.memref_slice %arg2[%add3A, %dma_wait3A_53] : memref<32x65536xf32, #tpu.memory_space<hbm>> -> memref<1x8192xf32, #tpu.memory_space<hbm>>
      %dma_wait3A_55 = tpu.memref_squeeze %dma_wait3A_54 : memref<1x8192xf32, #tpu.memory_space<hbm>> -> memref<8192xf32, #tpu.memory_space<hbm>>
      tpu.wait_dma2 semaphore(%run_scoped3A : memref<!tpu.dma_semaphore, #tpu.memory_space<semaphore_mem>>) src(%dma_wait3A_55 : memref<8192xf32, #tpu.memory_space<hbm>>) dst(%arg14 : memref<8192xf32, #tpu.memory_space<vmem>>)
      tpu.yield
    }) : () -> ()
    "tpu.region"() ({
      %run_scoped3A = tpu.sem_alloc : memref<!tpu.dma_semaphore, #tpu.memory_space<semaphore_mem>>
      %dma_start3A = arith.constant 16384 : i32
      %dma_start3A_46 = tpu.memref_slice %arg3[%add3A, %dma_start3A] : memref<32x65536xf32, #tpu.memory_space<hbm>> -> memref<1x8192xf32, #tpu.memory_space<hbm>>
      %dma_start3A_47 = tpu.memref_squeeze %dma_start3A_46 : memref<1x8192xf32, #tpu.memory_space<hbm>> -> memref<8192xf32, #tpu.memory_space<hbm>>
      %dma_start3A_48 = arith.constant 16384 : i32
      %dma_start3A_49 = tpu.memref_slice %arg3[%add3A, %dma_start3A_48] : memref<32x65536xf32, #tpu.memory_space<hbm>> -> memref<1x8192xf32, #tpu.memory_space<hbm>>
      %dma_start3A_50 = tpu.memref_squeeze %dma_start3A_49 : memref<1x8192xf32, #tpu.memory_space<hbm>> -> memref<8192xf32, #tpu.memory_space<hbm>>
      tpu.enqueue_dma source(%dma_start3A_50 : memref<8192xf32, #tpu.memory_space<hbm>>) target(%arg15 : memref<8192xf32, #tpu.memory_space<vmem>>) target_semaphore(%run_scoped3A : memref<!tpu.dma_semaphore, #tpu.memory_space<semaphore_mem>>)
      %dma_wait3A = arith.constant 16384 : i32
      %dma_wait3A_51 = tpu.memref_slice %arg3[%add3A, %dma_wait3A] : memref<32x65536xf32, #tpu.memory_space<hbm>> -> memref<1x8192xf32, #tpu.memory_space<hbm>>
      %dma_wait3A_52 = tpu.memref_squeeze %dma_wait3A_51 : memref<1x8192xf32, #tpu.memory_space<hbm>> -> memref<8192xf32, #tpu.memory_space<hbm>>
      %dma_wait3A_53 = arith.constant 16384 : i32
      %dma_wait3A_54 = tpu.memref_slice %arg3[%add3A, %dma_wait3A_53] : memref<32x65536xf32, #tpu.memory_space<hbm>> -> memref<1x8192xf32, #tpu.memory_space<hbm>>
      %dma_wait3A_55 = tpu.memref_squeeze %dma_wait3A_54 : memref<1x8192xf32, #tpu.memory_space<hbm>> -> memref<8192xf32, #tpu.memory_space<hbm>>
      tpu.wait_dma2 semaphore(%run_scoped3A : memref<!tpu.dma_semaphore, #tpu.memory_space<semaphore_mem>>) src(%dma_wait3A_55 : memref<8192xf32, #tpu.memory_space<hbm>>) dst(%arg15 : memref<8192xf32, #tpu.memory_space<vmem>>)
      tpu.yield
    }) : () -> ()
    %scan3A_16 = arith.constant 0 : i32
    %scan3A_17 = arith.constant 512 : i32
    %scan3A_18 = arith.addi %scan3A_16, %scan3A_17 : i32
    %scan3A_19 = arith.constant 1 : i32
    scf.for %scan3A_46 = %scan3A_16 to %scan3A_18 step %scan3A_19  : i32 {
      %mul3A_47 = arith.constant 16 : i32
      %mul3A_48 = arith.muli %scan3A_46, %mul3A_47 : i32
      %get3A = arith.index_cast %mul3A_48 : i32 to index
      %get3A_49 = tpu.vector_load %arg13[%get3A] {strides = array<i32>} : memref<8192xi32, #tpu.memory_space<vmem>>, vector<16xi32>,
      %max3A = arith.constant 0 : i32
      %max3A_50 = vector.broadcast %max3A : i32 to vector<16xi32>
      %max3A_51 = arith.maxsi %get3A_49, %max3A_50 : vector<16xi32>
      %mul3A_52 = arith.constant 16 : i32
      %mul3A_53 = arith.muli %scan3A_46, %mul3A_52 : i32
      %add3A_54 = arith.constant 16384 : i32
      %add3A_55 = arith.addi %add3A_54, %mul3A_53 : i32
      %iota3A = tpu.iota {dimensions = array<i32: 0>} : vector<16xi32>
      %add3A_56 = vector.broadcast %add3A_55 : i32 to vector<16xi32>
      %add3A_57 = arith.addi %add3A_56, %iota3A : vector<16xi32>
      %shift_right_logical3A = arith.constant 5 : i32
      %shift_right_logical3A_58 = vector.broadcast %shift_right_logical3A : i32 to vector<16xi32>
      %shift_right_logical3A_59 = arith.shrui %add3A_57, %shift_right_logical3A_58 : vector<16xi32>
      %mul3A_60 = arith.constant 16 : i32
      %mul3A_61 = arith.muli %scan3A_46, %mul3A_60 : i32
      %get3A_62 = arith.index_cast %mul3A_61 : i32 to index
      %get3A_63 = tpu.vector_load %arg14[%get3A_62] {strides = array<i32>} : memref<8192xf32, #tpu.memory_space<vmem>>, vector<16xf32>,
      %mul3A_64 = arith.constant 16 : i32
      %mul3A_65 = arith.muli %scan3A_46, %mul3A_64 : i32
      %get3A_66 = arith.index_cast %mul3A_65 : i32 to index
      %get3A_67 = tpu.vector_load %arg15[%get3A_66] {strides = array<i32>} : memref<8192xf32, #tpu.memory_space<vmem>>, vector<16xf32>,
      tpu.vector_store_idx %arg11[%max3A_51], %get3A_63 {add = true} : memref<2048xf32, #tpu.memory_space<vmem>>[vector<16xi32>], vector<16xf32>,
      tpu.vector_store_idx %arg12[%max3A_51], %get3A_67 {add = true} : memref<2048xf32, #tpu.memory_space<vmem>>[vector<16xi32>], vector<16xf32>,
      tpu.vector_store_idx %arg9[%shift_right_logical3A_59], %get3A_63 {add = true} : memref<2048xf32, #tpu.memory_space<vmem>>[vector<16xi32>], vector<16xf32>,
      tpu.vector_store_idx %arg10[%shift_right_logical3A_59], %get3A_67 {add = true} : memref<2048xf32, #tpu.memory_space<vmem>>[vector<16xi32>], vector<16xf32>,
    }
    %scan3A_20 = arith.constant 512 : i32
    "tpu.region"() ({
      %run_scoped3A = tpu.sem_alloc : memref<!tpu.dma_semaphore, #tpu.memory_space<semaphore_mem>>
      %dma_start3A = arith.constant 24576 : i32
      %dma_start3A_46 = tpu.memref_slice %arg4[%add3A, %dma_start3A] : memref<32x65536xi32, #tpu.memory_space<hbm>> -> memref<1x8192xi32, #tpu.memory_space<hbm>>
      %dma_start3A_47 = tpu.memref_squeeze %dma_start3A_46 : memref<1x8192xi32, #tpu.memory_space<hbm>> -> memref<8192xi32, #tpu.memory_space<hbm>>
      %dma_start3A_48 = arith.constant 24576 : i32
      %dma_start3A_49 = tpu.memref_slice %arg4[%add3A, %dma_start3A_48] : memref<32x65536xi32, #tpu.memory_space<hbm>> -> memref<1x8192xi32, #tpu.memory_space<hbm>>
      %dma_start3A_50 = tpu.memref_squeeze %dma_start3A_49 : memref<1x8192xi32, #tpu.memory_space<hbm>> -> memref<8192xi32, #tpu.memory_space<hbm>>
      tpu.enqueue_dma source(%dma_start3A_50 : memref<8192xi32, #tpu.memory_space<hbm>>) target(%arg13 : memref<8192xi32, #tpu.memory_space<vmem>>) target_semaphore(%run_scoped3A : memref<!tpu.dma_semaphore, #tpu.memory_space<semaphore_mem>>)
      %dma_wait3A = arith.constant 24576 : i32
      %dma_wait3A_51 = tpu.memref_slice %arg4[%add3A, %dma_wait3A] : memref<32x65536xi32, #tpu.memory_space<hbm>> -> memref<1x8192xi32, #tpu.memory_space<hbm>>
      %dma_wait3A_52 = tpu.memref_squeeze %dma_wait3A_51 : memref<1x8192xi32, #tpu.memory_space<hbm>> -> memref<8192xi32, #tpu.memory_space<hbm>>
      %dma_wait3A_53 = arith.constant 24576 : i32
      %dma_wait3A_54 = tpu.memref_slice %arg4[%add3A, %dma_wait3A_53] : memref<32x65536xi32, #tpu.memory_space<hbm>> -> memref<1x8192xi32, #tpu.memory_space<hbm>>
      %dma_wait3A_55 = tpu.memref_squeeze %dma_wait3A_54 : memref<1x8192xi32, #tpu.memory_space<hbm>> -> memref<8192xi32, #tpu.memory_space<hbm>>
      tpu.wait_dma2 semaphore(%run_scoped3A : memref<!tpu.dma_semaphore, #tpu.memory_space<semaphore_mem>>) src(%dma_wait3A_55 : memref<8192xi32, #tpu.memory_space<hbm>>) dst(%arg13 : memref<8192xi32, #tpu.memory_space<vmem>>)
      tpu.yield
    }) : () -> ()
    "tpu.region"() ({
      %run_scoped3A = tpu.sem_alloc : memref<!tpu.dma_semaphore, #tpu.memory_space<semaphore_mem>>
      %dma_start3A = arith.constant 24576 : i32
      %dma_start3A_46 = tpu.memref_slice %arg2[%add3A, %dma_start3A] : memref<32x65536xf32, #tpu.memory_space<hbm>> -> memref<1x8192xf32, #tpu.memory_space<hbm>>
      %dma_start3A_47 = tpu.memref_squeeze %dma_start3A_46 : memref<1x8192xf32, #tpu.memory_space<hbm>> -> memref<8192xf32, #tpu.memory_space<hbm>>
      %dma_start3A_48 = arith.constant 24576 : i32
      %dma_start3A_49 = tpu.memref_slice %arg2[%add3A, %dma_start3A_48] : memref<32x65536xf32, #tpu.memory_space<hbm>> -> memref<1x8192xf32, #tpu.memory_space<hbm>>
      %dma_start3A_50 = tpu.memref_squeeze %dma_start3A_49 : memref<1x8192xf32, #tpu.memory_space<hbm>> -> memref<8192xf32, #tpu.memory_space<hbm>>
      tpu.enqueue_dma source(%dma_start3A_50 : memref<8192xf32, #tpu.memory_space<hbm>>) target(%arg14 : memref<8192xf32, #tpu.memory_space<vmem>>) target_semaphore(%run_scoped3A : memref<!tpu.dma_semaphore, #tpu.memory_space<semaphore_mem>>)
      %dma_wait3A = arith.constant 24576 : i32
      %dma_wait3A_51 = tpu.memref_slice %arg2[%add3A, %dma_wait3A] : memref<32x65536xf32, #tpu.memory_space<hbm>> -> memref<1x8192xf32, #tpu.memory_space<hbm>>
      %dma_wait3A_52 = tpu.memref_squeeze %dma_wait3A_51 : memref<1x8192xf32, #tpu.memory_space<hbm>> -> memref<8192xf32, #tpu.memory_space<hbm>>
      %dma_wait3A_53 = arith.constant 24576 : i32
      %dma_wait3A_54 = tpu.memref_slice %arg2[%add3A, %dma_wait3A_53] : memref<32x65536xf32, #tpu.memory_space<hbm>> -> memref<1x8192xf32, #tpu.memory_space<hbm>>
      %dma_wait3A_55 = tpu.memref_squeeze %dma_wait3A_54 : memref<1x8192xf32, #tpu.memory_space<hbm>> -> memref<8192xf32, #tpu.memory_space<hbm>>
      tpu.wait_dma2 semaphore(%run_scoped3A : memref<!tpu.dma_semaphore, #tpu.memory_space<semaphore_mem>>) src(%dma_wait3A_55 : memref<8192xf32, #tpu.memory_space<hbm>>) dst(%arg14 : memref<8192xf32, #tpu.memory_space<vmem>>)
      tpu.yield
    }) : () -> ()
    "tpu.region"() ({
      %run_scoped3A = tpu.sem_alloc : memref<!tpu.dma_semaphore, #tpu.memory_space<semaphore_mem>>
      %dma_start3A = arith.constant 24576 : i32
      %dma_start3A_46 = tpu.memref_slice %arg3[%add3A, %dma_start3A] : memref<32x65536xf32, #tpu.memory_space<hbm>> -> memref<1x8192xf32, #tpu.memory_space<hbm>>
      %dma_start3A_47 = tpu.memref_squeeze %dma_start3A_46 : memref<1x8192xf32, #tpu.memory_space<hbm>> -> memref<8192xf32, #tpu.memory_space<hbm>>
      %dma_start3A_48 = arith.constant 24576 : i32
      %dma_start3A_49 = tpu.memref_slice %arg3[%add3A, %dma_start3A_48] : memref<32x65536xf32, #tpu.memory_space<hbm>> -> memref<1x8192xf32, #tpu.memory_space<hbm>>
      %dma_start3A_50 = tpu.memref_squeeze %dma_start3A_49 : memref<1x8192xf32, #tpu.memory_space<hbm>> -> memref<8192xf32, #tpu.memory_space<hbm>>
      tpu.enqueue_dma source(%dma_start3A_50 : memref<8192xf32, #tpu.memory_space<hbm>>) target(%arg15 : memref<8192xf32, #tpu.memory_space<vmem>>) target_semaphore(%run_scoped3A : memref<!tpu.dma_semaphore, #tpu.memory_space<semaphore_mem>>)
      %dma_wait3A = arith.constant 24576 : i32
      %dma_wait3A_51 = tpu.memref_slice %arg3[%add3A, %dma_wait3A] : memref<32x65536xf32, #tpu.memory_space<hbm>> -> memref<1x8192xf32, #tpu.memory_space<hbm>>
      %dma_wait3A_52 = tpu.memref_squeeze %dma_wait3A_51 : memref<1x8192xf32, #tpu.memory_space<hbm>> -> memref<8192xf32, #tpu.memory_space<hbm>>
      %dma_wait3A_53 = arith.constant 24576 : i32
      %dma_wait3A_54 = tpu.memref_slice %arg3[%add3A, %dma_wait3A_53] : memref<32x65536xf32, #tpu.memory_space<hbm>> -> memref<1x8192xf32, #tpu.memory_space<hbm>>
      %dma_wait3A_55 = tpu.memref_squeeze %dma_wait3A_54 : memref<1x8192xf32, #tpu.memory_space<hbm>> -> memref<8192xf32, #tpu.memory_space<hbm>>
      tpu.wait_dma2 semaphore(%run_scoped3A : memref<!tpu.dma_semaphore, #tpu.memory_space<semaphore_mem>>) src(%dma_wait3A_55 : memref<8192xf32, #tpu.memory_space<hbm>>) dst(%arg15 : memref<8192xf32, #tpu.memory_space<vmem>>)
      tpu.yield
    }) : () -> ()
    %scan3A_21 = arith.constant 0 : i32
    %scan3A_22 = arith.constant 512 : i32
    %scan3A_23 = arith.addi %scan3A_21, %scan3A_22 : i32
    %scan3A_24 = arith.constant 1 : i32
    scf.for %scan3A_46 = %scan3A_21 to %scan3A_23 step %scan3A_24  : i32 {
      %mul3A_47 = arith.constant 16 : i32
      %mul3A_48 = arith.muli %scan3A_46, %mul3A_47 : i32
      %get3A = arith.index_cast %mul3A_48 : i32 to index
      %get3A_49 = tpu.vector_load %arg13[%get3A] {strides = array<i32>} : memref<8192xi32, #tpu.memory_space<vmem>>, vector<16xi32>,
      %max3A = arith.constant 0 : i32
      %max3A_50 = vector.broadcast %max3A : i32 to vector<16xi32>
      %max3A_51 = arith.maxsi %get3A_49, %max3A_50 : vector<16xi32>
      %mul3A_52 = arith.constant 16 : i32
      %mul3A_53 = arith.muli %scan3A_46, %mul3A_52 : i32
      %add3A_54 = arith.constant 24576 : i32
      %add3A_55 = arith.addi %add3A_54, %mul3A_53 : i32
      %iota3A = tpu.iota {dimensions = array<i32: 0>} : vector<16xi32>
      %add3A_56 = vector.broadcast %add3A_55 : i32 to vector<16xi32>
      %add3A_57 = arith.addi %add3A_56, %iota3A : vector<16xi32>
      %shift_right_logical3A = arith.constant 5 : i32
      %shift_right_logical3A_58 = vector.broadcast %shift_right_logical3A : i32 to vector<16xi32>
      %shift_right_logical3A_59 = arith.shrui %add3A_57, %shift_right_logical3A_58 : vector<16xi32>
      %mul3A_60 = arith.constant 16 : i32
      %mul3A_61 = arith.muli %scan3A_46, %mul3A_60 : i32
      %get3A_62 = arith.index_cast %mul3A_61 : i32 to index
      %get3A_63 = tpu.vector_load %arg14[%get3A_62] {strides = array<i32>} : memref<8192xf32, #tpu.memory_space<vmem>>, vector<16xf32>,
      %mul3A_64 = arith.constant 16 : i32
      %mul3A_65 = arith.muli %scan3A_46, %mul3A_64 : i32
      %get3A_66 = arith.index_cast %mul3A_65 : i32 to index
      %get3A_67 = tpu.vector_load %arg15[%get3A_66] {strides = array<i32>} : memref<8192xf32, #tpu.memory_space<vmem>>, vector<16xf32>,
      tpu.vector_store_idx %arg11[%max3A_51], %get3A_63 {add = true} : memref<2048xf32, #tpu.memory_space<vmem>>[vector<16xi32>], vector<16xf32>,
      tpu.vector_store_idx %arg12[%max3A_51], %get3A_67 {add = true} : memref<2048xf32, #tpu.memory_space<vmem>>[vector<16xi32>], vector<16xf32>,
      tpu.vector_store_idx %arg9[%shift_right_logical3A_59], %get3A_63 {add = true} : memref<2048xf32, #tpu.memory_space<vmem>>[vector<16xi32>], vector<16xf32>,
      tpu.vector_store_idx %arg10[%shift_right_logical3A_59], %get3A_67 {add = true} : memref<2048xf32, #tpu.memory_space<vmem>>[vector<16xi32>], vector<16xf32>,
    }
    %scan3A_25 = arith.constant 512 : i32
    "tpu.region"() ({
      %run_scoped3A = tpu.sem_alloc : memref<!tpu.dma_semaphore, #tpu.memory_space<semaphore_mem>>
      %dma_start3A = arith.constant 32768 : i32
      %dma_start3A_46 = tpu.memref_slice %arg4[%add3A, %dma_start3A] : memref<32x65536xi32, #tpu.memory_space<hbm>> -> memref<1x8192xi32, #tpu.memory_space<hbm>>
      %dma_start3A_47 = tpu.memref_squeeze %dma_start3A_46 : memref<1x8192xi32, #tpu.memory_space<hbm>> -> memref<8192xi32, #tpu.memory_space<hbm>>
      %dma_start3A_48 = arith.constant 32768 : i32
      %dma_start3A_49 = tpu.memref_slice %arg4[%add3A, %dma_start3A_48] : memref<32x65536xi32, #tpu.memory_space<hbm>> -> memref<1x8192xi32, #tpu.memory_space<hbm>>
      %dma_start3A_50 = tpu.memref_squeeze %dma_start3A_49 : memref<1x8192xi32, #tpu.memory_space<hbm>> -> memref<8192xi32, #tpu.memory_space<hbm>>
      tpu.enqueue_dma source(%dma_start3A_50 : memref<8192xi32, #tpu.memory_space<hbm>>) target(%arg13 : memref<8192xi32, #tpu.memory_space<vmem>>) target_semaphore(%run_scoped3A : memref<!tpu.dma_semaphore, #tpu.memory_space<semaphore_mem>>)
      %dma_wait3A = arith.constant 32768 : i32
      %dma_wait3A_51 = tpu.memref_slice %arg4[%add3A, %dma_wait3A] : memref<32x65536xi32, #tpu.memory_space<hbm>> -> memref<1x8192xi32, #tpu.memory_space<hbm>>
      %dma_wait3A_52 = tpu.memref_squeeze %dma_wait3A_51 : memref<1x8192xi32, #tpu.memory_space<hbm>> -> memref<8192xi32, #tpu.memory_space<hbm>>
      %dma_wait3A_53 = arith.constant 32768 : i32
      %dma_wait3A_54 = tpu.memref_slice %arg4[%add3A, %dma_wait3A_53] : memref<32x65536xi32, #tpu.memory_space<hbm>> -> memref<1x8192xi32, #tpu.memory_space<hbm>>
      %dma_wait3A_55 = tpu.memref_squeeze %dma_wait3A_54 : memref<1x8192xi32, #tpu.memory_space<hbm>> -> memref<8192xi32, #tpu.memory_space<hbm>>
      tpu.wait_dma2 semaphore(%run_scoped3A : memref<!tpu.dma_semaphore, #tpu.memory_space<semaphore_mem>>) src(%dma_wait3A_55 : memref<8192xi32, #tpu.memory_space<hbm>>) dst(%arg13 : memref<8192xi32, #tpu.memory_space<vmem>>)
      tpu.yield
    }) : () -> ()
    "tpu.region"() ({
      %run_scoped3A = tpu.sem_alloc : memref<!tpu.dma_semaphore, #tpu.memory_space<semaphore_mem>>
      %dma_start3A = arith.constant 32768 : i32
      %dma_start3A_46 = tpu.memref_slice %arg2[%add3A, %dma_start3A] : memref<32x65536xf32, #tpu.memory_space<hbm>> -> memref<1x8192xf32, #tpu.memory_space<hbm>>
      %dma_start3A_47 = tpu.memref_squeeze %dma_start3A_46 : memref<1x8192xf32, #tpu.memory_space<hbm>> -> memref<8192xf32, #tpu.memory_space<hbm>>
      %dma_start3A_48 = arith.constant 32768 : i32
      %dma_start3A_49 = tpu.memref_slice %arg2[%add3A, %dma_start3A_48] : memref<32x65536xf32, #tpu.memory_space<hbm>> -> memref<1x8192xf32, #tpu.memory_space<hbm>>
      %dma_start3A_50 = tpu.memref_squeeze %dma_start3A_49 : memref<1x8192xf32, #tpu.memory_space<hbm>> -> memref<8192xf32, #tpu.memory_space<hbm>>
      tpu.enqueue_dma source(%dma_start3A_50 : memref<8192xf32, #tpu.memory_space<hbm>>) target(%arg14 : memref<8192xf32, #tpu.memory_space<vmem>>) target_semaphore(%run_scoped3A : memref<!tpu.dma_semaphore, #tpu.memory_space<semaphore_mem>>)
      %dma_wait3A = arith.constant 32768 : i32
      %dma_wait3A_51 = tpu.memref_slice %arg2[%add3A, %dma_wait3A] : memref<32x65536xf32, #tpu.memory_space<hbm>> -> memref<1x8192xf32, #tpu.memory_space<hbm>>
      %dma_wait3A_52 = tpu.memref_squeeze %dma_wait3A_51 : memref<1x8192xf32, #tpu.memory_space<hbm>> -> memref<8192xf32, #tpu.memory_space<hbm>>
      %dma_wait3A_53 = arith.constant 32768 : i32
      %dma_wait3A_54 = tpu.memref_slice %arg2[%add3A, %dma_wait3A_53] : memref<32x65536xf32, #tpu.memory_space<hbm>> -> memref<1x8192xf32, #tpu.memory_space<hbm>>
      %dma_wait3A_55 = tpu.memref_squeeze %dma_wait3A_54 : memref<1x8192xf32, #tpu.memory_space<hbm>> -> memref<8192xf32, #tpu.memory_space<hbm>>
      tpu.wait_dma2 semaphore(%run_scoped3A : memref<!tpu.dma_semaphore, #tpu.memory_space<semaphore_mem>>) src(%dma_wait3A_55 : memref<8192xf32, #tpu.memory_space<hbm>>) dst(%arg14 : memref<8192xf32, #tpu.memory_space<vmem>>)
      tpu.yield
    }) : () -> ()
    "tpu.region"() ({
      %run_scoped3A = tpu.sem_alloc : memref<!tpu.dma_semaphore, #tpu.memory_space<semaphore_mem>>
      %dma_start3A = arith.constant 32768 : i32
      %dma_start3A_46 = tpu.memref_slice %arg3[%add3A, %dma_start3A] : memref<32x65536xf32, #tpu.memory_space<hbm>> -> memref<1x8192xf32, #tpu.memory_space<hbm>>
      %dma_start3A_47 = tpu.memref_squeeze %dma_start3A_46 : memref<1x8192xf32, #tpu.memory_space<hbm>> -> memref<8192xf32, #tpu.memory_space<hbm>>
      %dma_start3A_48 = arith.constant 32768 : i32
      %dma_start3A_49 = tpu.memref_slice %arg3[%add3A, %dma_start3A_48] : memref<32x65536xf32, #tpu.memory_space<hbm>> -> memref<1x8192xf32, #tpu.memory_space<hbm>>
      %dma_start3A_50 = tpu.memref_squeeze %dma_start3A_49 : memref<1x8192xf32, #tpu.memory_space<hbm>> -> memref<8192xf32, #tpu.memory_space<hbm>>
      tpu.enqueue_dma source(%dma_start3A_50 : memref<8192xf32, #tpu.memory_space<hbm>>) target(%arg15 : memref<8192xf32, #tpu.memory_space<vmem>>) target_semaphore(%run_scoped3A : memref<!tpu.dma_semaphore, #tpu.memory_space<semaphore_mem>>)
      %dma_wait3A = arith.constant 32768 : i32
      %dma_wait3A_51 = tpu.memref_slice %arg3[%add3A, %dma_wait3A] : memref<32x65536xf32, #tpu.memory_space<hbm>> -> memref<1x8192xf32, #tpu.memory_space<hbm>>
      %dma_wait3A_52 = tpu.memref_squeeze %dma_wait3A_51 : memref<1x8192xf32, #tpu.memory_space<hbm>> -> memref<8192xf32, #tpu.memory_space<hbm>>
      %dma_wait3A_53 = arith.constant 32768 : i32
      %dma_wait3A_54 = tpu.memref_slice %arg3[%add3A, %dma_wait3A_53] : memref<32x65536xf32, #tpu.memory_space<hbm>> -> memref<1x8192xf32, #tpu.memory_space<hbm>>
      %dma_wait3A_55 = tpu.memref_squeeze %dma_wait3A_54 : memref<1x8192xf32, #tpu.memory_space<hbm>> -> memref<8192xf32, #tpu.memory_space<hbm>>
      tpu.wait_dma2 semaphore(%run_scoped3A : memref<!tpu.dma_semaphore, #tpu.memory_space<semaphore_mem>>) src(%dma_wait3A_55 : memref<8192xf32, #tpu.memory_space<hbm>>) dst(%arg15 : memref<8192xf32, #tpu.memory_space<vmem>>)
      tpu.yield
    }) : () -> ()
    %scan3A_26 = arith.constant 0 : i32
    %scan3A_27 = arith.constant 512 : i32
    %scan3A_28 = arith.addi %scan3A_26, %scan3A_27 : i32
    %scan3A_29 = arith.constant 1 : i32
    scf.for %scan3A_46 = %scan3A_26 to %scan3A_28 step %scan3A_29  : i32 {
      %mul3A_47 = arith.constant 16 : i32
      %mul3A_48 = arith.muli %scan3A_46, %mul3A_47 : i32
      %get3A = arith.index_cast %mul3A_48 : i32 to index
      %get3A_49 = tpu.vector_load %arg13[%get3A] {strides = array<i32>} : memref<8192xi32, #tpu.memory_space<vmem>>, vector<16xi32>,
      %max3A = arith.constant 0 : i32
      %max3A_50 = vector.broadcast %max3A : i32 to vector<16xi32>
      %max3A_51 = arith.maxsi %get3A_49, %max3A_50 : vector<16xi32>
      %mul3A_52 = arith.constant 16 : i32
      %mul3A_53 = arith.muli %scan3A_46, %mul3A_52 : i32
      %add3A_54 = arith.constant 32768 : i32
      %add3A_55 = arith.addi %add3A_54, %mul3A_53 : i32
      %iota3A = tpu.iota {dimensions = array<i32: 0>} : vector<16xi32>
      %add3A_56 = vector.broadcast %add3A_55 : i32 to vector<16xi32>
      %add3A_57 = arith.addi %add3A_56, %iota3A : vector<16xi32>
      %shift_right_logical3A = arith.constant 5 : i32
      %shift_right_logical3A_58 = vector.broadcast %shift_right_logical3A : i32 to vector<16xi32>
      %shift_right_logical3A_59 = arith.shrui %add3A_57, %shift_right_logical3A_58 : vector<16xi32>
      %mul3A_60 = arith.constant 16 : i32
      %mul3A_61 = arith.muli %scan3A_46, %mul3A_60 : i32
      %get3A_62 = arith.index_cast %mul3A_61 : i32 to index
      %get3A_63 = tpu.vector_load %arg14[%get3A_62] {strides = array<i32>} : memref<8192xf32, #tpu.memory_space<vmem>>, vector<16xf32>,
      %mul3A_64 = arith.constant 16 : i32
      %mul3A_65 = arith.muli %scan3A_46, %mul3A_64 : i32
      %get3A_66 = arith.index_cast %mul3A_65 : i32 to index
      %get3A_67 = tpu.vector_load %arg15[%get3A_66] {strides = array<i32>} : memref<8192xf32, #tpu.memory_space<vmem>>, vector<16xf32>,
      tpu.vector_store_idx %arg11[%max3A_51], %get3A_63 {add = true} : memref<2048xf32, #tpu.memory_space<vmem>>[vector<16xi32>], vector<16xf32>,
      tpu.vector_store_idx %arg12[%max3A_51], %get3A_67 {add = true} : memref<2048xf32, #tpu.memory_space<vmem>>[vector<16xi32>], vector<16xf32>,
      tpu.vector_store_idx %arg9[%shift_right_logical3A_59], %get3A_63 {add = true} : memref<2048xf32, #tpu.memory_space<vmem>>[vector<16xi32>], vector<16xf32>,
      tpu.vector_store_idx %arg10[%shift_right_logical3A_59], %get3A_67 {add = true} : memref<2048xf32, #tpu.memory_space<vmem>>[vector<16xi32>], vector<16xf32>,
    }
    %scan3A_30 = arith.constant 512 : i32
    "tpu.region"() ({
      %run_scoped3A = tpu.sem_alloc : memref<!tpu.dma_semaphore, #tpu.memory_space<semaphore_mem>>
      %dma_start3A = arith.constant 40960 : i32
      %dma_start3A_46 = tpu.memref_slice %arg4[%add3A, %dma_start3A] : memref<32x65536xi32, #tpu.memory_space<hbm>> -> memref<1x8192xi32, #tpu.memory_space<hbm>>
      %dma_start3A_47 = tpu.memref_squeeze %dma_start3A_46 : memref<1x8192xi32, #tpu.memory_space<hbm>> -> memref<8192xi32, #tpu.memory_space<hbm>>
      %dma_start3A_48 = arith.constant 40960 : i32
      %dma_start3A_49 = tpu.memref_slice %arg4[%add3A, %dma_start3A_48] : memref<32x65536xi32, #tpu.memory_space<hbm>> -> memref<1x8192xi32, #tpu.memory_space<hbm>>
      %dma_start3A_50 = tpu.memref_squeeze %dma_start3A_49 : memref<1x8192xi32, #tpu.memory_space<hbm>> -> memref<8192xi32, #tpu.memory_space<hbm>>
      tpu.enqueue_dma source(%dma_start3A_50 : memref<8192xi32, #tpu.memory_space<hbm>>) target(%arg13 : memref<8192xi32, #tpu.memory_space<vmem>>) target_semaphore(%run_scoped3A : memref<!tpu.dma_semaphore, #tpu.memory_space<semaphore_mem>>)
      %dma_wait3A = arith.constant 40960 : i32
      %dma_wait3A_51 = tpu.memref_slice %arg4[%add3A, %dma_wait3A] : memref<32x65536xi32, #tpu.memory_space<hbm>> -> memref<1x8192xi32, #tpu.memory_space<hbm>>
      %dma_wait3A_52 = tpu.memref_squeeze %dma_wait3A_51 : memref<1x8192xi32, #tpu.memory_space<hbm>> -> memref<8192xi32, #tpu.memory_space<hbm>>
      %dma_wait3A_53 = arith.constant 40960 : i32
      %dma_wait3A_54 = tpu.memref_slice %arg4[%add3A, %dma_wait3A_53] : memref<32x65536xi32, #tpu.memory_space<hbm>> -> memref<1x8192xi32, #tpu.memory_space<hbm>>
      %dma_wait3A_55 = tpu.memref_squeeze %dma_wait3A_54 : memref<1x8192xi32, #tpu.memory_space<hbm>> -> memref<8192xi32, #tpu.memory_space<hbm>>
      tpu.wait_dma2 semaphore(%run_scoped3A : memref<!tpu.dma_semaphore, #tpu.memory_space<semaphore_mem>>) src(%dma_wait3A_55 : memref<8192xi32, #tpu.memory_space<hbm>>) dst(%arg13 : memref<8192xi32, #tpu.memory_space<vmem>>)
      tpu.yield
    }) : () -> ()
    "tpu.region"() ({
      %run_scoped3A = tpu.sem_alloc : memref<!tpu.dma_semaphore, #tpu.memory_space<semaphore_mem>>
      %dma_start3A = arith.constant 40960 : i32
      %dma_start3A_46 = tpu.memref_slice %arg2[%add3A, %dma_start3A] : memref<32x65536xf32, #tpu.memory_space<hbm>> -> memref<1x8192xf32, #tpu.memory_space<hbm>>
      %dma_start3A_47 = tpu.memref_squeeze %dma_start3A_46 : memref<1x8192xf32, #tpu.memory_space<hbm>> -> memref<8192xf32, #tpu.memory_space<hbm>>
      %dma_start3A_48 = arith.constant 40960 : i32
      %dma_start3A_49 = tpu.memref_slice %arg2[%add3A, %dma_start3A_48] : memref<32x65536xf32, #tpu.memory_space<hbm>> -> memref<1x8192xf32, #tpu.memory_space<hbm>>
      %dma_start3A_50 = tpu.memref_squeeze %dma_start3A_49 : memref<1x8192xf32, #tpu.memory_space<hbm>> -> memref<8192xf32, #tpu.memory_space<hbm>>
      tpu.enqueue_dma source(%dma_start3A_50 : memref<8192xf32, #tpu.memory_space<hbm>>) target(%arg14 : memref<8192xf32, #tpu.memory_space<vmem>>) target_semaphore(%run_scoped3A : memref<!tpu.dma_semaphore, #tpu.memory_space<semaphore_mem>>)
      %dma_wait3A = arith.constant 40960 : i32
      %dma_wait3A_51 = tpu.memref_slice %arg2[%add3A, %dma_wait3A] : memref<32x65536xf32, #tpu.memory_space<hbm>> -> memref<1x8192xf32, #tpu.memory_space<hbm>>
      %dma_wait3A_52 = tpu.memref_squeeze %dma_wait3A_51 : memref<1x8192xf32, #tpu.memory_space<hbm>> -> memref<8192xf32, #tpu.memory_space<hbm>>
      %dma_wait3A_53 = arith.constant 40960 : i32
      %dma_wait3A_54 = tpu.memref_slice %arg2[%add3A, %dma_wait3A_53] : memref<32x65536xf32, #tpu.memory_space<hbm>> -> memref<1x8192xf32, #tpu.memory_space<hbm>>
      %dma_wait3A_55 = tpu.memref_squeeze %dma_wait3A_54 : memref<1x8192xf32, #tpu.memory_space<hbm>> -> memref<8192xf32, #tpu.memory_space<hbm>>
      tpu.wait_dma2 semaphore(%run_scoped3A : memref<!tpu.dma_semaphore, #tpu.memory_space<semaphore_mem>>) src(%dma_wait3A_55 : memref<8192xf32, #tpu.memory_space<hbm>>) dst(%arg14 : memref<8192xf32, #tpu.memory_space<vmem>>)
      tpu.yield
    }) : () -> ()
    "tpu.region"() ({
      %run_scoped3A = tpu.sem_alloc : memref<!tpu.dma_semaphore, #tpu.memory_space<semaphore_mem>>
      %dma_start3A = arith.constant 40960 : i32
      %dma_start3A_46 = tpu.memref_slice %arg3[%add3A, %dma_start3A] : memref<32x65536xf32, #tpu.memory_space<hbm>> -> memref<1x8192xf32, #tpu.memory_space<hbm>>
      %dma_start3A_47 = tpu.memref_squeeze %dma_start3A_46 : memref<1x8192xf32, #tpu.memory_space<hbm>> -> memref<8192xf32, #tpu.memory_space<hbm>>
      %dma_start3A_48 = arith.constant 40960 : i32
      %dma_start3A_49 = tpu.memref_slice %arg3[%add3A, %dma_start3A_48] : memref<32x65536xf32, #tpu.memory_space<hbm>> -> memref<1x8192xf32, #tpu.memory_space<hbm>>
      %dma_start3A_50 = tpu.memref_squeeze %dma_start3A_49 : memref<1x8192xf32, #tpu.memory_space<hbm>> -> memref<8192xf32, #tpu.memory_space<hbm>>
      tpu.enqueue_dma source(%dma_start3A_50 : memref<8192xf32, #tpu.memory_space<hbm>>) target(%arg15 : memref<8192xf32, #tpu.memory_space<vmem>>) target_semaphore(%run_scoped3A : memref<!tpu.dma_semaphore, #tpu.memory_space<semaphore_mem>>)
      %dma_wait3A = arith.constant 40960 : i32
      %dma_wait3A_51 = tpu.memref_slice %arg3[%add3A, %dma_wait3A] : memref<32x65536xf32, #tpu.memory_space<hbm>> -> memref<1x8192xf32, #tpu.memory_space<hbm>>
      %dma_wait3A_52 = tpu.memref_squeeze %dma_wait3A_51 : memref<1x8192xf32, #tpu.memory_space<hbm>> -> memref<8192xf32, #tpu.memory_space<hbm>>
      %dma_wait3A_53 = arith.constant 40960 : i32
      %dma_wait3A_54 = tpu.memref_slice %arg3[%add3A, %dma_wait3A_53] : memref<32x65536xf32, #tpu.memory_space<hbm>> -> memref<1x8192xf32, #tpu.memory_space<hbm>>
      %dma_wait3A_55 = tpu.memref_squeeze %dma_wait3A_54 : memref<1x8192xf32, #tpu.memory_space<hbm>> -> memref<8192xf32, #tpu.memory_space<hbm>>
      tpu.wait_dma2 semaphore(%run_scoped3A : memref<!tpu.dma_semaphore, #tpu.memory_space<semaphore_mem>>) src(%dma_wait3A_55 : memref<8192xf32, #tpu.memory_space<hbm>>) dst(%arg15 : memref<8192xf32, #tpu.memory_space<vmem>>)
      tpu.yield
    }) : () -> ()
    %scan3A_31 = arith.constant 0 : i32
    %scan3A_32 = arith.constant 512 : i32
    %scan3A_33 = arith.addi %scan3A_31, %scan3A_32 : i32
    %scan3A_34 = arith.constant 1 : i32
    scf.for %scan3A_46 = %scan3A_31 to %scan3A_33 step %scan3A_34  : i32 {
      %mul3A_47 = arith.constant 16 : i32
      %mul3A_48 = arith.muli %scan3A_46, %mul3A_47 : i32
      %get3A = arith.index_cast %mul3A_48 : i32 to index
      %get3A_49 = tpu.vector_load %arg13[%get3A] {strides = array<i32>} : memref<8192xi32, #tpu.memory_space<vmem>>, vector<16xi32>,
      %max3A = arith.constant 0 : i32
      %max3A_50 = vector.broadcast %max3A : i32 to vector<16xi32>
      %max3A_51 = arith.maxsi %get3A_49, %max3A_50 : vector<16xi32>
      %mul3A_52 = arith.constant 16 : i32
      %mul3A_53 = arith.muli %scan3A_46, %mul3A_52 : i32
      %add3A_54 = arith.constant 40960 : i32
      %add3A_55 = arith.addi %add3A_54, %mul3A_53 : i32
      %iota3A = tpu.iota {dimensions = array<i32: 0>} : vector<16xi32>
      %add3A_56 = vector.broadcast %add3A_55 : i32 to vector<16xi32>
      %add3A_57 = arith.addi %add3A_56, %iota3A : vector<16xi32>
      %shift_right_logical3A = arith.constant 5 : i32
      %shift_right_logical3A_58 = vector.broadcast %shift_right_logical3A : i32 to vector<16xi32>
      %shift_right_logical3A_59 = arith.shrui %add3A_57, %shift_right_logical3A_58 : vector<16xi32>
      %mul3A_60 = arith.constant 16 : i32
      %mul3A_61 = arith.muli %scan3A_46, %mul3A_60 : i32
      %get3A_62 = arith.index_cast %mul3A_61 : i32 to index
      %get3A_63 = tpu.vector_load %arg14[%get3A_62] {strides = array<i32>} : memref<8192xf32, #tpu.memory_space<vmem>>, vector<16xf32>,
      %mul3A_64 = arith.constant 16 : i32
      %mul3A_65 = arith.muli %scan3A_46, %mul3A_64 : i32
      %get3A_66 = arith.index_cast %mul3A_65 : i32 to index
      %get3A_67 = tpu.vector_load %arg15[%get3A_66] {strides = array<i32>} : memref<8192xf32, #tpu.memory_space<vmem>>, vector<16xf32>,
      tpu.vector_store_idx %arg11[%max3A_51], %get3A_63 {add = true} : memref<2048xf32, #tpu.memory_space<vmem>>[vector<16xi32>], vector<16xf32>,
      tpu.vector_store_idx %arg12[%max3A_51], %get3A_67 {add = true} : memref<2048xf32, #tpu.memory_space<vmem>>[vector<16xi32>], vector<16xf32>,
      tpu.vector_store_idx %arg9[%shift_right_logical3A_59], %get3A_63 {add = true} : memref<2048xf32, #tpu.memory_space<vmem>>[vector<16xi32>], vector<16xf32>,
      tpu.vector_store_idx %arg10[%shift_right_logical3A_59], %get3A_67 {add = true} : memref<2048xf32, #tpu.memory_space<vmem>>[vector<16xi32>], vector<16xf32>,
    }
    %scan3A_35 = arith.constant 512 : i32
    "tpu.region"() ({
      %run_scoped3A = tpu.sem_alloc : memref<!tpu.dma_semaphore, #tpu.memory_space<semaphore_mem>>
      %dma_start3A = arith.constant 49152 : i32
      %dma_start3A_46 = tpu.memref_slice %arg4[%add3A, %dma_start3A] : memref<32x65536xi32, #tpu.memory_space<hbm>> -> memref<1x8192xi32, #tpu.memory_space<hbm>>
      %dma_start3A_47 = tpu.memref_squeeze %dma_start3A_46 : memref<1x8192xi32, #tpu.memory_space<hbm>> -> memref<8192xi32, #tpu.memory_space<hbm>>
      %dma_start3A_48 = arith.constant 49152 : i32
      %dma_start3A_49 = tpu.memref_slice %arg4[%add3A, %dma_start3A_48] : memref<32x65536xi32, #tpu.memory_space<hbm>> -> memref<1x8192xi32, #tpu.memory_space<hbm>>
      %dma_start3A_50 = tpu.memref_squeeze %dma_start3A_49 : memref<1x8192xi32, #tpu.memory_space<hbm>> -> memref<8192xi32, #tpu.memory_space<hbm>>
      tpu.enqueue_dma source(%dma_start3A_50 : memref<8192xi32, #tpu.memory_space<hbm>>) target(%arg13 : memref<8192xi32, #tpu.memory_space<vmem>>) target_semaphore(%run_scoped3A : memref<!tpu.dma_semaphore, #tpu.memory_space<semaphore_mem>>)
      %dma_wait3A = arith.constant 49152 : i32
      %dma_wait3A_51 = tpu.memref_slice %arg4[%add3A, %dma_wait3A] : memref<32x65536xi32, #tpu.memory_space<hbm>> -> memref<1x8192xi32, #tpu.memory_space<hbm>>
      %dma_wait3A_52 = tpu.memref_squeeze %dma_wait3A_51 : memref<1x8192xi32, #tpu.memory_space<hbm>> -> memref<8192xi32, #tpu.memory_space<hbm>>
      %dma_wait3A_53 = arith.constant 49152 : i32
      %dma_wait3A_54 = tpu.memref_slice %arg4[%add3A, %dma_wait3A_53] : memref<32x65536xi32, #tpu.memory_space<hbm>> -> memref<1x8192xi32, #tpu.memory_space<hbm>>
      %dma_wait3A_55 = tpu.memref_squeeze %dma_wait3A_54 : memref<1x8192xi32, #tpu.memory_space<hbm>> -> memref<8192xi32, #tpu.memory_space<hbm>>
      tpu.wait_dma2 semaphore(%run_scoped3A : memref<!tpu.dma_semaphore, #tpu.memory_space<semaphore_mem>>) src(%dma_wait3A_55 : memref<8192xi32, #tpu.memory_space<hbm>>) dst(%arg13 : memref<8192xi32, #tpu.memory_space<vmem>>)
      tpu.yield
    }) : () -> ()
    "tpu.region"() ({
      %run_scoped3A = tpu.sem_alloc : memref<!tpu.dma_semaphore, #tpu.memory_space<semaphore_mem>>
      %dma_start3A = arith.constant 49152 : i32
      %dma_start3A_46 = tpu.memref_slice %arg2[%add3A, %dma_start3A] : memref<32x65536xf32, #tpu.memory_space<hbm>> -> memref<1x8192xf32, #tpu.memory_space<hbm>>
      %dma_start3A_47 = tpu.memref_squeeze %dma_start3A_46 : memref<1x8192xf32, #tpu.memory_space<hbm>> -> memref<8192xf32, #tpu.memory_space<hbm>>
      %dma_start3A_48 = arith.constant 49152 : i32
      %dma_start3A_49 = tpu.memref_slice %arg2[%add3A, %dma_start3A_48] : memref<32x65536xf32, #tpu.memory_space<hbm>> -> memref<1x8192xf32, #tpu.memory_space<hbm>>
      %dma_start3A_50 = tpu.memref_squeeze %dma_start3A_49 : memref<1x8192xf32, #tpu.memory_space<hbm>> -> memref<8192xf32, #tpu.memory_space<hbm>>
      tpu.enqueue_dma source(%dma_start3A_50 : memref<8192xf32, #tpu.memory_space<hbm>>) target(%arg14 : memref<8192xf32, #tpu.memory_space<vmem>>) target_semaphore(%run_scoped3A : memref<!tpu.dma_semaphore, #tpu.memory_space<semaphore_mem>>)
      %dma_wait3A = arith.constant 49152 : i32
      %dma_wait3A_51 = tpu.memref_slice %arg2[%add3A, %dma_wait3A] : memref<32x65536xf32, #tpu.memory_space<hbm>> -> memref<1x8192xf32, #tpu.memory_space<hbm>>
      %dma_wait3A_52 = tpu.memref_squeeze %dma_wait3A_51 : memref<1x8192xf32, #tpu.memory_space<hbm>> -> memref<8192xf32, #tpu.memory_space<hbm>>
      %dma_wait3A_53 = arith.constant 49152 : i32
      %dma_wait3A_54 = tpu.memref_slice %arg2[%add3A, %dma_wait3A_53] : memref<32x65536xf32, #tpu.memory_space<hbm>> -> memref<1x8192xf32, #tpu.memory_space<hbm>>
      %dma_wait3A_55 = tpu.memref_squeeze %dma_wait3A_54 : memref<1x8192xf32, #tpu.memory_space<hbm>> -> memref<8192xf32, #tpu.memory_space<hbm>>
      tpu.wait_dma2 semaphore(%run_scoped3A : memref<!tpu.dma_semaphore, #tpu.memory_space<semaphore_mem>>) src(%dma_wait3A_55 : memref<8192xf32, #tpu.memory_space<hbm>>) dst(%arg14 : memref<8192xf32, #tpu.memory_space<vmem>>)
      tpu.yield
    }) : () -> ()
    "tpu.region"() ({
      %run_scoped3A = tpu.sem_alloc : memref<!tpu.dma_semaphore, #tpu.memory_space<semaphore_mem>>
      %dma_start3A = arith.constant 49152 : i32
      %dma_start3A_46 = tpu.memref_slice %arg3[%add3A, %dma_start3A] : memref<32x65536xf32, #tpu.memory_space<hbm>> -> memref<1x8192xf32, #tpu.memory_space<hbm>>
      %dma_start3A_47 = tpu.memref_squeeze %dma_start3A_46 : memref<1x8192xf32, #tpu.memory_space<hbm>> -> memref<8192xf32, #tpu.memory_space<hbm>>
      %dma_start3A_48 = arith.constant 49152 : i32
      %dma_start3A_49 = tpu.memref_slice %arg3[%add3A, %dma_start3A_48] : memref<32x65536xf32, #tpu.memory_space<hbm>> -> memref<1x8192xf32, #tpu.memory_space<hbm>>
      %dma_start3A_50 = tpu.memref_squeeze %dma_start3A_49 : memref<1x8192xf32, #tpu.memory_space<hbm>> -> memref<8192xf32, #tpu.memory_space<hbm>>
      tpu.enqueue_dma source(%dma_start3A_50 : memref<8192xf32, #tpu.memory_space<hbm>>) target(%arg15 : memref<8192xf32, #tpu.memory_space<vmem>>) target_semaphore(%run_scoped3A : memref<!tpu.dma_semaphore, #tpu.memory_space<semaphore_mem>>)
      %dma_wait3A = arith.constant 49152 : i32
      %dma_wait3A_51 = tpu.memref_slice %arg3[%add3A, %dma_wait3A] : memref<32x65536xf32, #tpu.memory_space<hbm>> -> memref<1x8192xf32, #tpu.memory_space<hbm>>
      %dma_wait3A_52 = tpu.memref_squeeze %dma_wait3A_51 : memref<1x8192xf32, #tpu.memory_space<hbm>> -> memref<8192xf32, #tpu.memory_space<hbm>>
      %dma_wait3A_53 = arith.constant 49152 : i32
      %dma_wait3A_54 = tpu.memref_slice %arg3[%add3A, %dma_wait3A_53] : memref<32x65536xf32, #tpu.memory_space<hbm>> -> memref<1x8192xf32, #tpu.memory_space<hbm>>
      %dma_wait3A_55 = tpu.memref_squeeze %dma_wait3A_54 : memref<1x8192xf32, #tpu.memory_space<hbm>> -> memref<8192xf32, #tpu.memory_space<hbm>>
      tpu.wait_dma2 semaphore(%run_scoped3A : memref<!tpu.dma_semaphore, #tpu.memory_space<semaphore_mem>>) src(%dma_wait3A_55 : memref<8192xf32, #tpu.memory_space<hbm>>) dst(%arg15 : memref<8192xf32, #tpu.memory_space<vmem>>)
      tpu.yield
    }) : () -> ()
    %scan3A_36 = arith.constant 0 : i32
    %scan3A_37 = arith.constant 512 : i32
    %scan3A_38 = arith.addi %scan3A_36, %scan3A_37 : i32
    %scan3A_39 = arith.constant 1 : i32
    scf.for %scan3A_46 = %scan3A_36 to %scan3A_38 step %scan3A_39  : i32 {
      %mul3A_47 = arith.constant 16 : i32
      %mul3A_48 = arith.muli %scan3A_46, %mul3A_47 : i32
      %get3A = arith.index_cast %mul3A_48 : i32 to index
      %get3A_49 = tpu.vector_load %arg13[%get3A] {strides = array<i32>} : memref<8192xi32, #tpu.memory_space<vmem>>, vector<16xi32>,
      %max3A = arith.constant 0 : i32
      %max3A_50 = vector.broadcast %max3A : i32 to vector<16xi32>
      %max3A_51 = arith.maxsi %get3A_49, %max3A_50 : vector<16xi32>
      %mul3A_52 = arith.constant 16 : i32
      %mul3A_53 = arith.muli %scan3A_46, %mul3A_52 : i32
      %add3A_54 = arith.constant 49152 : i32
      %add3A_55 = arith.addi %add3A_54, %mul3A_53 : i32
      %iota3A = tpu.iota {dimensions = array<i32: 0>} : vector<16xi32>
      %add3A_56 = vector.broadcast %add3A_55 : i32 to vector<16xi32>
      %add3A_57 = arith.addi %add3A_56, %iota3A : vector<16xi32>
      %shift_right_logical3A = arith.constant 5 : i32
      %shift_right_logical3A_58 = vector.broadcast %shift_right_logical3A : i32 to vector<16xi32>
      %shift_right_logical3A_59 = arith.shrui %add3A_57, %shift_right_logical3A_58 : vector<16xi32>
      %mul3A_60 = arith.constant 16 : i32
      %mul3A_61 = arith.muli %scan3A_46, %mul3A_60 : i32
      %get3A_62 = arith.index_cast %mul3A_61 : i32 to index
      %get3A_63 = tpu.vector_load %arg14[%get3A_62] {strides = array<i32>} : memref<8192xf32, #tpu.memory_space<vmem>>, vector<16xf32>,
      %mul3A_64 = arith.constant 16 : i32
      %mul3A_65 = arith.muli %scan3A_46, %mul3A_64 : i32
      %get3A_66 = arith.index_cast %mul3A_65 : i32 to index
      %get3A_67 = tpu.vector_load %arg15[%get3A_66] {strides = array<i32>} : memref<8192xf32, #tpu.memory_space<vmem>>, vector<16xf32>,
      tpu.vector_store_idx %arg11[%max3A_51], %get3A_63 {add = true} : memref<2048xf32, #tpu.memory_space<vmem>>[vector<16xi32>], vector<16xf32>,
      tpu.vector_store_idx %arg12[%max3A_51], %get3A_67 {add = true} : memref<2048xf32, #tpu.memory_space<vmem>>[vector<16xi32>], vector<16xf32>,
      tpu.vector_store_idx %arg9[%shift_right_logical3A_59], %get3A_63 {add = true} : memref<2048xf32, #tpu.memory_space<vmem>>[vector<16xi32>], vector<16xf32>,
      tpu.vector_store_idx %arg10[%shift_right_logical3A_59], %get3A_67 {add = true} : memref<2048xf32, #tpu.memory_space<vmem>>[vector<16xi32>], vector<16xf32>,
    }
    %scan3A_40 = arith.constant 512 : i32
    "tpu.region"() ({
      %run_scoped3A = tpu.sem_alloc : memref<!tpu.dma_semaphore, #tpu.memory_space<semaphore_mem>>
      %dma_start3A = arith.constant 57344 : i32
      %dma_start3A_46 = tpu.memref_slice %arg4[%add3A, %dma_start3A] : memref<32x65536xi32, #tpu.memory_space<hbm>> -> memref<1x8192xi32, #tpu.memory_space<hbm>>
      %dma_start3A_47 = tpu.memref_squeeze %dma_start3A_46 : memref<1x8192xi32, #tpu.memory_space<hbm>> -> memref<8192xi32, #tpu.memory_space<hbm>>
      %dma_start3A_48 = arith.constant 57344 : i32
      %dma_start3A_49 = tpu.memref_slice %arg4[%add3A, %dma_start3A_48] : memref<32x65536xi32, #tpu.memory_space<hbm>> -> memref<1x8192xi32, #tpu.memory_space<hbm>>
      %dma_start3A_50 = tpu.memref_squeeze %dma_start3A_49 : memref<1x8192xi32, #tpu.memory_space<hbm>> -> memref<8192xi32, #tpu.memory_space<hbm>>
      tpu.enqueue_dma source(%dma_start3A_50 : memref<8192xi32, #tpu.memory_space<hbm>>) target(%arg13 : memref<8192xi32, #tpu.memory_space<vmem>>) target_semaphore(%run_scoped3A : memref<!tpu.dma_semaphore, #tpu.memory_space<semaphore_mem>>)
      %dma_wait3A = arith.constant 57344 : i32
      %dma_wait3A_51 = tpu.memref_slice %arg4[%add3A, %dma_wait3A] : memref<32x65536xi32, #tpu.memory_space<hbm>> -> memref<1x8192xi32, #tpu.memory_space<hbm>>
      %dma_wait3A_52 = tpu.memref_squeeze %dma_wait3A_51 : memref<1x8192xi32, #tpu.memory_space<hbm>> -> memref<8192xi32, #tpu.memory_space<hbm>>
      %dma_wait3A_53 = arith.constant 57344 : i32
      %dma_wait3A_54 = tpu.memref_slice %arg4[%add3A, %dma_wait3A_53] : memref<32x65536xi32, #tpu.memory_space<hbm>> -> memref<1x8192xi32, #tpu.memory_space<hbm>>
      %dma_wait3A_55 = tpu.memref_squeeze %dma_wait3A_54 : memref<1x8192xi32, #tpu.memory_space<hbm>> -> memref<8192xi32, #tpu.memory_space<hbm>>
      tpu.wait_dma2 semaphore(%run_scoped3A : memref<!tpu.dma_semaphore, #tpu.memory_space<semaphore_mem>>) src(%dma_wait3A_55 : memref<8192xi32, #tpu.memory_space<hbm>>) dst(%arg13 : memref<8192xi32, #tpu.memory_space<vmem>>)
      tpu.yield
    }) : () -> ()
    "tpu.region"() ({
      %run_scoped3A = tpu.sem_alloc : memref<!tpu.dma_semaphore, #tpu.memory_space<semaphore_mem>>
      %dma_start3A = arith.constant 57344 : i32
      %dma_start3A_46 = tpu.memref_slice %arg2[%add3A, %dma_start3A] : memref<32x65536xf32, #tpu.memory_space<hbm>> -> memref<1x8192xf32, #tpu.memory_space<hbm>>
      %dma_start3A_47 = tpu.memref_squeeze %dma_start3A_46 : memref<1x8192xf32, #tpu.memory_space<hbm>> -> memref<8192xf32, #tpu.memory_space<hbm>>
      %dma_start3A_48 = arith.constant 57344 : i32
      %dma_start3A_49 = tpu.memref_slice %arg2[%add3A, %dma_start3A_48] : memref<32x65536xf32, #tpu.memory_space<hbm>> -> memref<1x8192xf32, #tpu.memory_space<hbm>>
      %dma_start3A_50 = tpu.memref_squeeze %dma_start3A_49 : memref<1x8192xf32, #tpu.memory_space<hbm>> -> memref<8192xf32, #tpu.memory_space<hbm>>
      tpu.enqueue_dma source(%dma_start3A_50 : memref<8192xf32, #tpu.memory_space<hbm>>) target(%arg14 : memref<8192xf32, #tpu.memory_space<vmem>>) target_semaphore(%run_scoped3A : memref<!tpu.dma_semaphore, #tpu.memory_space<semaphore_mem>>)
      %dma_wait3A = arith.constant 57344 : i32
      %dma_wait3A_51 = tpu.memref_slice %arg2[%add3A, %dma_wait3A] : memref<32x65536xf32, #tpu.memory_space<hbm>> -> memref<1x8192xf32, #tpu.memory_space<hbm>>
      %dma_wait3A_52 = tpu.memref_squeeze %dma_wait3A_51 : memref<1x8192xf32, #tpu.memory_space<hbm>> -> memref<8192xf32, #tpu.memory_space<hbm>>
      %dma_wait3A_53 = arith.constant 57344 : i32
      %dma_wait3A_54 = tpu.memref_slice %arg2[%add3A, %dma_wait3A_53] : memref<32x65536xf32, #tpu.memory_space<hbm>> -> memref<1x8192xf32, #tpu.memory_space<hbm>>
      %dma_wait3A_55 = tpu.memref_squeeze %dma_wait3A_54 : memref<1x8192xf32, #tpu.memory_space<hbm>> -> memref<8192xf32, #tpu.memory_space<hbm>>
      tpu.wait_dma2 semaphore(%run_scoped3A : memref<!tpu.dma_semaphore, #tpu.memory_space<semaphore_mem>>) src(%dma_wait3A_55 : memref<8192xf32, #tpu.memory_space<hbm>>) dst(%arg14 : memref<8192xf32, #tpu.memory_space<vmem>>)
      tpu.yield
    }) : () -> ()
    "tpu.region"() ({
      %run_scoped3A = tpu.sem_alloc : memref<!tpu.dma_semaphore, #tpu.memory_space<semaphore_mem>>
      %dma_start3A = arith.constant 57344 : i32
      %dma_start3A_46 = tpu.memref_slice %arg3[%add3A, %dma_start3A] : memref<32x65536xf32, #tpu.memory_space<hbm>> -> memref<1x8192xf32, #tpu.memory_space<hbm>>
      %dma_start3A_47 = tpu.memref_squeeze %dma_start3A_46 : memref<1x8192xf32, #tpu.memory_space<hbm>> -> memref<8192xf32, #tpu.memory_space<hbm>>
      %dma_start3A_48 = arith.constant 57344 : i32
      %dma_start3A_49 = tpu.memref_slice %arg3[%add3A, %dma_start3A_48] : memref<32x65536xf32, #tpu.memory_space<hbm>> -> memref<1x8192xf32, #tpu.memory_space<hbm>>
      %dma_start3A_50 = tpu.memref_squeeze %dma_start3A_49 : memref<1x8192xf32, #tpu.memory_space<hbm>> -> memref<8192xf32, #tpu.memory_space<hbm>>
      tpu.enqueue_dma source(%dma_start3A_50 : memref<8192xf32, #tpu.memory_space<hbm>>) target(%arg15 : memref<8192xf32, #tpu.memory_space<vmem>>) target_semaphore(%run_scoped3A : memref<!tpu.dma_semaphore, #tpu.memory_space<semaphore_mem>>)
      %dma_wait3A = arith.constant 57344 : i32
      %dma_wait3A_51 = tpu.memref_slice %arg3[%add3A, %dma_wait3A] : memref<32x65536xf32, #tpu.memory_space<hbm>> -> memref<1x8192xf32, #tpu.memory_space<hbm>>
      %dma_wait3A_52 = tpu.memref_squeeze %dma_wait3A_51 : memref<1x8192xf32, #tpu.memory_space<hbm>> -> memref<8192xf32, #tpu.memory_space<hbm>>
      %dma_wait3A_53 = arith.constant 57344 : i32
      %dma_wait3A_54 = tpu.memref_slice %arg3[%add3A, %dma_wait3A_53] : memref<32x65536xf32, #tpu.memory_space<hbm>> -> memref<1x8192xf32, #tpu.memory_space<hbm>>
      %dma_wait3A_55 = tpu.memref_squeeze %dma_wait3A_54 : memref<1x8192xf32, #tpu.memory_space<hbm>> -> memref<8192xf32, #tpu.memory_space<hbm>>
      tpu.wait_dma2 semaphore(%run_scoped3A : memref<!tpu.dma_semaphore, #tpu.memory_space<semaphore_mem>>) src(%dma_wait3A_55 : memref<8192xf32, #tpu.memory_space<hbm>>) dst(%arg15 : memref<8192xf32, #tpu.memory_space<vmem>>)
      tpu.yield
    }) : () -> ()
    %scan3A_41 = arith.constant 0 : i32
    %scan3A_42 = arith.constant 512 : i32
    %scan3A_43 = arith.addi %scan3A_41, %scan3A_42 : i32
    %scan3A_44 = arith.constant 1 : i32
    scf.for %scan3A_46 = %scan3A_41 to %scan3A_43 step %scan3A_44  : i32 {
      %mul3A_47 = arith.constant 16 : i32
      %mul3A_48 = arith.muli %scan3A_46, %mul3A_47 : i32
      %get3A = arith.index_cast %mul3A_48 : i32 to index
      %get3A_49 = tpu.vector_load %arg13[%get3A] {strides = array<i32>} : memref<8192xi32, #tpu.memory_space<vmem>>, vector<16xi32>,
      %max3A = arith.constant 0 : i32
      %max3A_50 = vector.broadcast %max3A : i32 to vector<16xi32>
      %max3A_51 = arith.maxsi %get3A_49, %max3A_50 : vector<16xi32>
      %mul3A_52 = arith.constant 16 : i32
      %mul3A_53 = arith.muli %scan3A_46, %mul3A_52 : i32
      %add3A_54 = arith.constant 57344 : i32
      %add3A_55 = arith.addi %add3A_54, %mul3A_53 : i32
      %iota3A = tpu.iota {dimensions = array<i32: 0>} : vector<16xi32>
      %add3A_56 = vector.broadcast %add3A_55 : i32 to vector<16xi32>
      %add3A_57 = arith.addi %add3A_56, %iota3A : vector<16xi32>
      %shift_right_logical3A = arith.constant 5 : i32
      %shift_right_logical3A_58 = vector.broadcast %shift_right_logical3A : i32 to vector<16xi32>
      %shift_right_logical3A_59 = arith.shrui %add3A_57, %shift_right_logical3A_58 : vector<16xi32>
      %mul3A_60 = arith.constant 16 : i32
      %mul3A_61 = arith.muli %scan3A_46, %mul3A_60 : i32
      %get3A_62 = arith.index_cast %mul3A_61 : i32 to index
      %get3A_63 = tpu.vector_load %arg14[%get3A_62] {strides = array<i32>} : memref<8192xf32, #tpu.memory_space<vmem>>, vector<16xf32>,
      %mul3A_64 = arith.constant 16 : i32
      %mul3A_65 = arith.muli %scan3A_46, %mul3A_64 : i32
      %get3A_66 = arith.index_cast %mul3A_65 : i32 to index
      %get3A_67 = tpu.vector_load %arg15[%get3A_66] {strides = array<i32>} : memref<8192xf32, #tpu.memory_space<vmem>>, vector<16xf32>,
      tpu.vector_store_idx %arg11[%max3A_51], %get3A_63 {add = true} : memref<2048xf32, #tpu.memory_space<vmem>>[vector<16xi32>], vector<16xf32>,
      tpu.vector_store_idx %arg12[%max3A_51], %get3A_67 {add = true} : memref<2048xf32, #tpu.memory_space<vmem>>[vector<16xi32>], vector<16xf32>,
      tpu.vector_store_idx %arg9[%shift_right_logical3A_59], %get3A_63 {add = true} : memref<2048xf32, #tpu.memory_space<vmem>>[vector<16xi32>], vector<16xf32>,
      tpu.vector_store_idx %arg10[%shift_right_logical3A_59], %get3A_67 {add = true} : memref<2048xf32, #tpu.memory_space<vmem>>[vector<16xi32>], vector<16xf32>,
    }
    %scan3A_45 = arith.constant 512 : i32
    "tpu.region"() ({
      %run_scoped3A = tpu.sem_alloc : memref<!tpu.dma_semaphore, #tpu.memory_space<semaphore_mem>>
      %dma_start3A = arith.constant 0 : i32
      %dma_start3A_46 = tpu.memref_slice %arg5[%add3A, %dma_start3A] : memref<32x2048xf32, #tpu.memory_space<hbm>> -> memref<1x2048xf32, #tpu.memory_space<hbm>>
      %dma_start3A_47 = tpu.memref_squeeze %dma_start3A_46 : memref<1x2048xf32, #tpu.memory_space<hbm>> -> memref<2048xf32, #tpu.memory_space<hbm>>
      %dma_start3A_48 = arith.constant 0 : i32
      %dma_start3A_49 = tpu.memref_slice %arg5[%add3A, %dma_start3A_48] : memref<32x2048xf32, #tpu.memory_space<hbm>> -> memref<1x2048xf32, #tpu.memory_space<hbm>>
      %dma_start3A_50 = tpu.memref_squeeze %dma_start3A_49 : memref<1x2048xf32, #tpu.memory_space<hbm>> -> memref<2048xf32, #tpu.memory_space<hbm>>
      tpu.enqueue_dma source(%arg9 : memref<2048xf32, #tpu.memory_space<vmem>>) target(%dma_start3A_50 : memref<2048xf32, #tpu.memory_space<hbm>>) target_semaphore(%run_scoped3A : memref<!tpu.dma_semaphore, #tpu.memory_space<semaphore_mem>>)
      %dma_wait3A = arith.constant 0 : i32
      %dma_wait3A_51 = tpu.memref_slice %arg5[%add3A, %dma_wait3A] : memref<32x2048xf32, #tpu.memory_space<hbm>> -> memref<1x2048xf32, #tpu.memory_space<hbm>>
      %dma_wait3A_52 = tpu.memref_squeeze %dma_wait3A_51 : memref<1x2048xf32, #tpu.memory_space<hbm>> -> memref<2048xf32, #tpu.memory_space<hbm>>
      %dma_wait3A_53 = arith.constant 0 : i32
      %dma_wait3A_54 = tpu.memref_slice %arg5[%add3A, %dma_wait3A_53] : memref<32x2048xf32, #tpu.memory_space<hbm>> -> memref<1x2048xf32, #tpu.memory_space<hbm>>
      %dma_wait3A_55 = tpu.memref_squeeze %dma_wait3A_54 : memref<1x2048xf32, #tpu.memory_space<hbm>> -> memref<2048xf32, #tpu.memory_space<hbm>>
      tpu.wait_dma2 semaphore(%run_scoped3A : memref<!tpu.dma_semaphore, #tpu.memory_space<semaphore_mem>>) src(%arg9 : memref<2048xf32, #tpu.memory_space<vmem>>) dst(%dma_wait3A_55 : memref<2048xf32, #tpu.memory_space<hbm>>)
      tpu.yield
    }) : () -> ()
    "tpu.region"() ({
      %run_scoped3A = tpu.sem_alloc : memref<!tpu.dma_semaphore, #tpu.memory_space<semaphore_mem>>
      %dma_start3A = arith.constant 0 : i32
      %dma_start3A_46 = tpu.memref_slice %arg6[%add3A, %dma_start3A] : memref<32x2048xf32, #tpu.memory_space<hbm>> -> memref<1x2048xf32, #tpu.memory_space<hbm>>
      %dma_start3A_47 = tpu.memref_squeeze %dma_start3A_46 : memref<1x2048xf32, #tpu.memory_space<hbm>> -> memref<2048xf32, #tpu.memory_space<hbm>>
      %dma_start3A_48 = arith.constant 0 : i32
      %dma_start3A_49 = tpu.memref_slice %arg6[%add3A, %dma_start3A_48] : memref<32x2048xf32, #tpu.memory_space<hbm>> -> memref<1x2048xf32, #tpu.memory_space<hbm>>
      %dma_start3A_50 = tpu.memref_squeeze %dma_start3A_49 : memref<1x2048xf32, #tpu.memory_space<hbm>> -> memref<2048xf32, #tpu.memory_space<hbm>>
      tpu.enqueue_dma source(%arg10 : memref<2048xf32, #tpu.memory_space<vmem>>) target(%dma_start3A_50 : memref<2048xf32, #tpu.memory_space<hbm>>) target_semaphore(%run_scoped3A : memref<!tpu.dma_semaphore, #tpu.memory_space<semaphore_mem>>)
      %dma_wait3A = arith.constant 0 : i32
      %dma_wait3A_51 = tpu.memref_slice %arg6[%add3A, %dma_wait3A] : memref<32x2048xf32, #tpu.memory_space<hbm>> -> memref<1x2048xf32, #tpu.memory_space<hbm>>
      %dma_wait3A_52 = tpu.memref_squeeze %dma_wait3A_51 : memref<1x2048xf32, #tpu.memory_space<hbm>> -> memref<2048xf32, #tpu.memory_space<hbm>>
      %dma_wait3A_53 = arith.constant 0 : i32
      %dma_wait3A_54 = tpu.memref_slice %arg6[%add3A, %dma_wait3A_53] : memref<32x2048xf32, #tpu.memory_space<hbm>> -> memref<1x2048xf32, #tpu.memory_space<hbm>>
      %dma_wait3A_55 = tpu.memref_squeeze %dma_wait3A_54 : memref<1x2048xf32, #tpu.memory_space<hbm>> -> memref<2048xf32, #tpu.memory_space<hbm>>
      tpu.wait_dma2 semaphore(%run_scoped3A : memref<!tpu.dma_semaphore, #tpu.memory_space<semaphore_mem>>) src(%arg10 : memref<2048xf32, #tpu.memory_space<vmem>>) dst(%dma_wait3A_55 : memref<2048xf32, #tpu.memory_space<hbm>>)
      tpu.yield
    }) : () -> ()
    "tpu.region"() ({
      %run_scoped3A = tpu.sem_alloc : memref<!tpu.dma_semaphore, #tpu.memory_space<semaphore_mem>>
      %dma_start3A = arith.constant 0 : i32
      %dma_start3A_46 = tpu.memref_slice %arg7[%add3A, %dma_start3A] : memref<32x2048xf32, #tpu.memory_space<hbm>> -> memref<1x2048xf32, #tpu.memory_space<hbm>>
      %dma_start3A_47 = tpu.memref_squeeze %dma_start3A_46 : memref<1x2048xf32, #tpu.memory_space<hbm>> -> memref<2048xf32, #tpu.memory_space<hbm>>
      %dma_start3A_48 = arith.constant 0 : i32
      %dma_start3A_49 = tpu.memref_slice %arg7[%add3A, %dma_start3A_48] : memref<32x2048xf32, #tpu.memory_space<hbm>> -> memref<1x2048xf32, #tpu.memory_space<hbm>>
      %dma_start3A_50 = tpu.memref_squeeze %dma_start3A_49 : memref<1x2048xf32, #tpu.memory_space<hbm>> -> memref<2048xf32, #tpu.memory_space<hbm>>
      tpu.enqueue_dma source(%arg11 : memref<2048xf32, #tpu.memory_space<vmem>>) target(%dma_start3A_50 : memref<2048xf32, #tpu.memory_space<hbm>>) target_semaphore(%run_scoped3A : memref<!tpu.dma_semaphore, #tpu.memory_space<semaphore_mem>>)
      %dma_wait3A = arith.constant 0 : i32
      %dma_wait3A_51 = tpu.memref_slice %arg7[%add3A, %dma_wait3A] : memref<32x2048xf32, #tpu.memory_space<hbm>> -> memref<1x2048xf32, #tpu.memory_space<hbm>>
      %dma_wait3A_52 = tpu.memref_squeeze %dma_wait3A_51 : memref<1x2048xf32, #tpu.memory_space<hbm>> -> memref<2048xf32, #tpu.memory_space<hbm>>
      %dma_wait3A_53 = arith.constant 0 : i32
      %dma_wait3A_54 = tpu.memref_slice %arg7[%add3A, %dma_wait3A_53] : memref<32x2048xf32, #tpu.memory_space<hbm>> -> memref<1x2048xf32, #tpu.memory_space<hbm>>
      %dma_wait3A_55 = tpu.memref_squeeze %dma_wait3A_54 : memref<1x2048xf32, #tpu.memory_space<hbm>> -> memref<2048xf32, #tpu.memory_space<hbm>>
      tpu.wait_dma2 semaphore(%run_scoped3A : memref<!tpu.dma_semaphore, #tpu.memory_space<semaphore_mem>>) src(%arg11 : memref<2048xf32, #tpu.memory_space<vmem>>) dst(%dma_wait3A_55 : memref<2048xf32, #tpu.memory_space<hbm>>)
      tpu.yield
    }) : () -> ()
    "tpu.region"() ({
      %run_scoped3A = tpu.sem_alloc : memref<!tpu.dma_semaphore, #tpu.memory_space<semaphore_mem>>
      %dma_start3A = arith.constant 0 : i32
      %dma_start3A_46 = tpu.memref_slice %arg8[%add3A, %dma_start3A] : memref<32x2048xf32, #tpu.memory_space<hbm>> -> memref<1x2048xf32, #tpu.memory_space<hbm>>
      %dma_start3A_47 = tpu.memref_squeeze %dma_start3A_46 : memref<1x2048xf32, #tpu.memory_space<hbm>> -> memref<2048xf32, #tpu.memory_space<hbm>>
      %dma_start3A_48 = arith.constant 0 : i32
      %dma_start3A_49 = tpu.memref_slice %arg8[%add3A, %dma_start3A_48] : memref<32x2048xf32, #tpu.memory_space<hbm>> -> memref<1x2048xf32, #tpu.memory_space<hbm>>
      %dma_start3A_50 = tpu.memref_squeeze %dma_start3A_49 : memref<1x2048xf32, #tpu.memory_space<hbm>> -> memref<2048xf32, #tpu.memory_space<hbm>>
      tpu.enqueue_dma source(%arg12 : memref<2048xf32, #tpu.memory_space<vmem>>) target(%dma_start3A_50 : memref<2048xf32, #tpu.memory_space<hbm>>) target_semaphore(%run_scoped3A : memref<!tpu.dma_semaphore, #tpu.memory_space<semaphore_mem>>)
      %dma_wait3A = arith.constant 0 : i32
      %dma_wait3A_51 = tpu.memref_slice %arg8[%add3A, %dma_wait3A] : memref<32x2048xf32, #tpu.memory_space<hbm>> -> memref<1x2048xf32, #tpu.memory_space<hbm>>
      %dma_wait3A_52 = tpu.memref_squeeze %dma_wait3A_51 : memref<1x2048xf32, #tpu.memory_space<hbm>> -> memref<2048xf32, #tpu.memory_space<hbm>>
      %dma_wait3A_53 = arith.constant 0 : i32
      %dma_wait3A_54 = tpu.memref_slice %arg8[%add3A, %dma_wait3A_53] : memref<32x2048xf32, #tpu.memory_space<hbm>> -> memref<1x2048xf32, #tpu.memory_space<hbm>>
      %dma_wait3A_55 = tpu.memref_squeeze %dma_wait3A_54 : memref<1x2048xf32, #tpu.memory_space<hbm>> -> memref<2048xf32, #tpu.memory_space<hbm>>
      tpu.wait_dma2 semaphore(%run_scoped3A : memref<!tpu.dma_semaphore, #tpu.memory_space<semaphore_mem>>) src(%arg12 : memref<2048xf32, #tpu.memory_space<vmem>>) dst(%dma_wait3A_55 : memref<2048xf32, #tpu.memory_space<hbm>>)
      tpu.yield
    }) : () -> ()
    return
  }
}

module attributes {stable_mosaic.version = 14 : i64} {
  func.func @_tc_body(%arg0: i32, %arg1: i32, %arg2: memref<1x4096x1xf32, #tpu.memory_space<vmem>>, %arg3: memref<1x4096x1xf32, #tpu.memory_space<vmem>>, %arg4: memref<1x4096x1xi32, #tpu.memory_space<vmem>>, %arg5: memref<1x2xf32, #tpu.memory_space<vmem>>, %arg6: memref<2x4xf32, #tpu.memory_space<vmem>>, %arg7: memref<4x8xf32, #tpu.memory_space<vmem>>, %arg8: memref<8x16xf32, #tpu.memory_space<vmem>>, %arg9: memref<16x32xf32, #tpu.memory_space<vmem>>, %arg10: memref<2x2xf32, #tpu.memory_space<vmem>>, %arg11: memref<2x4xf32, #tpu.memory_space<vmem>>, %arg12: memref<4x8xf32, #tpu.memory_space<vmem>>, %arg13: memref<8x16xf32, #tpu.memory_space<vmem>>, %arg14: memref<16x32xf32, #tpu.memory_space<vmem>>, %arg15: memref<64x16xf32, #tpu.memory_space<vmem>>, %arg16: memref<16x8xf32, #tpu.memory_space<vmem>>, %arg17: memref<8x4xf32, #tpu.memory_space<vmem>>, %arg18: memref<4x2xf32, #tpu.memory_space<vmem>>, %arg19: memref<2x1xf32, #tpu.memory_space<vmem>>, %arg20: memref<1x1xf32, #tpu.memory_space<vmem>>, %arg21: memref<1x2xf32, #tpu.memory_space<vmem>>, %arg22: memref<1x4xf32, #tpu.memory_space<vmem>>, %arg23: memref<1x8xf32, #tpu.memory_space<vmem>>, %arg24: memref<1x16xf32, #tpu.memory_space<vmem>>, %arg25: memref<1x32xf32, #tpu.memory_space<vmem>>, %arg26: memref<1x2xf32, #tpu.memory_space<vmem>>, %arg27: memref<1x4xf32, #tpu.memory_space<vmem>>, %arg28: memref<1x8xf32, #tpu.memory_space<vmem>>, %arg29: memref<1x16xf32, #tpu.memory_space<vmem>>, %arg30: memref<1x32xf32, #tpu.memory_space<vmem>>, %arg31: memref<1x16xf32, #tpu.memory_space<vmem>>, %arg32: memref<1x8xf32, #tpu.memory_space<vmem>>, %arg33: memref<1x4xf32, #tpu.memory_space<vmem>>, %arg34: memref<1x2xf32, #tpu.memory_space<vmem>>, %arg35: memref<1x1xf32, #tpu.memory_space<vmem>>, %arg36: memref<1x1xf32, #tpu.memory_space<vmem>>, %arg37: memref<1x8x128xf32, #tpu.memory_space<vmem>>, %arg38: memref<1x4096x1xf32, #tpu.memory_space<vmem>>, %arg39: memref<1x4096x1xf32, #tpu.memory_space<vmem>>) attributes {dimension_semantics = [#tpu.dimension_semantics<arbitrary>, #tpu.dimension_semantics<arbitrary>], iteration_bounds = array<i64: 32, 16>, scalar_prefetch = 0 : i64, scratch_operands = 0 : i64, tpu.core_type = #tpu.core_type<tc>, window_params = [{transform_indices = @transform_0, window_bounds = array<i64: 1, 4096, 1>}, {transform_indices = @transform_1, window_bounds = array<i64: 1, 4096, 1>}, {transform_indices = @transform_2, window_bounds = array<i64: 1, 4096, 1>}, {pipeline_mode = #tpu.pipeline_mode<synchronous>, transform_indices = @transform_3, window_bounds = array<i64: 1, 2>}, {pipeline_mode = #tpu.pipeline_mode<synchronous>, transform_indices = @transform_4, window_bounds = array<i64: 2, 4>}, {pipeline_mode = #tpu.pipeline_mode<synchronous>, transform_indices = @transform_5, window_bounds = array<i64: 4, 8>}, {pipeline_mode = #tpu.pipeline_mode<synchronous>, transform_indices = @transform_6, window_bounds = array<i64: 8, 16>}, {pipeline_mode = #tpu.pipeline_mode<synchronous>, transform_indices = @transform_7, window_bounds = array<i64: 16, 32>}, {pipeline_mode = #tpu.pipeline_mode<synchronous>, transform_indices = @transform_8, window_bounds = array<i64: 2, 2>}, {pipeline_mode = #tpu.pipeline_mode<synchronous>, transform_indices = @transform_9, window_bounds = array<i64: 2, 4>}, {pipeline_mode = #tpu.pipeline_mode<synchronous>, transform_indices = @transform_10, window_bounds = array<i64: 4, 8>}, {pipeline_mode = #tpu.pipeline_mode<synchronous>, transform_indices = @transform_11, window_bounds = array<i64: 8, 16>}, {pipeline_mode = #tpu.pipeline_mode<synchronous>, transform_indices = @transform_12, window_bounds = array<i64: 16, 32>}, {pipeline_mode = #tpu.pipeline_mode<synchronous>, transform_indices = @transform_13, window_bounds = array<i64: 64, 16>}, {pipeline_mode = #tpu.pipeline_mode<synchronous>, transform_indices = @transform_14, window_bounds = array<i64: 16, 8>}, {pipeline_mode = #tpu.pipeline_mode<synchronous>, transform_indices = @transform_15, window_bounds = array<i64: 8, 4>}, {pipeline_mode = #tpu.pipeline_mode<synchronous>, transform_indices = @transform_16, window_bounds = array<i64: 4, 2>}, {pipeline_mode = #tpu.pipeline_mode<synchronous>, transform_indices = @transform_17, window_bounds = array<i64: 2, 1>}, {pipeline_mode = #tpu.pipeline_mode<synchronous>, transform_indices = @transform_18, window_bounds = array<i64: 1, 1>}, {pipeline_mode = #tpu.pipeline_mode<synchronous>, transform_indices = @transform_19, window_bounds = array<i64: 1, 2>}, {pipeline_mode = #tpu.pipeline_mode<synchronous>, transform_indices = @transform_20, window_bounds = array<i64: 1, 4>}, {pipeline_mode = #tpu.pipeline_mode<synchronous>, transform_indices = @transform_21, window_bounds = array<i64: 1, 8>}, {pipeline_mode = #tpu.pipeline_mode<synchronous>, transform_indices = @transform_22, window_bounds = array<i64: 1, 16>}, {pipeline_mode = #tpu.pipeline_mode<synchronous>, transform_indices = @transform_23, window_bounds = array<i64: 1, 32>}, {pipeline_mode = #tpu.pipeline_mode<synchronous>, transform_indices = @transform_24, window_bounds = array<i64: 1, 2>}, {pipeline_mode = #tpu.pipeline_mode<synchronous>, transform_indices = @transform_25, window_bounds = array<i64: 1, 4>}, {pipeline_mode = #tpu.pipeline_mode<synchronous>, transform_indices = @transform_26, window_bounds = array<i64: 1, 8>}, {pipeline_mode = #tpu.pipeline_mode<synchronous>, transform_indices = @transform_27, window_bounds = array<i64: 1, 16>}, {pipeline_mode = #tpu.pipeline_mode<synchronous>, transform_indices = @transform_28, window_bounds = array<i64: 1, 32>}, {pipeline_mode = #tpu.pipeline_mode<synchronous>, transform_indices = @transform_29, window_bounds = array<i64: 1, 16>}, {pipeline_mode = #tpu.pipeline_mode<synchronous>, transform_indices = @transform_30, window_bounds = array<i64: 1, 8>}, {pipeline_mode = #tpu.pipeline_mode<synchronous>, transform_indices = @transform_31, window_bounds = array<i64: 1, 4>}, {pipeline_mode = #tpu.pipeline_mode<synchronous>, transform_indices = @transform_32, window_bounds = array<i64: 1, 2>}, {pipeline_mode = #tpu.pipeline_mode<synchronous>, transform_indices = @transform_33, window_bounds = array<i64: 1, 1>}, {pipeline_mode = #tpu.pipeline_mode<synchronous>, transform_indices = @transform_34, window_bounds = array<i64: 1, 1>}, {transform_indices = @transform_35, window_bounds = array<i64: 1, 8, 128>}, {transform_indices = @transform_36, window_bounds = array<i64: 1, 4096, 1>}, {transform_indices = @transform_37, window_bounds = array<i64: 1, 4096, 1>}]} {
    %get3A = arith.constant 0 : index
    %get3A_0 = arith.constant 0 : index
    %get3A_1 = vector.load %arg5[%get3A, %get3A_0] : memref<1x2xf32, #tpu.memory_space<vmem>>, vector<1x2xf32>
    %get3A_2 = arith.constant 0 : index
    %get3A_3 = arith.constant 0 : index
    %get3A_4 = vector.load %arg6[%get3A_2, %get3A_3] : memref<2x4xf32, #tpu.memory_space<vmem>>, vector<2x4xf32>
    %get3A_5 = arith.constant 0 : index
    %get3A_6 = arith.constant 0 : index
    %get3A_7 = vector.load %arg7[%get3A_5, %get3A_6] : memref<4x8xf32, #tpu.memory_space<vmem>>, vector<4x8xf32>
    %get3A_8 = arith.constant 0 : index
    %get3A_9 = arith.constant 0 : index
    %get3A_10 = vector.load %arg8[%get3A_8, %get3A_9] : memref<8x16xf32, #tpu.memory_space<vmem>>, vector<8x16xf32>
    %get3A_11 = arith.constant 0 : index
    %get3A_12 = arith.constant 0 : index
    %get3A_13 = vector.load %arg9[%get3A_11, %get3A_12] : memref<16x32xf32, #tpu.memory_space<vmem>>, vector<16x32xf32>
    %get3A_14 = arith.constant 0 : index
    %get3A_15 = arith.constant 0 : index
    %get3A_16 = vector.load %arg21[%get3A_14, %get3A_15] : memref<1x2xf32, #tpu.memory_space<vmem>>, vector<1x2xf32>
    %get3A_17 = arith.constant 0 : index
    %get3A_18 = arith.constant 0 : index
    %get3A_19 = vector.load %arg22[%get3A_17, %get3A_18] : memref<1x4xf32, #tpu.memory_space<vmem>>, vector<1x4xf32>
    %get3A_20 = arith.constant 0 : index
    %get3A_21 = arith.constant 0 : index
    %get3A_22 = vector.load %arg23[%get3A_20, %get3A_21] : memref<1x8xf32, #tpu.memory_space<vmem>>, vector<1x8xf32>
    %get3A_23 = arith.constant 0 : index
    %get3A_24 = arith.constant 0 : index
    %get3A_25 = vector.load %arg24[%get3A_23, %get3A_24] : memref<1x16xf32, #tpu.memory_space<vmem>>, vector<1x16xf32>
    %get3A_26 = arith.constant 0 : index
    %get3A_27 = arith.constant 0 : index
    %get3A_28 = vector.load %arg25[%get3A_26, %get3A_27] : memref<1x32xf32, #tpu.memory_space<vmem>>, vector<1x32xf32>
    %get3A_29 = arith.constant 0 : index
    %get3A_30 = arith.constant 0 : index
    %get3A_31 = vector.load %arg10[%get3A_29, %get3A_30] : memref<2x2xf32, #tpu.memory_space<vmem>>, vector<2x2xf32>
    %get3A_32 = arith.constant 0 : index
    %get3A_33 = arith.constant 0 : index
    %get3A_34 = vector.load %arg11[%get3A_32, %get3A_33] : memref<2x4xf32, #tpu.memory_space<vmem>>, vector<2x4xf32>
    %get3A_35 = arith.constant 0 : index
    %get3A_36 = arith.constant 0 : index
    %get3A_37 = vector.load %arg12[%get3A_35, %get3A_36] : memref<4x8xf32, #tpu.memory_space<vmem>>, vector<4x8xf32>
    %get3A_38 = arith.constant 0 : index
    %get3A_39 = arith.constant 0 : index
    %get3A_40 = vector.load %arg13[%get3A_38, %get3A_39] : memref<8x16xf32, #tpu.memory_space<vmem>>, vector<8x16xf32>
    %get3A_41 = arith.constant 0 : index
    %get3A_42 = arith.constant 0 : index
    %get3A_43 = vector.load %arg14[%get3A_41, %get3A_42] : memref<16x32xf32, #tpu.memory_space<vmem>>, vector<16x32xf32>
    %get3A_44 = arith.constant 0 : index
    %get3A_45 = arith.constant 0 : index
    %get3A_46 = vector.load %arg26[%get3A_44, %get3A_45] : memref<1x2xf32, #tpu.memory_space<vmem>>, vector<1x2xf32>
    %get3A_47 = arith.constant 0 : index
    %get3A_48 = arith.constant 0 : index
    %get3A_49 = vector.load %arg27[%get3A_47, %get3A_48] : memref<1x4xf32, #tpu.memory_space<vmem>>, vector<1x4xf32>
    %get3A_50 = arith.constant 0 : index
    %get3A_51 = arith.constant 0 : index
    %get3A_52 = vector.load %arg28[%get3A_50, %get3A_51] : memref<1x8xf32, #tpu.memory_space<vmem>>, vector<1x8xf32>
    %get3A_53 = arith.constant 0 : index
    %get3A_54 = arith.constant 0 : index
    %get3A_55 = vector.load %arg29[%get3A_53, %get3A_54] : memref<1x16xf32, #tpu.memory_space<vmem>>, vector<1x16xf32>
    %get3A_56 = arith.constant 0 : index
    %get3A_57 = arith.constant 0 : index
    %get3A_58 = vector.load %arg30[%get3A_56, %get3A_57] : memref<1x32xf32, #tpu.memory_space<vmem>>, vector<1x32xf32>
    %get3A_59 = arith.constant 0 : index
    %get3A_60 = arith.constant 0 : index
    %get3A_61 = vector.load %arg15[%get3A_59, %get3A_60] : memref<64x16xf32, #tpu.memory_space<vmem>>, vector<64x16xf32>
    %get3A_62 = arith.constant 0 : index
    %get3A_63 = arith.constant 0 : index
    %get3A_64 = vector.load %arg16[%get3A_62, %get3A_63] : memref<16x8xf32, #tpu.memory_space<vmem>>, vector<16x8xf32>
    %get3A_65 = arith.constant 0 : index
    %get3A_66 = arith.constant 0 : index
    %get3A_67 = vector.load %arg17[%get3A_65, %get3A_66] : memref<8x4xf32, #tpu.memory_space<vmem>>, vector<8x4xf32>
    %get3A_68 = arith.constant 0 : index
    %get3A_69 = arith.constant 0 : index
    %get3A_70 = vector.load %arg18[%get3A_68, %get3A_69] : memref<4x2xf32, #tpu.memory_space<vmem>>, vector<4x2xf32>
    %get3A_71 = arith.constant 0 : index
    %get3A_72 = arith.constant 0 : index
    %get3A_73 = vector.load %arg19[%get3A_71, %get3A_72] : memref<2x1xf32, #tpu.memory_space<vmem>>, vector<2x1xf32>
    %get3A_74 = arith.constant 0 : index
    %get3A_75 = arith.constant 0 : index
    %get3A_76 = vector.load %arg31[%get3A_74, %get3A_75] : memref<1x16xf32, #tpu.memory_space<vmem>>, vector<1x16xf32>
    %get3A_77 = arith.constant 0 : index
    %get3A_78 = arith.constant 0 : index
    %get3A_79 = vector.load %arg32[%get3A_77, %get3A_78] : memref<1x8xf32, #tpu.memory_space<vmem>>, vector<1x8xf32>
    %get3A_80 = arith.constant 0 : index
    %get3A_81 = arith.constant 0 : index
    %get3A_82 = vector.load %arg33[%get3A_80, %get3A_81] : memref<1x4xf32, #tpu.memory_space<vmem>>, vector<1x4xf32>
    %get3A_83 = arith.constant 0 : index
    %get3A_84 = arith.constant 0 : index
    %get3A_85 = vector.load %arg34[%get3A_83, %get3A_84] : memref<1x2xf32, #tpu.memory_space<vmem>>, vector<1x2xf32>
    %get3A_86 = arith.constant 0 : index
    %get3A_87 = arith.constant 0 : index
    %get3A_88 = vector.load %arg35[%get3A_86, %get3A_87] : memref<1x1xf32, #tpu.memory_space<vmem>>, vector<1x1xf32>
    %get3A_89 = arith.constant 0 : index
    %get3A_90 = arith.constant 0 : index
    %get3A_91 = vector.load %arg20[%get3A_89, %get3A_90] : memref<1x1xf32, #tpu.memory_space<vmem>>, vector<1x1xf32>
    %get3A_92 = arith.constant 0 : index
    %get3A_93 = arith.constant 0 : index
    %get3A_94 = vector.load %arg36[%get3A_92, %get3A_93] : memref<1x1xf32, #tpu.memory_space<vmem>>, vector<1x1xf32>
    %get3A_95 = arith.constant 0 : index
    %get3A_96 = arith.constant 0 : index
    %get3A_97 = arith.constant 0 : index
    %get3A_98 = vector.load %arg2[%get3A_95, %get3A_96, %get3A_97] : memref<1x4096x1xf32, #tpu.memory_space<vmem>>, vector<1x4096x1xf32>
    %get3A_99 = vector.shape_cast %get3A_98 : vector<1x4096x1xf32> to vector<4096x1xf32>
    %get3A_100 = arith.constant 0 : index
    %get3A_101 = arith.constant 0 : index
    %get3A_102 = arith.constant 0 : index
    %get3A_103 = vector.load %arg3[%get3A_100, %get3A_101, %get3A_102] : memref<1x4096x1xf32, #tpu.memory_space<vmem>>, vector<1x4096x1xf32>
    %get3A_104 = vector.shape_cast %get3A_103 : vector<1x4096x1xf32> to vector<4096x1xf32>
    %get3A_105 = arith.constant 0 : index
    %get3A_106 = arith.constant 0 : index
    %get3A_107 = arith.constant 0 : index
    %get3A_108 = vector.load %arg4[%get3A_105, %get3A_106, %get3A_107] : memref<1x4096x1xi32, #tpu.memory_space<vmem>>, vector<1x4096x1xi32>
    %get3A_109 = vector.shape_cast %get3A_108 : vector<1x4096x1xi32> to vector<4096x1xi32>
    %mul3A = arith.constant 1.000000e+00 : f32
    %mul3A_110 = vector.broadcast %mul3A : f32 to vector<4096x1xf32>
    %mul3A_111 = arith.mulf %get3A_99, %mul3A_110 : vector<4096x1xf32>
    %round3A = math.roundeven %mul3A_111 : vector<4096x1xf32>
    %mul3A_112 = arith.constant 1.000000e+00 : f32
    %mul3A_113 = vector.broadcast %mul3A_112 : f32 to vector<4096x1xf32>
    %mul3A_114 = arith.mulf %mul3A_113, %round3A : vector<4096x1xf32>
    %sub3A = arith.subf %get3A_99, %mul3A_114 : vector<4096x1xf32>
    %mul3A_115 = arith.constant 1.000000e+00 : f32
    %mul3A_116 = vector.broadcast %mul3A_115 : f32 to vector<4096x1xf32>
    %mul3A_117 = arith.mulf %get3A_104, %mul3A_116 : vector<4096x1xf32>
    %round3A_118 = math.roundeven %mul3A_117 : vector<4096x1xf32>
    %mul3A_119 = arith.constant 1.000000e+00 : f32
    %mul3A_120 = vector.broadcast %mul3A_119 : f32 to vector<4096x1xf32>
    %mul3A_121 = arith.mulf %mul3A_120, %round3A_118 : vector<4096x1xf32>
    %sub3A_122 = arith.subf %get3A_104, %mul3A_121 : vector<4096x1xf32>
    %mul3A_123 = arith.mulf %sub3A, %sub3A : vector<4096x1xf32>
    %mul3A_124 = arith.mulf %sub3A_122, %sub3A_122 : vector<4096x1xf32>
    %add3A = arith.addf %mul3A_123, %mul3A_124 : vector<4096x1xf32>
    %ge3A = arith.constant 0 : i32
    %ge3A_125 = vector.broadcast %ge3A : i32 to vector<4096x1xi32>
    %ge3A_126 = arith.cmpi sge, %get3A_109, %ge3A_125 : vector<4096x1xi32>
    %gt3A = arith.constant 9.99999996E-13 : f32
    %gt3A_127 = vector.broadcast %gt3A : f32 to vector<4096x1xf32>
    %gt3A_128 = arith.cmpf ogt, %add3A, %gt3A_127 : vector<4096x1xf32>
    %and3A = arith.andi %ge3A_126, %gt3A_128 : vector<4096x1xi1>
    %jit3A = arith.constant 1.000000e+00 : f32
    %broadcast_in_dim3A = vector.broadcast %jit3A : f32 to vector<4096x1xf32>
    %select_n3A = arith.select %and3A, %add3A, %broadcast_in_dim3A : vector<4096x1xi1>, vector<4096x1xf32>
    %rsqrt3A = math.rsqrt %select_n3A : vector<4096x1xf32>
    %convert_element_type3A = arith.extui %and3A : vector<4096x1xi1> to vector<4096x1xi32>
    %convert_element_type3A_129 = arith.sitofp %convert_element_type3A : vector<4096x1xi32> to vector<4096x1xf32>
    %mul3A_130 = arith.mulf %rsqrt3A, %convert_element_type3A_129 : vector<4096x1xf32>
    %div3A = arith.divf %sub3A, %select_n3A : vector<4096x1xf32>
    %mul3A_131 = arith.mulf %div3A, %convert_element_type3A_129 : vector<4096x1xf32>
    %div3A_132 = arith.divf %sub3A_122, %select_n3A : vector<4096x1xf32>
    %mul3A_133 = arith.mulf %div3A_132, %convert_element_type3A_129 : vector<4096x1xf32>
    %mul3A_134 = vector.broadcast %mul3A_130 : vector<4096x1xf32> to vector<4096x2xf32>
    %mul3A_135 = vector.broadcast %get3A_1 : vector<1x2xf32> to vector<4096x2xf32>
    %mul3A_136 = arith.mulf %mul3A_134, %mul3A_135 : vector<4096x2xf32>
    %add3A_137 = vector.broadcast %get3A_16 : vector<1x2xf32> to vector<4096x2xf32>
    %add3A_138 = arith.addf %mul3A_136, %add3A_137 : vector<4096x2xf32>
    %tanh3A = math.tanh %add3A_138 : vector<4096x2xf32>
    %dot_general3A = arith.constant dense<0.000000e+00> : vector<4096x4xf32>
    %dot_general3A_139 = tpu.matmul %tanh3A, %get3A_4, %dot_general3A {dimension_numbers = #tpu.dot_dimension_numbers<[1], [0], [0], [1], [0, 0, 1, 1], [], []>, transpose_lhs_hint = false} : vector<4096x2xf32>, vector<2x4xf32>, vector<4096x4xf32> -> vector<4096x4xf32>
    %add3A_140 = vector.broadcast %get3A_19 : vector<1x4xf32> to vector<4096x4xf32>
    %add3A_141 = arith.addf %dot_general3A_139, %add3A_140 : vector<4096x4xf32>
    %tanh3A_142 = math.tanh %add3A_141 : vector<4096x4xf32>
    %concatenate3A = tpu.concatenate %tanh3A, %tanh3A in 1 : vector<4096x2xf32>, vector<4096x2xf32> -> vector<4096x4xf32>
    %add3A_143 = arith.addf %concatenate3A, %tanh3A_142 : vector<4096x4xf32>
    %dot_general3A_144 = arith.constant dense<0.000000e+00> : vector<4096x8xf32>
    %dot_general3A_145 = tpu.matmul %add3A_143, %get3A_7, %dot_general3A_144 {dimension_numbers = #tpu.dot_dimension_numbers<[1], [0], [0], [1], [0, 0, 1, 1], [], []>, transpose_lhs_hint = false} : vector<4096x4xf32>, vector<4x8xf32>, vector<4096x8xf32> -> vector<4096x8xf32>
    %add3A_146 = vector.broadcast %get3A_22 : vector<1x8xf32> to vector<4096x8xf32>
    %add3A_147 = arith.addf %dot_general3A_145, %add3A_146 : vector<4096x8xf32>
    %tanh3A_148 = math.tanh %add3A_147 : vector<4096x8xf32>
    %concatenate3A_149 = tpu.concatenate %add3A_143, %add3A_143 in 1 : vector<4096x4xf32>, vector<4096x4xf32> -> vector<4096x8xf32>
    %add3A_150 = arith.addf %concatenate3A_149, %tanh3A_148 : vector<4096x8xf32>
    %dot_general3A_151 = arith.constant dense<0.000000e+00> : vector<4096x16xf32>
    %dot_general3A_152 = tpu.matmul %add3A_150, %get3A_10, %dot_general3A_151 {dimension_numbers = #tpu.dot_dimension_numbers<[1], [0], [0], [1], [0, 0, 1, 1], [], []>, transpose_lhs_hint = false} : vector<4096x8xf32>, vector<8x16xf32>, vector<4096x16xf32> -> vector<4096x16xf32>
    %add3A_153 = vector.broadcast %get3A_25 : vector<1x16xf32> to vector<4096x16xf32>
    %add3A_154 = arith.addf %dot_general3A_152, %add3A_153 : vector<4096x16xf32>
    %tanh3A_155 = math.tanh %add3A_154 : vector<4096x16xf32>
    %concatenate3A_156 = tpu.concatenate %add3A_150, %add3A_150 in 1 : vector<4096x8xf32>, vector<4096x8xf32> -> vector<4096x16xf32>
    %add3A_157 = arith.addf %concatenate3A_156, %tanh3A_155 : vector<4096x16xf32>
    %dot_general3A_158 = arith.constant dense<0.000000e+00> : vector<4096x32xf32>
    %dot_general3A_159 = tpu.matmul %add3A_157, %get3A_13, %dot_general3A_158 {dimension_numbers = #tpu.dot_dimension_numbers<[1], [0], [0], [1], [0, 0, 1, 1], [], []>, transpose_lhs_hint = false} : vector<4096x16xf32>, vector<16x32xf32>, vector<4096x32xf32> -> vector<4096x32xf32>
    %add3A_160 = vector.broadcast %get3A_28 : vector<1x32xf32> to vector<4096x32xf32>
    %add3A_161 = arith.addf %dot_general3A_159, %add3A_160 : vector<4096x32xf32>
    %tanh3A_162 = math.tanh %add3A_161 : vector<4096x32xf32>
    %concatenate3A_163 = tpu.concatenate %add3A_157, %add3A_157 in 1 : vector<4096x16xf32>, vector<4096x16xf32> -> vector<4096x32xf32>
    %add3A_164 = arith.addf %concatenate3A_163, %tanh3A_162 : vector<4096x32xf32>
    %concatenate3A_165 = tpu.concatenate %mul3A_131, %mul3A_133 in 1 : vector<4096x1xf32>, vector<4096x1xf32> -> vector<4096x2xf32>
    %dot_general3A_166 = arith.constant dense<0.000000e+00> : vector<4096x2xf32>
    %dot_general3A_167 = tpu.matmul %concatenate3A_165, %get3A_31, %dot_general3A_166 {dimension_numbers = #tpu.dot_dimension_numbers<[1], [0], [0], [1], [0, 0, 1, 1], [], []>, transpose_lhs_hint = false} : vector<4096x2xf32>, vector<2x2xf32>, vector<4096x2xf32> -> vector<4096x2xf32>
    %add3A_168 = vector.broadcast %get3A_46 : vector<1x2xf32> to vector<4096x2xf32>
    %add3A_169 = arith.addf %dot_general3A_167, %add3A_168 : vector<4096x2xf32>
    %tanh3A_170 = math.tanh %add3A_169 : vector<4096x2xf32>
    %dot_general3A_171 = arith.constant dense<0.000000e+00> : vector<4096x4xf32>
    %dot_general3A_172 = tpu.matmul %tanh3A_170, %get3A_34, %dot_general3A_171 {dimension_numbers = #tpu.dot_dimension_numbers<[1], [0], [0], [1], [0, 0, 1, 1], [], []>, transpose_lhs_hint = false} : vector<4096x2xf32>, vector<2x4xf32>, vector<4096x4xf32> -> vector<4096x4xf32>
    %add3A_173 = vector.broadcast %get3A_49 : vector<1x4xf32> to vector<4096x4xf32>
    %add3A_174 = arith.addf %dot_general3A_172, %add3A_173 : vector<4096x4xf32>
    %tanh3A_175 = math.tanh %add3A_174 : vector<4096x4xf32>
    %concatenate3A_176 = tpu.concatenate %tanh3A_170, %tanh3A_170 in 1 : vector<4096x2xf32>, vector<4096x2xf32> -> vector<4096x4xf32>
    %add3A_177 = arith.addf %concatenate3A_176, %tanh3A_175 : vector<4096x4xf32>
    %dot_general3A_178 = arith.constant dense<0.000000e+00> : vector<4096x8xf32>
    %dot_general3A_179 = tpu.matmul %add3A_177, %get3A_37, %dot_general3A_178 {dimension_numbers = #tpu.dot_dimension_numbers<[1], [0], [0], [1], [0, 0, 1, 1], [], []>, transpose_lhs_hint = false} : vector<4096x4xf32>, vector<4x8xf32>, vector<4096x8xf32> -> vector<4096x8xf32>
    %add3A_180 = vector.broadcast %get3A_52 : vector<1x8xf32> to vector<4096x8xf32>
    %add3A_181 = arith.addf %dot_general3A_179, %add3A_180 : vector<4096x8xf32>
    %tanh3A_182 = math.tanh %add3A_181 : vector<4096x8xf32>
    %concatenate3A_183 = tpu.concatenate %add3A_177, %add3A_177 in 1 : vector<4096x4xf32>, vector<4096x4xf32> -> vector<4096x8xf32>
    %add3A_184 = arith.addf %concatenate3A_183, %tanh3A_182 : vector<4096x8xf32>
    %dot_general3A_185 = arith.constant dense<0.000000e+00> : vector<4096x16xf32>
    %dot_general3A_186 = tpu.matmul %add3A_184, %get3A_40, %dot_general3A_185 {dimension_numbers = #tpu.dot_dimension_numbers<[1], [0], [0], [1], [0, 0, 1, 1], [], []>, transpose_lhs_hint = false} : vector<4096x8xf32>, vector<8x16xf32>, vector<4096x16xf32> -> vector<4096x16xf32>
    %add3A_187 = vector.broadcast %get3A_55 : vector<1x16xf32> to vector<4096x16xf32>
    %add3A_188 = arith.addf %dot_general3A_186, %add3A_187 : vector<4096x16xf32>
    %tanh3A_189 = math.tanh %add3A_188 : vector<4096x16xf32>
    %concatenate3A_190 = tpu.concatenate %add3A_184, %add3A_184 in 1 : vector<4096x8xf32>, vector<4096x8xf32> -> vector<4096x16xf32>
    %add3A_191 = arith.addf %concatenate3A_190, %tanh3A_189 : vector<4096x16xf32>
    %dot_general3A_192 = arith.constant dense<0.000000e+00> : vector<4096x32xf32>
    %dot_general3A_193 = tpu.matmul %add3A_191, %get3A_43, %dot_general3A_192 {dimension_numbers = #tpu.dot_dimension_numbers<[1], [0], [0], [1], [0, 0, 1, 1], [], []>, transpose_lhs_hint = false} : vector<4096x16xf32>, vector<16x32xf32>, vector<4096x32xf32> -> vector<4096x32xf32>
    %add3A_194 = vector.broadcast %get3A_58 : vector<1x32xf32> to vector<4096x32xf32>
    %add3A_195 = arith.addf %dot_general3A_193, %add3A_194 : vector<4096x32xf32>
    %tanh3A_196 = math.tanh %add3A_195 : vector<4096x32xf32>
    %concatenate3A_197 = tpu.concatenate %add3A_191, %add3A_191 in 1 : vector<4096x16xf32>, vector<4096x16xf32> -> vector<4096x32xf32>
    %add3A_198 = arith.addf %concatenate3A_197, %tanh3A_196 : vector<4096x32xf32>
    %mul3A_199 = vector.broadcast %mul3A_130 : vector<4096x1xf32> to vector<4096x32xf32>
    %mul3A_200 = arith.mulf %add3A_164, %mul3A_199 : vector<4096x32xf32>
    %mul3A_201 = vector.broadcast %mul3A_130 : vector<4096x1xf32> to vector<4096x32xf32>
    %mul3A_202 = arith.mulf %add3A_198, %mul3A_201 : vector<4096x32xf32>
    %concatenate3A_203 = tpu.concatenate %mul3A_200, %mul3A_202 in 1 : vector<4096x32xf32>, vector<4096x32xf32> -> vector<4096x64xf32>
    %reshape3A = vector.shape_cast %concatenate3A_203 : vector<4096x64xf32> to vector<128x32x64xf32>
    %reduce_sum3A = arith.constant dense<0.000000e+00> : vector<128x64xf32>
    %reduce_sum3A_204 = vector.multi_reduction <add>, %reshape3A, %reduce_sum3A [1] : vector<128x32x64xf32> to vector<128x64xf32>
    %dot_general3A_205 = arith.constant dense<0.000000e+00> : vector<128x16xf32>
    %dot_general3A_206 = tpu.matmul %reduce_sum3A_204, %get3A_61, %dot_general3A_205 {dimension_numbers = #tpu.dot_dimension_numbers<[1], [0], [0], [1], [0, 0, 1, 1], [], []>, transpose_lhs_hint = false} : vector<128x64xf32>, vector<64x16xf32>, vector<128x16xf32> -> vector<128x16xf32>
    %add3A_207 = vector.broadcast %get3A_76 : vector<1x16xf32> to vector<128x16xf32>
    %add3A_208 = arith.addf %dot_general3A_206, %add3A_207 : vector<128x16xf32>
    %tanh3A_209 = math.tanh %add3A_208 : vector<128x16xf32>
    %dot_general3A_210 = arith.constant dense<0.000000e+00> : vector<128x8xf32>
    %dot_general3A_211 = tpu.matmul %tanh3A_209, %get3A_64, %dot_general3A_210 {dimension_numbers = #tpu.dot_dimension_numbers<[1], [0], [0], [1], [0, 0, 1, 1], [], []>, transpose_lhs_hint = false} : vector<128x16xf32>, vector<16x8xf32>, vector<128x8xf32> -> vector<128x8xf32>
    %add3A_212 = vector.broadcast %get3A_79 : vector<1x8xf32> to vector<128x8xf32>
    %add3A_213 = arith.addf %dot_general3A_211, %add3A_212 : vector<128x8xf32>
    %tanh3A_214 = math.tanh %add3A_213 : vector<128x8xf32>
    %dot_general3A_215 = arith.constant dense<0.000000e+00> : vector<128x4xf32>
    %dot_general3A_216 = tpu.matmul %tanh3A_214, %get3A_67, %dot_general3A_215 {dimension_numbers = #tpu.dot_dimension_numbers<[1], [0], [0], [1], [0, 0, 1, 1], [], []>, transpose_lhs_hint = false} : vector<128x8xf32>, vector<8x4xf32>, vector<128x4xf32> -> vector<128x4xf32>
    %add3A_217 = vector.broadcast %get3A_82 : vector<1x4xf32> to vector<128x4xf32>
    %add3A_218 = arith.addf %dot_general3A_216, %add3A_217 : vector<128x4xf32>
    %tanh3A_219 = math.tanh %add3A_218 : vector<128x4xf32>
    %dot_general3A_220 = arith.constant dense<0.000000e+00> : vector<128x2xf32>
    %dot_general3A_221 = tpu.matmul %tanh3A_219, %get3A_70, %dot_general3A_220 {dimension_numbers = #tpu.dot_dimension_numbers<[1], [0], [0], [1], [0, 0, 1, 1], [], []>, transpose_lhs_hint = false} : vector<128x4xf32>, vector<4x2xf32>, vector<128x2xf32> -> vector<128x2xf32>
    %add3A_222 = vector.broadcast %get3A_85 : vector<1x2xf32> to vector<128x2xf32>
    %add3A_223 = arith.addf %dot_general3A_221, %add3A_222 : vector<128x2xf32>
    %tanh3A_224 = math.tanh %add3A_223 : vector<128x2xf32>
    %dot_general3A_225 = arith.constant dense<0.000000e+00> : vector<128x1xf32>
    %dot_general3A_226 = tpu.matmul %tanh3A_224, %get3A_73, %dot_general3A_225 {dimension_numbers = #tpu.dot_dimension_numbers<[1], [0], [0], [1], [0, 0, 1, 1], [], []>, transpose_lhs_hint = false} : vector<128x2xf32>, vector<2x1xf32>, vector<128x1xf32> -> vector<128x1xf32>
    %add3A_227 = vector.broadcast %get3A_88 : vector<1x1xf32> to vector<128x1xf32>
    %add3A_228 = arith.addf %dot_general3A_226, %add3A_227 : vector<128x1xf32>
    %tanh3A_229 = math.tanh %add3A_228 : vector<128x1xf32>
    %mul3A_230 = vector.broadcast %get3A_91 : vector<1x1xf32> to vector<128x1xf32>
    %mul3A_231 = arith.mulf %tanh3A_229, %mul3A_230 : vector<128x1xf32>
    %add3A_232 = vector.broadcast %get3A_94 : vector<1x1xf32> to vector<128x1xf32>
    %add3A_233 = arith.addf %mul3A_231, %add3A_232 : vector<128x1xf32>
    %transpose3A = tpu.transpose %get3A_91, [1, 0] : vector<1x1xf32> -> vector<1x1xf32>
    %broadcast_in_dim3A_234 = vector.shape_cast %transpose3A : vector<1x1xf32> to vector<1x1xf32>
    %broadcast_in_dim3A_235 = vector.broadcast %broadcast_in_dim3A_234 : vector<1x1xf32> to vector<128x1xf32>
    %mul3A_236 = arith.mulf %tanh3A_229, %tanh3A_229 : vector<128x1xf32>
    %sub3A_237 = arith.constant 1.000000e+00 : f32
    %sub3A_238 = vector.broadcast %sub3A_237 : f32 to vector<128x1xf32>
    %sub3A_239 = arith.subf %sub3A_238, %mul3A_236 : vector<128x1xf32>
    %mul3A_240 = arith.mulf %broadcast_in_dim3A_235, %sub3A_239 : vector<128x1xf32>
    %transpose3A_241 = tpu.transpose %get3A_73, [1, 0] : vector<2x1xf32> -> vector<1x2xf32>
    %mul3A_242 = vector.broadcast %mul3A_240 : vector<128x1xf32> to vector<128x2xf32>
    %mul3A_243 = vector.broadcast %transpose3A_241 : vector<1x2xf32> to vector<128x2xf32>
    %mul3A_244 = arith.mulf %mul3A_242, %mul3A_243 : vector<128x2xf32>
    %mul3A_245 = arith.mulf %tanh3A_224, %tanh3A_224 : vector<128x2xf32>
    %sub3A_246 = arith.constant 1.000000e+00 : f32
    %sub3A_247 = vector.broadcast %sub3A_246 : f32 to vector<128x2xf32>
    %sub3A_248 = arith.subf %sub3A_247, %mul3A_245 : vector<128x2xf32>
    %mul3A_249 = arith.mulf %mul3A_244, %sub3A_248 : vector<128x2xf32>
    %transpose3A_250 = tpu.transpose %get3A_70, [1, 0] : vector<4x2xf32> -> vector<2x4xf32>
    %dot_general3A_251 = arith.constant dense<0.000000e+00> : vector<128x4xf32>
    %dot_general3A_252 = tpu.matmul %mul3A_249, %transpose3A_250, %dot_general3A_251 {dimension_numbers = #tpu.dot_dimension_numbers<[1], [0], [0], [1], [0, 0, 1, 1], [], []>, transpose_lhs_hint = false} : vector<128x2xf32>, vector<2x4xf32>, vector<128x4xf32> -> vector<128x4xf32>
    %mul3A_253 = arith.mulf %tanh3A_219, %tanh3A_219 : vector<128x4xf32>
    %sub3A_254 = arith.constant 1.000000e+00 : f32
    %sub3A_255 = vector.broadcast %sub3A_254 : f32 to vector<128x4xf32>
    %sub3A_256 = arith.subf %sub3A_255, %mul3A_253 : vector<128x4xf32>
    %mul3A_257 = arith.mulf %dot_general3A_252, %sub3A_256 : vector<128x4xf32>
    %transpose3A_258 = tpu.transpose %get3A_67, [1, 0] : vector<8x4xf32> -> vector<4x8xf32>
    %dot_general3A_259 = arith.constant dense<0.000000e+00> : vector<128x8xf32>
    %dot_general3A_260 = tpu.matmul %mul3A_257, %transpose3A_258, %dot_general3A_259 {dimension_numbers = #tpu.dot_dimension_numbers<[1], [0], [0], [1], [0, 0, 1, 1], [], []>, transpose_lhs_hint = false} : vector<128x4xf32>, vector<4x8xf32>, vector<128x8xf32> -> vector<128x8xf32>
    %mul3A_261 = arith.mulf %tanh3A_214, %tanh3A_214 : vector<128x8xf32>
    %sub3A_262 = arith.constant 1.000000e+00 : f32
    %sub3A_263 = vector.broadcast %sub3A_262 : f32 to vector<128x8xf32>
    %sub3A_264 = arith.subf %sub3A_263, %mul3A_261 : vector<128x8xf32>
    %mul3A_265 = arith.mulf %dot_general3A_260, %sub3A_264 : vector<128x8xf32>
    %transpose3A_266 = tpu.transpose %get3A_64, [1, 0] : vector<16x8xf32> -> vector<8x16xf32>
    %dot_general3A_267 = arith.constant dense<0.000000e+00> : vector<128x16xf32>
    %dot_general3A_268 = tpu.matmul %mul3A_265, %transpose3A_266, %dot_general3A_267 {dimension_numbers = #tpu.dot_dimension_numbers<[1], [0], [0], [1], [0, 0, 1, 1], [], []>, transpose_lhs_hint = false} : vector<128x8xf32>, vector<8x16xf32>, vector<128x16xf32> -> vector<128x16xf32>
    %mul3A_269 = arith.mulf %tanh3A_209, %tanh3A_209 : vector<128x16xf32>
    %sub3A_270 = arith.constant 1.000000e+00 : f32
    %sub3A_271 = vector.broadcast %sub3A_270 : f32 to vector<128x16xf32>
    %sub3A_272 = arith.subf %sub3A_271, %mul3A_269 : vector<128x16xf32>
    %mul3A_273 = arith.mulf %dot_general3A_268, %sub3A_272 : vector<128x16xf32>
    %transpose3A_274 = tpu.transpose %get3A_61, [1, 0] : vector<64x16xf32> -> vector<16x64xf32>
    %dot_general3A_275 = arith.constant dense<0.000000e+00> : vector<128x64xf32>
    %dot_general3A_276 = tpu.matmul %mul3A_273, %transpose3A_274, %dot_general3A_275 {dimension_numbers = #tpu.dot_dimension_numbers<[1], [0], [0], [1], [0, 0, 1, 1], [], []>, transpose_lhs_hint = false} : vector<128x16xf32>, vector<16x64xf32>, vector<128x64xf32> -> vector<128x64xf32>
    %reshape3A_277 = vector.shape_cast %dot_general3A_276 : vector<128x64xf32> to vector<128x1x64xf32>
    %broadcast_in_dim3A_278 = vector.shape_cast %reshape3A_277 : vector<128x1x64xf32> to vector<128x1x64xf32>
    %broadcast_in_dim3A_279 = vector.broadcast %broadcast_in_dim3A_278 : vector<128x1x64xf32> to vector<128x32x64xf32>
    %reshape3A_280 = vector.shape_cast %broadcast_in_dim3A_279 : vector<128x32x64xf32> to vector<4096x64xf32>
    %slice3A = vector.extract_strided_slice %reshape3A_280 {offsets = [0, 0], sizes = [4096, 32], strides = [1, 1]} : vector<4096x64xf32> to vector<4096x32xf32>
    %slice3A_281 = vector.extract_strided_slice %reshape3A_280 {offsets = [0, 32], sizes = [4096, 32], strides = [1, 1]} : vector<4096x64xf32> to vector<4096x32xf32>
    %mul3A_282 = arith.mulf %slice3A, %add3A_164 : vector<4096x32xf32>
    %reduce_sum3A_283 = arith.constant dense<0.000000e+00> : vector<4096xf32>
    %reduce_sum3A_284 = vector.multi_reduction <add>, %mul3A_282, %reduce_sum3A_283 [1] : vector<4096x32xf32> to vector<4096xf32>
    %broadcast_in_dim3A_285 = vector.shape_cast %reduce_sum3A_284 : vector<4096xf32> to vector<4096x1xf32>
    %mul3A_286 = arith.mulf %slice3A_281, %add3A_198 : vector<4096x32xf32>
    %reduce_sum3A_287 = arith.constant dense<0.000000e+00> : vector<4096xf32>
    %reduce_sum3A_288 = vector.multi_reduction <add>, %mul3A_286, %reduce_sum3A_287 [1] : vector<4096x32xf32> to vector<4096xf32>
    %broadcast_in_dim3A_289 = vector.shape_cast %reduce_sum3A_288 : vector<4096xf32> to vector<4096x1xf32>
    %add3A_290 = arith.addf %broadcast_in_dim3A_285, %broadcast_in_dim3A_289 : vector<4096x1xf32>
    %mul3A_291 = vector.broadcast %mul3A_130 : vector<4096x1xf32> to vector<4096x32xf32>
    %mul3A_292 = arith.mulf %slice3A, %mul3A_291 : vector<4096x32xf32>
    %mul3A_293 = vector.broadcast %mul3A_130 : vector<4096x1xf32> to vector<4096x32xf32>
    %mul3A_294 = arith.mulf %slice3A_281, %mul3A_293 : vector<4096x32xf32>
    %mul3A_295 = arith.mulf %tanh3A_162, %tanh3A_162 : vector<4096x32xf32>
    %sub3A_296 = arith.constant 1.000000e+00 : f32
    %sub3A_297 = vector.broadcast %sub3A_296 : f32 to vector<4096x32xf32>
    %sub3A_298 = arith.subf %sub3A_297, %mul3A_295 : vector<4096x32xf32>
    %mul3A_299 = arith.mulf %mul3A_292, %sub3A_298 : vector<4096x32xf32>
    %transpose3A_300 = tpu.transpose %get3A_13, [1, 0] : vector<16x32xf32> -> vector<32x16xf32>
    %dot_general3A_301 = arith.constant dense<0.000000e+00> : vector<4096x16xf32>
    %dot_general3A_302 = tpu.matmul %mul3A_299, %transpose3A_300, %dot_general3A_301 {dimension_numbers = #tpu.dot_dimension_numbers<[1], [0], [0], [1], [0, 0, 1, 1], [], []>, transpose_lhs_hint = false} : vector<4096x32xf32>, vector<32x16xf32>, vector<4096x16xf32> -> vector<4096x16xf32>
    %slice3A_303 = vector.extract_strided_slice %mul3A_292 {offsets = [0, 0], sizes = [4096, 16], strides = [1, 1]} : vector<4096x32xf32> to vector<4096x16xf32>
    %slice3A_304 = vector.extract_strided_slice %mul3A_292 {offsets = [0, 16], sizes = [4096, 16], strides = [1, 1]} : vector<4096x32xf32> to vector<4096x16xf32>
    %add3A_305 = arith.addf %slice3A_303, %slice3A_304 : vector<4096x16xf32>
    %add3A_306 = arith.addf %add3A_305, %dot_general3A_302 : vector<4096x16xf32>
    %mul3A_307 = arith.mulf %tanh3A_155, %tanh3A_155 : vector<4096x16xf32>
    %sub3A_308 = arith.constant 1.000000e+00 : f32
    %sub3A_309 = vector.broadcast %sub3A_308 : f32 to vector<4096x16xf32>
    %sub3A_310 = arith.subf %sub3A_309, %mul3A_307 : vector<4096x16xf32>
    %mul3A_311 = arith.mulf %add3A_306, %sub3A_310 : vector<4096x16xf32>
    %transpose3A_312 = tpu.transpose %get3A_10, [1, 0] : vector<8x16xf32> -> vector<16x8xf32>
    %dot_general3A_313 = arith.constant dense<0.000000e+00> : vector<4096x8xf32>
    %dot_general3A_314 = tpu.matmul %mul3A_311, %transpose3A_312, %dot_general3A_313 {dimension_numbers = #tpu.dot_dimension_numbers<[1], [0], [0], [1], [0, 0, 1, 1], [], []>, transpose_lhs_hint = false} : vector<4096x16xf32>, vector<16x8xf32>, vector<4096x8xf32> -> vector<4096x8xf32>
    %slice3A_315 = vector.extract_strided_slice %add3A_306 {offsets = [0, 0], sizes = [4096, 8], strides = [1, 1]} : vector<4096x16xf32> to vector<4096x8xf32>
    %slice3A_316 = vector.extract_strided_slice %add3A_306 {offsets = [0, 8], sizes = [4096, 8], strides = [1, 1]} : vector<4096x16xf32> to vector<4096x8xf32>
    %add3A_317 = arith.addf %slice3A_315, %slice3A_316 : vector<4096x8xf32>
    %add3A_318 = arith.addf %add3A_317, %dot_general3A_314 : vector<4096x8xf32>
    %mul3A_319 = arith.mulf %tanh3A_148, %tanh3A_148 : vector<4096x8xf32>
    %sub3A_320 = arith.constant 1.000000e+00 : f32
    %sub3A_321 = vector.broadcast %sub3A_320 : f32 to vector<4096x8xf32>
    %sub3A_322 = arith.subf %sub3A_321, %mul3A_319 : vector<4096x8xf32>
    %mul3A_323 = arith.mulf %add3A_318, %sub3A_322 : vector<4096x8xf32>
    %transpose3A_324 = tpu.transpose %get3A_7, [1, 0] : vector<4x8xf32> -> vector<8x4xf32>
    %dot_general3A_325 = arith.constant dense<0.000000e+00> : vector<4096x4xf32>
    %dot_general3A_326 = tpu.matmul %mul3A_323, %transpose3A_324, %dot_general3A_325 {dimension_numbers = #tpu.dot_dimension_numbers<[1], [0], [0], [1], [0, 0, 1, 1], [], []>, transpose_lhs_hint = false} : vector<4096x8xf32>, vector<8x4xf32>, vector<4096x4xf32> -> vector<4096x4xf32>
    %slice3A_327 = vector.extract_strided_slice %add3A_318 {offsets = [0, 0], sizes = [4096, 4], strides = [1, 1]} : vector<4096x8xf32> to vector<4096x4xf32>
    %slice3A_328 = vector.extract_strided_slice %add3A_318 {offsets = [0, 4], sizes = [4096, 4], strides = [1, 1]} : vector<4096x8xf32> to vector<4096x4xf32>
    %add3A_329 = arith.addf %slice3A_327, %slice3A_328 : vector<4096x4xf32>
    %add3A_330 = arith.addf %add3A_329, %dot_general3A_326 : vector<4096x4xf32>
    %mul3A_331 = arith.mulf %tanh3A_142, %tanh3A_142 : vector<4096x4xf32>
    %sub3A_332 = arith.constant 1.000000e+00 : f32
    %sub3A_333 = vector.broadcast %sub3A_332 : f32 to vector<4096x4xf32>
    %sub3A_334 = arith.subf %sub3A_333, %mul3A_331 : vector<4096x4xf32>
    %mul3A_335 = arith.mulf %add3A_330, %sub3A_334 : vector<4096x4xf32>
    %transpose3A_336 = tpu.transpose %get3A_4, [1, 0] : vector<2x4xf32> -> vector<4x2xf32>
    %dot_general3A_337 = arith.constant dense<0.000000e+00> : vector<4096x2xf32>
    %dot_general3A_338 = tpu.matmul %mul3A_335, %transpose3A_336, %dot_general3A_337 {dimension_numbers = #tpu.dot_dimension_numbers<[1], [0], [0], [1], [0, 0, 1, 1], [], []>, transpose_lhs_hint = false} : vector<4096x4xf32>, vector<4x2xf32>, vector<4096x2xf32> -> vector<4096x2xf32>
    %slice3A_339 = vector.extract_strided_slice %add3A_330 {offsets = [0, 0], sizes = [4096, 2], strides = [1, 1]} : vector<4096x4xf32> to vector<4096x2xf32>
    %slice3A_340 = vector.extract_strided_slice %add3A_330 {offsets = [0, 2], sizes = [4096, 2], strides = [1, 1]} : vector<4096x4xf32> to vector<4096x2xf32>
    %add3A_341 = arith.addf %slice3A_339, %slice3A_340 : vector<4096x2xf32>
    %add3A_342 = arith.addf %add3A_341, %dot_general3A_338 : vector<4096x2xf32>
    %mul3A_343 = arith.mulf %tanh3A, %tanh3A : vector<4096x2xf32>
    %sub3A_344 = arith.constant 1.000000e+00 : f32
    %sub3A_345 = vector.broadcast %sub3A_344 : f32 to vector<4096x2xf32>
    %sub3A_346 = arith.subf %sub3A_345, %mul3A_343 : vector<4096x2xf32>
    %mul3A_347 = arith.mulf %add3A_342, %sub3A_346 : vector<4096x2xf32>
    %transpose3A_348 = tpu.transpose %get3A_1, [1, 0] : vector<1x2xf32> -> vector<2x1xf32>
    %dot_general3A_349 = arith.constant dense<0.000000e+00> : vector<4096x1xf32>
    %dot_general3A_350 = tpu.matmul %mul3A_347, %transpose3A_348, %dot_general3A_349 {dimension_numbers = #tpu.dot_dimension_numbers<[1], [0], [0], [1], [0, 0, 1, 1], [], []>, transpose_lhs_hint = false} : vector<4096x2xf32>, vector<2x1xf32>, vector<4096x1xf32> -> vector<4096x1xf32>
    %add3A_351 = arith.addf %add3A_290, %dot_general3A_350 : vector<4096x1xf32>
    %mul3A_352 = arith.mulf %tanh3A_196, %tanh3A_196 : vector<4096x32xf32>
    %sub3A_353 = arith.constant 1.000000e+00 : f32
    %sub3A_354 = vector.broadcast %sub3A_353 : f32 to vector<4096x32xf32>
    %sub3A_355 = arith.subf %sub3A_354, %mul3A_352 : vector<4096x32xf32>
    %mul3A_356 = arith.mulf %mul3A_294, %sub3A_355 : vector<4096x32xf32>
    %transpose3A_357 = tpu.transpose %get3A_43, [1, 0] : vector<16x32xf32> -> vector<32x16xf32>
    %dot_general3A_358 = arith.constant dense<0.000000e+00> : vector<4096x16xf32>
    %dot_general3A_359 = tpu.matmul %mul3A_356, %transpose3A_357, %dot_general3A_358 {dimension_numbers = #tpu.dot_dimension_numbers<[1], [0], [0], [1], [0, 0, 1, 1], [], []>, transpose_lhs_hint = false} : vector<4096x32xf32>, vector<32x16xf32>, vector<4096x16xf32> -> vector<4096x16xf32>
    %slice3A_360 = vector.extract_strided_slice %mul3A_294 {offsets = [0, 0], sizes = [4096, 16], strides = [1, 1]} : vector<4096x32xf32> to vector<4096x16xf32>
    %slice3A_361 = vector.extract_strided_slice %mul3A_294 {offsets = [0, 16], sizes = [4096, 16], strides = [1, 1]} : vector<4096x32xf32> to vector<4096x16xf32>
    %add3A_362 = arith.addf %slice3A_360, %slice3A_361 : vector<4096x16xf32>
    %add3A_363 = arith.addf %add3A_362, %dot_general3A_359 : vector<4096x16xf32>
    %mul3A_364 = arith.mulf %tanh3A_189, %tanh3A_189 : vector<4096x16xf32>
    %sub3A_365 = arith.constant 1.000000e+00 : f32
    %sub3A_366 = vector.broadcast %sub3A_365 : f32 to vector<4096x16xf32>
    %sub3A_367 = arith.subf %sub3A_366, %mul3A_364 : vector<4096x16xf32>
    %mul3A_368 = arith.mulf %add3A_363, %sub3A_367 : vector<4096x16xf32>
    %transpose3A_369 = tpu.transpose %get3A_40, [1, 0] : vector<8x16xf32> -> vector<16x8xf32>
    %dot_general3A_370 = arith.constant dense<0.000000e+00> : vector<4096x8xf32>
    %dot_general3A_371 = tpu.matmul %mul3A_368, %transpose3A_369, %dot_general3A_370 {dimension_numbers = #tpu.dot_dimension_numbers<[1], [0], [0], [1], [0, 0, 1, 1], [], []>, transpose_lhs_hint = false} : vector<4096x16xf32>, vector<16x8xf32>, vector<4096x8xf32> -> vector<4096x8xf32>
    %slice3A_372 = vector.extract_strided_slice %add3A_363 {offsets = [0, 0], sizes = [4096, 8], strides = [1, 1]} : vector<4096x16xf32> to vector<4096x8xf32>
    %slice3A_373 = vector.extract_strided_slice %add3A_363 {offsets = [0, 8], sizes = [4096, 8], strides = [1, 1]} : vector<4096x16xf32> to vector<4096x8xf32>
    %add3A_374 = arith.addf %slice3A_372, %slice3A_373 : vector<4096x8xf32>
    %add3A_375 = arith.addf %add3A_374, %dot_general3A_371 : vector<4096x8xf32>
    %mul3A_376 = arith.mulf %tanh3A_182, %tanh3A_182 : vector<4096x8xf32>
    %sub3A_377 = arith.constant 1.000000e+00 : f32
    %sub3A_378 = vector.broadcast %sub3A_377 : f32 to vector<4096x8xf32>
    %sub3A_379 = arith.subf %sub3A_378, %mul3A_376 : vector<4096x8xf32>
    %mul3A_380 = arith.mulf %add3A_375, %sub3A_379 : vector<4096x8xf32>
    %transpose3A_381 = tpu.transpose %get3A_37, [1, 0] : vector<4x8xf32> -> vector<8x4xf32>
    %dot_general3A_382 = arith.constant dense<0.000000e+00> : vector<4096x4xf32>
    %dot_general3A_383 = tpu.matmul %mul3A_380, %transpose3A_381, %dot_general3A_382 {dimension_numbers = #tpu.dot_dimension_numbers<[1], [0], [0], [1], [0, 0, 1, 1], [], []>, transpose_lhs_hint = false} : vector<4096x8xf32>, vector<8x4xf32>, vector<4096x4xf32> -> vector<4096x4xf32>
    %slice3A_384 = vector.extract_strided_slice %add3A_375 {offsets = [0, 0], sizes = [4096, 4], strides = [1, 1]} : vector<4096x8xf32> to vector<4096x4xf32>
    %slice3A_385 = vector.extract_strided_slice %add3A_375 {offsets = [0, 4], sizes = [4096, 4], strides = [1, 1]} : vector<4096x8xf32> to vector<4096x4xf32>
    %add3A_386 = arith.addf %slice3A_384, %slice3A_385 : vector<4096x4xf32>
    %add3A_387 = arith.addf %add3A_386, %dot_general3A_383 : vector<4096x4xf32>
    %mul3A_388 = arith.mulf %tanh3A_175, %tanh3A_175 : vector<4096x4xf32>
    %sub3A_389 = arith.constant 1.000000e+00 : f32
    %sub3A_390 = vector.broadcast %sub3A_389 : f32 to vector<4096x4xf32>
    %sub3A_391 = arith.subf %sub3A_390, %mul3A_388 : vector<4096x4xf32>
    %mul3A_392 = arith.mulf %add3A_387, %sub3A_391 : vector<4096x4xf32>
    %transpose3A_393 = tpu.transpose %get3A_34, [1, 0] : vector<2x4xf32> -> vector<4x2xf32>
    %dot_general3A_394 = arith.constant dense<0.000000e+00> : vector<4096x2xf32>
    %dot_general3A_395 = tpu.matmul %mul3A_392, %transpose3A_393, %dot_general3A_394 {dimension_numbers = #tpu.dot_dimension_numbers<[1], [0], [0], [1], [0, 0, 1, 1], [], []>, transpose_lhs_hint = false} : vector<4096x4xf32>, vector<4x2xf32>, vector<4096x2xf32> -> vector<4096x2xf32>
    %slice3A_396 = vector.extract_strided_slice %add3A_387 {offsets = [0, 0], sizes = [4096, 2], strides = [1, 1]} : vector<4096x4xf32> to vector<4096x2xf32>
    %slice3A_397 = vector.extract_strided_slice %add3A_387 {offsets = [0, 2], sizes = [4096, 2], strides = [1, 1]} : vector<4096x4xf32> to vector<4096x2xf32>
    %add3A_398 = arith.addf %slice3A_396, %slice3A_397 : vector<4096x2xf32>
    %add3A_399 = arith.addf %add3A_398, %dot_general3A_395 : vector<4096x2xf32>
    %mul3A_400 = arith.mulf %tanh3A_170, %tanh3A_170 : vector<4096x2xf32>
    %sub3A_401 = arith.constant 1.000000e+00 : f32
    %sub3A_402 = vector.broadcast %sub3A_401 : f32 to vector<4096x2xf32>
    %sub3A_403 = arith.subf %sub3A_402, %mul3A_400 : vector<4096x2xf32>
    %mul3A_404 = arith.mulf %add3A_399, %sub3A_403 : vector<4096x2xf32>
    %transpose3A_405 = tpu.transpose %get3A_31, [1, 0] : vector<2x2xf32> -> vector<2x2xf32>
    %dot_general3A_406 = arith.constant dense<0.000000e+00> : vector<4096x2xf32>
    %dot_general3A_407 = tpu.matmul %mul3A_404, %transpose3A_405, %dot_general3A_406 {dimension_numbers = #tpu.dot_dimension_numbers<[1], [0], [0], [1], [0, 0, 1, 1], [], []>, transpose_lhs_hint = false} : vector<4096x2xf32>, vector<2x2xf32>, vector<4096x2xf32> -> vector<4096x2xf32>
    %slice3A_408 = vector.extract_strided_slice %dot_general3A_407 {offsets = [0, 0], sizes = [4096, 1], strides = [1, 1]} : vector<4096x2xf32> to vector<4096x1xf32>
    %slice3A_409 = vector.extract_strided_slice %dot_general3A_407 {offsets = [0, 1], sizes = [4096, 1], strides = [1, 1]} : vector<4096x2xf32> to vector<4096x1xf32>
    %div3A_410 = arith.constant 1.000000e+00 : f32
    %div3A_411 = vector.broadcast %div3A_410 : f32 to vector<4096x1xf32>
    %div3A_412 = arith.divf %div3A_411, %select_n3A : vector<4096x1xf32>
    %mul3A_413 = arith.mulf %div3A_412, %div3A_412 : vector<4096x1xf32>
    %mul3A_414 = arith.mulf %rsqrt3A, %div3A_412 : vector<4096x1xf32>
    %neg3A = arith.constant 0.000000e+00 : f32
    %neg3A_415 = vector.broadcast %neg3A : f32 to vector<4096x1xf32>
    %neg3A_416 = arith.subf %neg3A_415, %sub3A : vector<4096x1xf32>
    %mul3A_417 = arith.mulf %neg3A_416, %mul3A_414 : vector<4096x1xf32>
    %mul3A_418 = arith.mulf %add3A_351, %mul3A_417 : vector<4096x1xf32>
    %mul3A_419 = arith.constant 2.000000e+00 : f32
    %mul3A_420 = vector.broadcast %mul3A_419 : f32 to vector<4096x1xf32>
    %mul3A_421 = arith.mulf %mul3A_420, %sub3A : vector<4096x1xf32>
    %mul3A_422 = arith.mulf %mul3A_421, %sub3A : vector<4096x1xf32>
    %sub3A_423 = arith.subf %select_n3A, %mul3A_422 : vector<4096x1xf32>
    %mul3A_424 = arith.mulf %slice3A_408, %sub3A_423 : vector<4096x1xf32>
    %mul3A_425 = arith.mulf %mul3A_424, %mul3A_413 : vector<4096x1xf32>
    %add3A_426 = arith.addf %mul3A_418, %mul3A_425 : vector<4096x1xf32>
    %mul3A_427 = arith.constant -2.000000e+00 : f32
    %mul3A_428 = vector.broadcast %mul3A_427 : f32 to vector<4096x1xf32>
    %mul3A_429 = arith.mulf %mul3A_428, %sub3A : vector<4096x1xf32>
    %mul3A_430 = arith.mulf %mul3A_429, %sub3A_122 : vector<4096x1xf32>
    %mul3A_431 = arith.mulf %mul3A_430, %mul3A_413 : vector<4096x1xf32>
    %mul3A_432 = arith.mulf %slice3A_409, %mul3A_431 : vector<4096x1xf32>
    %add3A_433 = arith.addf %add3A_426, %mul3A_432 : vector<4096x1xf32>
    %neg3A_434 = arith.constant 0.000000e+00 : f32
    %neg3A_435 = vector.broadcast %neg3A_434 : f32 to vector<4096x1xf32>
    %neg3A_436 = arith.subf %neg3A_435, %sub3A_122 : vector<4096x1xf32>
    %mul3A_437 = arith.mulf %neg3A_436, %mul3A_414 : vector<4096x1xf32>
    %mul3A_438 = arith.mulf %add3A_351, %mul3A_437 : vector<4096x1xf32>
    %mul3A_439 = arith.constant 2.000000e+00 : f32
    %mul3A_440 = vector.broadcast %mul3A_439 : f32 to vector<4096x1xf32>
    %mul3A_441 = arith.mulf %mul3A_440, %sub3A_122 : vector<4096x1xf32>
    %mul3A_442 = arith.mulf %mul3A_441, %sub3A_122 : vector<4096x1xf32>
    %sub3A_443 = arith.subf %select_n3A, %mul3A_442 : vector<4096x1xf32>
    %mul3A_444 = arith.mulf %slice3A_409, %sub3A_443 : vector<4096x1xf32>
    %mul3A_445 = arith.mulf %mul3A_444, %mul3A_413 : vector<4096x1xf32>
    %add3A_446 = arith.addf %mul3A_438, %mul3A_445 : vector<4096x1xf32>
    %mul3A_447 = arith.constant -2.000000e+00 : f32
    %mul3A_448 = vector.broadcast %mul3A_447 : f32 to vector<4096x1xf32>
    %mul3A_449 = arith.mulf %mul3A_448, %sub3A : vector<4096x1xf32>
    %mul3A_450 = arith.mulf %mul3A_449, %sub3A_122 : vector<4096x1xf32>
    %mul3A_451 = arith.mulf %mul3A_450, %mul3A_413 : vector<4096x1xf32>
    %mul3A_452 = arith.mulf %slice3A_408, %mul3A_451 : vector<4096x1xf32>
    %add3A_453 = arith.addf %add3A_446, %mul3A_452 : vector<4096x1xf32>
    %mul3A_454 = arith.mulf %add3A_433, %convert_element_type3A_129 : vector<4096x1xf32>
    %mul3A_455 = arith.mulf %add3A_453, %convert_element_type3A_129 : vector<4096x1xf32>
    %swap3A = arith.constant 0 : index
    %swap3A_456 = arith.constant 0 : index
    %swap3A_457 = arith.constant 0 : index
    %swap3A_458 = vector.load %arg38[%swap3A, %swap3A_456, %swap3A_457] : memref<1x4096x1xf32, #tpu.memory_space<vmem>>, vector<1x4096x1xf32>
    %swap3A_459 = vector.shape_cast %swap3A_458 : vector<1x4096x1xf32> to vector<4096x1xf32>
    %swap3A_460 = vector.shape_cast %mul3A_454 : vector<4096x1xf32> to vector<1x4096x1xf32>
    tpu.vector_store %arg38[%swap3A, %swap3A_456, %swap3A_457], %swap3A_460 {strides = array<i32>} : memref<1x4096x1xf32, #tpu.memory_space<vmem>>, vector<1x4096x1xf32>,
    %swap3A_461 = arith.constant 0 : index
    %swap3A_462 = arith.constant 0 : index
    %swap3A_463 = arith.constant 0 : index
    %swap3A_464 = vector.load %arg39[%swap3A_461, %swap3A_462, %swap3A_463] : memref<1x4096x1xf32, #tpu.memory_space<vmem>>, vector<1x4096x1xf32>
    %swap3A_465 = vector.shape_cast %swap3A_464 : vector<1x4096x1xf32> to vector<4096x1xf32>
    %swap3A_466 = vector.shape_cast %mul3A_455 : vector<4096x1xf32> to vector<1x4096x1xf32>
    tpu.vector_store %arg39[%swap3A_461, %swap3A_462, %swap3A_463], %swap3A_466 {strides = array<i32>} : memref<1x4096x1xf32, #tpu.memory_space<vmem>>, vector<1x4096x1xf32>,
    %reduce_sum3A_467 = vector.shape_cast %add3A_233 : vector<128x1xf32> to vector<1x128x1xf32>
    %reduce_sum3A_468 = arith.constant dense<0.000000e+00> : vector<1xf32>
    %reduce_sum3A_469 = vector.multi_reduction <add>, %reduce_sum3A_467, %reduce_sum3A_468 [1, 2] : vector<1x128x1xf32> to vector<1xf32>
    %reduce_sum3A_470 = vector.shape_cast %reduce_sum3A_469 : vector<1xf32> to vector<1x1x1xf32>
    %reduce_sum3A_471 = vector.extract %reduce_sum3A_470[0, 0, 0] : f32 from vector<1x1x1xf32>
    %eq3A = arith.constant 0 : i32
    %eq3A_472 = arith.cmpi eq, %arg1, %eq3A : i32
    %convert_element_type3A_473 = arith.extui %eq3A_472 : i1 to i32
    %cond3A = arith.constant 0 : i32
    %cond3A_474 = arith.cmpi ne, %convert_element_type3A_473, %cond3A : i32
    scf.if %cond3A_474 {
      %broadcast_in_dim3A_488 = arith.constant 0.000000e+00 : f32
      %broadcast_in_dim3A_489 = vector.broadcast %broadcast_in_dim3A_488 : f32 to vector<8x128xf32>
      %swap3A_490 = arith.constant 0 : index
      %swap3A_491 = arith.constant 0 : index
      %swap3A_492 = arith.constant 0 : index
      %swap3A_493 = vector.load %arg37[%swap3A_490, %swap3A_491, %swap3A_492] : memref<1x8x128xf32, #tpu.memory_space<vmem>>, vector<1x8x128xf32>
      %swap3A_494 = vector.shape_cast %swap3A_493 : vector<1x8x128xf32> to vector<8x128xf32>
      %swap3A_495 = vector.shape_cast %broadcast_in_dim3A_489 : vector<8x128xf32> to vector<1x8x128xf32>
      tpu.vector_store %arg37[%swap3A_490, %swap3A_491, %swap3A_492], %swap3A_495 {strides = array<i32>} : memref<1x8x128xf32, #tpu.memory_space<vmem>>, vector<1x8x128xf32>,
    } else {
    }
    %get3A_475 = arith.constant 0 : index
    %get3A_476 = arith.constant 0 : index
    %get3A_477 = arith.constant 0 : index
    %get3A_478 = vector.load %arg37[%get3A_475, %get3A_476, %get3A_477] : memref<1x8x128xf32, #tpu.memory_space<vmem>>, vector<1x8x128xf32>
    %get3A_479 = vector.shape_cast %get3A_478 : vector<1x8x128xf32> to vector<8x128xf32>
    %broadcast_in_dim3A_480 = vector.broadcast %reduce_sum3A_471 : f32 to vector<8x128xf32>
    %add3A_481 = arith.addf %get3A_479, %broadcast_in_dim3A_480 : vector<8x128xf32>
    %swap3A_482 = arith.constant 0 : index
    %swap3A_483 = arith.constant 0 : index
    %swap3A_484 = arith.constant 0 : index
    %swap3A_485 = vector.load %arg37[%swap3A_482, %swap3A_483, %swap3A_484] : memref<1x8x128xf32, #tpu.memory_space<vmem>>, vector<1x8x128xf32>
    %swap3A_486 = vector.shape_cast %swap3A_485 : vector<1x8x128xf32> to vector<8x128xf32>
    %swap3A_487 = vector.shape_cast %add3A_481 : vector<8x128xf32> to vector<1x8x128xf32>
    tpu.vector_store %arg37[%swap3A_482, %swap3A_483, %swap3A_484], %swap3A_487 {strides = array<i32>} : memref<1x8x128xf32, #tpu.memory_space<vmem>>, vector<1x8x128xf32>,
    return
  }
  func.func @transform_0(%arg0: i32, %arg1: i32) -> (i32, i32, i32) {
    %c0_i32 = arith.constant 0 : i32
    %c0_i32_0 = arith.constant 0 : i32
    return %arg0, %arg1, %c0_i32 : i32, i32, i32
  }
  func.func @transform_1(%arg0: i32, %arg1: i32) -> (i32, i32, i32) {
    %c0_i32 = arith.constant 0 : i32
    %c0_i32_0 = arith.constant 0 : i32
    return %arg0, %arg1, %c0_i32 : i32, i32, i32
  }
  func.func @transform_2(%arg0: i32, %arg1: i32) -> (i32, i32, i32) {
    %c0_i32 = arith.constant 0 : i32
    %c0_i32_0 = arith.constant 0 : i32
    return %arg0, %arg1, %c0_i32 : i32, i32, i32
  }
  func.func @transform_3(%arg0: i32, %arg1: i32) -> (i32, i32) {
    %c0_i32 = arith.constant 0 : i32
    %c0_i32_0 = arith.constant 0 : i32
    %c0_i32_1 = arith.constant 0 : i32
    return %c0_i32, %c0_i32_0 : i32, i32
  }
  func.func @transform_4(%arg0: i32, %arg1: i32) -> (i32, i32) {
    %c0_i32 = arith.constant 0 : i32
    %c0_i32_0 = arith.constant 0 : i32
    %c0_i32_1 = arith.constant 0 : i32
    return %c0_i32, %c0_i32_0 : i32, i32
  }
  func.func @transform_5(%arg0: i32, %arg1: i32) -> (i32, i32) {
    %c0_i32 = arith.constant 0 : i32
    %c0_i32_0 = arith.constant 0 : i32
    %c0_i32_1 = arith.constant 0 : i32
    return %c0_i32, %c0_i32_0 : i32, i32
  }
  func.func @transform_6(%arg0: i32, %arg1: i32) -> (i32, i32) {
    %c0_i32 = arith.constant 0 : i32
    %c0_i32_0 = arith.constant 0 : i32
    %c0_i32_1 = arith.constant 0 : i32
    return %c0_i32, %c0_i32_0 : i32, i32
  }
  func.func @transform_7(%arg0: i32, %arg1: i32) -> (i32, i32) {
    %c0_i32 = arith.constant 0 : i32
    %c0_i32_0 = arith.constant 0 : i32
    %c0_i32_1 = arith.constant 0 : i32
    return %c0_i32, %c0_i32_0 : i32, i32
  }
  func.func @transform_8(%arg0: i32, %arg1: i32) -> (i32, i32) {
    %c0_i32 = arith.constant 0 : i32
    %c0_i32_0 = arith.constant 0 : i32
    %c0_i32_1 = arith.constant 0 : i32
    return %c0_i32, %c0_i32_0 : i32, i32
  }
  func.func @transform_9(%arg0: i32, %arg1: i32) -> (i32, i32) {
    %c0_i32 = arith.constant 0 : i32
    %c0_i32_0 = arith.constant 0 : i32
    %c0_i32_1 = arith.constant 0 : i32
    return %c0_i32, %c0_i32_0 : i32, i32
  }
  func.func @transform_10(%arg0: i32, %arg1: i32) -> (i32, i32) {
    %c0_i32 = arith.constant 0 : i32
    %c0_i32_0 = arith.constant 0 : i32
    %c0_i32_1 = arith.constant 0 : i32
    return %c0_i32, %c0_i32_0 : i32, i32
  }
  func.func @transform_11(%arg0: i32, %arg1: i32) -> (i32, i32) {
    %c0_i32 = arith.constant 0 : i32
    %c0_i32_0 = arith.constant 0 : i32
    %c0_i32_1 = arith.constant 0 : i32
    return %c0_i32, %c0_i32_0 : i32, i32
  }
  func.func @transform_12(%arg0: i32, %arg1: i32) -> (i32, i32) {
    %c0_i32 = arith.constant 0 : i32
    %c0_i32_0 = arith.constant 0 : i32
    %c0_i32_1 = arith.constant 0 : i32
    return %c0_i32, %c0_i32_0 : i32, i32
  }
  func.func @transform_13(%arg0: i32, %arg1: i32) -> (i32, i32) {
    %c0_i32 = arith.constant 0 : i32
    %c0_i32_0 = arith.constant 0 : i32
    %c0_i32_1 = arith.constant 0 : i32
    return %c0_i32, %c0_i32_0 : i32, i32
  }
  func.func @transform_14(%arg0: i32, %arg1: i32) -> (i32, i32) {
    %c0_i32 = arith.constant 0 : i32
    %c0_i32_0 = arith.constant 0 : i32
    %c0_i32_1 = arith.constant 0 : i32
    return %c0_i32, %c0_i32_0 : i32, i32
  }
  func.func @transform_15(%arg0: i32, %arg1: i32) -> (i32, i32) {
    %c0_i32 = arith.constant 0 : i32
    %c0_i32_0 = arith.constant 0 : i32
    %c0_i32_1 = arith.constant 0 : i32
    return %c0_i32, %c0_i32_0 : i32, i32
  }
  func.func @transform_16(%arg0: i32, %arg1: i32) -> (i32, i32) {
    %c0_i32 = arith.constant 0 : i32
    %c0_i32_0 = arith.constant 0 : i32
    %c0_i32_1 = arith.constant 0 : i32
    return %c0_i32, %c0_i32_0 : i32, i32
  }
  func.func @transform_17(%arg0: i32, %arg1: i32) -> (i32, i32) {
    %c0_i32 = arith.constant 0 : i32
    %c0_i32_0 = arith.constant 0 : i32
    %c0_i32_1 = arith.constant 0 : i32
    return %c0_i32, %c0_i32_0 : i32, i32
  }
  func.func @transform_18(%arg0: i32, %arg1: i32) -> (i32, i32) {
    %c0_i32 = arith.constant 0 : i32
    %c0_i32_0 = arith.constant 0 : i32
    %c0_i32_1 = arith.constant 0 : i32
    return %c0_i32, %c0_i32_0 : i32, i32
  }
  func.func @transform_19(%arg0: i32, %arg1: i32) -> (i32, i32) {
    %c0_i32 = arith.constant 0 : i32
    %c0_i32_0 = arith.constant 0 : i32
    %c0_i32_1 = arith.constant 0 : i32
    return %c0_i32, %c0_i32_0 : i32, i32
  }
  func.func @transform_20(%arg0: i32, %arg1: i32) -> (i32, i32) {
    %c0_i32 = arith.constant 0 : i32
    %c0_i32_0 = arith.constant 0 : i32
    %c0_i32_1 = arith.constant 0 : i32
    return %c0_i32, %c0_i32_0 : i32, i32
  }
  func.func @transform_21(%arg0: i32, %arg1: i32) -> (i32, i32) {
    %c0_i32 = arith.constant 0 : i32
    %c0_i32_0 = arith.constant 0 : i32
    %c0_i32_1 = arith.constant 0 : i32
    return %c0_i32, %c0_i32_0 : i32, i32
  }
  func.func @transform_22(%arg0: i32, %arg1: i32) -> (i32, i32) {
    %c0_i32 = arith.constant 0 : i32
    %c0_i32_0 = arith.constant 0 : i32
    %c0_i32_1 = arith.constant 0 : i32
    return %c0_i32, %c0_i32_0 : i32, i32
  }
  func.func @transform_23(%arg0: i32, %arg1: i32) -> (i32, i32) {
    %c0_i32 = arith.constant 0 : i32
    %c0_i32_0 = arith.constant 0 : i32
    %c0_i32_1 = arith.constant 0 : i32
    return %c0_i32, %c0_i32_0 : i32, i32
  }
  func.func @transform_24(%arg0: i32, %arg1: i32) -> (i32, i32) {
    %c0_i32 = arith.constant 0 : i32
    %c0_i32_0 = arith.constant 0 : i32
    %c0_i32_1 = arith.constant 0 : i32
    return %c0_i32, %c0_i32_0 : i32, i32
  }
  func.func @transform_25(%arg0: i32, %arg1: i32) -> (i32, i32) {
    %c0_i32 = arith.constant 0 : i32
    %c0_i32_0 = arith.constant 0 : i32
    %c0_i32_1 = arith.constant 0 : i32
    return %c0_i32, %c0_i32_0 : i32, i32
  }
  func.func @transform_26(%arg0: i32, %arg1: i32) -> (i32, i32) {
    %c0_i32 = arith.constant 0 : i32
    %c0_i32_0 = arith.constant 0 : i32
    %c0_i32_1 = arith.constant 0 : i32
    return %c0_i32, %c0_i32_0 : i32, i32
  }
  func.func @transform_27(%arg0: i32, %arg1: i32) -> (i32, i32) {
    %c0_i32 = arith.constant 0 : i32
    %c0_i32_0 = arith.constant 0 : i32
    %c0_i32_1 = arith.constant 0 : i32
    return %c0_i32, %c0_i32_0 : i32, i32
  }
  func.func @transform_28(%arg0: i32, %arg1: i32) -> (i32, i32) {
    %c0_i32 = arith.constant 0 : i32
    %c0_i32_0 = arith.constant 0 : i32
    %c0_i32_1 = arith.constant 0 : i32
    return %c0_i32, %c0_i32_0 : i32, i32
  }
  func.func @transform_29(%arg0: i32, %arg1: i32) -> (i32, i32) {
    %c0_i32 = arith.constant 0 : i32
    %c0_i32_0 = arith.constant 0 : i32
    %c0_i32_1 = arith.constant 0 : i32
    return %c0_i32, %c0_i32_0 : i32, i32
  }
  func.func @transform_30(%arg0: i32, %arg1: i32) -> (i32, i32) {
    %c0_i32 = arith.constant 0 : i32
    %c0_i32_0 = arith.constant 0 : i32
    %c0_i32_1 = arith.constant 0 : i32
    return %c0_i32, %c0_i32_0 : i32, i32
  }
  func.func @transform_31(%arg0: i32, %arg1: i32) -> (i32, i32) {
    %c0_i32 = arith.constant 0 : i32
    %c0_i32_0 = arith.constant 0 : i32
    %c0_i32_1 = arith.constant 0 : i32
    return %c0_i32, %c0_i32_0 : i32, i32
  }
  func.func @transform_32(%arg0: i32, %arg1: i32) -> (i32, i32) {
    %c0_i32 = arith.constant 0 : i32
    %c0_i32_0 = arith.constant 0 : i32
    %c0_i32_1 = arith.constant 0 : i32
    return %c0_i32, %c0_i32_0 : i32, i32
  }
  func.func @transform_33(%arg0: i32, %arg1: i32) -> (i32, i32) {
    %c0_i32 = arith.constant 0 : i32
    %c0_i32_0 = arith.constant 0 : i32
    %c0_i32_1 = arith.constant 0 : i32
    return %c0_i32, %c0_i32_0 : i32, i32
  }
  func.func @transform_34(%arg0: i32, %arg1: i32) -> (i32, i32) {
    %c0_i32 = arith.constant 0 : i32
    %c0_i32_0 = arith.constant 0 : i32
    %c0_i32_1 = arith.constant 0 : i32
    return %c0_i32, %c0_i32_0 : i32, i32
  }
  func.func @transform_35(%arg0: i32, %arg1: i32) -> (i32, i32, i32) {
    %c0_i32 = arith.constant 0 : i32
    %c0_i32_0 = arith.constant 0 : i32
    %c0_i32_1 = arith.constant 0 : i32
    return %arg0, %c0_i32, %c0_i32_0 : i32, i32, i32
  }
  func.func @transform_36(%arg0: i32, %arg1: i32) -> (i32, i32, i32) {
    %c0_i32 = arith.constant 0 : i32
    %c0_i32_0 = arith.constant 0 : i32
    return %arg0, %arg1, %c0_i32 : i32, i32, i32
  }
  func.func @transform_37(%arg0: i32, %arg1: i32) -> (i32, i32, i32) {
    %c0_i32 = arith.constant 0 : i32
    %c0_i32_0 = arith.constant 0 : i32
    return %arg0, %arg1, %c0_i32 : i32, i32, i32
  }
}

</mosaic_0001>

<sc_bundles>
// kernel: kernel.5.cloned.1.call-start
scs
__scs_entry_jumppad:
0x0: {  	(pc) =	sbr.rel $0x88, $3  }
0x1: {  	(tag) =	ssettag $0x0;
	lr =	simm.s32 $0x1  }
0x2: {  	[smem:$0x3F7F] =	sst lr;
	_ =	strace $0xD0000000  }
0x3: {  	_ = 	snop  }
0x4: {  	_ = 	snop  }
0x5: {  	_ = 	snop  }
0x6: {  	_ = 	snop  }
0x7: {  	_ = 	snop  }
__scs_overlays_trampoline_lowered:
0x8: {  	[smem:$0x3F8E] =	sst s0  }
0x9: {  	[smem:$0x3F8F] =	sst s1  }
0xa: {  	[smem:$0x3F90] =	sst s2  }
0xb: {  	[smem:$0x3F91] =	sst s3  }
0xc: {  	[smem:$0x3F92] =	sst s4  }
0xd: {  	[smem:$0x3F93] =	sst s5  }
0xe: {  	[smem:$0x3F94] =	sst s6  }
0xf: {  	[smem:$0x3F95] =	sst s7  }
0x10: {  	[smem:$0x3F96] =	sst s8  }
0x11: {  	[smem:$0x3F97] =	sst s9;
	s0 =	simm.s32 @!p0 $0x0  }
0x12: {  	s1 =	sld [smem:$0x3F7D];
	s0 =	simm.s32 @p0 $0x1  }
0x13: {  	[smem:$0x3F98] =	sst s0;
	s0 =	simm.s32 @!p1 $0x0  }
0x14: {  	s2 =	sld [smem:$0x3F7C];
	s0 =	simm.s32 @p1 $0x1  }
0x15: {  	[smem:$0x3F99] =	sst s0;
	s0 =	simm.s32 @!p2 $0x0  }
0x16: {  	s3 =	sld [smem:$0x3FDB];
	s0 =	simm.s32 @p2 $0x1  }
0x17: {  	s4 =	simm.s32 $0x1BF5;
	[smem:$0x3F9B] =	sst s0  }
0x18: {  	s0 =	sld [smem:$0x3F7E];
	_ =	swait.ge [sflag:s4], $0x0  }
0x19: {  	s7 =	sld [smem:$0x3F7F]  }
0x1a: {  	s8 =	sadd.s32 $0xFFFFE003, lr  }
0x1b: {  	s9 =	sadd.s32 $0xFFFFFEF7, lr;
	s5 =	simm.s32 $0xFFFFFFFF;
	p2 =	slt.u32 s8, $0xFFFFF086  }
0x1c: {  	p1 =	slt.u32 s9, $0xF7A;
	s5 =	simm.s32 @!p2 $0x0  }
0x1d: {  	s5 =	simm.s32 @p1 $0x1;
	p0 =	seq.s32 s7, s2  }
0x1e: {  	s7 =	smul.u32 @!p0 $0xF7A, s2;
	p2 =	seq.s32 @!p0 s5, $0x0  }
0x1f: {  	s9 =	smul.u32 $0xF7A, s1;
	s8 =	simm.s32 @!p0 $0x1BF5;
	p2 =	por !p2, p0  }
0x20: {  	[sflag:s8] =	ssyncset.s32 @!p0 $0xFFFFF086;
	s6 =	sadd.s32 @!p0 s3, s7;
	s7 =	simm.s32 @!p0 $0x108  }
0x21: {  	s3 =	sadd.s32 s3, s9;
	s6 =	sadd.s32 @!p0 $0x88, s6;
	s7 =	simm.s32 @p2 $0x1082  }
0x22: {  	[simem:s7], [sflag:s8] =	dma.local @!p0 [hbm:s6], $0xF7A  }
0x23: {  	s9 =	sor.u32 $0xD0000000, s2;
	s6 =	simm.s32 $0x108;
	_ =	swait.ge @!p0 [sflag:s8], $0x0  }
0x24: {  	s3 =	sadd.s32 $0x88, s3;
	s6 =	simm.s32 @!p1 $0x1082;
	[sflag:s4] =	ssyncset.s32 $0xFFFFF086  }
0x25: {  	[simem:s6], [sflag:s4] =	dma.local [hbm:s3], $0xF7A  }
0x26: {  	[smem:$0x3F7F] =	sst s1;
	(tag) =	ssettag s2;
	_ =	strace s9  }
0x27: {  	s1 =	sld [smem:$0x3F8F]  }
0x28: {  	s2 =	sld [smem:$0x3F90]  }
0x29: {  	s4 =	sld [smem:$0x3F92]  }
0x2a: {  	p0 =	seq.s32 s5, $0x0;
	s5 =	sld [smem:$0x3F93]  }
0x2b: {  	s6 =	sld [smem:$0x3F94]  }
0x2c: {  	s7 =	sld [smem:$0x3F95]  }
0x2d: {  	s3 =	simm.s32 $0x108;
	s8 =	sld [smem:$0x3F96]  }
0x2e: {  	s3 =	simm.s32 @!p0 $0x1082;
	s9 =	sld [smem:$0x3F97]  }
0x2f: {  	lr =	sadd.s32 s0, s3;
	s0 =	sld [smem:$0x3F8E]  }
0x30: {  	s3 =	sld [smem:$0x3F91]  }
0x31: {  	[smem:$0x3F9A] =	sst s10  }
0x32: {  	s10 =	sld [smem:$0x3F98];
	_ =	sdelay $0x3  }
0x33: {  	p0 =	seq.s32 s10, $0x1;
	s10 =	sld [smem:$0x3F9A];
	_ =	sdelay $0x3  }
0x34: {  	[smem:$0x3F9A] =	sst s10  }
0x35: {  	s10 =	sld [smem:$0x3F99];
	_ =	sdelay $0x3  }
0x36: {  	p1 =	seq.s32 s10, $0x1;
	s10 =	sld [smem:$0x3F9A];
	_ =	sdelay $0x3  }
0x37: {  	[smem:$0x3F9A] =	sst s10  }
0x38: {  	s10 =	sld [smem:$0x3F9B]  }
0x39: {  	_ = 	snop;
	(pc) =	sbr.ind lr, $3  }
0x3a: {  	_ = 	snop  }
0x3b: {  	_ = 	snop  }
0x3c: {  	p2 =	seq.s32 s10, $0x1;
	s10 =	sld [smem:$0x3F9A]  }
0x3d: {  	_ =	shalt  }
0x3e: {  	_ =	shalt  }
0x3f: {  	_ =	shalt  }
0x40: {  	_ =	shalt  }
0x41: {  	_ =	shalt  }
0x42: {  	_ =	shalt  }
0x43: {  	_ =	shalt  }
0x44: {  	_ =	shalt  }
0x45: {  	_ =	shalt  }
0x46: {  	_ =	shalt  }
0x47: {  	_ =	shalt  }
0x48: {  	_ =	shalt  }
0x49: {  	_ =	shalt  }
0x4a: {  	_ =	shalt  }
0x4b: {  	_ =	shalt  }
0x4c: {  	_ =	shalt  }
0x4d: {  	_ =	shalt  }
0x4e: {  	_ =	shalt  }
0x4f: {  	_ =	shalt  }
0x50: {  	_ =	shalt  }
0x51: {  	_ =	shalt  }
0x52: {  	_ =	shalt  }
0x53: {  	_ =	shalt  }
0x54: {  	_ =	shalt  }
0x55: {  	_ =	shalt  }
0x56: {  	_ =	shalt  }
0x57: {  	_ =	shalt  }
0x58: {  	_ =	shalt  }
0x59: {  	_ =	shalt  }
0x5a: {  	_ =	shalt  }
0x5b: {  	_ =	shalt  }
0x5c: {  	_ =	shalt  }
0x5d: {  	_ =	shalt  }
0x5e: {  	_ =	shalt  }
0x5f: {  	_ =	shalt  }
0x60: {  	_ =	shalt  }
0x61: {  	_ =	shalt  }
0x62: {  	_ =	shalt  }
0x63: {  	_ =	shalt  }
0x64: {  	_ =	shalt  }
0x65: {  	_ =	shalt  }
0x66: {  	_ =	shalt  }
0x67: {  	_ =	shalt  }
0x68: {  	_ =	shalt  }
0x69: {  	_ =	shalt  }
0x6a: {  	_ =	shalt  }
0x6b: {  	_ =	shalt  }
0x6c: {  	_ =	shalt  }
0x6d: {  	_ =	shalt  }
0x6e: {  	_ =	shalt  }
0x6f: {  	_ =	shalt  }
0x70: {  	_ =	shalt  }
0x71: {  	_ =	shalt  }
0x72: {  	_ =	shalt  }
0x73: {  	_ =	shalt  }
0x74: {  	_ =	shalt  }
0x75: {  	_ =	shalt  }
0x76: {  	_ =	shalt  }
0x77: {  	_ =	shalt  }
0x78: {  	_ =	shalt  }
0x79: {  	_ =	shalt  }
0x7a: {  	_ =	shalt  }
0x7b: {  	_ =	shalt  }
0x7c: {  	_ =	shalt  }
0x7d: {  	_ =	shalt  }
0x7e: {  	_ =	shalt  }
0x7f: {  	_ =	shalt  }
0x80: {  	_ =	shalt  }
0x81: {  	_ =	shalt  }
0x82: {  	_ =	shalt  }
0x83: {  	_ =	shalt  }
0x84: {  	_ =	shalt  }
0x85: {  	_ =	shalt  }
0x86: {  	_ =	shalt  }
0x87: {  	_ =	shalt  }
.Lfunc_end0:
.L_simem_size_0:
called_computation_lowered:
.L_overlay_start_0:
0x88: {  	s2 =	sld [smem:$0x3FD9]  }
0x89: {  	s3 =	sld [smem:$0x3FFE];
	_ =	sdelay $0x1  }
0x8a: {  	s1 =	srdreg.scid  }
0x8b: {  	s0 =	sand.u32 $0x1, s1  }
0x8c: {  	s14 =	sshll.u32 s0, $0xA;
	s2 =	sadd.s32 s3, s2  }
0x8d: {  	s2 =	sadd.s32 s2, s14  }
0x8e: {  	[smem:$0x3FA6] =	sst s2  }
0x8f: {  	_ = 	snop  }
0x90: {  	s2 =	sld [smem:$0x3FD0];
	_ =	sdelay $0x2  }
0x91: {  	s15 =	simm.s32 $0xA;
	s4 =	simm.s32 $0x10  }
0x92: {  	[smem:s4], [sflag:s15] =	dma.local [hbm:s2], $0x1  }
0x93: {  	_ =	swait.eq [sflag:s15], $0x1  }
0x94: {  	[sflag:s15] =	ssyncset.done $0x0  }
0x95: {  	[sflag:s15] =	ssyncadd.s32 $0xFFFFFFFF  }
0x96: {  	s16 =	sld [smem:$0x11];
	(tm) =	ssettm $0x1  }
0x97: {  	s17 =	sld [smem:$0x3FFB];
	_ =	sdelay $0x3  }
0x98: {  	_ =	strace s17  }
0x99: {  	s3 =	sld [smem:$0x3FFC];
	_ =	sdelay $0x3  }
0x9a: {  	_ =	strace s3  }
0x9b: {  	s3 =	sld [smem:$0x3FFD];
	_ =	sdelay $0x3  }
0x9c: {  	_ =	strace s3  }
0x9d: {  	_ =	strace $0x8FFFFFFF  }
0x9e: {  	s18 =	sld [smem:$0x3FDB];
	_ =	sdelay $0x1  }
0x9f: {  	s19 =	simm.s32 $_scs_section_size  }
0xa0: {  	s5 =	simm.s32 $_size__tile_overlayer_lowered;
	s6 =	simm.s32 $_tile_overlayer_lowered  }
0xa1: {  	s22 =	simm.s32 $0x1BFF;
	s21 =	sshll.u32 s6, $0x1;
	s3 =	sadd.s32 s19, s18  }
0xa2: {  	s7 =	simm.s32 $0x0;
	s20 =	sshll.u32 s5, $0x1;
	s5 =	sadd.s32 s21, s3  }
0xa3: {  	[timem:s7], [sflag:s22] =	dma.local [hbm:s5], s20  }
0xa4: {  	_ =	swait.ge [sflag:s22], s20  }
0xa5: {  	s4 =	ssub.s32 $0x0, s20;
	[sflag:s22] =	ssyncset.done $0x0  }
0xa6: {  	[sflag:s22] =	ssyncadd.s32 s4;
	_ =	sdelay $0x1  }
0xa7: {  	s23 =	simm.s32 $0x1B8B  }
0xa8: {  	_ =	swait.ge [sflag:s23], $0x1  }
0xa9: {  	[sflag:s23] =	ssyncset.done $0x0  }
0xaa: {  	s25 =	simm.s32 $0x1B8E;
	s24 =	sld [smem:$0x3FFE];
	[sflag:s23] =	ssyncadd.s32 $0xFFFFFFFF  }
0xab: {  	s26 =	simm.s32 $execute0_lowered;
	[smem:$0x3FD2] =	sst s25  }
0xac: {  	s5 =	sshll.u32 s26, $0x1;
	_ =	strace $0x80000046;
	[dreg:$0x1] =	wrdreg $0xFFFFFFFF  }
0xad: {  	s28 =	simm.s32 $_size_execute0_lowered;
	s3 =	sadd.s32 s3, s5;
	[dreg:$0x0] =	wrdreg $0x0  }
0xae: {  	s5 =	sshll.u32 s28, $0x1;
	[dreg:$0x2] =	wrdreg s3  }
0xaf: {  	[dreg:$0x3] =	wrdreg s5  }
0xb0: {  	[dreg:$0x4] =	wrdreg $0xC0  }
0xb1: {  	_ =	task [dreg:s7], $0x5FFFF  }
0xb2: {  	[dreg:$0x1] =	wrdreg $0xFFFFFFFF  }
0xb3: {  	[dreg:$0x0] =	wrdreg $0x60  }
0xb4: {  	[dreg:$0x2] =	wrdreg s24  }
0xb5: {  	[dreg:$0x3] =	wrdreg s16  }
0xb6: {  	[dreg:$0x4] =	wrdreg $0x9  }
0xb7: {  	_ =	task.clear_ibuf [dreg:s7], $0x5FFFF;
	_ =	strace $0x90000046  }
0xb8: {  	s29 =	simm.s32 $0x9;
	_ =	strace $0x80000048  }
0xb9: {  	_ =	swait.ge [sflag:s29], $0x1  }
0xba: {  	[sflag:s29] =	ssyncadd.s32 $0xFFFFFFFF  }
0xbb: {  	_ =	strace $0x90000048  }
0xbc: {  	_ =	sfence  }
0xbd: {  	s30 =	sld [smem:$0x0];
	_ =	sdelay $0x2  }
0xbe: {  	s31 =	sshll.u32 s1, $0xD;
	s1 =	sshrl.u32 s1, $0x2  }
0xbf: {  	s3 =	sand.u32 $0x4000, s31;
	s1 =	sadd.s32 s1, s30  }
0xc0: {  	s0 =	sor.u32 s3, s0;
	s1 =	sshll.u32 s1, $0x11  }
0xc1: {  	s0 =	sor.u32 s1, s0  }
0xc2: {  	s0 =	sadd.s32 $0x8F2B, s0  }
0xc3: {  	[sflag:s0] =	ssyncadd.remote.s32 $0x1  }
0xc4: {  	_ =	sfence.sel $0xFFFF  }
0xc5: {  	[dreg:$0x0] =	wrdreg $0xFFFFFFFF;
	(pc) =	sbr.abs _section_cstart, $3  }
0xc6: {  	[dreg:$0x1] =	wrdreg $0xFFFFFFFF  }
0xc7: {  	_ =	task.clear_ibuf [dreg:s7], $0x2FFFF;
	_ =	strace $0x9FFFFFFF  }
0xc8: {  	(tm) =	ssettm $0x7FFFFFFF  }
0xc9: {  	_ =	shalt  }
tec
execute0_lowered:
.L_overlay_start_1:
0x0: {  	(tag) =	ssettag $0x1  }
0x1: {  	s0 =	srdreg.scid  }
0x2: {  	s2 =	stileid.u32;
	s4 =	rddreg [dreg:$0x0]  }
0x3: {  	s6 =	rddreg [dreg:$0x1];
	s31 =	simm.s32 $0x80;
	s0 =	sand.u32 $0x1, s0  }
0x4: {  	s1 =	sshll.u32 s2, $0x8;
	s2 =	sshrl.u32 s2, $0x2;
	s8 =	sadd.s32 $0x101200, s4  }
0x5: {  	s9 =	sadd.s32 $0x183200, s4;
	s3 =	sshll.u32 s0, $0x7;
	s1 =	sand.u32 $0x300, s1  }
0x6: {  	s13 =	sshll.u32 s2, $0xE;
	s0 =	ssub.s32 $0x2, s0;
	s2 =	sshll.u32 s2, $0x13  }
0x7: {  	s3 =	sor.u32 s3, s1;
	s1 =	simm.s32 $0x0;
	s10 =	sshrl.u32 s0, $0x1  }
0x8: {  	s5 =	sor.u32 s13, s3;
	[smem:$0x7FF] =	sst s1;
	s2 =	sor.u32 s2, s3  }
0x9: {  	s0 =	ssub.s32 s0, s10;
	s5 =	sshrl.u32 s5, $0x3;
	s2 =	sshrl.u32 s2, $0x3  }
0xa: {  	s30 =	smax.u32 s0, $0x1;
	s0 =	simm.s32 $0x1;
	s7 =	sadd.s32 s5, s4  }
0xb: {  	s4 =	sadd.s32 $0x143200, s4;
	s14 =	sadd.s32 s6, s5;
	s15 =	sadd.s32 s8, s2  }
0xc: {  	s16 =	sadd.s32 s9, s2;
	s17 =	sor.u32 $0x2000, s2;
	s20 =	sor.u32 $0x4000, s2  }
0xd: {  	s22 =	sor.u32 $0x6000, s2;
	s24 =	sor.u32 $0x8000, s2;
	[dreg:$0x3] =	wrdreg s14  }
0xe: {  	s25 =	sor.u32 $0xA000, s2;
	s26 =	sor.u32 $0xC000, s2;
	[dreg:$0x4] =	wrdreg s15  }
0xf: {  	s5 =	simm.s32 $0x0;
	[dreg:$0x5] =	wrdreg s16;
	s18 =	sadd.s32 s8, s17  }
0x10: {  	s19 =	sadd.s32 s9, s17;
	s3 =	sadd.s32 s4, s17;
	s21 =	sadd.s32 s8, s20  }
0x11: {  	s23 =	sadd.s32 s9, s20;
	s10 =	sadd.s32 s4, s20;
	s11 =	sadd.s32 s8, s22  }
0x12: {  	s12 =	sadd.s32 s9, s22;
	s13 =	sadd.s32 s4, s22;
	s14 =	sadd.s32 s8, s24  }
0x13: {  	s15 =	sadd.s32 s9, s24;
	s16 =	sadd.s32 s4, s24;
	[dreg:$0x6] =	wrdreg s18  }
0x14: {  	s17 =	sadd.s32 s8, s25;
	s20 =	sadd.s32 s4, s2;
	[dreg:$0x7] =	wrdreg s19  }
0x15: {  	s2 =	sor.u32 $0xE000, s2;
	s22 =	sadd.s32 s8, s26;
	[dreg:$0x8] =	wrdreg s3  }
0x16: {  	s24 =	sadd.s32 s4, s26;
	s29 =	sadd.s32 $0x141200, s7;
	[dreg:$0x9] =	wrdreg s21  }
0x17: {  	[dreg:$0xa] =	wrdreg s23;
	s18 =	sadd.s32 s9, s25;
	s19 =	sadd.s32 s4, s25  }
0x18: {  	s23 =	sadd.s32 s9, s26;
	s25 =	sadd.s32 s8, s2;
	s26 =	sadd.s32 s9, s2  }
0x19: {  	s28 =	sadd.s32 s4, s2;
	s21 =	simm.s32 $0x400;
	s2 =	simm.s32 $0x800  }
0x1a: {  	s3 =	simm.s32 $0x3000;
	s4 =	simm.s32 $0x5000;
	_ =	strace $0x80000047  }
.LBB2_1:
0x1b: {  	[tilespmem:s1], [sflag:$0x1] =	stream.strided.gather [hbm4b:s29+s31], $0x800, s21, s31, $0x38;
	[tilespmem:$0x7000] =	vst v63  }
0x1c: {  	_ =	swait.ge [sflag:s0], $0x800  }
0x1d: {  	[sflag:s0] =	ssyncset.done $0x0  }
0x1e: {  	s6 =	rddreg [dreg:$0x3];
	[sflag:s0] =	ssyncadd.s32 $0xFFFFF800  }
0x1f: {  	[tilespmem:s2], [sflag:$0x1] =	stream.strided.gather [hbm4b:s6+s31], $0x800, s21, s31, $0x38;
	[tilespmem:$0x7000] =	vst v63  }
0x20: {  	_ =	swait.ge [sflag:s0], $0x800  }
0x21: {  	[sflag:s0] =	ssyncset.done $0x0  }
0x22: {  	s8 =	simm.s32 $0x1000;
	s7 =	rddreg [dreg:$0x4];
	[sflag:s0] =	ssyncadd.s32 $0xFFFFF800  }
0x23: {  	[tilespmem:s8], [sflag:$0x1] =	stream.strided.gather [hbm4b:s7+s31], $0x2000, s21, s31, $0x38;
	[tilespmem:$0x7000] =	vst v63  }
0x24: {  	_ =	swait.ge [sflag:s0], $0x2000  }
0x25: {  	[sflag:s0] =	ssyncset.done $0x0  }
0x26: {  	[sflag:s0] =	ssyncadd.s32 $0xFFFFE000  }
0x27: {  	v0 =	vld [tilespmem:s8+$0x0]  }
0x28: {  	v1 =	vmov s1  }
0x29: {  	v1 =	vshrl.u32 v1, $0x5  }
0x2a: {  	v1 =	vbroadcast v1, $0x0;
	_ =	sdelay $0x1  }
0x2b: {  	vm0 =	vgt.s32 v0, $0x0  }
0x2c: {  	v0 =	vnsel vm0, $0x0, v0;
	_ =	sdelay $0x2  }
0x2d: {  	v2 =	vld.idx.msk [tilespmem:v1+s1+$0x0], $0xffff  }
0x2e: {  	v1 =	vld.idx.msk [tilespmem:v1+s2+$0x0], $0xffff  }
0x2f: {  	v3 =	vld.idx.msk [tilespmem:v0+s1+$0x0], $0xffff  }
0x30: {  	v0 =	vld.idx.msk [tilespmem:v0+s2+$0x0], $0xffff;
	_ =	sdelay $0x3  }
0x31: {  	v2 =	vsub.f32 v3, v2  }
0x32: {  	v0 =	vsub.f32 v0, v1  }
0x33: {  	[tilespmem:s3+$0x0] =	vst v2  }
0x34: {  	s8 =	simm.s32 $0x1010;
	[tilespmem:s4+$0x0] =	vst v0  }
0x35: {  	s9 =	simm.s32 $0x10;
	v0 =	vld [tilespmem:s8+$0x0]  }
0x36: {  	s6 =	simm.s32 $0x5000;
	s7 =	simm.s32 $0x3000;
	v1 =	vmov s9;
	s9 =	simm.s32 $0x20  }
.LBB2_2:
0x37: {  	p0 =	sne.s32 s9, $0x1FF0;
	v1 =	vshrl.u32 v1, $0x5  }
0x38: {  	v1 =	vbroadcast v1, $0x0;
	_ =	sdelay $0x1  }
0x39: {  	vm0 =	vgt.s32 v0, $0x0  }
0x3a: {  	v0 =	vnsel vm0, $0x0, v0;
	_ =	sdelay $0x2  }
0x3b: {  	v2 =	vld.idx.msk [tilespmem:v1+s1+$0x0], $0xffff  }
0x3c: {  	v1 =	vld.idx.msk [tilespmem:v1+s2+$0x0], $0xffff  }
0x3d: {  	v3 =	vld.idx.msk [tilespmem:v0+s1+$0x0], $0xffff  }
0x3e: {  	v0 =	vld.idx.msk [tilespmem:v0+s2+$0x0], $0xffff;
	_ =	sdelay $0x4  }
0x3f: {  	v2 =	vsub.f32 v3, v2  }
.Ltmp0:
0x40: {  	s7 =	sadd.s32 $0x10, s7;
	v0 =	vsub.f32 v0, v1;
	(pc) =	sbr.rel @p0 .LBB2_2-.Ltmp0, $4  }
0x41: {  	s6 =	sadd.s32 $0x10, s6;
	[tilespmem:s7+$0x0] =	vst v2  }
0x42: {  	s8 =	sadd.s32 $0x10, s8;
	[tilespmem:s6+$0x0] =	vst v0  }
0x43: {  	v0 =	vld [tilespmem:s8+$0x0]  }
0x44: {  	v1 =	vmov s9;
	s9 =	sadd.s32 $0x10, s9  }
0x45: {  	v1 =	vshrl.u32 v1, $0x5  }
0x46: {  	v1 =	vbroadcast v1, $0x0;
	_ =	sdelay $0x1  }
0x47: {  	vm0 =	vgt.s32 v0, $0x0  }
0x48: {  	v0 =	vnsel vm0, $0x0, v0;
	_ =	sdelay $0x2  }
0x49: {  	v2 =	vld.idx.msk [tilespmem:v1+s1+$0x0], $0xffff  }
0x4a: {  	v1 =	vld.idx.msk [tilespmem:v1+s2+$0x0], $0xffff  }
0x4b: {  	v3 =	vld.idx.msk [tilespmem:v0+s1+$0x0], $0xffff  }
0x4c: {  	v0 =	vld.idx.msk [tilespmem:v0+s2+$0x0], $0xffff;
	_ =	sdelay $0x3  }
0x4d: {  	v2 =	vsub.f32 v3, v2  }
0x4e: {  	s7 =	sadd.s32 $0x10, s7;
	v0 =	vsub.f32 v0, v1  }
0x4f: {  	s6 =	sadd.s32 $0x10, s6;
	[tilespmem:s7+$0x0] =	vst v2  }
0x50: {  	s9 =	rddreg [dreg:$0x5];
	[tilespmem:s6+$0x0] =	vst v0;
	s6 =	simm.s32 $0x3000  }
0x51: {  	[hbm4b:s9+s31] =	stream.strided.scatter [tilespmem:s6], [sflag:$0x1], $0x2000, s21, s31, $0x38;
	[tilespmem:$0x7000] =	vst v63  }
0x52: {  	_ =	swait.ge [sflag:s0], $0x2000  }
0x53: {  	[sflag:s0] =	ssyncset.done $0x0  }
0x54: {  	s7 =	simm.s32 $0x5000;
	[sflag:s0] =	ssyncadd.s32 $0xFFFFE000  }
0x55: {  	[hbm4b:s20+s31] =	stream.strided.scatter [tilespmem:s7], [sflag:$0x1], $0x2000, s21, s31, $0x38;
	[tilespmem:$0x7000] =	vst v63  }
0x56: {  	_ =	swait.ge [sflag:s0], $0x2000  }
0x57: {  	[sflag:s0] =	ssyncset.done $0x0  }
0x58: {  	s8 =	simm.s32 $0x1000;
	s9 =	rddreg [dreg:$0x6];
	[sflag:s0] =	ssyncadd.s32 $0xFFFFE000  }
0x59: {  	[tilespmem:s8], [sflag:$0x1] =	stream.strided.gather [hbm4b:s9+s31], $0x2000, s21, s31, $0x38;
	[tilespmem:$0x7000] =	vst v63  }
0x5a: {  	_ =	swait.ge [sflag:s0], $0x2000  }
0x5b: {  	[sflag:s0] =	ssyncset.done $0x0  }
0x5c: {  	[sflag:s0] =	ssyncadd.s32 $0xFFFFE000  }
0x5d: {  	s9 =	simm.s32 $0x2000;
	v0 =	vld [tilespmem:s8+$0x0]  }
0x5e: {  	v1 =	vmov s9  }
0x5f: {  	v1 =	vshrl.u32 v1, $0x5  }
0x60: {  	v1 =	vbroadcast v1, $0x0;
	_ =	sdelay $0x1  }
0x61: {  	vm15 =	vgt.s32 v0, $0x0  }
0x62: {  	v0 =	vnsel vm15, $0x0, v0;
	_ =	sdelay $0x2  }
0x63: {  	v2 =	vld.idx.msk [tilespmem:v1+s1+$0x0], $0xffff  }
0x64: {  	v1 =	vld.idx.msk [tilespmem:v1+s2+$0x0], $0xffff  }
0x65: {  	v3 =	vld.idx.msk [tilespmem:v0+s1+$0x0], $0xffff  }
0x66: {  	v0 =	vld.idx.msk [tilespmem:v0+s2+$0x0], $0xffff;
	_ =	sdelay $0x3  }
0x67: {  	v2 =	vsub.f32 v3, v2  }
0x68: {  	v0 =	vsub.f32 v0, v1  }
0x69: {  	[tilespmem:s6+$0x0] =	vst v2  }
0x6a: {  	s8 =	simm.s32 $0x1010;
	[tilespmem:s7+$0x0] =	vst v0  }
0x6b: {  	s9 =	simm.s32 $0x2010;
	v0 =	vld [tilespmem:s8+$0x0]  }
0x6c: {  	v1 =	vmov s9;
	s9 =	simm.s32 $0x2020  }
.LBB2_4:
0x6d: {  	p0 =	sne.s32 s9, $0x3FF0;
	v1 =	vshrl.u32 v1, $0x5  }
0x6e: {  	v1 =	vbroadcast v1, $0x0;
	_ =	sdelay $0x1  }
0x6f: {  	vm0 =	vgt.s32 v0, $0x0  }
0x70: {  	v0 =	vnsel vm0, $0x0, v0;
	_ =	sdelay $0x2  }
0x71: {  	v2 =	vld.idx.msk [tilespmem:v1+s1+$0x0], $0xffff  }
0x72: {  	v1 =	vld.idx.msk [tilespmem:v1+s2+$0x0], $0xffff  }
0x73: {  	v3 =	vld.idx.msk [tilespmem:v0+s1+$0x0], $0xffff  }
0x74: {  	v0 =	vld.idx.msk [tilespmem:v0+s2+$0x0], $0xffff;
	_ =	sdelay $0x4  }
0x75: {  	v2 =	vsub.f32 v3, v2  }
.Ltmp1:
0x76: {  	s6 =	sadd.s32 $0x10, s6;
	v0 =	vsub.f32 v0, v1;
	(pc) =	sbr.rel @p0 .LBB2_4-.Ltmp1, $4  }
0x77: {  	s7 =	sadd.s32 $0x10, s7;
	[tilespmem:s6+$0x0] =	vst v2  }
0x78: {  	s8 =	sadd.s32 $0x10, s8;
	[tilespmem:s7+$0x0] =	vst v0  }
0x79: {  	v0 =	vld [tilespmem:s8+$0x0]  }
0x7a: {  	v1 =	vmov s9;
	s9 =	sadd.s32 $0x10, s9  }
0x7b: {  	v1 =	vshrl.u32 v1, $0x5  }
0x7c: {  	v1 =	vbroadcast v1, $0x0;
	_ =	sdelay $0x1  }
0x7d: {  	vm0 =	vgt.s32 v0, $0x0  }
0x7e: {  	v0 =	vnsel vm0, $0x0, v0;
	_ =	sdelay $0x2  }
0x7f: {  	v2 =	vld.idx.msk [tilespmem:v1+s1+$0x0], $0xffff  }
0x80: {  	v1 =	vld.idx.msk [tilespmem:v1+s2+$0x0], $0xffff  }
0x81: {  	v3 =	vld.idx.msk [tilespmem:v0+s1+$0x0], $0xffff  }
0x82: {  	v0 =	vld.idx.msk [tilespmem:v0+s2+$0x0], $0xffff;
	_ =	sdelay $0x3  }
0x83: {  	v2 =	vsub.f32 v3, v2  }
0x84: {  	s6 =	sadd.s32 $0x10, s6;
	v0 =	vsub.f32 v0, v1  }
0x85: {  	s8 =	sadd.s32 $0x10, s7;
	[tilespmem:s6+$0x0] =	vst v2  }
0x86: {  	s9 =	rddreg [dreg:$0x7];
	s6 =	simm.s32 $0x3000;
	[tilespmem:s8+$0x0] =	vst v0  }
0x87: {  	[hbm4b:s9+s31] =	stream.strided.scatter [tilespmem:s6], [sflag:$0x1], $0x2000, s21, s31, $0x38;
	[tilespmem:$0x7000] =	vst v63  }
0x88: {  	_ =	swait.ge [sflag:s0], $0x2000  }
0x89: {  	[sflag:s0] =	ssyncset.done $0x0  }
0x8a: {  	s7 =	simm.s32 $0x5000;
	s8 =	rddreg [dreg:$0x8];
	[sflag:s0] =	ssyncadd.s32 $0xFFFFE000  }
0x8b: {  	[hbm4b:s8+s31] =	stream.strided.scatter [tilespmem:s7], [sflag:$0x1], $0x2000, s21, s31, $0x38;
	[tilespmem:$0x7000] =	vst v63  }
0x8c: {  	_ =	swait.ge [sflag:s0], $0x2000  }
0x8d: {  	[sflag:s0] =	ssyncset.done $0x0  }
0x8e: {  	s8 =	simm.s32 $0x1000;
	s9 =	rddreg [dreg:$0x9];
	[sflag:s0] =	ssyncadd.s32 $0xFFFFE000  }
0x8f: {  	[tilespmem:s8], [sflag:$0x1] =	stream.strided.gather [hbm4b:s9+s31], $0x2000, s21, s31, $0x38;
	[tilespmem:$0x7000] =	vst v63  }
0x90: {  	_ =	swait.ge [sflag:s0], $0x2000  }
0x91: {  	[sflag:s0] =	ssyncset.done $0x0  }
0x92: {  	[sflag:s0] =	ssyncadd.s32 $0xFFFFE000  }
0x93: {  	s9 =	simm.s32 $0x4000;
	v0 =	vld [tilespmem:s8+$0x0]  }
0x94: {  	v1 =	vmov s9  }
0x95: {  	v1 =	vshrl.u32 v1, $0x5  }
0x96: {  	v1 =	vbroadcast v1, $0x0;
	_ =	sdelay $0x1  }
0x97: {  	vm15 =	vgt.s32 v0, $0x0  }
0x98: {  	v0 =	vnsel vm15, $0x0, v0;
	_ =	sdelay $0x2  }
0x99: {  	v2 =	vld.idx.msk [tilespmem:v1+s1+$0x0], $0xffff  }
0x9a: {  	v1 =	vld.idx.msk [tilespmem:v1+s2+$0x0], $0xffff  }
0x9b: {  	v3 =	vld.idx.msk [tilespmem:v0+s1+$0x0], $0xffff  }
0x9c: {  	v0 =	vld.idx.msk [tilespmem:v0+s2+$0x0], $0xffff;
	_ =	sdelay $0x3  }
0x9d: {  	v2 =	vsub.f32 v3, v2  }
0x9e: {  	v0 =	vsub.f32 v0, v1  }
0x9f: {  	[tilespmem:s6+$0x0] =	vst v2  }
0xa0: {  	s8 =	simm.s32 $0x1010;
	[tilespmem:s7+$0x0] =	vst v0  }
0xa1: {  	s9 =	simm.s32 $0x4010;
	v0 =	vld [tilespmem:s8+$0x0]  }
0xa2: {  	v1 =	vmov s9;
	s9 =	simm.s32 $0x4020  }
.LBB2_6:
0xa3: {  	p0 =	sne.s32 s9, $0x5FF0;
	v1 =	vshrl.u32 v1, $0x5  }
0xa4: {  	v1 =	vbroadcast v1, $0x0;
	_ =	sdelay $0x1  }
0xa5: {  	vm0 =	vgt.s32 v0, $0x0  }
0xa6: {  	v0 =	vnsel vm0, $0x0, v0;
	_ =	sdelay $0x2  }
0xa7: {  	v2 =	vld.idx.msk [tilespmem:v1+s1+$0x0], $0xffff  }
0xa8: {  	v1 =	vld.idx.msk [tilespmem:v1+s2+$0x0], $0xffff  }
0xa9: {  	v3 =	vld.idx.msk [tilespmem:v0+s1+$0x0], $0xffff  }
0xaa: {  	v0 =	vld.idx.msk [tilespmem:v0+s2+$0x0], $0xffff;
	_ =	sdelay $0x4  }
0xab: {  	v2 =	vsub.f32 v3, v2  }
.Ltmp2:
0xac: {  	s6 =	sadd.s32 $0x10, s6;
	v0 =	vsub.f32 v0, v1;
	(pc) =	sbr.rel @p0 .LBB2_6-.Ltmp2, $4  }
0xad: {  	s7 =	sadd.s32 $0x10, s7;
	[tilespmem:s6+$0x0] =	vst v2  }
0xae: {  	s8 =	sadd.s32 $0x10, s8;
	[tilespmem:s7+$0x0] =	vst v0  }
0xaf: {  	v0 =	vld [tilespmem:s8+$0x0]  }
0xb0: {  	v1 =	vmov s9;
	s9 =	sadd.s32 $0x10, s9  }
0xb1: {  	v1 =	vshrl.u32 v1, $0x5  }
0xb2: {  	v1 =	vbroadcast v1, $0x0;
	_ =	sdelay $0x1  }
0xb3: {  	vm0 =	vgt.s32 v0, $0x0  }
0xb4: {  	v0 =	vnsel vm0, $0x0, v0;
	_ =	sdelay $0x2  }
0xb5: {  	v2 =	vld.idx.msk [tilespmem:v1+s1+$0x0], $0xffff  }
0xb6: {  	v1 =	vld.idx.msk [tilespmem:v1+s2+$0x0], $0xffff  }
0xb7: {  	v3 =	vld.idx.msk [tilespmem:v0+s1+$0x0], $0xffff  }
0xb8: {  	v0 =	vld.idx.msk [tilespmem:v0+s2+$0x0], $0xffff;
	_ =	sdelay $0x3  }
0xb9: {  	v2 =	vsub.f32 v3, v2  }
0xba: {  	s6 =	sadd.s32 $0x10, s6;
	v0 =	vsub.f32 v0, v1  }
0xbb: {  	s8 =	sadd.s32 $0x10, s7;
	[tilespmem:s6+$0x0] =	vst v2  }
0xbc: {  	s9 =	rddreg [dreg:$0xa];
	s6 =	simm.s32 $0x3000;
	[tilespmem:s8+$0x0] =	vst v0  }
0xbd: {  	[hbm4b:s9+s31] =	stream.strided.scatter [tilespmem:s6], [sflag:$0x1], $0x2000, s21, s31, $0x38;
	[tilespmem:$0x7000] =	vst v63  }
0xbe: {  	_ =	swait.ge [sflag:s0], $0x2000  }
0xbf: {  	[sflag:s0] =	ssyncset.done $0x0  }
0xc0: {  	s7 =	simm.s32 $0x5000;
	[sflag:s0] =	ssyncadd.s32 $0xFFFFE000  }
0xc1: {  	[hbm4b:s10+s31] =	stream.strided.scatter [tilespmem:s7], [sflag:$0x1], $0x2000, s21, s31, $0x38;
	[tilespmem:$0x7000] =	vst v63  }
0xc2: {  	_ =	swait.ge [sflag:s0], $0x2000  }
0xc3: {  	[sflag:s0] =	ssyncset.done $0x0  }
0xc4: {  	s8 =	simm.s32 $0x1000;
	[sflag:s0] =	ssyncadd.s32 $0xFFFFE000  }
0xc5: {  	[tilespmem:s8], [sflag:$0x1] =	stream.strided.gather [hbm4b:s11+s31], $0x2000, s21, s31, $0x38;
	[tilespmem:$0x7000] =	vst v63  }
0xc6: {  	_ =	swait.ge [sflag:s0], $0x2000  }
0xc7: {  	[sflag:s0] =	ssyncset.done $0x0  }
0xc8: {  	[sflag:s0] =	ssyncadd.s32 $0xFFFFE000  }
0xc9: {  	s9 =	simm.s32 $0x6000;
	v0 =	vld [tilespmem:s8+$0x0]  }
0xca: {  	v1 =	vmov s9  }
0xcb: {  	v1 =	vshrl.u32 v1, $0x5  }
0xcc: {  	v1 =	vbroadcast v1, $0x0;
	_ =	sdelay $0x1  }
0xcd: {  	vm15 =	vgt.s32 v0, $0x0  }
0xce: {  	v0 =	vnsel vm15, $0x0, v0;
	_ =	sdelay $0x2  }
0xcf: {  	v2 =	vld.idx.msk [tilespmem:v1+s1+$0x0], $0xffff  }
0xd0: {  	v1 =	vld.idx.msk [tilespmem:v1+s2+$0x0], $0xffff  }
0xd1: {  	v3 =	vld.idx.msk [tilespmem:v0+s1+$0x0], $0xffff  }
0xd2: {  	v0 =	vld.idx.msk [tilespmem:v0+s2+$0x0], $0xffff;
	_ =	sdelay $0x3  }
0xd3: {  	v2 =	vsub.f32 v3, v2  }
0xd4: {  	v0 =	vsub.f32 v0, v1  }
0xd5: {  	[tilespmem:s6+$0x0] =	vst v2  }
0xd6: {  	s8 =	simm.s32 $0x1010;
	[tilespmem:s7+$0x0] =	vst v0  }
0xd7: {  	s9 =	simm.s32 $0x6010;
	v0 =	vld [tilespmem:s8+$0x0]  }
0xd8: {  	v1 =	vmov s9;
	s9 =	simm.s32 $0x6020  }
.LBB2_8:
0xd9: {  	p0 =	sne.s32 s9, $0x7FF0;
	v1 =	vshrl.u32 v1, $0x5  }
0xda: {  	v1 =	vbroadcast v1, $0x0;
	_ =	sdelay $0x1  }
0xdb: {  	vm0 =	vgt.s32 v0, $0x0  }
0xdc: {  	v0 =	vnsel vm0, $0x0, v0;
	_ =	sdelay $0x2  }
0xdd: {  	v2 =	vld.idx.msk [tilespmem:v1+s1+$0x0], $0xffff  }
0xde: {  	v1 =	vld.idx.msk [tilespmem:v1+s2+$0x0], $0xffff  }
0xdf: {  	v3 =	vld.idx.msk [tilespmem:v0+s1+$0x0], $0xffff  }
0xe0: {  	v0 =	vld.idx.msk [tilespmem:v0+s2+$0x0], $0xffff;
	_ =	sdelay $0x4  }
0xe1: {  	v2 =	vsub.f32 v3, v2  }
.Ltmp3:
0xe2: {  	s6 =	sadd.s32 $0x10, s6;
	v0 =	vsub.f32 v0, v1;
	(pc) =	sbr.rel @p0 .LBB2_8-.Ltmp3, $4  }
0xe3: {  	s7 =	sadd.s32 $0x10, s7;
	[tilespmem:s6+$0x0] =	vst v2  }
0xe4: {  	s8 =	sadd.s32 $0x10, s8;
	[tilespmem:s7+$0x0] =	vst v0  }
0xe5: {  	v0 =	vld [tilespmem:s8+$0x0]  }
0xe6: {  	v1 =	vmov s9;
	s9 =	sadd.s32 $0x10, s9  }
0xe7: {  	v1 =	vshrl.u32 v1, $0x5  }
0xe8: {  	v1 =	vbroadcast v1, $0x0;
	_ =	sdelay $0x1  }
0xe9: {  	vm0 =	vgt.s32 v0, $0x0  }
0xea: {  	v0 =	vnsel vm0, $0x0, v0;
	_ =	sdelay $0x2  }
0xeb: {  	v2 =	vld.idx.msk [tilespmem:v1+s1+$0x0], $0xffff  }
0xec: {  	v1 =	vld.idx.msk [tilespmem:v1+s2+$0x0], $0xffff  }
0xed: {  	v3 =	vld.idx.msk [tilespmem:v0+s1+$0x0], $0xffff  }
0xee: {  	v0 =	vld.idx.msk [tilespmem:v0+s2+$0x0], $0xffff;
	_ =	sdelay $0x3  }
0xef: {  	v2 =	vsub.f32 v3, v2  }
0xf0: {  	s6 =	sadd.s32 $0x10, s6;
	v0 =	vsub.f32 v0, v1  }
0xf1: {  	s9 =	sadd.s32 $0x10, s7;
	[tilespmem:s6+$0x0] =	vst v2  }
0xf2: {  	s6 =	simm.s32 $0x3000;
	[tilespmem:s9+$0x0] =	vst v0  }
0xf3: {  	[hbm4b:s12+s31] =	stream.strided.scatter [tilespmem:s6], [sflag:$0x1], $0x2000, s21, s31, $0x38;
	[tilespmem:$0x7000] =	vst v63  }
0xf4: {  	_ =	swait.ge [sflag:s0], $0x2000  }
0xf5: {  	[sflag:s0] =	ssyncset.done $0x0  }
0xf6: {  	s7 =	simm.s32 $0x5000;
	[sflag:s0] =	ssyncadd.s32 $0xFFFFE000  }
0xf7: {  	[hbm4b:s13+s31] =	stream.strided.scatter [tilespmem:s7], [sflag:$0x1], $0x2000, s21, s31, $0x38;
	[tilespmem:$0x7000] =	vst v63  }
0xf8: {  	_ =	swait.ge [sflag:s0], $0x2000  }
0xf9: {  	[sflag:s0] =	ssyncset.done $0x0  }
0xfa: {  	s8 =	simm.s32 $0x1000;
	[sflag:s0] =	ssyncadd.s32 $0xFFFFE000  }
0xfb: {  	[tilespmem:s8], [sflag:$0x1] =	stream.strided.gather [hbm4b:s14+s31], $0x2000, s21, s31, $0x38;
	[tilespmem:$0x7000] =	vst v63  }
0xfc: {  	_ =	swait.ge [sflag:s0], $0x2000  }
0xfd: {  	[sflag:s0] =	ssyncset.done $0x0  }
0xfe: {  	[sflag:s0] =	ssyncadd.s32 $0xFFFFE000  }
0xff: {  	s9 =	simm.s32 $0x8000;
	v0 =	vld [tilespmem:s8+$0x0]  }
0x100: {  	v1 =	vmov s9  }
0x101: {  	v1 =	vshrl.u32 v1, $0x5  }
0x102: {  	v1 =	vbroadcast v1, $0x0;
	_ =	sdelay $0x1  }
0x103: {  	vm15 =	vgt.s32 v0, $0x0  }
0x104: {  	v0 =	vnsel vm15, $0x0, v0;
	_ =	sdelay $0x2  }
0x105: {  	v2 =	vld.idx.msk [tilespmem:v1+s1+$0x0], $0xffff  }
0x106: {  	v1 =	vld.idx.msk [tilespmem:v1+s2+$0x0], $0xffff  }
0x107: {  	v3 =	vld.idx.msk [tilespmem:v0+s1+$0x0], $0xffff  }
0x108: {  	v0 =	vld.idx.msk [tilespmem:v0+s2+$0x0], $0xffff;
	_ =	sdelay $0x3  }
0x109: {  	v2 =	vsub.f32 v3, v2  }
0x10a: {  	v0 =	vsub.f32 v0, v1  }
0x10b: {  	[tilespmem:s6+$0x0] =	vst v2  }
0x10c: {  	s8 =	simm.s32 $0x1010;
	[tilespmem:s7+$0x0] =	vst v0  }
0x10d: {  	s9 =	simm.s32 $0x8010;
	v0 =	vld [tilespmem:s8+$0x0]  }
0x10e: {  	v1 =	vmov s9;
	s9 =	simm.s32 $0x8020  }
.LBB2_10:
0x10f: {  	p0 =	sne.s32 s9, $0x9FF0;
	v1 =	vshrl.u32 v1, $0x5  }
0x110: {  	v1 =	vbroadcast v1, $0x0;
	_ =	sdelay $0x1  }
0x111: {  	vm0 =	vgt.s32 v0, $0x0  }
0x112: {  	v0 =	vnsel vm0, $0x0, v0;
	_ =	sdelay $0x2  }
0x113: {  	v2 =	vld.idx.msk [tilespmem:v1+s1+$0x0], $0xffff  }
0x114: {  	v1 =	vld.idx.msk [tilespmem:v1+s2+$0x0], $0xffff  }
0x115: {  	v3 =	vld.idx.msk [tilespmem:v0+s1+$0x0], $0xffff  }
0x116: {  	v0 =	vld.idx.msk [tilespmem:v0+s2+$0x0], $0xffff;
	_ =	sdelay $0x4  }
0x117: {  	v2 =	vsub.f32 v3, v2  }
.Ltmp4:
0x118: {  	s6 =	sadd.s32 $0x10, s6;
	v0 =	vsub.f32 v0, v1;
	(pc) =	sbr.rel @p0 .LBB2_10-.Ltmp4, $4  }
0x119: {  	s7 =	sadd.s32 $0x10, s7;
	[tilespmem:s6+$0x0] =	vst v2  }
0x11a: {  	s8 =	sadd.s32 $0x10, s8;
	[tilespmem:s7+$0x0] =	vst v0  }
0x11b: {  	v0 =	vld [tilespmem:s8+$0x0]  }
0x11c: {  	v1 =	vmov s9;
	s9 =	sadd.s32 $0x10, s9  }
0x11d: {  	v1 =	vshrl.u32 v1, $0x5  }
0x11e: {  	v1 =	vbroadcast v1, $0x0;
	_ =	sdelay $0x1  }
0x11f: {  	vm0 =	vgt.s32 v0, $0x0  }
0x120: {  	v0 =	vnsel vm0, $0x0, v0;
	_ =	sdelay $0x2  }
0x121: {  	v2 =	vld.idx.msk [tilespmem:v1+s1+$0x0], $0xffff  }
0x122: {  	v1 =	vld.idx.msk [tilespmem:v1+s2+$0x0], $0xffff  }
0x123: {  	v3 =	vld.idx.msk [tilespmem:v0+s1+$0x0], $0xffff  }
0x124: {  	v0 =	vld.idx.msk [tilespmem:v0+s2+$0x0], $0xffff;
	_ =	sdelay $0x3  }
0x125: {  	v2 =	vsub.f32 v3, v2  }
0x126: {  	s6 =	sadd.s32 $0x10, s6;
	v0 =	vsub.f32 v0, v1  }
0x127: {  	s9 =	sadd.s32 $0x10, s7;
	[tilespmem:s6+$0x0] =	vst v2  }
0x128: {  	s6 =	simm.s32 $0x3000;
	[tilespmem:s9+$0x0] =	vst v0  }
0x129: {  	[hbm4b:s15+s31] =	stream.strided.scatter [tilespmem:s6], [sflag:$0x1], $0x2000, s21, s31, $0x38;
	[tilespmem:$0x7000] =	vst v63  }
0x12a: {  	_ =	swait.ge [sflag:s0], $0x2000  }
0x12b: {  	[sflag:s0] =	ssyncset.done $0x0  }
0x12c: {  	s7 =	simm.s32 $0x5000;
	[sflag:s0] =	ssyncadd.s32 $0xFFFFE000  }
0x12d: {  	[hbm4b:s16+s31] =	stream.strided.scatter [tilespmem:s7], [sflag:$0x1], $0x2000, s21, s31, $0x38;
	[tilespmem:$0x7000] =	vst v63  }
0x12e: {  	_ =	swait.ge [sflag:s0], $0x2000  }
0x12f: {  	[sflag:s0] =	ssyncset.done $0x0  }
0x130: {  	s8 =	simm.s32 $0x1000;
	[sflag:s0] =	ssyncadd.s32 $0xFFFFE000  }
0x131: {  	[tilespmem:s8], [sflag:$0x1] =	stream.strided.gather [hbm4b:s17+s31], $0x2000, s21, s31, $0x38;
	[tilespmem:$0x7000] =	vst v63  }
0x132: {  	_ =	swait.ge [sflag:s0], $0x2000  }
0x133: {  	[sflag:s0] =	ssyncset.done $0x0  }
0x134: {  	[sflag:s0] =	ssyncadd.s32 $0xFFFFE000  }
0x135: {  	s9 =	simm.s32 $0xA000;
	v0 =	vld [tilespmem:s8+$0x0]  }
0x136: {  	v1 =	vmov s9  }
0x137: {  	v1 =	vshrl.u32 v1, $0x5  }
0x138: {  	v1 =	vbroadcast v1, $0x0;
	_ =	sdelay $0x1  }
0x139: {  	vm15 =	vgt.s32 v0, $0x0  }
0x13a: {  	v0 =	vnsel vm15, $0x0, v0;
	_ =	sdelay $0x2  }
0x13b: {  	v2 =	vld.idx.msk [tilespmem:v1+s1+$0x0], $0xffff  }
0x13c: {  	v1 =	vld.idx.msk [tilespmem:v1+s2+$0x0], $0xffff  }
0x13d: {  	v3 =	vld.idx.msk [tilespmem:v0+s1+$0x0], $0xffff  }
0x13e: {  	v0 =	vld.idx.msk [tilespmem:v0+s2+$0x0], $0xffff;
	_ =	sdelay $0x3  }
0x13f: {  	v2 =	vsub.f32 v3, v2  }
0x140: {  	v0 =	vsub.f32 v0, v1  }
0x141: {  	[tilespmem:s6+$0x0] =	vst v2  }
0x142: {  	s8 =	simm.s32 $0x1010;
	[tilespmem:s7+$0x0] =	vst v0  }
0x143: {  	s9 =	simm.s32 $0xA010;
	v0 =	vld [tilespmem:s8+$0x0]  }
0x144: {  	v1 =	vmov s9;
	s9 =	simm.s32 $0xA020  }
.LBB2_12:
0x145: {  	p0 =	sne.s32 s9, $0xBFF0;
	v1 =	vshrl.u32 v1, $0x5  }
0x146: {  	v1 =	vbroadcast v1, $0x0;
	_ =	sdelay $0x1  }
0x147: {  	vm0 =	vgt.s32 v0, $0x0  }
0x148: {  	v0 =	vnsel vm0, $0x0, v0;
	_ =	sdelay $0x2  }
0x149: {  	v2 =	vld.idx.msk [tilespmem:v1+s1+$0x0], $0xffff  }
0x14a: {  	v1 =	vld.idx.msk [tilespmem:v1+s2+$0x0], $0xffff  }
0x14b: {  	v3 =	vld.idx.msk [tilespmem:v0+s1+$0x0], $0xffff  }
0x14c: {  	v0 =	vld.idx.msk [tilespmem:v0+s2+$0x0], $0xffff;
	_ =	sdelay $0x4  }
0x14d: {  	v2 =	vsub.f32 v3, v2  }
.Ltmp5:
0x14e: {  	s6 =	sadd.s32 $0x10, s6;
	v0 =	vsub.f32 v0, v1;
	(pc) =	sbr.rel @p0 .LBB2_12-.Ltmp5, $4  }
0x14f: {  	s7 =	sadd.s32 $0x10, s7;
	[tilespmem:s6+$0x0] =	vst v2  }
0x150: {  	s8 =	sadd.s32 $0x10, s8;
	[tilespmem:s7+$0x0] =	vst v0  }
0x151: {  	v0 =	vld [tilespmem:s8+$0x0]  }
0x152: {  	v1 =	vmov s9;
	s9 =	sadd.s32 $0x10, s9  }
0x153: {  	v1 =	vshrl.u32 v1, $0x5  }
0x154: {  	v1 =	vbroadcast v1, $0x0;
	_ =	sdelay $0x1  }
0x155: {  	vm0 =	vgt.s32 v0, $0x0  }
0x156: {  	v0 =	vnsel vm0, $0x0, v0;
	_ =	sdelay $0x2  }
0x157: {  	v2 =	vld.idx.msk [tilespmem:v1+s1+$0x0], $0xffff  }
0x158: {  	v1 =	vld.idx.msk [tilespmem:v1+s2+$0x0], $0xffff  }
0x159: {  	v3 =	vld.idx.msk [tilespmem:v0+s1+$0x0], $0xffff  }
0x15a: {  	v0 =	vld.idx.msk [tilespmem:v0+s2+$0x0], $0xffff;
	_ =	sdelay $0x3  }
0x15b: {  	v2 =	vsub.f32 v3, v2  }
0x15c: {  	s6 =	sadd.s32 $0x10, s6;
	v0 =	vsub.f32 v0, v1  }
0x15d: {  	s9 =	sadd.s32 $0x10, s7;
	[tilespmem:s6+$0x0] =	vst v2  }
0x15e: {  	s6 =	simm.s32 $0x3000;
	[tilespmem:s9+$0x0] =	vst v0  }
0x15f: {  	[hbm4b:s18+s31] =	stream.strided.scatter [tilespmem:s6], [sflag:$0x1], $0x2000, s21, s31, $0x38;
	[tilespmem:$0x7000] =	vst v63  }
0x160: {  	_ =	swait.ge [sflag:s0], $0x2000  }
0x161: {  	[sflag:s0] =	ssyncset.done $0x0  }
0x162: {  	s7 =	simm.s32 $0x5000;
	[sflag:s0] =	ssyncadd.s32 $0xFFFFE000  }
0x163: {  	[hbm4b:s19+s31] =	stream.strided.scatter [tilespmem:s7], [sflag:$0x1], $0x2000, s21, s31, $0x38;
	[tilespmem:$0x7000] =	vst v63  }
0x164: {  	_ =	swait.ge [sflag:s0], $0x2000  }
0x165: {  	[sflag:s0] =	ssyncset.done $0x0  }
0x166: {  	s8 =	simm.s32 $0x1000;
	[sflag:s0] =	ssyncadd.s32 $0xFFFFE000  }
0x167: {  	[tilespmem:s8], [sflag:$0x1] =	stream.strided.gather [hbm4b:s22+s31], $0x2000, s21, s31, $0x38;
	[tilespmem:$0x7000] =	vst v63  }
0x168: {  	_ =	swait.ge [sflag:s0], $0x2000  }
0x169: {  	[sflag:s0] =	ssyncset.done $0x0  }
0x16a: {  	[sflag:s0] =	ssyncadd.s32 $0xFFFFE000  }
0x16b: {  	s9 =	simm.s32 $0xC000;
	v0 =	vld [tilespmem:s8+$0x0]  }
0x16c: {  	v1 =	vmov s9  }
0x16d: {  	v1 =	vshrl.u32 v1, $0x5  }
0x16e: {  	v1 =	vbroadcast v1, $0x0;
	_ =	sdelay $0x1  }
0x16f: {  	vm15 =	vgt.s32 v0, $0x0  }
0x170: {  	v0 =	vnsel vm15, $0x0, v0;
	_ =	sdelay $0x2  }
0x171: {  	v2 =	vld.idx.msk [tilespmem:v1+s1+$0x0], $0xffff  }
0x172: {  	v1 =	vld.idx.msk [tilespmem:v1+s2+$0x0], $0xffff  }
0x173: {  	v3 =	vld.idx.msk [tilespmem:v0+s1+$0x0], $0xffff  }
0x174: {  	v0 =	vld.idx.msk [tilespmem:v0+s2+$0x0], $0xffff;
	_ =	sdelay $0x3  }
0x175: {  	v2 =	vsub.f32 v3, v2  }
0x176: {  	v0 =	vsub.f32 v0, v1  }
0x177: {  	[tilespmem:s6+$0x0] =	vst v2  }
0x178: {  	s8 =	simm.s32 $0x1010;
	[tilespmem:s7+$0x0] =	vst v0  }
0x179: {  	s9 =	simm.s32 $0xC010;
	v0 =	vld [tilespmem:s8+$0x0]  }
0x17a: {  	v1 =	vmov s9;
	s9 =	simm.s32 $0xC020  }
.LBB2_14:
0x17b: {  	p0 =	sne.s32 s9, $0xDFF0;
	v1 =	vshrl.u32 v1, $0x5  }
0x17c: {  	v1 =	vbroadcast v1, $0x0;
	_ =	sdelay $0x1  }
0x17d: {  	vm0 =	vgt.s32 v0, $0x0  }
0x17e: {  	v0 =	vnsel vm0, $0x0, v0;
	_ =	sdelay $0x2  }
0x17f: {  	v2 =	vld.idx.msk [tilespmem:v1+s1+$0x0], $0xffff  }
0x180: {  	v1 =	vld.idx.msk [tilespmem:v1+s2+$0x0], $0xffff  }
0x181: {  	v3 =	vld.idx.msk [tilespmem:v0+s1+$0x0], $0xffff  }
0x182: {  	v0 =	vld.idx.msk [tilespmem:v0+s2+$0x0], $0xffff;
	_ =	sdelay $0x4  }
0x183: {  	v2 =	vsub.f32 v3, v2  }
.Ltmp6:
0x184: {  	s6 =	sadd.s32 $0x10, s6;
	v0 =	vsub.f32 v0, v1;
	(pc) =	sbr.rel @p0 .LBB2_14-.Ltmp6, $4  }
0x185: {  	s7 =	sadd.s32 $0x10, s7;
	[tilespmem:s6+$0x0] =	vst v2  }
0x186: {  	s8 =	sadd.s32 $0x10, s8;
	[tilespmem:s7+$0x0] =	vst v0  }
0x187: {  	v0 =	vld [tilespmem:s8+$0x0]  }
0x188: {  	v1 =	vmov s9;
	s9 =	sadd.s32 $0x10, s9  }
0x189: {  	v1 =	vshrl.u32 v1, $0x5  }
0x18a: {  	v1 =	vbroadcast v1, $0x0;
	_ =	sdelay $0x1  }
0x18b: {  	vm0 =	vgt.s32 v0, $0x0  }
0x18c: {  	v0 =	vnsel vm0, $0x0, v0;
	_ =	sdelay $0x2  }
0x18d: {  	v2 =	vld.idx.msk [tilespmem:v1+s1+$0x0], $0xffff  }
0x18e: {  	v1 =	vld.idx.msk [tilespmem:v1+s2+$0x0], $0xffff  }
0x18f: {  	v3 =	vld.idx.msk [tilespmem:v0+s1+$0x0], $0xffff  }
0x190: {  	v0 =	vld.idx.msk [tilespmem:v0+s2+$0x0], $0xffff;
	_ =	sdelay $0x3  }
0x191: {  	v2 =	vsub.f32 v3, v2  }
0x192: {  	s6 =	sadd.s32 $0x10, s6;
	v0 =	vsub.f32 v0, v1  }
0x193: {  	s9 =	sadd.s32 $0x10, s7;
	[tilespmem:s6+$0x0] =	vst v2  }
0x194: {  	s6 =	simm.s32 $0x3000;
	[tilespmem:s9+$0x0] =	vst v0  }
0x195: {  	[hbm4b:s23+s31] =	stream.strided.scatter [tilespmem:s6], [sflag:$0x1], $0x2000, s21, s31, $0x38;
	[tilespmem:$0x7000] =	vst v63  }
0x196: {  	_ =	swait.ge [sflag:s0], $0x2000  }
0x197: {  	[sflag:s0] =	ssyncset.done $0x0  }
0x198: {  	s7 =	simm.s32 $0x5000;
	[sflag:s0] =	ssyncadd.s32 $0xFFFFE000  }
0x199: {  	[hbm4b:s24+s31] =	stream.strided.scatter [tilespmem:s7], [sflag:$0x1], $0x2000, s21, s31, $0x38;
	[tilespmem:$0x7000] =	vst v63  }
0x19a: {  	_ =	swait.ge [sflag:s0], $0x2000  }
0x19b: {  	[sflag:s0] =	ssyncset.done $0x0  }
0x19c: {  	s8 =	simm.s32 $0x1000;
	[sflag:s0] =	ssyncadd.s32 $0xFFFFE000  }
0x19d: {  	[tilespmem:s8], [sflag:$0x1] =	stream.strided.gather [hbm4b:s25+s31], $0x2000, s21, s31, $0x38;
	[tilespmem:$0x7000] =	vst v63  }
0x19e: {  	_ =	swait.ge [sflag:s0], $0x2000  }
0x19f: {  	[sflag:s0] =	ssyncset.done $0x0  }
0x1a0: {  	[sflag:s0] =	ssyncadd.s32 $0xFFFFE000  }
0x1a1: {  	s9 =	simm.s32 $0xE000;
	v0 =	vld [tilespmem:s8+$0x0]  }
0x1a2: {  	v1 =	vmov s9  }
0x1a3: {  	v1 =	vshrl.u32 v1, $0x5  }
0x1a4: {  	v1 =	vbroadcast v1, $0x0;
	_ =	sdelay $0x1  }
0x1a5: {  	vm15 =	vgt.s32 v0, $0x0  }
0x1a6: {  	v0 =	vnsel vm15, $0x0, v0;
	_ =	sdelay $0x2  }
0x1a7: {  	v2 =	vld.idx.msk [tilespmem:v1+s1+$0x0], $0xffff  }
0x1a8: {  	v1 =	vld.idx.msk [tilespmem:v1+s2+$0x0], $0xffff  }
0x1a9: {  	v3 =	vld.idx.msk [tilespmem:v0+s1+$0x0], $0xffff  }
0x1aa: {  	v0 =	vld.idx.msk [tilespmem:v0+s2+$0x0], $0xffff;
	_ =	sdelay $0x3  }
0x1ab: {  	v2 =	vsub.f32 v3, v2  }
0x1ac: {  	v0 =	vsub.f32 v0, v1  }
0x1ad: {  	[tilespmem:s6+$0x0] =	vst v2  }
0x1ae: {  	s8 =	simm.s32 $0x1010;
	[tilespmem:s7+$0x0] =	vst v0  }
0x1af: {  	s9 =	simm.s32 $0xE010;
	v0 =	vld [tilespmem:s8+$0x0]  }
0x1b0: {  	v1 =	vmov s9;
	s9 =	simm.s32 $0xE020  }
.LBB2_16:
0x1b1: {  	p0 =	sne.s32 s9, $0xFFF0;
	v1 =	vshrl.u32 v1, $0x5  }
0x1b2: {  	v1 =	vbroadcast v1, $0x0;
	_ =	sdelay $0x1  }
0x1b3: {  	vm0 =	vgt.s32 v0, $0x0  }
0x1b4: {  	v0 =	vnsel vm0, $0x0, v0;
	_ =	sdelay $0x2  }
0x1b5: {  	v2 =	vld.idx.msk [tilespmem:v1+s1+$0x0], $0xffff  }
0x1b6: {  	v1 =	vld.idx.msk [tilespmem:v1+s2+$0x0], $0xffff  }
0x1b7: {  	v3 =	vld.idx.msk [tilespmem:v0+s1+$0x0], $0xffff  }
0x1b8: {  	v0 =	vld.idx.msk [tilespmem:v0+s2+$0x0], $0xffff;
	_ =	sdelay $0x4  }
0x1b9: {  	v2 =	vsub.f32 v3, v2  }
.Ltmp7:
0x1ba: {  	s6 =	sadd.s32 $0x10, s6;
	v0 =	vsub.f32 v0, v1;
	(pc) =	sbr.rel @p0 .LBB2_16-.Ltmp7, $4  }
0x1bb: {  	s7 =	sadd.s32 $0x10, s7;
	[tilespmem:s6+$0x0] =	vst v2  }
0x1bc: {  	s8 =	sadd.s32 $0x10, s8;
	[tilespmem:s7+$0x0] =	vst v0  }
0x1bd: {  	v0 =	vld [tilespmem:s8+$0x0]  }
0x1be: {  	v1 =	vmov s9;
	s9 =	sadd.s32 $0x10, s9  }
0x1bf: {  	v1 =	vshrl.u32 v1, $0x5  }
0x1c0: {  	v1 =	vbroadcast v1, $0x0;
	_ =	sdelay $0x1  }
0x1c1: {  	vm0 =	vgt.s32 v0, $0x0  }
0x1c2: {  	v0 =	vnsel vm0, $0x0, v0;
	_ =	sdelay $0x2  }
0x1c3: {  	v2 =	vld.idx.msk [tilespmem:v1+s1+$0x0], $0xffff  }
0x1c4: {  	v1 =	vld.idx.msk [tilespmem:v1+s2+$0x0], $0xffff  }
0x1c5: {  	v3 =	vld.idx.msk [tilespmem:v0+s1+$0x0], $0xffff  }
0x1c6: {  	v0 =	vld.idx.msk [tilespmem:v0+s2+$0x0], $0xffff;
	_ =	sdelay $0x3  }
0x1c7: {  	v2 =	vsub.f32 v3, v2  }
0x1c8: {  	s6 =	sadd.s32 $0x10, s6;
	v0 =	vsub.f32 v0, v1  }
0x1c9: {  	s9 =	sadd.s32 $0x10, s7;
	[tilespmem:s6+$0x0] =	vst v2  }
0x1ca: {  	[tilespmem:s9+$0x0] =	vst v0  }
0x1cb: {  	[hbm4b:s26+s31] =	stream.strided.scatter [tilespmem:s3], [sflag:$0x1], $0x2000, s21, s31, $0x38;
	[tilespmem:$0x7000] =	vst v63  }
0x1cc: {  	s5 =	sadd.s32 $0x1, s5;
	_ =	swait.ge [sflag:s0], $0x2000  }
0x1cd: {  	p0 =	sne.s32 s5, s30;
	[sflag:s0] =	ssyncset.done $0x0  }
.Ltmp8:
0x1ce: {  	[sflag:s0] =	ssyncadd.s32 $0xFFFFE000;
	(pc) =	sbr.rel @p0 .LBB2_1-.Ltmp8, $4  }
0x1cf: {  	[hbm4b:s28+s31] =	stream.strided.scatter [tilespmem:s4], [sflag:$0x1], $0x2000, s21, s31, $0x38;
	[tilespmem:$0x7000] =	vst v63  }
0x1d0: {  	_ =	swait.ge [sflag:s0], $0x2000  }
0x1d1: {  	[sflag:s0] =	ssyncset.done $0x0  }
0x1d2: {  	[sflag:s0] =	ssyncadd.s32 $0xFFFFE000  }
0x1d3: {  	_ =	sfence.sel $0x180000  }
0x1d4: {  	[bflag:$0x0] =	sbarrier.arrive $0xFFFF  }
0x1d5: {  	_ =	strace $0x90000047  }
0x1d6: {  	s0 =	stileid.u32;
	[bflag:$0x2] =	sbarrier.arrive $0xFFFF  }
0x1d7: {  	p0 =	sne.s32 s0, $0x0;
	s0 =	rddreg [dreg:$0x2]  }
0x1d8: {  	s0 =	sadd.s32 @!p0 $0x100000, s0  }
0x1d9: {  	[sflag:s0] =	ssyncadd.tile.s32 @!p0 $0x1;
	_ =	shalt  }
.Lfunc_end2:
_tile_overlayer_lowered:
.L_overlay_start_2:
0x1da: {  	(tag) =	ssettag $0x2  }
0x1db: {  	s0 =	rddreg [dreg:$0x0];
	s2 =	stileid.u32  }
0x1dc: {  	s1 =	rddreg [dreg:$0x1];
	p0 =	sne.s32 s2, $0x0  }
0x1dd: {  	s3 =	rddreg [dreg:$0x2];
	[bflag:$0x3] =	sbarrier.arrive $0xFFFF;
	s2 =	simm.s32 @!p0 $0x1C01  }
0x1de: {  	[timem:s3], [sflag:s2] =	dma.local @!p0 [hbm:s0], s1  }
0x1df: {  	s0 =	simm.s32 @!p0 $0x1  }
0x1e0: {  	_ =	swait.ge @!p0 [sflag:s0], s1  }
0x1e1: {  	s1 =	ssub.s32 @!p0 $0x0, s1;
	[sflag:s0] =	ssyncset.done @!p0 $0x0  }
0x1e2: {  	[sflag:s0] =	ssyncadd.s32 @!p0 s1  }
0x1e3: {  	[bflag:$0x3] =	sbarrier.arrive $0xFFFF  }
0x1e4: {  	_ =	shalt  }

// kernel: kernel.8.cloned.1.call-start
scs
__scs_entry_jumppad:
0x0: {  	(pc) =	sbr.rel $0x88, $3  }
0x1: {  	(tag) =	ssettag $0x0;
	lr =	simm.s32 $0x1  }
0x2: {  	[smem:$0x3F7F] =	sst lr;
	_ =	strace $0xD0000000  }
0x3: {  	_ = 	snop  }
0x4: {  	_ = 	snop  }
0x5: {  	_ = 	snop  }
0x6: {  	_ = 	snop  }
0x7: {  	_ = 	snop  }
__scs_overlays_trampoline_lowered:
0x8: {  	[smem:$0x3F8E] =	sst s0  }
0x9: {  	[smem:$0x3F8F] =	sst s1  }
0xa: {  	[smem:$0x3F90] =	sst s2  }
0xb: {  	[smem:$0x3F91] =	sst s3  }
0xc: {  	[smem:$0x3F92] =	sst s4  }
0xd: {  	[smem:$0x3F93] =	sst s5  }
0xe: {  	[smem:$0x3F94] =	sst s6  }
0xf: {  	[smem:$0x3F95] =	sst s7  }
0x10: {  	[smem:$0x3F96] =	sst s8  }
0x11: {  	[smem:$0x3F97] =	sst s9;
	s0 =	simm.s32 @!p0 $0x0  }
0x12: {  	s1 =	sld [smem:$0x3F7D];
	s0 =	simm.s32 @p0 $0x1  }
0x13: {  	[smem:$0x3F98] =	sst s0;
	s0 =	simm.s32 @!p1 $0x0  }
0x14: {  	s2 =	sld [smem:$0x3F7C];
	s0 =	simm.s32 @p1 $0x1  }
0x15: {  	[smem:$0x3F99] =	sst s0;
	s0 =	simm.s32 @!p2 $0x0  }
0x16: {  	s3 =	sld [smem:$0x3FDB];
	s0 =	simm.s32 @p2 $0x1  }
0x17: {  	s4 =	simm.s32 $0x1BF5;
	[smem:$0x3F9B] =	sst s0  }
0x18: {  	s0 =	sld [smem:$0x3F7E];
	_ =	swait.ge [sflag:s4], $0x0  }
0x19: {  	s7 =	sld [smem:$0x3F7F]  }
0x1a: {  	s8 =	sadd.s32 $0xFFFFE003, lr  }
0x1b: {  	s9 =	sadd.s32 $0xFFFFFEF7, lr;
	s5 =	simm.s32 $0xFFFFFFFF;
	p2 =	slt.u32 s8, $0xFFFFF086  }
0x1c: {  	p1 =	slt.u32 s9, $0xF7A;
	s5 =	simm.s32 @!p2 $0x0  }
0x1d: {  	s5 =	simm.s32 @p1 $0x1;
	p0 =	seq.s32 s7, s2  }
0x1e: {  	s7 =	smul.u32 @!p0 $0xF7A, s2;
	p2 =	seq.s32 @!p0 s5, $0x0  }
0x1f: {  	s9 =	smul.u32 $0xF7A, s1;
	s8 =	simm.s32 @!p0 $0x1BF5;
	p2 =	por !p2, p0  }
0x20: {  	[sflag:s8] =	ssyncset.s32 @!p0 $0xFFFFF086;
	s6 =	sadd.s32 @!p0 s3, s7;
	s7 =	simm.s32 @!p0 $0x108  }
0x21: {  	s3 =	sadd.s32 s3, s9;
	s6 =	sadd.s32 @!p0 $0x88, s6;
	s7 =	simm.s32 @p2 $0x1082  }
0x22: {  	[simem:s7], [sflag:s8] =	dma.local @!p0 [hbm:s6], $0xF7A  }
0x23: {  	s9 =	sor.u32 $0xD0000000, s2;
	s6 =	simm.s32 $0x108;
	_ =	swait.ge @!p0 [sflag:s8], $0x0  }
0x24: {  	s3 =	sadd.s32 $0x88, s3;
	s6 =	simm.s32 @!p1 $0x1082;
	[sflag:s4] =	ssyncset.s32 $0xFFFFF086  }
0x25: {  	[simem:s6], [sflag:s4] =	dma.local [hbm:s3], $0xF7A  }
0x26: {  	[smem:$0x3F7F] =	sst s1;
	(tag) =	ssettag s2;
	_ =	strace s9  }
0x27: {  	s1 =	sld [smem:$0x3F8F]  }
0x28: {  	s2 =	sld [smem:$0x3F90]  }
0x29: {  	s4 =	sld [smem:$0x3F92]  }
0x2a: {  	p0 =	seq.s32 s5, $0x0;
	s5 =	sld [smem:$0x3F93]  }
0x2b: {  	s6 =	sld [smem:$0x3F94]  }
0x2c: {  	s7 =	sld [smem:$0x3F95]  }
0x2d: {  	s3 =	simm.s32 $0x108;
	s8 =	sld [smem:$0x3F96]  }
0x2e: {  	s3 =	simm.s32 @!p0 $0x1082;
	s9 =	sld [smem:$0x3F97]  }
0x2f: {  	lr =	sadd.s32 s0, s3;
	s0 =	sld [smem:$0x3F8E]  }
0x30: {  	s3 =	sld [smem:$0x3F91]  }
0x31: {  	[smem:$0x3F9A] =	sst s10  }
0x32: {  	s10 =	sld [smem:$0x3F98];
	_ =	sdelay $0x3  }
0x33: {  	p0 =	seq.s32 s10, $0x1;
	s10 =	sld [smem:$0x3F9A];
	_ =	sdelay $0x3  }
0x34: {  	[smem:$0x3F9A] =	sst s10  }
0x35: {  	s10 =	sld [smem:$0x3F99];
	_ =	sdelay $0x3  }
0x36: {  	p1 =	seq.s32 s10, $0x1;
	s10 =	sld [smem:$0x3F9A];
	_ =	sdelay $0x3  }
0x37: {  	[smem:$0x3F9A] =	sst s10  }
0x38: {  	s10 =	sld [smem:$0x3F9B]  }
0x39: {  	_ = 	snop;
	(pc) =	sbr.ind lr, $3  }
0x3a: {  	_ = 	snop  }
0x3b: {  	_ = 	snop  }
0x3c: {  	p2 =	seq.s32 s10, $0x1;
	s10 =	sld [smem:$0x3F9A]  }
0x3d: {  	_ =	shalt  }
0x3e: {  	_ =	shalt  }
0x3f: {  	_ =	shalt  }
0x40: {  	_ =	shalt  }
0x41: {  	_ =	shalt  }
0x42: {  	_ =	shalt  }
0x43: {  	_ =	shalt  }
0x44: {  	_ =	shalt  }
0x45: {  	_ =	shalt  }
0x46: {  	_ =	shalt  }
0x47: {  	_ =	shalt  }
0x48: {  	_ =	shalt  }
0x49: {  	_ =	shalt  }
0x4a: {  	_ =	shalt  }
0x4b: {  	_ =	shalt  }
0x4c: {  	_ =	shalt  }
0x4d: {  	_ =	shalt  }
0x4e: {  	_ =	shalt  }
0x4f: {  	_ =	shalt  }
0x50: {  	_ =	shalt  }
0x51: {  	_ =	shalt  }
0x52: {  	_ =	shalt  }
0x53: {  	_ =	shalt  }
0x54: {  	_ =	shalt  }
0x55: {  	_ =	shalt  }
0x56: {  	_ =	shalt  }
0x57: {  	_ =	shalt  }
0x58: {  	_ =	shalt  }
0x59: {  	_ =	shalt  }
0x5a: {  	_ =	shalt  }
0x5b: {  	_ =	shalt  }
0x5c: {  	_ =	shalt  }
0x5d: {  	_ =	shalt  }
0x5e: {  	_ =	shalt  }
0x5f: {  	_ =	shalt  }
0x60: {  	_ =	shalt  }
0x61: {  	_ =	shalt  }
0x62: {  	_ =	shalt  }
0x63: {  	_ =	shalt  }
0x64: {  	_ =	shalt  }
0x65: {  	_ =	shalt  }
0x66: {  	_ =	shalt  }
0x67: {  	_ =	shalt  }
0x68: {  	_ =	shalt  }
0x69: {  	_ =	shalt  }
0x6a: {  	_ =	shalt  }
0x6b: {  	_ =	shalt  }
0x6c: {  	_ =	shalt  }
0x6d: {  	_ =	shalt  }
0x6e: {  	_ =	shalt  }
0x6f: {  	_ =	shalt  }
0x70: {  	_ =	shalt  }
0x71: {  	_ =	shalt  }
0x72: {  	_ =	shalt  }
0x73: {  	_ =	shalt  }
0x74: {  	_ =	shalt  }
0x75: {  	_ =	shalt  }
0x76: {  	_ =	shalt  }
0x77: {  	_ =	shalt  }
0x78: {  	_ =	shalt  }
0x79: {  	_ =	shalt  }
0x7a: {  	_ =	shalt  }
0x7b: {  	_ =	shalt  }
0x7c: {  	_ =	shalt  }
0x7d: {  	_ =	shalt  }
0x7e: {  	_ =	shalt  }
0x7f: {  	_ =	shalt  }
0x80: {  	_ =	shalt  }
0x81: {  	_ =	shalt  }
0x82: {  	_ =	shalt  }
0x83: {  	_ =	shalt  }
0x84: {  	_ =	shalt  }
0x85: {  	_ =	shalt  }
0x86: {  	_ =	shalt  }
0x87: {  	_ =	shalt  }
.Lfunc_end0:
.L_simem_size_0:
called_computation.1_lowered:
.L_overlay_start_0:
0x88: {  	s2 =	sld [smem:$0x3FD9]  }
0x89: {  	s3 =	sld [smem:$0x3FFE];
	_ =	sdelay $0x1  }
0x8a: {  	s1 =	srdreg.scid  }
0x8b: {  	s0 =	sand.u32 $0x1, s1  }
0x8c: {  	s14 =	sshll.u32 s0, $0xA;
	s2 =	sadd.s32 s3, s2  }
0x8d: {  	s2 =	sadd.s32 s2, s14  }
0x8e: {  	[smem:$0x3FA6] =	sst s2  }
0x8f: {  	_ = 	snop  }
0x90: {  	s2 =	sld [smem:$0x3FD0];
	_ =	sdelay $0x2  }
0x91: {  	s15 =	simm.s32 $0xA;
	s4 =	simm.s32 $0x10  }
0x92: {  	[smem:s4], [sflag:s15] =	dma.local [hbm:s2], $0x1  }
0x93: {  	_ =	swait.eq [sflag:s15], $0x1  }
0x94: {  	[sflag:s15] =	ssyncset.done $0x0  }
0x95: {  	[sflag:s15] =	ssyncadd.s32 $0xFFFFFFFF  }
0x96: {  	s16 =	sld [smem:$0x11];
	(tm) =	ssettm $0x1  }
0x97: {  	s17 =	sld [smem:$0x3FFB];
	_ =	sdelay $0x3  }
0x98: {  	_ =	strace s17  }
0x99: {  	s3 =	sld [smem:$0x3FFC];
	_ =	sdelay $0x3  }
0x9a: {  	_ =	strace s3  }
0x9b: {  	s3 =	sld [smem:$0x3FFD];
	_ =	sdelay $0x3  }
0x9c: {  	_ =	strace s3  }
0x9d: {  	_ =	strace $0x8FFFFFFF  }
0x9e: {  	s18 =	sld [smem:$0x3FDB];
	_ =	sdelay $0x1  }
0x9f: {  	s19 =	simm.s32 $_scs_section_size  }
0xa0: {  	s5 =	simm.s32 $_size__tile_overlayer_lowered;
	s6 =	simm.s32 $_tile_overlayer_lowered  }
0xa1: {  	s22 =	simm.s32 $0x1BFF;
	s21 =	sshll.u32 s6, $0x1;
	s3 =	sadd.s32 s19, s18  }
0xa2: {  	s7 =	simm.s32 $0x0;
	s20 =	sshll.u32 s5, $0x1;
	s5 =	sadd.s32 s21, s3  }
0xa3: {  	[timem:s7], [sflag:s22] =	dma.local [hbm:s5], s20  }
0xa4: {  	_ =	swait.ge [sflag:s22], s20  }
0xa5: {  	s4 =	ssub.s32 $0x0, s20;
	[sflag:s22] =	ssyncset.done $0x0  }
0xa6: {  	[sflag:s22] =	ssyncadd.s32 s4;
	_ =	sdelay $0x1  }
0xa7: {  	s23 =	simm.s32 $0x1B8B  }
0xa8: {  	_ =	swait.ge [sflag:s23], $0x1  }
0xa9: {  	[sflag:s23] =	ssyncset.done $0x0  }
0xaa: {  	s25 =	simm.s32 $0x1B8E;
	s24 =	sld [smem:$0x3FFE];
	[sflag:s23] =	ssyncadd.s32 $0xFFFFFFFF  }
0xab: {  	s26 =	simm.s32 $execute0_lowered;
	[smem:$0x3FD2] =	sst s25  }
0xac: {  	s5 =	sshll.u32 s26, $0x1;
	_ =	strace $0x80000049;
	[dreg:$0x1] =	wrdreg $0xFFFFFFFF  }
0xad: {  	s28 =	simm.s32 $_size_execute0_lowered;
	s3 =	sadd.s32 s3, s5;
	[dreg:$0x0] =	wrdreg $0x0  }
0xae: {  	s5 =	sshll.u32 s28, $0x1;
	[dreg:$0x2] =	wrdreg s3  }
0xaf: {  	[dreg:$0x3] =	wrdreg s5  }
0xb0: {  	[dreg:$0x4] =	wrdreg $0xC0  }
0xb1: {  	_ =	task [dreg:s7], $0x5FFFF  }
0xb2: {  	[dreg:$0x1] =	wrdreg $0xFFFFFFFF  }
0xb3: {  	[dreg:$0x0] =	wrdreg $0x60  }
0xb4: {  	[dreg:$0x2] =	wrdreg s24  }
0xb5: {  	[dreg:$0x3] =	wrdreg s16  }
0xb6: {  	[dreg:$0x4] =	wrdreg $0x9  }
0xb7: {  	_ =	task.clear_ibuf [dreg:s7], $0x5FFFF;
	_ =	strace $0x90000049  }
0xb8: {  	s29 =	simm.s32 $0x9;
	_ =	strace $0x8000004B  }
0xb9: {  	_ =	swait.ge [sflag:s29], $0x1  }
0xba: {  	[sflag:s29] =	ssyncadd.s32 $0xFFFFFFFF  }
0xbb: {  	_ =	strace $0x9000004B  }
0xbc: {  	_ =	sfence  }
0xbd: {  	s30 =	sld [smem:$0x0];
	_ =	sdelay $0x2  }
0xbe: {  	s31 =	sshll.u32 s1, $0xD;
	s1 =	sshrl.u32 s1, $0x2  }
0xbf: {  	s3 =	sand.u32 $0x4000, s31;
	s1 =	sadd.s32 s1, s30  }
0xc0: {  	s0 =	sor.u32 s3, s0;
	s1 =	sshll.u32 s1, $0x11  }
0xc1: {  	s0 =	sor.u32 s1, s0  }
0xc2: {  	s0 =	sadd.s32 $0x8F2B, s0  }
0xc3: {  	[sflag:s0] =	ssyncadd.remote.s32 $0x1  }
0xc4: {  	_ =	sfence.sel $0xFFFF  }
0xc5: {  	[dreg:$0x0] =	wrdreg $0xFFFFFFFF;
	(pc) =	sbr.abs _section_cstart, $3  }
0xc6: {  	[dreg:$0x1] =	wrdreg $0xFFFFFFFF  }
0xc7: {  	_ =	task.clear_ibuf [dreg:s7], $0x2FFFF;
	_ =	strace $0x9FFFFFFF  }
0xc8: {  	(tm) =	ssettm $0x7FFFFFFF  }
0xc9: {  	_ =	shalt  }
tec
execute0_lowered:
.L_overlay_start_1:
0x0: {  	(tag) =	ssettag $0x1  }
0x1: {  	s4 =	srdreg.scid;
	s7 =	stileid.u32  }
0x2: {  	s1 =	rddreg [dreg:$0x0];
	s4 =	sand.u32 $0x1, s4;
	s6 =	sshll.u32 s7, $0x8  }
0x3: {  	s7 =	sshrl.u32 s7, $0x2;
	s8 =	sshll.u32 s4, $0x7;
	s6 =	sand.u32 $0x300, s6  }
0x4: {  	s0 =	simm.s32 $0x0;
	s11 =	sshll.u32 s7, $0x13;
	s6 =	sor.u32 s8, s6  }
0x5: {  	[smem:$0x7FF] =	sst s0;
	s2 =	sadd.s32 $0x1200, s1;
	s8 =	sor.u32 s11, s6  }
0x6: {  	s3 =	sadd.s32 $0x41200, s1;
	s5 =	sadd.s32 $0x101200, s1;
	s12 =	sshrl.u32 s8, $0x3  }
0x7: {  	s4 =	ssub.s32 $0x2, s4;
	s7 =	sshll.u32 s7, $0xE;
	s8 =	sadd.s32 s5, s12  }
0x8: {  	s18 =	sadd.s32 s2, s12;
	s19 =	sor.u32 $0x2000, s12;
	[dreg:$0x3] =	wrdreg s8  }
0x9: {  	s9 =	sshrl.u32 s4, $0x1;
	[dreg:$0x4] =	wrdreg s18;
	s20 =	sadd.s32 s5, s19  }
0xa: {  	s6 =	sor.u32 s7, s6;
	s21 =	sadd.s32 s2, s19;
	[dreg:$0x5] =	wrdreg s20  }
0xb: {  	s22 =	sor.u32 $0x4000, s12;
	s8 =	sadd.s32 s3, s19;
	[dreg:$0x6] =	wrdreg s21  }
0xc: {  	s4 =	ssub.s32 s4, s9;
	s23 =	sadd.s32 s5, s22;
	[dreg:$0x7] =	wrdreg s8  }
0xd: {  	s24 =	sor.u32 $0x6000, s12;
	s10 =	sadd.s32 s2, s22;
	[dreg:$0x8] =	wrdreg s23  }
0xe: {  	s11 =	sor.u32 $0xC000, s12;
	s9 =	sadd.s32 s3, s22;
	[dreg:$0x9] =	wrdreg s10  }
0xf: {  	s7 =	sor.u32 $0xE000, s12;
	s25 =	sadd.s32 s5, s24;
	[dreg:$0xa] =	wrdreg s9  }
0x10: {  	s26 =	sadd.s32 s2, s24;
	s19 =	sadd.s32 s3, s12;
	[dreg:$0xb] =	wrdreg s25  }
0x11: {  	s22 =	sadd.s32 s3, s11;
	[dreg:$0xc] =	wrdreg s26;
	s8 =	sadd.s32 s3, s24  }
0x12: {  	s9 =	sor.u32 $0x8000, s12;
	s10 =	sor.u32 $0xA000, s12;
	s20 =	sadd.s32 s5, s11  }
0x13: {  	s21 =	sadd.s32 s2, s11;
	s23 =	sadd.s32 s5, s7;
	s25 =	sadd.s32 s2, s7  }
0x14: {  	s26 =	sadd.s32 s3, s7;
	s12 =	sshrl.u32 s6, $0x3;
	s24 =	rddreg [dreg:$0x1]  }
0x15: {  	s6 =	simm.s32 $0x800;
	s7 =	simm.s32 $0x0;
	[dreg:$0xd] =	wrdreg s8  }
0x16: {  	s13 =	sadd.s32 s5, s9;
	s14 =	sadd.s32 s2, s9;
	s15 =	sadd.s32 s3, s9  }
0x17: {  	s16 =	sadd.s32 s5, s10;
	s17 =	sadd.s32 s2, s10;
	s18 =	sadd.s32 s3, s10  }
0x18: {  	s1 =	sadd.s32 s12, s1;
	s28 =	sadd.s32 s24, s12;
	s24 =	smax.u32 s4, $0x1  }
0x19: {  	s2 =	simm.s32 $0x400;
	s3 =	simm.s32 $0x1;
	s4 =	simm.s32 $0x1000  }
0x1a: {  	s5 =	simm.s32 $0x1800;
	_ =	strace $0x8000004A;
	s29 =	sadd.s32 $0x83200, s1  }
0x1b: {  	v0 =	vimm.f32 $0.0e+00;
	s30 =	sadd.s32 $0x81200, s1;
	s31 =	sadd.s32 $0x85200, s1;
	s1 =	simm.s32 $0x80  }
.LBB2_1:
0x1c: {  	s9 =	simm.s32 $0x40;
	s8 =	simm.s32 $0x0  }
.LBB2_2:
0x1d: {  	p0 =	sne.s32 s9, $0x1FC0;
	[tilespmem:s8+$0x1800] =	vst v0;
	s10 =	smov.u32 s9;
	s9 =	sadd.s32 $0x40, s9  }
.Ltmp0:
0x1e: {  	[tilespmem:s8+$0x1000] =	vst v0;
	(pc) =	sbr.rel @p0 .LBB2_2-.Ltmp0, $3  }
0x1f: {  	[tilespmem:s8+$0x0] =	vst v0  }
0x20: {  	[tilespmem:s8+$0x800] =	vst v0;
	_ =	sdelay $0x1  }
0x21: {  	s8 =	sshra.s32 s10, $0x2  }
0x22: {  	[tilespmem:s8+$0x1800] =	vst v0  }
0x23: {  	[tilespmem:s8+$0x1000] =	vst v0  }
0x24: {  	[tilespmem:s8+$0x0] =	vst v0  }
0x25: {  	[tilespmem:s8+$0x800] =	vst v0;
	s8 =	simm.s32 $0x2000;
	s9 =	rddreg [dreg:$0x3]  }
0x26: {  	[tilespmem:s8], [sflag:$0x1] =	stream.strided.gather [hbm4b:s9+s1], $0x2000, s2, s1, $0x38;
	[tilespmem:$0x8000] =	vst v63  }
0x27: {  	_ =	swait.ge [sflag:s3], $0x2000  }
0x28: {  	[sflag:s3] =	ssyncset.done $0x0  }
0x29: {  	s9 =	simm.s32 $0x4000;
	s10 =	rddreg [dreg:$0x4];
	[sflag:s3] =	ssyncadd.s32 $0xFFFFE000  }
0x2a: {  	[tilespmem:s9], [sflag:$0x1] =	stream.strided.gather [hbm4b:s10+s1], $0x2000, s2, s1, $0x38;
	[tilespmem:$0x8000] =	vst v63  }
0x2b: {  	_ =	swait.ge [sflag:s3], $0x2000  }
0x2c: {  	[sflag:s3] =	ssyncset.done $0x0  }
0x2d: {  	s10 =	simm.s32 $0x6000;
	[sflag:s3] =	ssyncadd.s32 $0xFFFFE000  }
0x2e: {  	[tilespmem:s10], [sflag:$0x1] =	stream.strided.gather [hbm4b:s19+s1], $0x2000, s2, s1, $0x38;
	[tilespmem:$0x8000] =	vst v63  }
0x2f: {  	_ =	swait.ge [sflag:s3], $0x2000  }
0x30: {  	[sflag:s3] =	ssyncset.done $0x0  }
0x31: {  	[sflag:s3] =	ssyncadd.s32 $0xFFFFE000  }
0x32: {  	v3 =	vld [tilespmem:s8+$0x0];
	_ =	sdelay $0x1  }
0x33: {  	v1 =	vld [tilespmem:s10+$0x0]  }
0x34: {  	s11 =	simm.s32 $0x0;
	s12 =	simm.s32 $0x10;
	v2 =	vld [tilespmem:s9+$0x0]  }
.LBB2_4:
0x35: {  	p0 =	sne.s32 s12, $0x1FF0  }
0x36: {  	v4 =	vmov s11;
	s11 =	smov.u32 s12;
	vm0 =	vgt.s32 v3, $0x0  }
0x37: {  	v4 =	vshrl.u32 v4, $0x5;
	v3 =	vnsel vm0, $0x0, v3  }
0x38: {  	v4 =	vbroadcast v4, $0x0;
	_ =	sdelay $0x3  }
0x39: {  	[tilespmem:v3+s4+$0x0] =	vst.idx.add.f32.msk $0xffff, v2  }
0x3a: {  	[tilespmem:v3+s5+$0x0] =	vst.idx.add.f32.msk $0xffff, v1  }
0x3b: {  	[tilespmem:v4+s0+$0x0] =	vst.idx.add.f32.msk $0xffff, v2  }
.Ltmp1:
0x3c: {  	s8 =	sadd.s32 $0x10, s8;
	[tilespmem:v4+s6+$0x0] =	vst.idx.add.f32.msk $0xffff, v1;
	(pc) =	sbr.rel @p0 .LBB2_4-.Ltmp1, $4  }
0x3d: {  	s10 =	sadd.s32 $0x10, s10;
	v3 =	vld [tilespmem:s8+$0x0]  }
0x3e: {  	s9 =	sadd.s32 $0x10, s9;
	v1 =	vld [tilespmem:s10+$0x0]  }
0x3f: {  	v2 =	vld [tilespmem:s9+$0x0]  }
0x40: {  	s12 =	sadd.s32 $0x10, s12  }
0x41: {  	_ = 	snop  }
0x42: {  	v4 =	vmov s11;
	vm0 =	vgt.s32 v3, $0x0  }
0x43: {  	v4 =	vshrl.u32 v4, $0x5;
	v3 =	vnsel vm0, $0x0, v3  }
0x44: {  	v4 =	vbroadcast v4, $0x0;
	_ =	sdelay $0x3  }
0x45: {  	[tilespmem:v3+s4+$0x0] =	vst.idx.add.f32.msk $0xffff, v2  }
0x46: {  	[tilespmem:v3+s5+$0x0] =	vst.idx.add.f32.msk $0xffff, v1  }
0x47: {  	[tilespmem:v4+s0+$0x0] =	vst.idx.add.f32.msk $0xffff, v2  }
0x48: {  	s8 =	simm.s32 $0x2000;
	s9 =	rddreg [dreg:$0x5];
	[tilespmem:v4+s6+$0x0] =	vst.idx.add.f32.msk $0xffff, v1  }
0x49: {  	[tilespmem:s8], [sflag:$0x1] =	stream.strided.gather [hbm4b:s9+s1], $0x2000, s2, s1, $0x38;
	[tilespmem:$0x8000] =	vst v63  }
0x4a: {  	_ =	swait.ge [sflag:s3], $0x2000  }
0x4b: {  	[sflag:s3] =	ssyncset.done $0x0  }
0x4c: {  	s9 =	simm.s32 $0x4000;
	s10 =	rddreg [dreg:$0x6];
	[sflag:s3] =	ssyncadd.s32 $0xFFFFE000  }
0x4d: {  	[tilespmem:s9], [sflag:$0x1] =	stream.strided.gather [hbm4b:s10+s1], $0x2000, s2, s1, $0x38;
	[tilespmem:$0x8000] =	vst v63  }
0x4e: {  	_ =	swait.ge [sflag:s3], $0x2000  }
0x4f: {  	[sflag:s3] =	ssyncset.done $0x0  }
0x50: {  	s10 =	simm.s32 $0x6000;
	s12 =	rddreg [dreg:$0x7];
	[sflag:s3] =	ssyncadd.s32 $0xFFFFE000  }
0x51: {  	[tilespmem:s10], [sflag:$0x1] =	stream.strided.gather [hbm4b:s12+s1], $0x2000, s2, s1, $0x38;
	[tilespmem:$0x8000] =	vst v63  }
0x52: {  	_ =	swait.ge [sflag:s3], $0x2000  }
0x53: {  	[sflag:s3] =	ssyncset.done $0x0  }
0x54: {  	[sflag:s3] =	ssyncadd.s32 $0xFFFFE000  }
0x55: {  	v3 =	vld [tilespmem:s8+$0x0];
	_ =	sdelay $0x1  }
0x56: {  	v1 =	vld [tilespmem:s10+$0x0]  }
0x57: {  	s11 =	simm.s32 $0x2010;
	s12 =	simm.s32 $0x2000;
	v2 =	vld [tilespmem:s9+$0x0]  }
.LBB2_6:
0x58: {  	p0 =	sne.s32 s11, $0x3FF0  }
0x59: {  	v4 =	vmov s8;
	s8 =	smov.u32 s11;
	vm0 =	vgt.s32 v3, $0x0  }
0x5a: {  	v4 =	vshrl.u32 v4, $0x5;
	v3 =	vnsel vm0, $0x0, v3  }
0x5b: {  	v4 =	vbroadcast v4, $0x0;
	_ =	sdelay $0x3  }
0x5c: {  	[tilespmem:v3+s4+$0x0] =	vst.idx.add.f32.msk $0xffff, v2  }
0x5d: {  	[tilespmem:v3+s5+$0x0] =	vst.idx.add.f32.msk $0xffff, v1  }
0x5e: {  	[tilespmem:v4+s0+$0x0] =	vst.idx.add.f32.msk $0xffff, v2  }
.Ltmp2:
0x5f: {  	s12 =	sadd.s32 $0x10, s12;
	[tilespmem:v4+s6+$0x0] =	vst.idx.add.f32.msk $0xffff, v1;
	(pc) =	sbr.rel @p0 .LBB2_6-.Ltmp2, $4  }
0x60: {  	s10 =	sadd.s32 $0x10, s10;
	v3 =	vld [tilespmem:s12+$0x0]  }
0x61: {  	s9 =	sadd.s32 $0x10, s9;
	v1 =	vld [tilespmem:s10+$0x0]  }
0x62: {  	v2 =	vld [tilespmem:s9+$0x0]  }
0x63: {  	s11 =	sadd.s32 $0x10, s11  }
0x64: {  	_ = 	snop  }
0x65: {  	v4 =	vmov s8;
	vm0 =	vgt.s32 v3, $0x0  }
0x66: {  	v4 =	vshrl.u32 v4, $0x5;
	v3 =	vnsel vm0, $0x0, v3  }
0x67: {  	v4 =	vbroadcast v4, $0x0;
	_ =	sdelay $0x3  }
0x68: {  	[tilespmem:v3+s4+$0x0] =	vst.idx.add.f32.msk $0xffff, v2  }
0x69: {  	[tilespmem:v3+s5+$0x0] =	vst.idx.add.f32.msk $0xffff, v1  }
0x6a: {  	[tilespmem:v4+s0+$0x0] =	vst.idx.add.f32.msk $0xffff, v2  }
0x6b: {  	s8 =	simm.s32 $0x2000;
	s9 =	rddreg [dreg:$0x8];
	[tilespmem:v4+s6+$0x0] =	vst.idx.add.f32.msk $0xffff, v1  }
0x6c: {  	[tilespmem:s8], [sflag:$0x1] =	stream.strided.gather [hbm4b:s9+s1], $0x2000, s2, s1, $0x38;
	[tilespmem:$0x8000] =	vst v63  }
0x6d: {  	_ =	swait.ge [sflag:s3], $0x2000  }
0x6e: {  	[sflag:s3] =	ssyncset.done $0x0  }
0x6f: {  	s9 =	simm.s32 $0x4000;
	s10 =	rddreg [dreg:$0x9];
	[sflag:s3] =	ssyncadd.s32 $0xFFFFE000  }
0x70: {  	[tilespmem:s9], [sflag:$0x1] =	stream.strided.gather [hbm4b:s10+s1], $0x2000, s2, s1, $0x38;
	[tilespmem:$0x8000] =	vst v63  }
0x71: {  	_ =	swait.ge [sflag:s3], $0x2000  }
0x72: {  	[sflag:s3] =	ssyncset.done $0x0  }
0x73: {  	s10 =	simm.s32 $0x6000;
	s11 =	rddreg [dreg:$0xa];
	[sflag:s3] =	ssyncadd.s32 $0xFFFFE000  }
0x74: {  	[tilespmem:s10], [sflag:$0x1] =	stream.strided.gather [hbm4b:s11+s1], $0x2000, s2, s1, $0x38;
	[tilespmem:$0x8000] =	vst v63  }
0x75: {  	_ =	swait.ge [sflag:s3], $0x2000  }
0x76: {  	[sflag:s3] =	ssyncset.done $0x0  }
0x77: {  	[sflag:s3] =	ssyncadd.s32 $0xFFFFE000  }
0x78: {  	v3 =	vld [tilespmem:s8+$0x0];
	_ =	sdelay $0x1  }
0x79: {  	v1 =	vld [tilespmem:s10+$0x0]  }
0x7a: {  	s12 =	simm.s32 $0x4000;
	s11 =	simm.s32 $0x4010;
	v2 =	vld [tilespmem:s9+$0x0]  }
.LBB2_8:
0x7b: {  	p0 =	sne.s32 s11, $0x5FF0  }
0x7c: {  	v4 =	vmov s9;
	s9 =	smov.u32 s11;
	vm0 =	vgt.s32 v3, $0x0  }
0x7d: {  	v4 =	vshrl.u32 v4, $0x5;
	v3 =	vnsel vm0, $0x0, v3  }
0x7e: {  	v4 =	vbroadcast v4, $0x0;
	_ =	sdelay $0x3  }
0x7f: {  	[tilespmem:v3+s4+$0x0] =	vst.idx.add.f32.msk $0xffff, v2  }
0x80: {  	[tilespmem:v3+s5+$0x0] =	vst.idx.add.f32.msk $0xffff, v1  }
0x81: {  	[tilespmem:v4+s0+$0x0] =	vst.idx.add.f32.msk $0xffff, v2  }
.Ltmp3:
0x82: {  	s8 =	sadd.s32 $0x10, s8;
	[tilespmem:v4+s6+$0x0] =	vst.idx.add.f32.msk $0xffff, v1;
	(pc) =	sbr.rel @p0 .LBB2_8-.Ltmp3, $4  }
0x83: {  	s10 =	sadd.s32 $0x10, s10;
	v3 =	vld [tilespmem:s8+$0x0]  }
0x84: {  	s12 =	sadd.s32 $0x10, s12;
	v1 =	vld [tilespmem:s10+$0x0]  }
0x85: {  	v2 =	vld [tilespmem:s12+$0x0]  }
0x86: {  	s11 =	sadd.s32 $0x10, s11  }
0x87: {  	_ = 	snop  }
0x88: {  	v4 =	vmov s9;
	vm0 =	vgt.s32 v3, $0x0  }
0x89: {  	v4 =	vshrl.u32 v4, $0x5;
	v3 =	vnsel vm0, $0x0, v3  }
0x8a: {  	v4 =	vbroadcast v4, $0x0;
	_ =	sdelay $0x3  }
0x8b: {  	[tilespmem:v3+s4+$0x0] =	vst.idx.add.f32.msk $0xffff, v2  }
0x8c: {  	[tilespmem:v3+s5+$0x0] =	vst.idx.add.f32.msk $0xffff, v1  }
0x8d: {  	[tilespmem:v4+s0+$0x0] =	vst.idx.add.f32.msk $0xffff, v2  }
0x8e: {  	s8 =	simm.s32 $0x2000;
	s12 =	rddreg [dreg:$0xb];
	[tilespmem:v4+s6+$0x0] =	vst.idx.add.f32.msk $0xffff, v1  }
0x8f: {  	[tilespmem:s8], [sflag:$0x1] =	stream.strided.gather [hbm4b:s12+s1], $0x2000, s2, s1, $0x38;
	[tilespmem:$0x8000] =	vst v63  }
0x90: {  	_ =	swait.ge [sflag:s3], $0x2000  }
0x91: {  	[sflag:s3] =	ssyncset.done $0x0  }
0x92: {  	s9 =	simm.s32 $0x4000;
	s10 =	rddreg [dreg:$0xc];
	[sflag:s3] =	ssyncadd.s32 $0xFFFFE000  }
0x93: {  	[tilespmem:s9], [sflag:$0x1] =	stream.strided.gather [hbm4b:s10+s1], $0x2000, s2, s1, $0x38;
	[tilespmem:$0x8000] =	vst v63  }
0x94: {  	_ =	swait.ge [sflag:s3], $0x2000  }
0x95: {  	[sflag:s3] =	ssyncset.done $0x0  }
0x96: {  	s10 =	simm.s32 $0x6000;
	s11 =	rddreg [dreg:$0xd];
	[sflag:s3] =	ssyncadd.s32 $0xFFFFE000  }
0x97: {  	[tilespmem:s10], [sflag:$0x1] =	stream.strided.gather [hbm4b:s11+s1], $0x2000, s2, s1, $0x38;
	[tilespmem:$0x8000] =	vst v63  }
0x98: {  	_ =	swait.ge [sflag:s3], $0x2000  }
0x99: {  	[sflag:s3] =	ssyncset.done $0x0  }
0x9a: {  	[sflag:s3] =	ssyncadd.s32 $0xFFFFE000  }
0x9b: {  	v3 =	vld [tilespmem:s8+$0x0];
	_ =	sdelay $0x1  }
0x9c: {  	v1 =	vld [tilespmem:s10+$0x0]  }
0x9d: {  	s12 =	simm.s32 $0x6000;
	s11 =	simm.s32 $0x6010;
	v2 =	vld [tilespmem:s9+$0x0]  }
.LBB2_10:
0x9e: {  	p0 =	sne.s32 s11, $0x7FF0  }
0x9f: {  	v4 =	vmov s10;
	s10 =	smov.u32 s11;
	vm0 =	vgt.s32 v3, $0x0  }
0xa0: {  	v4 =	vshrl.u32 v4, $0x5;
	v3 =	vnsel vm0, $0x0, v3  }
0xa1: {  	v4 =	vbroadcast v4, $0x0;
	_ =	sdelay $0x3  }
0xa2: {  	[tilespmem:v3+s4+$0x0] =	vst.idx.add.f32.msk $0xffff, v2  }
0xa3: {  	[tilespmem:v3+s5+$0x0] =	vst.idx.add.f32.msk $0xffff, v1  }
0xa4: {  	[tilespmem:v4+s0+$0x0] =	vst.idx.add.f32.msk $0xffff, v2  }
.Ltmp4:
0xa5: {  	s8 =	sadd.s32 $0x10, s8;
	[tilespmem:v4+s6+$0x0] =	vst.idx.add.f32.msk $0xffff, v1;
	(pc) =	sbr.rel @p0 .LBB2_10-.Ltmp4, $4  }
0xa6: {  	s12 =	sadd.s32 $0x10, s12;
	v3 =	vld [tilespmem:s8+$0x0]  }
0xa7: {  	s9 =	sadd.s32 $0x10, s9;
	v1 =	vld [tilespmem:s12+$0x0]  }
0xa8: {  	v2 =	vld [tilespmem:s9+$0x0]  }
0xa9: {  	s11 =	sadd.s32 $0x10, s11  }
0xaa: {  	_ = 	snop  }
0xab: {  	v4 =	vmov s10;
	vm0 =	vgt.s32 v3, $0x0  }
0xac: {  	v4 =	vshrl.u32 v4, $0x5;
	v3 =	vnsel vm0, $0x0, v3  }
0xad: {  	v4 =	vbroadcast v4, $0x0;
	_ =	sdelay $0x3  }
0xae: {  	[tilespmem:v3+s4+$0x0] =	vst.idx.add.f32.msk $0xffff, v2  }
0xaf: {  	[tilespmem:v3+s5+$0x0] =	vst.idx.add.f32.msk $0xffff, v1  }
0xb0: {  	[tilespmem:v4+s0+$0x0] =	vst.idx.add.f32.msk $0xffff, v2  }
0xb1: {  	s8 =	simm.s32 $0x2000;
	[tilespmem:v4+s6+$0x0] =	vst.idx.add.f32.msk $0xffff, v1  }
0xb2: {  	[tilespmem:s8], [sflag:$0x1] =	stream.strided.gather [hbm4b:s13+s1], $0x2000, s2, s1, $0x38;
	[tilespmem:$0x8000] =	vst v63  }
0xb3: {  	_ =	swait.ge [sflag:s3], $0x2000  }
0xb4: {  	[sflag:s3] =	ssyncset.done $0x0  }
0xb5: {  	s9 =	simm.s32 $0x4000;
	[sflag:s3] =	ssyncadd.s32 $0xFFFFE000  }
0xb6: {  	[tilespmem:s9], [sflag:$0x1] =	stream.strided.gather [hbm4b:s14+s1], $0x2000, s2, s1, $0x38;
	[tilespmem:$0x8000] =	vst v63  }
0xb7: {  	_ =	swait.ge [sflag:s3], $0x2000  }
0xb8: {  	[sflag:s3] =	ssyncset.done $0x0  }
0xb9: {  	s10 =	simm.s32 $0x6000;
	[sflag:s3] =	ssyncadd.s32 $0xFFFFE000  }
0xba: {  	[tilespmem:s10], [sflag:$0x1] =	stream.strided.gather [hbm4b:s15+s1], $0x2000, s2, s1, $0x38;
	[tilespmem:$0x8000] =	vst v63  }
0xbb: {  	_ =	swait.ge [sflag:s3], $0x2000  }
0xbc: {  	[sflag:s3] =	ssyncset.done $0x0  }
0xbd: {  	[sflag:s3] =	ssyncadd.s32 $0xFFFFE000  }
0xbe: {  	v3 =	vld [tilespmem:s8+$0x0];
	_ =	sdelay $0x1  }
0xbf: {  	v1 =	vld [tilespmem:s10+$0x0]  }
0xc0: {  	s11 =	simm.s32 $0x8000;
	s12 =	simm.s32 $0x8010;
	v2 =	vld [tilespmem:s9+$0x0]  }
.LBB2_12:
0xc1: {  	p0 =	sne.s32 s12, $0x9FF0  }
0xc2: {  	v4 =	vmov s11;
	s11 =	smov.u32 s12;
	vm0 =	vgt.s32 v3, $0x0  }
0xc3: {  	v4 =	vshrl.u32 v4, $0x5;
	v3 =	vnsel vm0, $0x0, v3  }
0xc4: {  	v4 =	vbroadcast v4, $0x0;
	_ =	sdelay $0x3  }
0xc5: {  	[tilespmem:v3+s4+$0x0] =	vst.idx.add.f32.msk $0xffff, v2  }
0xc6: {  	[tilespmem:v3+s5+$0x0] =	vst.idx.add.f32.msk $0xffff, v1  }
0xc7: {  	[tilespmem:v4+s0+$0x0] =	vst.idx.add.f32.msk $0xffff, v2  }
.Ltmp5:
0xc8: {  	s8 =	sadd.s32 $0x10, s8;
	[tilespmem:v4+s6+$0x0] =	vst.idx.add.f32.msk $0xffff, v1;
	(pc) =	sbr.rel @p0 .LBB2_12-.Ltmp5, $4  }
0xc9: {  	s10 =	sadd.s32 $0x10, s10;
	v3 =	vld [tilespmem:s8+$0x0]  }
0xca: {  	s9 =	sadd.s32 $0x10, s9;
	v1 =	vld [tilespmem:s10+$0x0]  }
0xcb: {  	v2 =	vld [tilespmem:s9+$0x0]  }
0xcc: {  	s12 =	sadd.s32 $0x10, s12  }
0xcd: {  	_ = 	snop  }
0xce: {  	v4 =	vmov s11;
	vm0 =	vgt.s32 v3, $0x0  }
0xcf: {  	v4 =	vshrl.u32 v4, $0x5;
	v3 =	vnsel vm0, $0x0, v3  }
0xd0: {  	v4 =	vbroadcast v4, $0x0;
	_ =	sdelay $0x3  }
0xd1: {  	[tilespmem:v3+s4+$0x0] =	vst.idx.add.f32.msk $0xffff, v2  }
0xd2: {  	[tilespmem:v3+s5+$0x0] =	vst.idx.add.f32.msk $0xffff, v1  }
0xd3: {  	[tilespmem:v4+s0+$0x0] =	vst.idx.add.f32.msk $0xffff, v2  }
0xd4: {  	s8 =	simm.s32 $0x2000;
	[tilespmem:v4+s6+$0x0] =	vst.idx.add.f32.msk $0xffff, v1  }
0xd5: {  	[tilespmem:s8], [sflag:$0x1] =	stream.strided.gather [hbm4b:s16+s1], $0x2000, s2, s1, $0x38;
	[tilespmem:$0x8000] =	vst v63  }
0xd6: {  	_ =	swait.ge [sflag:s3], $0x2000  }
0xd7: {  	[sflag:s3] =	ssyncset.done $0x0  }
0xd8: {  	s9 =	simm.s32 $0x4000;
	[sflag:s3] =	ssyncadd.s32 $0xFFFFE000  }
0xd9: {  	[tilespmem:s9], [sflag:$0x1] =	stream.strided.gather [hbm4b:s17+s1], $0x2000, s2, s1, $0x38;
	[tilespmem:$0x8000] =	vst v63  }
0xda: {  	_ =	swait.ge [sflag:s3], $0x2000  }
0xdb: {  	[sflag:s3] =	ssyncset.done $0x0  }
0xdc: {  	s10 =	simm.s32 $0x6000;
	[sflag:s3] =	ssyncadd.s32 $0xFFFFE000  }
0xdd: {  	[tilespmem:s10], [sflag:$0x1] =	stream.strided.gather [hbm4b:s18+s1], $0x2000, s2, s1, $0x38;
	[tilespmem:$0x8000] =	vst v63  }
0xde: {  	_ =	swait.ge [sflag:s3], $0x2000  }
0xdf: {  	[sflag:s3] =	ssyncset.done $0x0  }
0xe0: {  	[sflag:s3] =	ssyncadd.s32 $0xFFFFE000  }
0xe1: {  	v3 =	vld [tilespmem:s8+$0x0];
	_ =	sdelay $0x1  }
0xe2: {  	v1 =	vld [tilespmem:s10+$0x0]  }
0xe3: {  	s11 =	simm.s32 $0xA000;
	s12 =	simm.s32 $0xA010;
	v2 =	vld [tilespmem:s9+$0x0]  }
.LBB2_14:
0xe4: {  	p0 =	sne.s32 s12, $0xBFF0  }
0xe5: {  	v4 =	vmov s11;
	s11 =	smov.u32 s12;
	vm0 =	vgt.s32 v3, $0x0  }
0xe6: {  	v4 =	vshrl.u32 v4, $0x5;
	v3 =	vnsel vm0, $0x0, v3  }
0xe7: {  	v4 =	vbroadcast v4, $0x0;
	_ =	sdelay $0x3  }
0xe8: {  	[tilespmem:v3+s4+$0x0] =	vst.idx.add.f32.msk $0xffff, v2  }
0xe9: {  	[tilespmem:v3+s5+$0x0] =	vst.idx.add.f32.msk $0xffff, v1  }
0xea: {  	[tilespmem:v4+s0+$0x0] =	vst.idx.add.f32.msk $0xffff, v2  }
.Ltmp6:
0xeb: {  	s8 =	sadd.s32 $0x10, s8;
	[tilespmem:v4+s6+$0x0] =	vst.idx.add.f32.msk $0xffff, v1;
	(pc) =	sbr.rel @p0 .LBB2_14-.Ltmp6, $4  }
0xec: {  	s10 =	sadd.s32 $0x10, s10;
	v3 =	vld [tilespmem:s8+$0x0]  }
0xed: {  	s9 =	sadd.s32 $0x10, s9;
	v1 =	vld [tilespmem:s10+$0x0]  }
0xee: {  	v2 =	vld [tilespmem:s9+$0x0]  }
0xef: {  	s12 =	sadd.s32 $0x10, s12  }
0xf0: {  	_ = 	snop  }
0xf1: {  	v4 =	vmov s11;
	vm0 =	vgt.s32 v3, $0x0  }
0xf2: {  	v4 =	vshrl.u32 v4, $0x5;
	v3 =	vnsel vm0, $0x0, v3  }
0xf3: {  	v4 =	vbroadcast v4, $0x0;
	_ =	sdelay $0x3  }
0xf4: {  	[tilespmem:v3+s4+$0x0] =	vst.idx.add.f32.msk $0xffff, v2  }
0xf5: {  	[tilespmem:v3+s5+$0x0] =	vst.idx.add.f32.msk $0xffff, v1  }
0xf6: {  	[tilespmem:v4+s0+$0x0] =	vst.idx.add.f32.msk $0xffff, v2  }
0xf7: {  	s8 =	simm.s32 $0x2000;
	[tilespmem:v4+s6+$0x0] =	vst.idx.add.f32.msk $0xffff, v1  }
0xf8: {  	[tilespmem:s8], [sflag:$0x1] =	stream.strided.gather [hbm4b:s20+s1], $0x2000, s2, s1, $0x38;
	[tilespmem:$0x8000] =	vst v63  }
0xf9: {  	_ =	swait.ge [sflag:s3], $0x2000  }
0xfa: {  	[sflag:s3] =	ssyncset.done $0x0  }
0xfb: {  	s9 =	simm.s32 $0x4000;
	[sflag:s3] =	ssyncadd.s32 $0xFFFFE000  }
0xfc: {  	[tilespmem:s9], [sflag:$0x1] =	stream.strided.gather [hbm4b:s21+s1], $0x2000, s2, s1, $0x38;
	[tilespmem:$0x8000] =	vst v63  }
0xfd: {  	_ =	swait.ge [sflag:s3], $0x2000  }
0xfe: {  	[sflag:s3] =	ssyncset.done $0x0  }
0xff: {  	s10 =	simm.s32 $0x6000;
	[sflag:s3] =	ssyncadd.s32 $0xFFFFE000  }
0x100: {  	[tilespmem:s10], [sflag:$0x1] =	stream.strided.gather [hbm4b:s22+s1], $0x2000, s2, s1, $0x38;
	[tilespmem:$0x8000] =	vst v63  }
0x101: {  	_ =	swait.ge [sflag:s3], $0x2000  }
0x102: {  	[sflag:s3] =	ssyncset.done $0x0  }
0x103: {  	[sflag:s3] =	ssyncadd.s32 $0xFFFFE000  }
0x104: {  	v3 =	vld [tilespmem:s8+$0x0];
	_ =	sdelay $0x1  }
0x105: {  	v1 =	vld [tilespmem:s10+$0x0]  }
0x106: {  	s11 =	simm.s32 $0xC000;
	s12 =	simm.s32 $0xC010;
	v2 =	vld [tilespmem:s9+$0x0]  }
.LBB2_16:
0x107: {  	p0 =	sne.s32 s12, $0xDFF0  }
0x108: {  	v4 =	vmov s11;
	s11 =	smov.u32 s12;
	vm0 =	vgt.s32 v3, $0x0  }
0x109: {  	v4 =	vshrl.u32 v4, $0x5;
	v3 =	vnsel vm0, $0x0, v3  }
0x10a: {  	v4 =	vbroadcast v4, $0x0;
	_ =	sdelay $0x3  }
0x10b: {  	[tilespmem:v3+s4+$0x0] =	vst.idx.add.f32.msk $0xffff, v2  }
0x10c: {  	[tilespmem:v3+s5+$0x0] =	vst.idx.add.f32.msk $0xffff, v1  }
0x10d: {  	[tilespmem:v4+s0+$0x0] =	vst.idx.add.f32.msk $0xffff, v2  }
.Ltmp7:
0x10e: {  	s8 =	sadd.s32 $0x10, s8;
	[tilespmem:v4+s6+$0x0] =	vst.idx.add.f32.msk $0xffff, v1;
	(pc) =	sbr.rel @p0 .LBB2_16-.Ltmp7, $4  }
0x10f: {  	s10 =	sadd.s32 $0x10, s10;
	v3 =	vld [tilespmem:s8+$0x0]  }
0x110: {  	s9 =	sadd.s32 $0x10, s9;
	v1 =	vld [tilespmem:s10+$0x0]  }
0x111: {  	v2 =	vld [tilespmem:s9+$0x0]  }
0x112: {  	s12 =	sadd.s32 $0x10, s12  }
0x113: {  	_ = 	snop  }
0x114: {  	v4 =	vmov s11;
	vm0 =	vgt.s32 v3, $0x0  }
0x115: {  	v4 =	vshrl.u32 v4, $0x5;
	v3 =	vnsel vm0, $0x0, v3  }
0x116: {  	v4 =	vbroadcast v4, $0x0;
	_ =	sdelay $0x3  }
0x117: {  	[tilespmem:v3+s4+$0x0] =	vst.idx.add.f32.msk $0xffff, v2  }
0x118: {  	[tilespmem:v3+s5+$0x0] =	vst.idx.add.f32.msk $0xffff, v1  }
0x119: {  	[tilespmem:v4+s0+$0x0] =	vst.idx.add.f32.msk $0xffff, v2  }
0x11a: {  	s8 =	simm.s32 $0x2000;
	[tilespmem:v4+s6+$0x0] =	vst.idx.add.f32.msk $0xffff, v1  }
0x11b: {  	[tilespmem:s8], [sflag:$0x1] =	stream.strided.gather [hbm4b:s23+s1], $0x2000, s2, s1, $0x38;
	[tilespmem:$0x8000] =	vst v63  }
0x11c: {  	_ =	swait.ge [sflag:s3], $0x2000  }
0x11d: {  	[sflag:s3] =	ssyncset.done $0x0  }
0x11e: {  	s9 =	simm.s32 $0x4000;
	[sflag:s3] =	ssyncadd.s32 $0xFFFFE000  }
0x11f: {  	[tilespmem:s9], [sflag:$0x1] =	stream.strided.gather [hbm4b:s25+s1], $0x2000, s2, s1, $0x38;
	[tilespmem:$0x8000] =	vst v63  }
0x120: {  	_ =	swait.ge [sflag:s3], $0x2000  }
0x121: {  	[sflag:s3] =	ssyncset.done $0x0  }
0x122: {  	s10 =	simm.s32 $0x6000;
	[sflag:s3] =	ssyncadd.s32 $0xFFFFE000  }
0x123: {  	[tilespmem:s10], [sflag:$0x1] =	stream.strided.gather [hbm4b:s26+s1], $0x2000, s2, s1, $0x38;
	[tilespmem:$0x8000] =	vst v63  }
0x124: {  	_ =	swait.ge [sflag:s3], $0x2000  }
0x125: {  	[sflag:s3] =	ssyncset.done $0x0  }
0x126: {  	[sflag:s3] =	ssyncadd.s32 $0xFFFFE000  }
0x127: {  	v3 =	vld [tilespmem:s8+$0x0];
	_ =	sdelay $0x1  }
0x128: {  	v1 =	vld [tilespmem:s10+$0x0]  }
0x129: {  	s11 =	simm.s32 $0xE000;
	s12 =	simm.s32 $0xE010;
	v2 =	vld [tilespmem:s9+$0x0]  }
.LBB2_18:
0x12a: {  	p0 =	sne.s32 s12, $0xFFF0  }
0x12b: {  	v4 =	vmov s11;
	s11 =	smov.u32 s12;
	vm0 =	vgt.s32 v3, $0x0  }
0x12c: {  	v4 =	vshrl.u32 v4, $0x5;
	v3 =	vnsel vm0, $0x0, v3  }
0x12d: {  	v4 =	vbroadcast v4, $0x0;
	_ =	sdelay $0x3  }
0x12e: {  	[tilespmem:v3+s4+$0x0] =	vst.idx.add.f32.msk $0xffff, v2  }
0x12f: {  	[tilespmem:v3+s5+$0x0] =	vst.idx.add.f32.msk $0xffff, v1  }
0x130: {  	[tilespmem:v4+s0+$0x0] =	vst.idx.add.f32.msk $0xffff, v2  }
.Ltmp8:
0x131: {  	s8 =	sadd.s32 $0x10, s8;
	[tilespmem:v4+s6+$0x0] =	vst.idx.add.f32.msk $0xffff, v1;
	(pc) =	sbr.rel @p0 .LBB2_18-.Ltmp8, $4  }
0x132: {  	s10 =	sadd.s32 $0x10, s10;
	v3 =	vld [tilespmem:s8+$0x0]  }
0x133: {  	s9 =	sadd.s32 $0x10, s9;
	v1 =	vld [tilespmem:s10+$0x0]  }
0x134: {  	v2 =	vld [tilespmem:s9+$0x0]  }
0x135: {  	s12 =	sadd.s32 $0x10, s12  }
0x136: {  	_ = 	snop  }
0x137: {  	v4 =	vmov s11;
	vm0 =	vgt.s32 v3, $0x0  }
0x138: {  	v4 =	vshrl.u32 v4, $0x5;
	v3 =	vnsel vm0, $0x0, v3  }
0x139: {  	v4 =	vbroadcast v4, $0x0;
	_ =	sdelay $0x3  }
0x13a: {  	[tilespmem:v3+s4+$0x0] =	vst.idx.add.f32.msk $0xffff, v2  }
0x13b: {  	[tilespmem:v3+s5+$0x0] =	vst.idx.add.f32.msk $0xffff, v1  }
0x13c: {  	[tilespmem:v4+s0+$0x0] =	vst.idx.add.f32.msk $0xffff, v2  }
0x13d: {  	[tilespmem:v4+s6+$0x0] =	vst.idx.add.f32.msk $0xffff, v1  }
0x13e: {  	[hbm4b:s28+s1] =	stream.strided.scatter [tilespmem:s0], [sflag:$0x1], $0x800, s2, s1, $0x38;
	[tilespmem:$0x8000] =	vst v63  }
0x13f: {  	_ =	swait.ge [sflag:s3], $0x800  }
0x140: {  	[sflag:s3] =	ssyncset.done $0x0  }
0x141: {  	[sflag:s3] =	ssyncadd.s32 $0xFFFFF800  }
0x142: {  	[hbm4b:s29+s1] =	stream.strided.scatter [tilespmem:s6], [sflag:$0x1], $0x800, s2, s1, $0x38;
	[tilespmem:$0x8000] =	vst v63  }
0x143: {  	_ =	swait.ge [sflag:s3], $0x800  }
0x144: {  	[sflag:s3] =	ssyncset.done $0x0  }
0x145: {  	[sflag:s3] =	ssyncadd.s32 $0xFFFFF800  }
0x146: {  	[hbm4b:s30+s1] =	stream.strided.scatter [tilespmem:s4], [sflag:$0x1], $0x800, s2, s1, $0x38;
	[tilespmem:$0x8000] =	vst v63  }
0x147: {  	s7 =	sadd.s32 $0x1, s7;
	_ =	swait.ge [sflag:s3], $0x800  }
0x148: {  	p0 =	sne.s32 s7, s24;
	[sflag:s3] =	ssyncset.done $0x0  }
.Ltmp9:
0x149: {  	[sflag:s3] =	ssyncadd.s32 $0xFFFFF800;
	(pc) =	sbr.rel @p0 .LBB2_1-.Ltmp9, $4  }
0x14a: {  	[hbm4b:s31+s1] =	stream.strided.scatter [tilespmem:s5], [sflag:$0x1], $0x800, s2, s1, $0x38;
	[tilespmem:$0x8000] =	vst v63  }
0x14b: {  	_ =	swait.ge [sflag:s3], $0x800  }
0x14c: {  	[sflag:s3] =	ssyncset.done $0x0  }
0x14d: {  	[sflag:s3] =	ssyncadd.s32 $0xFFFFF800  }
0x14e: {  	_ =	sfence.sel $0x180000  }
0x14f: {  	[bflag:$0x0] =	sbarrier.arrive $0xFFFF  }
0x150: {  	_ =	strace $0x9000004A  }
0x151: {  	s0 =	stileid.u32;
	[bflag:$0x2] =	sbarrier.arrive $0xFFFF  }
0x152: {  	p0 =	sne.s32 s0, $0x0;
	s0 =	rddreg [dreg:$0x2]  }
0x153: {  	s0 =	sadd.s32 @!p0 $0x100000, s0  }
0x154: {  	[sflag:s0] =	ssyncadd.tile.s32 @!p0 $0x1;
	_ =	shalt  }
.Lfunc_end2:
_tile_overlayer_lowered:
.L_overlay_start_2:
0x155: {  	(tag) =	ssettag $0x2  }
0x156: {  	s0 =	rddreg [dreg:$0x0];
	s2 =	stileid.u32  }
0x157: {  	s1 =	rddreg [dreg:$0x1];
	p0 =	sne.s32 s2, $0x0  }
0x158: {  	s3 =	rddreg [dreg:$0x2];
	[bflag:$0x3] =	sbarrier.arrive $0xFFFF;
	s2 =	simm.s32 @!p0 $0x1C01  }
0x159: {  	[timem:s3], [sflag:s2] =	dma.local @!p0 [hbm:s0], s1  }
0x15a: {  	s0 =	simm.s32 @!p0 $0x1  }
0x15b: {  	_ =	swait.ge @!p0 [sflag:s0], s1  }
0x15c: {  	s1 =	ssub.s32 @!p0 $0x0, s1;
	[sflag:s0] =	ssyncset.done @!p0 $0x0  }
0x15d: {  	[sflag:s0] =	ssyncadd.s32 @!p0 s1  }
0x15e: {  	[bflag:$0x3] =	sbarrier.arrive $0xFFFF  }
0x15f: {  	_ =	shalt  }

</sc_bundles>
